<compile_context>
chip_gen: v7x
topology: tpu7x:2x2x1
jax: 0.10.2.dev20260603
libtpu: 0.0.44.dev20260713+nightly
codegen_flags: <defaults>
</compile_context>

<pallas_src>
import functools

import jax
import jax.numpy as jnp
from jax import lax
from jax.experimental import pallas as pl
from jax.experimental.pallas import tpu as pltpu
from jax.experimental.pallas import tpu_sc as plsc

N_NODES = 10000
N_EDGES = 320000
D_FEAT = 128
HW = D_FEAT // 2

NC = 2
NS = 16

EPW = N_EDGES // NS
K = 125
NCHUNK = 160
G = 8
NG = NCHUNK // G
NIB = 4
CPI = NIB * G
NITER = NCHUNK // CPI
N_ACC = N_NODES + 16
NBUF = 4
WRB = 640
WRB_LAST = N_NODES - (NS - 1) * WRB
DEG_W = 8

_mesh = plsc.VectorSubcoreMesh(core_axis_name="c", subcore_axis_name="s")


@functools.partial(
    pl.kernel,
    out_type=(
        jax.ShapeDtypeStruct((NC, N_NODES, HW), jnp.float32),
        jax.ShapeDtypeStruct((NC, N_NODES, DEG_W), jnp.float32),
    ),
    mesh=_mesh,
    compiler_params=pltpu.CompilerParams(use_tc_tiling_on_sc=False),
    scratch_types=[
        [pltpu.VMEM((G, K), jnp.int32) for _ in range(NIB)],
        [pltpu.VMEM((G, K), jnp.int32) for _ in range(NIB)],
        [pltpu.VMEM((K, HW), jnp.float32) for _ in range(NBUF)],
        pltpu.VMEM((K, DEG_W), jnp.float32),
        pltpu.VMEM_SHARED((N_NODES, HW), jnp.float32),
        pltpu.VMEM_SHARED((N_ACC, HW), jnp.float32),
        pltpu.VMEM_SHARED((N_ACC, DEG_W), jnp.float32),
        [pltpu.SemaphoreType.DMA for _ in range(NIB)],
        [pltpu.SemaphoreType.DMA for _ in range(NIB)],
        [pltpu.SemaphoreType.DMA for _ in range(NBUF)],
        [pltpu.SemaphoreType.DMA for _ in range(NBUF)],
        [pltpu.SemaphoreType.DMA for _ in range(NBUF)],
    ],
)
def _sc_agg(x_hbm, e_hbm, zrow_hbm, zdeg_hbm, ones_hbm,
            out_hbm, deg_out_hbm,
            ib_s, ib_d, rows_v, ones_v, x_sh, acc_sh, deg_sh,
            sem_is, sem_id, sem_g, sem_s, sem_d):
    c = lax.axis_index("c")
    s = lax.axis_index("s")

    pltpu.sync_copy(ones_hbm, ones_v)

    @pl.when(s < NS - 1)
    def _():
        pltpu.sync_copy(x_hbm.at[c, pl.ds(s * WRB, WRB)],
                        x_sh.at[pl.ds(s * WRB, WRB)])
        pltpu.sync_copy(zrow_hbm, acc_sh.at[pl.ds(s * WRB, WRB)])
        pltpu.sync_copy(zdeg_hbm, deg_sh.at[pl.ds(s * WRB, WRB)])

    @pl.when(s == NS - 1)
    def _():
        pltpu.sync_copy(x_hbm.at[c, pl.ds((NS - 1) * WRB, WRB_LAST)],
                        x_sh.at[pl.ds((NS - 1) * WRB, WRB_LAST)])
        pltpu.sync_copy(zrow_hbm.at[pl.ds(0, WRB_LAST)],
                        acc_sh.at[pl.ds((NS - 1) * WRB, WRB_LAST)])
        pltpu.sync_copy(zdeg_hbm.at[pl.ds(0, WRB_LAST)],
                        deg_sh.at[pl.ds((NS - 1) * WRB, WRB_LAST)])

    plsc.subcore_barrier()

    def idx_copies(g, b):
        return (
            pltpu.make_async_copy(e_hbm.at[s * NG + g], ib_s[b], sem_is[b]),
            pltpu.make_async_copy(e_hbm.at[(NS + s) * NG + g], ib_d[b],
                                  sem_id[b]),
        )

    def idx_start(g, b):
        for cp in idx_copies(g, b):
            cp.start()

    def idx_wait(g, b):
        for cp in idx_copies(g, b):
            cp.wait()

    def gather(i, t):
        b, u = i // G, i % NBUF
        pltpu.async_copy(x_sh.at[ib_s[b].at[i % G]], rows_v[u], sem_g[u])

    def gwait(i, t):
        b, u = i // G, i % NBUF
        pltpu.make_async_copy(x_sh.at[ib_s[b].at[i % G]], rows_v[u],
                              sem_g[u]).wait()

    def deg_on(i):
        return (c == 0) if i % 2 == 0 else (c != 0)

    def scat(i, t):
        b, u = i // G, i % NBUF
        pltpu.async_copy(rows_v[u], acc_sh.at[ib_d[b].at[i % G]],
                         sem_s[u], add=True)

        @pl.when(deg_on(i))
        def _():
            pltpu.async_copy(ones_v, deg_sh.at[ib_d[b].at[i % G]],
                             sem_d[u], add=True)

    def swait(i, t):
        b, u = i // G, i % NBUF
        pltpu.make_async_copy(rows_v[u], acc_sh.at[ib_d[b].at[i % G]],
                              sem_s[u]).wait()

        @pl.when(deg_on(i))
        def _():
            pltpu.make_async_copy(ones_v, deg_sh.at[ib_d[b].at[i % G]],
                                  sem_d[u]).wait()

    for b0 in range(NIB - 1):
        idx_start(b0, b0)

    def body(t, carry):
        for b in range(NIB - 1):
            idx_wait(t * NIB + b, b)

        for i0 in range(NBUF - 1):
            gather(i0, t)

        for i in range(CPI):
            gwait(i, t)
            scat(i, t)

            if i == 0:
                @pl.when(t >= 1)
                def _():
                    swait(CPI - 1, t)

                idx_start(t * NIB + (NIB - 1), NIB - 1)
            else:
                swait(i - 1, t)

            if i == 20:
                idx_wait(t * NIB + (NIB - 1), NIB - 1)

            if i + NBUF - 1 < CPI:
                gather(i + NBUF - 1, t)

        @pl.when(t < NITER - 1)
        def _():
            for b in range(NIB - 1):
                idx_start((t + 1) * NIB + b, b)

        return carry

    lax.fori_loop(0, NITER, body, 0)

    swait(CPI - 1, NITER - 1)

    plsc.subcore_barrier()

    @pl.when(s < NS - 1)
    def _():
        pltpu.sync_copy(acc_sh.at[pl.ds(s * WRB, WRB)],
                        out_hbm.at[c, pl.ds(s * WRB, WRB)])
        pltpu.sync_copy(deg_sh.at[pl.ds(s * WRB, WRB)],
                        deg_out_hbm.at[c, pl.ds(s * WRB, WRB)])

    @pl.when(s == NS - 1)
    def _():
        pltpu.sync_copy(acc_sh.at[pl.ds((NS - 1) * WRB, WRB_LAST)],
                        out_hbm.at[c, pl.ds((NS - 1) * WRB, WRB_LAST)])
        pltpu.sync_copy(deg_sh.at[pl.ds((NS - 1) * WRB, WRB_LAST)],
                        deg_out_hbm.at[c, pl.ds((NS - 1) * WRB, WRB_LAST)])


_ROWS_BLK = 5000


def _combine_body(p_ref, d_ref, o_ref):
    deg = d_ref[0, :, 0] + d_ref[1, :, 0]
    inv = 1.0 / jnp.clip(deg, 1.0, None)[:, None]
    o_ref[...] = jnp.concatenate([p_ref[0], p_ref[1]], axis=-1) * inv


def _combine(partial, deg8):
    return pl.pallas_call(
        _combine_body,
        out_shape=jax.ShapeDtypeStruct((N_NODES, D_FEAT), jnp.float32),
        grid=(N_NODES // _ROWS_BLK,),
        in_specs=[
            pl.BlockSpec((NC, _ROWS_BLK, HW), lambda i: (0, i, 0)),
            pl.BlockSpec((NC, _ROWS_BLK, DEG_W), lambda i: (0, i, 0)),
        ],
        out_specs=pl.BlockSpec((_ROWS_BLK, D_FEAT), lambda i: (i, 0)),
    )(partial, deg8)


def kernel(x, edge_index):
    x2 = x.reshape(N_NODES, NC, HW).transpose(1, 0, 2)

    e_slab = edge_index.reshape(NC * NS * NG, G, K)

    zrow = jnp.zeros((WRB, HW), jnp.float32)
    zdeg = jnp.zeros((WRB, DEG_W), jnp.float32)
    ones = jnp.ones((K, DEG_W), jnp.float32)
    partial, deg8 = _sc_agg(x2, e_slab, zrow, zdeg, ones)
    return _combine(partial, deg8)

# --- scband reference (transcript-rebuilt; emitter-appended) ---
"""Pipeline reference for scband-sageconv-agg-88734024335500 (READ-ONLY COPY).

The authoritative reference and input builder live on the scoring server;
editing this copy changes nothing except your own understanding.
"""

import jax, jax.numpy as jnp
import numpy as np

N_NODES = 10000
N_EDGES = 320000
D_FEAT = 128


def setup_inputs(seed: int = 0) -> dict:
    key = jax.random.key(seed)
    k1, k2 = jax.random.split(key)
    x = jax.random.normal(k1, (N_NODES, D_FEAT), dtype=jnp.float32)
    edge_index = jax.random.randint(k2, (2, N_EDGES), 0, N_NODES, dtype=jnp.int32)
    return {"x": x, "edge_index": edge_index}


def reference(x, edge_index):
    # SAGEConvAgg with aggregator_type='mean':
    # h_neigh[v] = mean over in-neighbors u of x[u]
    # (graph.update_all(fn.copy_src('h','m'), fn.mean('m','neigh')))
    src = edge_index[0]
    dst = edge_index[1]
    messages = jnp.take(x, src, axis=0)                                  # gather: [E, D]
    summed = jax.ops.segment_sum(messages, dst, num_segments=N_NODES)    # scatter-add: [N, D]
    deg = jax.ops.segment_sum(jnp.ones((edge_index.shape[1],), dtype=x.dtype), dst,
                              num_segments=N_NODES)                      # in-degrees: [N]
    # nodes with zero in-degree get zero neigh feature (as in DGL mean with no messages)
    h_neigh = summed / jnp.clip(deg, 1.0, None)[:, None]
    return h_neigh

if __name__ == "__main__":
    import jax
    _d = setup_inputs()
    print(jax.jit(kernel)(*tuple(_d.values())))

</pallas_src>

<mosaic_0001>
#map = affine_map<(d0, d1) -> (0, 0, 0)>
#map1 = affine_map<(d0, d1) -> (0, 0)>
module attributes {stable_mosaic.version = 14 : i64} {
  func.func @_sc_agg(%arg0: i32, %arg1: i32, %arg2: memref<2x10000x64xf32, #tpu.memory_space<hbm>>, %arg3: memref<640x8x125xi32, #tpu.memory_space<hbm>>, %arg4: memref<640x64xf32, #tpu.memory_space<hbm>>, %arg5: memref<640x8xf32, #tpu.memory_space<hbm>>, %arg6: memref<125x8xf32, #tpu.memory_space<hbm>>, %arg7: memref<2x10000x64xf32, #tpu.memory_space<hbm>>, %arg8: memref<2x10000x8xf32, #tpu.memory_space<hbm>>, %arg9: memref<8x125xi32, #tpu.memory_space<vmem>>, %arg10: memref<8x125xi32, #tpu.memory_space<vmem>>, %arg11: memref<8x125xi32, #tpu.memory_space<vmem>>, %arg12: memref<8x125xi32, #tpu.memory_space<vmem>>, %arg13: memref<8x125xi32, #tpu.memory_space<vmem>>, %arg14: memref<8x125xi32, #tpu.memory_space<vmem>>, %arg15: memref<8x125xi32, #tpu.memory_space<vmem>>, %arg16: memref<8x125xi32, #tpu.memory_space<vmem>>, %arg17: memref<125x64xf32, #tpu.memory_space<vmem>>, %arg18: memref<125x64xf32, #tpu.memory_space<vmem>>, %arg19: memref<125x64xf32, #tpu.memory_space<vmem>>, %arg20: memref<125x64xf32, #tpu.memory_space<vmem>>, %arg21: memref<125x8xf32, #tpu.memory_space<vmem>>, %arg22: memref<10000x64xf32, #tpu.memory_space<vmem_shared>>, %arg23: memref<10016x64xf32, #tpu.memory_space<vmem_shared>>, %arg24: memref<10016x8xf32, #tpu.memory_space<vmem_shared>>, %arg25: memref<!tpu.dma_semaphore, #tpu.memory_space<semaphore_mem>>, %arg26: memref<!tpu.dma_semaphore, #tpu.memory_space<semaphore_mem>>, %arg27: memref<!tpu.dma_semaphore, #tpu.memory_space<semaphore_mem>>, %arg28: memref<!tpu.dma_semaphore, #tpu.memory_space<semaphore_mem>>, %arg29: memref<!tpu.dma_semaphore, #tpu.memory_space<semaphore_mem>>, %arg30: memref<!tpu.dma_semaphore, #tpu.memory_space<semaphore_mem>>, %arg31: memref<!tpu.dma_semaphore, #tpu.memory_space<semaphore_mem>>, %arg32: memref<!tpu.dma_semaphore, #tpu.memory_space<semaphore_mem>>, %arg33: memref<!tpu.dma_semaphore, #tpu.memory_space<semaphore_mem>>, %arg34: memref<!tpu.dma_semaphore, #tpu.memory_space<semaphore_mem>>, %arg35: memref<!tpu.dma_semaphore, #tpu.memory_space<semaphore_mem>>, %arg36: memref<!tpu.dma_semaphore, #tpu.memory_space<semaphore_mem>>, %arg37: memref<!tpu.dma_semaphore, #tpu.memory_space<semaphore_mem>>, %arg38: memref<!tpu.dma_semaphore, #tpu.memory_space<semaphore_mem>>, %arg39: memref<!tpu.dma_semaphore, #tpu.memory_space<semaphore_mem>>, %arg40: memref<!tpu.dma_semaphore, #tpu.memory_space<semaphore_mem>>, %arg41: memref<!tpu.dma_semaphore, #tpu.memory_space<semaphore_mem>>, %arg42: memref<!tpu.dma_semaphore, #tpu.memory_space<semaphore_mem>>, %arg43: memref<!tpu.dma_semaphore, #tpu.memory_space<semaphore_mem>>, %arg44: memref<!tpu.dma_semaphore, #tpu.memory_space<semaphore_mem>>) attributes {dimension_semantics = [#tpu.dimension_semantics<core_parallel>, #tpu.dimension_semantics<subcore_parallel>], iteration_bounds = array<i64: 2, 16>, scalar_prefetch = 0 : i64, scratch_operands = 36 : i64, tpu.core_type = #tpu.core_type<sc_vector_subcore>, window_params = [{transform_indices = #map}, {transform_indices = #map}, {transform_indices = #map1}, {transform_indices = #map1}, {transform_indices = #map1}, {transform_indices = #map}, {transform_indices = #map}]} {
    "tpu.region"() ({
      %run_scoped3A = tpu.sem_alloc : memref<!tpu.dma_semaphore, #tpu.memory_space<semaphore_mem>>
      tpu.enqueue_dma source(%arg6 : memref<125x8xf32, #tpu.memory_space<hbm>>) target(%arg21 : memref<125x8xf32, #tpu.memory_space<vmem>>) target_semaphore(%run_scoped3A : memref<!tpu.dma_semaphore, #tpu.memory_space<semaphore_mem>>)
      tpu.wait_dma2 semaphore(%run_scoped3A : memref<!tpu.dma_semaphore, #tpu.memory_space<semaphore_mem>>) src(%arg6 : memref<125x8xf32, #tpu.memory_space<hbm>>) dst(%arg21 : memref<125x8xf32, #tpu.memory_space<vmem>>)
      tpu.yield
    }) : () -> ()
    %lt3A = arith.constant 15 : i32
    %lt3A_0 = arith.cmpi slt, %arg1, %lt3A : i32
    %convert_element_type3A = arith.extui %lt3A_0 : i1 to i32
    %cond3A = arith.constant 0 : i32
    %cond3A_1 = arith.cmpi ne, %convert_element_type3A, %cond3A : i32
    scf.if %cond3A_1 {
      %mul3A_107 = arith.constant 640 : i32
      %mul3A_108 = arith.muli %arg1, %mul3A_107 : i32
      %mul3A_109 = arith.constant 640 : i32
      %mul3A_110 = arith.muli %arg1, %mul3A_109 : i32
      "tpu.region"() ({
        %run_scoped3A = tpu.sem_alloc : memref<!tpu.dma_semaphore, #tpu.memory_space<semaphore_mem>>
        %dma_start3A_115 = arith.constant 0 : i32
        %dma_start3A_116 = tpu.memref_slice %arg22[%mul3A_110, %dma_start3A_115] : memref<10000x64xf32, #tpu.memory_space<vmem_shared>> -> memref<640x64xf32, #tpu.memory_space<vmem_shared>>
        %dma_start3A_117 = arith.constant 0 : i32
        %dma_start3A_118 = tpu.memref_slice %arg2[%arg0, %mul3A_108, %dma_start3A_117] : memref<2x10000x64xf32, #tpu.memory_space<hbm>> -> memref<1x640x64xf32, #tpu.memory_space<hbm>>
        %dma_start3A_119 = tpu.memref_squeeze %dma_start3A_118 : memref<1x640x64xf32, #tpu.memory_space<hbm>> -> memref<640x64xf32, #tpu.memory_space<hbm>>
        tpu.enqueue_dma source(%dma_start3A_119 : memref<640x64xf32, #tpu.memory_space<hbm>>) target(%dma_start3A_116 : memref<640x64xf32, #tpu.memory_space<vmem_shared>>) target_semaphore(%run_scoped3A : memref<!tpu.dma_semaphore, #tpu.memory_space<semaphore_mem>>)
        %dma_wait3A_120 = arith.constant 0 : i32
        %dma_wait3A_121 = tpu.memref_slice %arg22[%mul3A_110, %dma_wait3A_120] : memref<10000x64xf32, #tpu.memory_space<vmem_shared>> -> memref<640x64xf32, #tpu.memory_space<vmem_shared>>
        %dma_wait3A_122 = arith.constant 0 : i32
        %dma_wait3A_123 = tpu.memref_slice %arg2[%arg0, %mul3A_108, %dma_wait3A_122] : memref<2x10000x64xf32, #tpu.memory_space<hbm>> -> memref<1x640x64xf32, #tpu.memory_space<hbm>>
        %dma_wait3A_124 = tpu.memref_squeeze %dma_wait3A_123 : memref<1x640x64xf32, #tpu.memory_space<hbm>> -> memref<640x64xf32, #tpu.memory_space<hbm>>
        tpu.wait_dma2 semaphore(%run_scoped3A : memref<!tpu.dma_semaphore, #tpu.memory_space<semaphore_mem>>) src(%dma_wait3A_124 : memref<640x64xf32, #tpu.memory_space<hbm>>) dst(%dma_wait3A_121 : memref<640x64xf32, #tpu.memory_space<vmem_shared>>)
        tpu.yield
      }) : () -> ()
      %mul3A_111 = arith.constant 640 : i32
      %mul3A_112 = arith.muli %arg1, %mul3A_111 : i32
      "tpu.region"() ({
        %run_scoped3A = tpu.sem_alloc : memref<!tpu.dma_semaphore, #tpu.memory_space<semaphore_mem>>
        %dma_start3A_115 = arith.constant 0 : i32
        %dma_start3A_116 = tpu.memref_slice %arg23[%mul3A_112, %dma_start3A_115] : memref<10016x64xf32, #tpu.memory_space<vmem_shared>> -> memref<640x64xf32, #tpu.memory_space<vmem_shared>>
        tpu.enqueue_dma source(%arg4 : memref<640x64xf32, #tpu.memory_space<hbm>>) target(%dma_start3A_116 : memref<640x64xf32, #tpu.memory_space<vmem_shared>>) target_semaphore(%run_scoped3A : memref<!tpu.dma_semaphore, #tpu.memory_space<semaphore_mem>>)
        %dma_wait3A_117 = arith.constant 0 : i32
        %dma_wait3A_118 = tpu.memref_slice %arg23[%mul3A_112, %dma_wait3A_117] : memref<10016x64xf32, #tpu.memory_space<vmem_shared>> -> memref<640x64xf32, #tpu.memory_space<vmem_shared>>
        tpu.wait_dma2 semaphore(%run_scoped3A : memref<!tpu.dma_semaphore, #tpu.memory_space<semaphore_mem>>) src(%arg4 : memref<640x64xf32, #tpu.memory_space<hbm>>) dst(%dma_wait3A_118 : memref<640x64xf32, #tpu.memory_space<vmem_shared>>)
        tpu.yield
      }) : () -> ()
      %mul3A_113 = arith.constant 640 : i32
      %mul3A_114 = arith.muli %arg1, %mul3A_113 : i32
      "tpu.region"() ({
        %run_scoped3A = tpu.sem_alloc : memref<!tpu.dma_semaphore, #tpu.memory_space<semaphore_mem>>
        %dma_start3A_115 = arith.constant 0 : i32
        %dma_start3A_116 = tpu.memref_slice %arg24[%mul3A_114, %dma_start3A_115] : memref<10016x8xf32, #tpu.memory_space<vmem_shared>> -> memref<640x8xf32, #tpu.memory_space<vmem_shared>>
        tpu.enqueue_dma source(%arg5 : memref<640x8xf32, #tpu.memory_space<hbm>>) target(%dma_start3A_116 : memref<640x8xf32, #tpu.memory_space<vmem_shared>>) target_semaphore(%run_scoped3A : memref<!tpu.dma_semaphore, #tpu.memory_space<semaphore_mem>>)
        %dma_wait3A_117 = arith.constant 0 : i32
        %dma_wait3A_118 = tpu.memref_slice %arg24[%mul3A_114, %dma_wait3A_117] : memref<10016x8xf32, #tpu.memory_space<vmem_shared>> -> memref<640x8xf32, #tpu.memory_space<vmem_shared>>
        tpu.wait_dma2 semaphore(%run_scoped3A : memref<!tpu.dma_semaphore, #tpu.memory_space<semaphore_mem>>) src(%arg5 : memref<640x8xf32, #tpu.memory_space<hbm>>) dst(%dma_wait3A_118 : memref<640x8xf32, #tpu.memory_space<vmem_shared>>)
        tpu.yield
      }) : () -> ()
    } else {
    }
    %eq3A = arith.constant 15 : i32
    %eq3A_2 = arith.cmpi eq, %arg1, %eq3A : i32
    %convert_element_type3A_3 = arith.extui %eq3A_2 : i1 to i32
    %cond3A_4 = arith.constant 0 : i32
    %cond3A_5 = arith.cmpi ne, %convert_element_type3A_3, %cond3A_4 : i32
    scf.if %cond3A_5 {
      "tpu.region"() ({
        %run_scoped3A = tpu.sem_alloc : memref<!tpu.dma_semaphore, #tpu.memory_space<semaphore_mem>>
        %dma_start3A_107 = arith.constant 9600 : i32
        %dma_start3A_108 = arith.constant 0 : i32
        %dma_start3A_109 = tpu.memref_slice %arg22[%dma_start3A_107, %dma_start3A_108] : memref<10000x64xf32, #tpu.memory_space<vmem_shared>> -> memref<400x64xf32, #tpu.memory_space<vmem_shared>>
        %dma_start3A_110 = arith.constant 9600 : i32
        %dma_start3A_111 = arith.constant 0 : i32
        %dma_start3A_112 = tpu.memref_slice %arg2[%arg0, %dma_start3A_110, %dma_start3A_111] : memref<2x10000x64xf32, #tpu.memory_space<hbm>> -> memref<1x400x64xf32, #tpu.memory_space<hbm>>
        %dma_start3A_113 = tpu.memref_squeeze %dma_start3A_112 : memref<1x400x64xf32, #tpu.memory_space<hbm>> -> memref<400x64xf32, #tpu.memory_space<hbm>>
        tpu.enqueue_dma source(%dma_start3A_113 : memref<400x64xf32, #tpu.memory_space<hbm>>) target(%dma_start3A_109 : memref<400x64xf32, #tpu.memory_space<vmem_shared>>) target_semaphore(%run_scoped3A : memref<!tpu.dma_semaphore, #tpu.memory_space<semaphore_mem>>)
        %dma_wait3A_114 = arith.constant 9600 : i32
        %dma_wait3A_115 = arith.constant 0 : i32
        %dma_wait3A_116 = tpu.memref_slice %arg22[%dma_wait3A_114, %dma_wait3A_115] : memref<10000x64xf32, #tpu.memory_space<vmem_shared>> -> memref<400x64xf32, #tpu.memory_space<vmem_shared>>
        %dma_wait3A_117 = arith.constant 9600 : i32
        %dma_wait3A_118 = arith.constant 0 : i32
        %dma_wait3A_119 = tpu.memref_slice %arg2[%arg0, %dma_wait3A_117, %dma_wait3A_118] : memref<2x10000x64xf32, #tpu.memory_space<hbm>> -> memref<1x400x64xf32, #tpu.memory_space<hbm>>
        %dma_wait3A_120 = tpu.memref_squeeze %dma_wait3A_119 : memref<1x400x64xf32, #tpu.memory_space<hbm>> -> memref<400x64xf32, #tpu.memory_space<hbm>>
        tpu.wait_dma2 semaphore(%run_scoped3A : memref<!tpu.dma_semaphore, #tpu.memory_space<semaphore_mem>>) src(%dma_wait3A_120 : memref<400x64xf32, #tpu.memory_space<hbm>>) dst(%dma_wait3A_116 : memref<400x64xf32, #tpu.memory_space<vmem_shared>>)
        tpu.yield
      }) : () -> ()
      "tpu.region"() ({
        %run_scoped3A = tpu.sem_alloc : memref<!tpu.dma_semaphore, #tpu.memory_space<semaphore_mem>>
        %dma_start3A_107 = arith.constant 9600 : i32
        %dma_start3A_108 = arith.constant 0 : i32
        %dma_start3A_109 = tpu.memref_slice %arg23[%dma_start3A_107, %dma_start3A_108] : memref<10016x64xf32, #tpu.memory_space<vmem_shared>> -> memref<400x64xf32, #tpu.memory_space<vmem_shared>>
        %dma_start3A_110 = arith.constant 0 : i32
        %dma_start3A_111 = arith.constant 0 : i32
        %dma_start3A_112 = tpu.memref_slice %arg4[%dma_start3A_110, %dma_start3A_111] : memref<640x64xf32, #tpu.memory_space<hbm>> -> memref<400x64xf32, #tpu.memory_space<hbm>>
        tpu.enqueue_dma source(%dma_start3A_112 : memref<400x64xf32, #tpu.memory_space<hbm>>) target(%dma_start3A_109 : memref<400x64xf32, #tpu.memory_space<vmem_shared>>) target_semaphore(%run_scoped3A : memref<!tpu.dma_semaphore, #tpu.memory_space<semaphore_mem>>)
        %dma_wait3A_113 = arith.constant 9600 : i32
        %dma_wait3A_114 = arith.constant 0 : i32
        %dma_wait3A_115 = tpu.memref_slice %arg23[%dma_wait3A_113, %dma_wait3A_114] : memref<10016x64xf32, #tpu.memory_space<vmem_shared>> -> memref<400x64xf32, #tpu.memory_space<vmem_shared>>
        %dma_wait3A_116 = arith.constant 0 : i32
        %dma_wait3A_117 = arith.constant 0 : i32
        %dma_wait3A_118 = tpu.memref_slice %arg4[%dma_wait3A_116, %dma_wait3A_117] : memref<640x64xf32, #tpu.memory_space<hbm>> -> memref<400x64xf32, #tpu.memory_space<hbm>>
        tpu.wait_dma2 semaphore(%run_scoped3A : memref<!tpu.dma_semaphore, #tpu.memory_space<semaphore_mem>>) src(%dma_wait3A_118 : memref<400x64xf32, #tpu.memory_space<hbm>>) dst(%dma_wait3A_115 : memref<400x64xf32, #tpu.memory_space<vmem_shared>>)
        tpu.yield
      }) : () -> ()
      "tpu.region"() ({
        %run_scoped3A = tpu.sem_alloc : memref<!tpu.dma_semaphore, #tpu.memory_space<semaphore_mem>>
        %dma_start3A_107 = arith.constant 9600 : i32
        %dma_start3A_108 = arith.constant 0 : i32
        %dma_start3A_109 = tpu.memref_slice %arg24[%dma_start3A_107, %dma_start3A_108] : memref<10016x8xf32, #tpu.memory_space<vmem_shared>> -> memref<400x8xf32, #tpu.memory_space<vmem_shared>>
        %dma_start3A_110 = arith.constant 0 : i32
        %dma_start3A_111 = arith.constant 0 : i32
        %dma_start3A_112 = tpu.memref_slice %arg5[%dma_start3A_110, %dma_start3A_111] : memref<640x8xf32, #tpu.memory_space<hbm>> -> memref<400x8xf32, #tpu.memory_space<hbm>>
        tpu.enqueue_dma source(%dma_start3A_112 : memref<400x8xf32, #tpu.memory_space<hbm>>) target(%dma_start3A_109 : memref<400x8xf32, #tpu.memory_space<vmem_shared>>) target_semaphore(%run_scoped3A : memref<!tpu.dma_semaphore, #tpu.memory_space<semaphore_mem>>)
        %dma_wait3A_113 = arith.constant 9600 : i32
        %dma_wait3A_114 = arith.constant 0 : i32
        %dma_wait3A_115 = tpu.memref_slice %arg24[%dma_wait3A_113, %dma_wait3A_114] : memref<10016x8xf32, #tpu.memory_space<vmem_shared>> -> memref<400x8xf32, #tpu.memory_space<vmem_shared>>
        %dma_wait3A_116 = arith.constant 0 : i32
        %dma_wait3A_117 = arith.constant 0 : i32
        %dma_wait3A_118 = tpu.memref_slice %arg5[%dma_wait3A_116, %dma_wait3A_117] : memref<640x8xf32, #tpu.memory_space<hbm>> -> memref<400x8xf32, #tpu.memory_space<hbm>>
        tpu.wait_dma2 semaphore(%run_scoped3A : memref<!tpu.dma_semaphore, #tpu.memory_space<semaphore_mem>>) src(%dma_wait3A_118 : memref<400x8xf32, #tpu.memory_space<hbm>>) dst(%dma_wait3A_115 : memref<400x8xf32, #tpu.memory_space<vmem_shared>>)
        tpu.yield
      }) : () -> ()
    } else {
    }
    %barrier3A = arith.constant 0 : index
    tpu.barrier barrier_id(%barrier3A)
    %mul3A = arith.constant 20 : i32
    %mul3A_6 = arith.muli %arg1, %mul3A : i32
    %add3A = arith.constant 0 : i32
    %add3A_7 = arith.addi %mul3A_6, %add3A : i32
    %add3A_8 = arith.constant 16 : i32
    %add3A_9 = arith.addi %add3A_8, %arg1 : i32
    %mul3A_10 = arith.constant 20 : i32
    %mul3A_11 = arith.muli %add3A_9, %mul3A_10 : i32
    %add3A_12 = arith.constant 0 : i32
    %add3A_13 = arith.addi %mul3A_11, %add3A_12 : i32
    %dma_start3A = arith.constant 0 : i32
    %dma_start3A_14 = arith.constant 0 : i32
    %dma_start3A_15 = tpu.memref_slice %arg3[%add3A_7, %dma_start3A, %dma_start3A_14] : memref<640x8x125xi32, #tpu.memory_space<hbm>> -> memref<1x8x125xi32, #tpu.memory_space<hbm>>
    %dma_start3A_16 = tpu.memref_squeeze %dma_start3A_15 : memref<1x8x125xi32, #tpu.memory_space<hbm>> -> memref<8x125xi32, #tpu.memory_space<hbm>>
    %dma_start3A_17 = arith.constant 0 : i32
    %dma_start3A_18 = arith.constant 0 : i32
    %dma_start3A_19 = tpu.memref_slice %arg3[%add3A_7, %dma_start3A_17, %dma_start3A_18] : memref<640x8x125xi32, #tpu.memory_space<hbm>> -> memref<1x8x125xi32, #tpu.memory_space<hbm>>
    %dma_start3A_20 = tpu.memref_squeeze %dma_start3A_19 : memref<1x8x125xi32, #tpu.memory_space<hbm>> -> memref<8x125xi32, #tpu.memory_space<hbm>>
    tpu.enqueue_dma source(%dma_start3A_20 : memref<8x125xi32, #tpu.memory_space<hbm>>) target(%arg9 : memref<8x125xi32, #tpu.memory_space<vmem>>) target_semaphore(%arg25 : memref<!tpu.dma_semaphore, #tpu.memory_space<semaphore_mem>>)
    %dma_start3A_21 = arith.constant 0 : i32
    %dma_start3A_22 = arith.constant 0 : i32
    %dma_start3A_23 = tpu.memref_slice %arg3[%add3A_13, %dma_start3A_21, %dma_start3A_22] : memref<640x8x125xi32, #tpu.memory_space<hbm>> -> memref<1x8x125xi32, #tpu.memory_space<hbm>>
    %dma_start3A_24 = tpu.memref_squeeze %dma_start3A_23 : memref<1x8x125xi32, #tpu.memory_space<hbm>> -> memref<8x125xi32, #tpu.memory_space<hbm>>
    %dma_start3A_25 = arith.constant 0 : i32
    %dma_start3A_26 = arith.constant 0 : i32
    %dma_start3A_27 = tpu.memref_slice %arg3[%add3A_13, %dma_start3A_25, %dma_start3A_26] : memref<640x8x125xi32, #tpu.memory_space<hbm>> -> memref<1x8x125xi32, #tpu.memory_space<hbm>>
    %dma_start3A_28 = tpu.memref_squeeze %dma_start3A_27 : memref<1x8x125xi32, #tpu.memory_space<hbm>> -> memref<8x125xi32, #tpu.memory_space<hbm>>
    tpu.enqueue_dma source(%dma_start3A_28 : memref<8x125xi32, #tpu.memory_space<hbm>>) target(%arg13 : memref<8x125xi32, #tpu.memory_space<vmem>>) target_semaphore(%arg29 : memref<!tpu.dma_semaphore, #tpu.memory_space<semaphore_mem>>)
    %mul3A_29 = arith.constant 20 : i32
    %mul3A_30 = arith.muli %arg1, %mul3A_29 : i32
    %add3A_31 = arith.constant 1 : i32
    %add3A_32 = arith.addi %mul3A_30, %add3A_31 : i32
    %add3A_33 = arith.constant 16 : i32
    %add3A_34 = arith.addi %add3A_33, %arg1 : i32
    %mul3A_35 = arith.constant 20 : i32
    %mul3A_36 = arith.muli %add3A_34, %mul3A_35 : i32
    %add3A_37 = arith.constant 1 : i32
    %add3A_38 = arith.addi %mul3A_36, %add3A_37 : i32
    %dma_start3A_39 = arith.constant 0 : i32
    %dma_start3A_40 = arith.constant 0 : i32
    %dma_start3A_41 = tpu.memref_slice %arg3[%add3A_32, %dma_start3A_39, %dma_start3A_40] : memref<640x8x125xi32, #tpu.memory_space<hbm>> -> memref<1x8x125xi32, #tpu.memory_space<hbm>>
    %dma_start3A_42 = tpu.memref_squeeze %dma_start3A_41 : memref<1x8x125xi32, #tpu.memory_space<hbm>> -> memref<8x125xi32, #tpu.memory_space<hbm>>
    %dma_start3A_43 = arith.constant 0 : i32
    %dma_start3A_44 = arith.constant 0 : i32
    %dma_start3A_45 = tpu.memref_slice %arg3[%add3A_32, %dma_start3A_43, %dma_start3A_44] : memref<640x8x125xi32, #tpu.memory_space<hbm>> -> memref<1x8x125xi32, #tpu.memory_space<hbm>>
    %dma_start3A_46 = tpu.memref_squeeze %dma_start3A_45 : memref<1x8x125xi32, #tpu.memory_space<hbm>> -> memref<8x125xi32, #tpu.memory_space<hbm>>
    tpu.enqueue_dma source(%dma_start3A_46 : memref<8x125xi32, #tpu.memory_space<hbm>>) target(%arg10 : memref<8x125xi32, #tpu.memory_space<vmem>>) target_semaphore(%arg26 : memref<!tpu.dma_semaphore, #tpu.memory_space<semaphore_mem>>)
    %dma_start3A_47 = arith.constant 0 : i32
    %dma_start3A_48 = arith.constant 0 : i32
    %dma_start3A_49 = tpu.memref_slice %arg3[%add3A_38, %dma_start3A_47, %dma_start3A_48] : memref<640x8x125xi32, #tpu.memory_space<hbm>> -> memref<1x8x125xi32, #tpu.memory_space<hbm>>
    %dma_start3A_50 = tpu.memref_squeeze %dma_start3A_49 : memref<1x8x125xi32, #tpu.memory_space<hbm>> -> memref<8x125xi32, #tpu.memory_space<hbm>>
    %dma_start3A_51 = arith.constant 0 : i32
    %dma_start3A_52 = arith.constant 0 : i32
    %dma_start3A_53 = tpu.memref_slice %arg3[%add3A_38, %dma_start3A_51, %dma_start3A_52] : memref<640x8x125xi32, #tpu.memory_space<hbm>> -> memref<1x8x125xi32, #tpu.memory_space<hbm>>
    %dma_start3A_54 = tpu.memref_squeeze %dma_start3A_53 : memref<1x8x125xi32, #tpu.memory_space<hbm>> -> memref<8x125xi32, #tpu.memory_space<hbm>>
    tpu.enqueue_dma source(%dma_start3A_54 : memref<8x125xi32, #tpu.memory_space<hbm>>) target(%arg14 : memref<8x125xi32, #tpu.memory_space<vmem>>) target_semaphore(%arg30 : memref<!tpu.dma_semaphore, #tpu.memory_space<semaphore_mem>>)
    %mul3A_55 = arith.constant 20 : i32
    %mul3A_56 = arith.muli %arg1, %mul3A_55 : i32
    %add3A_57 = arith.constant 2 : i32
    %add3A_58 = arith.addi %mul3A_56, %add3A_57 : i32
    %add3A_59 = arith.constant 16 : i32
    %add3A_60 = arith.addi %add3A_59, %arg1 : i32
    %mul3A_61 = arith.constant 20 : i32
    %mul3A_62 = arith.muli %add3A_60, %mul3A_61 : i32
    %add3A_63 = arith.constant 2 : i32
    %add3A_64 = arith.addi %mul3A_62, %add3A_63 : i32
    %dma_start3A_65 = arith.constant 0 : i32
    %dma_start3A_66 = arith.constant 0 : i32
    %dma_start3A_67 = tpu.memref_slice %arg3[%add3A_58, %dma_start3A_65, %dma_start3A_66] : memref<640x8x125xi32, #tpu.memory_space<hbm>> -> memref<1x8x125xi32, #tpu.memory_space<hbm>>
    %dma_start3A_68 = tpu.memref_squeeze %dma_start3A_67 : memref<1x8x125xi32, #tpu.memory_space<hbm>> -> memref<8x125xi32, #tpu.memory_space<hbm>>
    %dma_start3A_69 = arith.constant 0 : i32
    %dma_start3A_70 = arith.constant 0 : i32
    %dma_start3A_71 = tpu.memref_slice %arg3[%add3A_58, %dma_start3A_69, %dma_start3A_70] : memref<640x8x125xi32, #tpu.memory_space<hbm>> -> memref<1x8x125xi32, #tpu.memory_space<hbm>>
    %dma_start3A_72 = tpu.memref_squeeze %dma_start3A_71 : memref<1x8x125xi32, #tpu.memory_space<hbm>> -> memref<8x125xi32, #tpu.memory_space<hbm>>
    tpu.enqueue_dma source(%dma_start3A_72 : memref<8x125xi32, #tpu.memory_space<hbm>>) target(%arg11 : memref<8x125xi32, #tpu.memory_space<vmem>>) target_semaphore(%arg27 : memref<!tpu.dma_semaphore, #tpu.memory_space<semaphore_mem>>)
    %dma_start3A_73 = arith.constant 0 : i32
    %dma_start3A_74 = arith.constant 0 : i32
    %dma_start3A_75 = tpu.memref_slice %arg3[%add3A_64, %dma_start3A_73, %dma_start3A_74] : memref<640x8x125xi32, #tpu.memory_space<hbm>> -> memref<1x8x125xi32, #tpu.memory_space<hbm>>
    %dma_start3A_76 = tpu.memref_squeeze %dma_start3A_75 : memref<1x8x125xi32, #tpu.memory_space<hbm>> -> memref<8x125xi32, #tpu.memory_space<hbm>>
    %dma_start3A_77 = arith.constant 0 : i32
    %dma_start3A_78 = arith.constant 0 : i32
    %dma_start3A_79 = tpu.memref_slice %arg3[%add3A_64, %dma_start3A_77, %dma_start3A_78] : memref<640x8x125xi32, #tpu.memory_space<hbm>> -> memref<1x8x125xi32, #tpu.memory_space<hbm>>
    %dma_start3A_80 = tpu.memref_squeeze %dma_start3A_79 : memref<1x8x125xi32, #tpu.memory_space<hbm>> -> memref<8x125xi32, #tpu.memory_space<hbm>>
    tpu.enqueue_dma source(%dma_start3A_80 : memref<8x125xi32, #tpu.memory_space<hbm>>) target(%arg15 : memref<8x125xi32, #tpu.memory_space<vmem>>) target_semaphore(%arg31 : memref<!tpu.dma_semaphore, #tpu.memory_space<semaphore_mem>>)
    %scan3A = arith.constant 0 : i32
    %scan3A_81 = arith.constant 0 : i32
    %scan3A_82 = arith.constant 5 : i32
    %scan3A_83 = arith.addi %scan3A_81, %scan3A_82 : i32
    %scan3A_84 = arith.constant 1 : i32
    scf.for %scan3A_107 = %scan3A_81 to %scan3A_83 step %scan3A_84  : i32 {
      %mul3A_108 = arith.constant 4 : i32
      %mul3A_109 = arith.muli %scan3A_107, %mul3A_108 : i32
      %add3A_110 = arith.constant 0 : i32
      %add3A_111 = arith.addi %mul3A_109, %add3A_110 : i32
      %mul3A_112 = arith.constant 20 : i32
      %mul3A_113 = arith.muli %arg1, %mul3A_112 : i32
      %add3A_114 = arith.addi %mul3A_113, %add3A_111 : i32
      %add3A_115 = arith.constant 16 : i32
      %add3A_116 = arith.addi %add3A_115, %arg1 : i32
      %mul3A_117 = arith.constant 20 : i32
      %mul3A_118 = arith.muli %add3A_116, %mul3A_117 : i32
      %add3A_119 = arith.addi %mul3A_118, %add3A_111 : i32
      %dma_wait3A_120 = arith.constant 0 : i32
      %dma_wait3A_121 = arith.constant 0 : i32
      %dma_wait3A_122 = tpu.memref_slice %arg3[%add3A_114, %dma_wait3A_120, %dma_wait3A_121] : memref<640x8x125xi32, #tpu.memory_space<hbm>> -> memref<1x8x125xi32, #tpu.memory_space<hbm>>
      %dma_wait3A_123 = tpu.memref_squeeze %dma_wait3A_122 : memref<1x8x125xi32, #tpu.memory_space<hbm>> -> memref<8x125xi32, #tpu.memory_space<hbm>>
      %dma_wait3A_124 = arith.constant 0 : i32
      %dma_wait3A_125 = arith.constant 0 : i32
      %dma_wait3A_126 = tpu.memref_slice %arg3[%add3A_114, %dma_wait3A_124, %dma_wait3A_125] : memref<640x8x125xi32, #tpu.memory_space<hbm>> -> memref<1x8x125xi32, #tpu.memory_space<hbm>>
      %dma_wait3A_127 = tpu.memref_squeeze %dma_wait3A_126 : memref<1x8x125xi32, #tpu.memory_space<hbm>> -> memref<8x125xi32, #tpu.memory_space<hbm>>
      tpu.wait_dma2 semaphore(%arg25 : memref<!tpu.dma_semaphore, #tpu.memory_space<semaphore_mem>>) src(%dma_wait3A_127 : memref<8x125xi32, #tpu.memory_space<hbm>>) dst(%arg9 : memref<8x125xi32, #tpu.memory_space<vmem>>)
      %dma_wait3A_128 = arith.constant 0 : i32
      %dma_wait3A_129 = arith.constant 0 : i32
      %dma_wait3A_130 = tpu.memref_slice %arg3[%add3A_119, %dma_wait3A_128, %dma_wait3A_129] : memref<640x8x125xi32, #tpu.memory_space<hbm>> -> memref<1x8x125xi32, #tpu.memory_space<hbm>>
      %dma_wait3A_131 = tpu.memref_squeeze %dma_wait3A_130 : memref<1x8x125xi32, #tpu.memory_space<hbm>> -> memref<8x125xi32, #tpu.memory_space<hbm>>
      %dma_wait3A_132 = arith.constant 0 : i32
      %dma_wait3A_133 = arith.constant 0 : i32
      %dma_wait3A_134 = tpu.memref_slice %arg3[%add3A_119, %dma_wait3A_132, %dma_wait3A_133] : memref<640x8x125xi32, #tpu.memory_space<hbm>> -> memref<1x8x125xi32, #tpu.memory_space<hbm>>
      %dma_wait3A_135 = tpu.memref_squeeze %dma_wait3A_134 : memref<1x8x125xi32, #tpu.memory_space<hbm>> -> memref<8x125xi32, #tpu.memory_space<hbm>>
      tpu.wait_dma2 semaphore(%arg29 : memref<!tpu.dma_semaphore, #tpu.memory_space<semaphore_mem>>) src(%dma_wait3A_135 : memref<8x125xi32, #tpu.memory_space<hbm>>) dst(%arg13 : memref<8x125xi32, #tpu.memory_space<vmem>>)
      %mul3A_136 = arith.constant 4 : i32
      %mul3A_137 = arith.muli %scan3A_107, %mul3A_136 : i32
      %add3A_138 = arith.constant 1 : i32
      %add3A_139 = arith.addi %mul3A_137, %add3A_138 : i32
      %mul3A_140 = arith.constant 20 : i32
      %mul3A_141 = arith.muli %arg1, %mul3A_140 : i32
      %add3A_142 = arith.addi %mul3A_141, %add3A_139 : i32
      %add3A_143 = arith.constant 16 : i32
      %add3A_144 = arith.addi %add3A_143, %arg1 : i32
      %mul3A_145 = arith.constant 20 : i32
      %mul3A_146 = arith.muli %add3A_144, %mul3A_145 : i32
      %add3A_147 = arith.addi %mul3A_146, %add3A_139 : i32
      %dma_wait3A_148 = arith.constant 0 : i32
      %dma_wait3A_149 = arith.constant 0 : i32
      %dma_wait3A_150 = tpu.memref_slice %arg3[%add3A_142, %dma_wait3A_148, %dma_wait3A_149] : memref<640x8x125xi32, #tpu.memory_space<hbm>> -> memref<1x8x125xi32, #tpu.memory_space<hbm>>
      %dma_wait3A_151 = tpu.memref_squeeze %dma_wait3A_150 : memref<1x8x125xi32, #tpu.memory_space<hbm>> -> memref<8x125xi32, #tpu.memory_space<hbm>>
      %dma_wait3A_152 = arith.constant 0 : i32
      %dma_wait3A_153 = arith.constant 0 : i32
      %dma_wait3A_154 = tpu.memref_slice %arg3[%add3A_142, %dma_wait3A_152, %dma_wait3A_153] : memref<640x8x125xi32, #tpu.memory_space<hbm>> -> memref<1x8x125xi32, #tpu.memory_space<hbm>>
      %dma_wait3A_155 = tpu.memref_squeeze %dma_wait3A_154 : memref<1x8x125xi32, #tpu.memory_space<hbm>> -> memref<8x125xi32, #tpu.memory_space<hbm>>
      tpu.wait_dma2 semaphore(%arg26 : memref<!tpu.dma_semaphore, #tpu.memory_space<semaphore_mem>>) src(%dma_wait3A_155 : memref<8x125xi32, #tpu.memory_space<hbm>>) dst(%arg10 : memref<8x125xi32, #tpu.memory_space<vmem>>)
      %dma_wait3A_156 = arith.constant 0 : i32
      %dma_wait3A_157 = arith.constant 0 : i32
      %dma_wait3A_158 = tpu.memref_slice %arg3[%add3A_147, %dma_wait3A_156, %dma_wait3A_157] : memref<640x8x125xi32, #tpu.memory_space<hbm>> -> memref<1x8x125xi32, #tpu.memory_space<hbm>>
      %dma_wait3A_159 = tpu.memref_squeeze %dma_wait3A_158 : memref<1x8x125xi32, #tpu.memory_space<hbm>> -> memref<8x125xi32, #tpu.memory_space<hbm>>
      %dma_wait3A_160 = arith.constant 0 : i32
      %dma_wait3A_161 = arith.constant 0 : i32
      %dma_wait3A_162 = tpu.memref_slice %arg3[%add3A_147, %dma_wait3A_160, %dma_wait3A_161] : memref<640x8x125xi32, #tpu.memory_space<hbm>> -> memref<1x8x125xi32, #tpu.memory_space<hbm>>
      %dma_wait3A_163 = tpu.memref_squeeze %dma_wait3A_162 : memref<1x8x125xi32, #tpu.memory_space<hbm>> -> memref<8x125xi32, #tpu.memory_space<hbm>>
      tpu.wait_dma2 semaphore(%arg30 : memref<!tpu.dma_semaphore, #tpu.memory_space<semaphore_mem>>) src(%dma_wait3A_163 : memref<8x125xi32, #tpu.memory_space<hbm>>) dst(%arg14 : memref<8x125xi32, #tpu.memory_space<vmem>>)
      %mul3A_164 = arith.constant 4 : i32
      %mul3A_165 = arith.muli %scan3A_107, %mul3A_164 : i32
      %add3A_166 = arith.constant 2 : i32
      %add3A_167 = arith.addi %mul3A_165, %add3A_166 : i32
      %mul3A_168 = arith.constant 20 : i32
      %mul3A_169 = arith.muli %arg1, %mul3A_168 : i32
      %add3A_170 = arith.addi %mul3A_169, %add3A_167 : i32
      %add3A_171 = arith.constant 16 : i32
      %add3A_172 = arith.addi %add3A_171, %arg1 : i32
      %mul3A_173 = arith.constant 20 : i32
      %mul3A_174 = arith.muli %add3A_172, %mul3A_173 : i32
      %add3A_175 = arith.addi %mul3A_174, %add3A_167 : i32
      %dma_wait3A_176 = arith.constant 0 : i32
      %dma_wait3A_177 = arith.constant 0 : i32
      %dma_wait3A_178 = tpu.memref_slice %arg3[%add3A_170, %dma_wait3A_176, %dma_wait3A_177] : memref<640x8x125xi32, #tpu.memory_space<hbm>> -> memref<1x8x125xi32, #tpu.memory_space<hbm>>
      %dma_wait3A_179 = tpu.memref_squeeze %dma_wait3A_178 : memref<1x8x125xi32, #tpu.memory_space<hbm>> -> memref<8x125xi32, #tpu.memory_space<hbm>>
      %dma_wait3A_180 = arith.constant 0 : i32
      %dma_wait3A_181 = arith.constant 0 : i32
      %dma_wait3A_182 = tpu.memref_slice %arg3[%add3A_170, %dma_wait3A_180, %dma_wait3A_181] : memref<640x8x125xi32, #tpu.memory_space<hbm>> -> memref<1x8x125xi32, #tpu.memory_space<hbm>>
      %dma_wait3A_183 = tpu.memref_squeeze %dma_wait3A_182 : memref<1x8x125xi32, #tpu.memory_space<hbm>> -> memref<8x125xi32, #tpu.memory_space<hbm>>
      tpu.wait_dma2 semaphore(%arg27 : memref<!tpu.dma_semaphore, #tpu.memory_space<semaphore_mem>>) src(%dma_wait3A_183 : memref<8x125xi32, #tpu.memory_space<hbm>>) dst(%arg11 : memref<8x125xi32, #tpu.memory_space<vmem>>)
      %dma_wait3A_184 = arith.constant 0 : i32
      %dma_wait3A_185 = arith.constant 0 : i32
      %dma_wait3A_186 = tpu.memref_slice %arg3[%add3A_175, %dma_wait3A_184, %dma_wait3A_185] : memref<640x8x125xi32, #tpu.memory_space<hbm>> -> memref<1x8x125xi32, #tpu.memory_space<hbm>>
      %dma_wait3A_187 = tpu.memref_squeeze %dma_wait3A_186 : memref<1x8x125xi32, #tpu.memory_space<hbm>> -> memref<8x125xi32, #tpu.memory_space<hbm>>
      %dma_wait3A_188 = arith.constant 0 : i32
      %dma_wait3A_189 = arith.constant 0 : i32
      %dma_wait3A_190 = tpu.memref_slice %arg3[%add3A_175, %dma_wait3A_188, %dma_wait3A_189] : memref<640x8x125xi32, #tpu.memory_space<hbm>> -> memref<1x8x125xi32, #tpu.memory_space<hbm>>
      %dma_wait3A_191 = tpu.memref_squeeze %dma_wait3A_190 : memref<1x8x125xi32, #tpu.memory_space<hbm>> -> memref<8x125xi32, #tpu.memory_space<hbm>>
      tpu.wait_dma2 semaphore(%arg31 : memref<!tpu.dma_semaphore, #tpu.memory_space<semaphore_mem>>) src(%dma_wait3A_191 : memref<8x125xi32, #tpu.memory_space<hbm>>) dst(%arg15 : memref<8x125xi32, #tpu.memory_space<vmem>>)
      %dma_start3A_192 = arith.constant 0 : i32
      %dma_start3A_193 = arith.constant 0 : i32
      %dma_start3A_194 = tpu.memref_slice %arg9[%dma_start3A_192, %dma_start3A_193] : memref<8x125xi32, #tpu.memory_space<vmem>> -> memref<1x125xi32, #tpu.memory_space<vmem>>
      %dma_start3A_195 = tpu.memref_squeeze %dma_start3A_194 : memref<1x125xi32, #tpu.memory_space<vmem>> -> memref<125xi32, #tpu.memory_space<vmem>>
      %dma_start3A_196 = arith.constant 0 : i32
      %dma_start3A_197 = arith.constant 0 : i32
      %dma_start3A_198 = tpu.memref_slice %arg22[%dma_start3A_196, %dma_start3A_197] : memref<10000x64xf32, #tpu.memory_space<vmem_shared>> -> memref<10000x64xf32, #tpu.memory_space<vmem_shared>>
      tpu.enqueue_indirect_dma source(%dma_start3A_198 : memref<10000x64xf32, #tpu.memory_space<vmem_shared>>) target(%arg17 : memref<125x64xf32, #tpu.memory_space<vmem>>) offsets(%dma_start3A_195 : memref<125xi32, #tpu.memory_space<vmem>>) semaphore(%arg33 : memref<!tpu.dma_semaphore, #tpu.memory_space<semaphore_mem>>)
      %dma_start3A_199 = arith.constant 1 : i32
      %dma_start3A_200 = arith.constant 0 : i32
      %dma_start3A_201 = tpu.memref_slice %arg9[%dma_start3A_199, %dma_start3A_200] : memref<8x125xi32, #tpu.memory_space<vmem>> -> memref<1x125xi32, #tpu.memory_space<vmem>>
      %dma_start3A_202 = tpu.memref_squeeze %dma_start3A_201 : memref<1x125xi32, #tpu.memory_space<vmem>> -> memref<125xi32, #tpu.memory_space<vmem>>
      %dma_start3A_203 = arith.constant 0 : i32
      %dma_start3A_204 = arith.constant 0 : i32
      %dma_start3A_205 = tpu.memref_slice %arg22[%dma_start3A_203, %dma_start3A_204] : memref<10000x64xf32, #tpu.memory_space<vmem_shared>> -> memref<10000x64xf32, #tpu.memory_space<vmem_shared>>
      tpu.enqueue_indirect_dma source(%dma_start3A_205 : memref<10000x64xf32, #tpu.memory_space<vmem_shared>>) target(%arg18 : memref<125x64xf32, #tpu.memory_space<vmem>>) offsets(%dma_start3A_202 : memref<125xi32, #tpu.memory_space<vmem>>) semaphore(%arg34 : memref<!tpu.dma_semaphore, #tpu.memory_space<semaphore_mem>>)
      %dma_start3A_206 = arith.constant 2 : i32
      %dma_start3A_207 = arith.constant 0 : i32
      %dma_start3A_208 = tpu.memref_slice %arg9[%dma_start3A_206, %dma_start3A_207] : memref<8x125xi32, #tpu.memory_space<vmem>> -> memref<1x125xi32, #tpu.memory_space<vmem>>
      %dma_start3A_209 = tpu.memref_squeeze %dma_start3A_208 : memref<1x125xi32, #tpu.memory_space<vmem>> -> memref<125xi32, #tpu.memory_space<vmem>>
      %dma_start3A_210 = arith.constant 0 : i32
      %dma_start3A_211 = arith.constant 0 : i32
      %dma_start3A_212 = tpu.memref_slice %arg22[%dma_start3A_210, %dma_start3A_211] : memref<10000x64xf32, #tpu.memory_space<vmem_shared>> -> memref<10000x64xf32, #tpu.memory_space<vmem_shared>>
      tpu.enqueue_indirect_dma source(%dma_start3A_212 : memref<10000x64xf32, #tpu.memory_space<vmem_shared>>) target(%arg19 : memref<125x64xf32, #tpu.memory_space<vmem>>) offsets(%dma_start3A_209 : memref<125xi32, #tpu.memory_space<vmem>>) semaphore(%arg35 : memref<!tpu.dma_semaphore, #tpu.memory_space<semaphore_mem>>)
      %dma_wait3A_213 = arith.constant 0 : i32
      %dma_wait3A_214 = arith.constant 0 : i32
      %dma_wait3A_215 = tpu.memref_slice %arg9[%dma_wait3A_213, %dma_wait3A_214] : memref<8x125xi32, #tpu.memory_space<vmem>> -> memref<1x125xi32, #tpu.memory_space<vmem>>
      %dma_wait3A_216 = tpu.memref_squeeze %dma_wait3A_215 : memref<1x125xi32, #tpu.memory_space<vmem>> -> memref<125xi32, #tpu.memory_space<vmem>>
      %dma_wait3A_217 = arith.constant 0 : i32
      %dma_wait3A_218 = arith.constant 0 : i32
      %dma_wait3A_219 = tpu.memref_slice %arg22[%dma_wait3A_217, %dma_wait3A_218] : memref<10000x64xf32, #tpu.memory_space<vmem_shared>> -> memref<10000x64xf32, #tpu.memory_space<vmem_shared>>
      tpu.wait_indirect_dma semaphore(%arg33 : memref<!tpu.dma_semaphore, #tpu.memory_space<semaphore_mem>>) src(%dma_wait3A_219 : memref<10000x64xf32, #tpu.memory_space<vmem_shared>>) dst(%arg17 : memref<125x64xf32, #tpu.memory_space<vmem>>)
      %dma_start3A_220 = arith.constant 0 : i32
      %dma_start3A_221 = arith.constant 0 : i32
      %dma_start3A_222 = tpu.memref_slice %arg13[%dma_start3A_220, %dma_start3A_221] : memref<8x125xi32, #tpu.memory_space<vmem>> -> memref<1x125xi32, #tpu.memory_space<vmem>>
      %dma_start3A_223 = tpu.memref_squeeze %dma_start3A_222 : memref<1x125xi32, #tpu.memory_space<vmem>> -> memref<125xi32, #tpu.memory_space<vmem>>
      %dma_start3A_224 = arith.constant 0 : i32
      %dma_start3A_225 = arith.constant 0 : i32
      %dma_start3A_226 = tpu.memref_slice %arg23[%dma_start3A_224, %dma_start3A_225] : memref<10016x64xf32, #tpu.memory_space<vmem_shared>> -> memref<10016x64xf32, #tpu.memory_space<vmem_shared>>
      tpu.enqueue_indirect_dma source(%arg17 : memref<125x64xf32, #tpu.memory_space<vmem>>) target(%dma_start3A_226 : memref<10016x64xf32, #tpu.memory_space<vmem_shared>>) offsets(%dma_start3A_223 : memref<125xi32, #tpu.memory_space<vmem>>) semaphore(%arg37 : memref<!tpu.dma_semaphore, #tpu.memory_space<semaphore_mem>>) {add = true}
      %eq3A_227 = arith.constant 0 : i32
      %eq3A_228 = arith.cmpi eq, %arg0, %eq3A_227 : i32
      %convert_element_type3A_229 = arith.extui %eq3A_228 : i1 to i32
      %cond3A_230 = arith.constant 0 : i32
      %cond3A_231 = arith.cmpi ne, %convert_element_type3A_229, %cond3A_230 : i32
      scf.if %cond3A_231 {
        %dma_start3A_1461 = arith.constant 0 : i32
        %dma_start3A_1462 = arith.constant 0 : i32
        %dma_start3A_1463 = tpu.memref_slice %arg13[%dma_start3A_1461, %dma_start3A_1462] : memref<8x125xi32, #tpu.memory_space<vmem>> -> memref<1x125xi32, #tpu.memory_space<vmem>>
        %dma_start3A_1464 = tpu.memref_squeeze %dma_start3A_1463 : memref<1x125xi32, #tpu.memory_space<vmem>> -> memref<125xi32, #tpu.memory_space<vmem>>
        %dma_start3A_1465 = arith.constant 0 : i32
        %dma_start3A_1466 = arith.constant 0 : i32
        %dma_start3A_1467 = tpu.memref_slice %arg24[%dma_start3A_1465, %dma_start3A_1466] : memref<10016x8xf32, #tpu.memory_space<vmem_shared>> -> memref<10016x8xf32, #tpu.memory_space<vmem_shared>>
        tpu.enqueue_indirect_dma source(%arg21 : memref<125x8xf32, #tpu.memory_space<vmem>>) target(%dma_start3A_1467 : memref<10016x8xf32, #tpu.memory_space<vmem_shared>>) offsets(%dma_start3A_1464 : memref<125xi32, #tpu.memory_space<vmem>>) semaphore(%arg41 : memref<!tpu.dma_semaphore, #tpu.memory_space<semaphore_mem>>) {add = true}
      } else {
      }
      %ge3A = arith.constant 1 : i32
      %ge3A_232 = arith.cmpi sge, %scan3A_107, %ge3A : i32
      %convert_element_type3A_233 = arith.extui %ge3A_232 : i1 to i32
      %cond3A_234 = arith.constant 0 : i32
      %cond3A_235 = arith.cmpi ne, %convert_element_type3A_233, %cond3A_234 : i32
      scf.if %cond3A_235 {
        %dma_wait3A_1461 = arith.constant 7 : i32
        %dma_wait3A_1462 = arith.constant 0 : i32
        %dma_wait3A_1463 = tpu.memref_slice %arg16[%dma_wait3A_1461, %dma_wait3A_1462] : memref<8x125xi32, #tpu.memory_space<vmem>> -> memref<1x125xi32, #tpu.memory_space<vmem>>
        %dma_wait3A_1464 = tpu.memref_squeeze %dma_wait3A_1463 : memref<1x125xi32, #tpu.memory_space<vmem>> -> memref<125xi32, #tpu.memory_space<vmem>>
        %dma_wait3A_1465 = arith.constant 0 : i32
        %dma_wait3A_1466 = arith.constant 0 : i32
        %dma_wait3A_1467 = tpu.memref_slice %arg23[%dma_wait3A_1465, %dma_wait3A_1466] : memref<10016x64xf32, #tpu.memory_space<vmem_shared>> -> memref<10016x64xf32, #tpu.memory_space<vmem_shared>>
        tpu.wait_indirect_dma semaphore(%arg40 : memref<!tpu.dma_semaphore, #tpu.memory_space<semaphore_mem>>) src(%arg20 : memref<125x64xf32, #tpu.memory_space<vmem>>) dst(%dma_wait3A_1467 : memref<10016x64xf32, #tpu.memory_space<vmem_shared>>)
        %ne3A_1468 = arith.constant 0 : i32
        %ne3A_1469 = arith.cmpi ne, %arg0, %ne3A_1468 : i32
        %convert_element_type3A_1470 = arith.extui %ne3A_1469 : i1 to i32
        %cond3A_1471 = arith.constant 0 : i32
        %cond3A_1472 = arith.cmpi ne, %convert_element_type3A_1470, %cond3A_1471 : i32
        scf.if %cond3A_1472 {
          %dma_wait3A_1473 = arith.constant 7 : i32
          %dma_wait3A_1474 = arith.constant 0 : i32
          %dma_wait3A_1475 = tpu.memref_slice %arg16[%dma_wait3A_1473, %dma_wait3A_1474] : memref<8x125xi32, #tpu.memory_space<vmem>> -> memref<1x125xi32, #tpu.memory_space<vmem>>
          %dma_wait3A_1476 = tpu.memref_squeeze %dma_wait3A_1475 : memref<1x125xi32, #tpu.memory_space<vmem>> -> memref<125xi32, #tpu.memory_space<vmem>>
          %dma_wait3A_1477 = arith.constant 0 : i32
          %dma_wait3A_1478 = arith.constant 0 : i32
          %dma_wait3A_1479 = tpu.memref_slice %arg24[%dma_wait3A_1477, %dma_wait3A_1478] : memref<10016x8xf32, #tpu.memory_space<vmem_shared>> -> memref<10016x8xf32, #tpu.memory_space<vmem_shared>>
          tpu.wait_indirect_dma semaphore(%arg44 : memref<!tpu.dma_semaphore, #tpu.memory_space<semaphore_mem>>) src(%arg21 : memref<125x8xf32, #tpu.memory_space<vmem>>) dst(%dma_wait3A_1479 : memref<10016x8xf32, #tpu.memory_space<vmem_shared>>)
        } else {
        }
      } else {
      }
      %mul3A_236 = arith.constant 4 : i32
      %mul3A_237 = arith.muli %scan3A_107, %mul3A_236 : i32
      %add3A_238 = arith.constant 3 : i32
      %add3A_239 = arith.addi %mul3A_237, %add3A_238 : i32
      %mul3A_240 = arith.constant 20 : i32
      %mul3A_241 = arith.muli %arg1, %mul3A_240 : i32
      %add3A_242 = arith.addi %mul3A_241, %add3A_239 : i32
      %add3A_243 = arith.constant 16 : i32
      %add3A_244 = arith.addi %add3A_243, %arg1 : i32
      %mul3A_245 = arith.constant 20 : i32
      %mul3A_246 = arith.muli %add3A_244, %mul3A_245 : i32
      %add3A_247 = arith.addi %mul3A_246, %add3A_239 : i32
      %dma_start3A_248 = arith.constant 0 : i32
      %dma_start3A_249 = arith.constant 0 : i32
      %dma_start3A_250 = tpu.memref_slice %arg3[%add3A_242, %dma_start3A_248, %dma_start3A_249] : memref<640x8x125xi32, #tpu.memory_space<hbm>> -> memref<1x8x125xi32, #tpu.memory_space<hbm>>
      %dma_start3A_251 = tpu.memref_squeeze %dma_start3A_250 : memref<1x8x125xi32, #tpu.memory_space<hbm>> -> memref<8x125xi32, #tpu.memory_space<hbm>>
      %dma_start3A_252 = arith.constant 0 : i32
      %dma_start3A_253 = arith.constant 0 : i32
      %dma_start3A_254 = tpu.memref_slice %arg3[%add3A_242, %dma_start3A_252, %dma_start3A_253] : memref<640x8x125xi32, #tpu.memory_space<hbm>> -> memref<1x8x125xi32, #tpu.memory_space<hbm>>
      %dma_start3A_255 = tpu.memref_squeeze %dma_start3A_254 : memref<1x8x125xi32, #tpu.memory_space<hbm>> -> memref<8x125xi32, #tpu.memory_space<hbm>>
      tpu.enqueue_dma source(%dma_start3A_255 : memref<8x125xi32, #tpu.memory_space<hbm>>) target(%arg12 : memref<8x125xi32, #tpu.memory_space<vmem>>) target_semaphore(%arg28 : memref<!tpu.dma_semaphore, #tpu.memory_space<semaphore_mem>>)
      %dma_start3A_256 = arith.constant 0 : i32
      %dma_start3A_257 = arith.constant 0 : i32
      %dma_start3A_258 = tpu.memref_slice %arg3[%add3A_247, %dma_start3A_256, %dma_start3A_257] : memref<640x8x125xi32, #tpu.memory_space<hbm>> -> memref<1x8x125xi32, #tpu.memory_space<hbm>>
      %dma_start3A_259 = tpu.memref_squeeze %dma_start3A_258 : memref<1x8x125xi32, #tpu.memory_space<hbm>> -> memref<8x125xi32, #tpu.memory_space<hbm>>
      %dma_start3A_260 = arith.constant 0 : i32
      %dma_start3A_261 = arith.constant 0 : i32
      %dma_start3A_262 = tpu.memref_slice %arg3[%add3A_247, %dma_start3A_260, %dma_start3A_261] : memref<640x8x125xi32, #tpu.memory_space<hbm>> -> memref<1x8x125xi32, #tpu.memory_space<hbm>>
      %dma_start3A_263 = tpu.memref_squeeze %dma_start3A_262 : memref<1x8x125xi32, #tpu.memory_space<hbm>> -> memref<8x125xi32, #tpu.memory_space<hbm>>
      tpu.enqueue_dma source(%dma_start3A_263 : memref<8x125xi32, #tpu.memory_space<hbm>>) target(%arg16 : memref<8x125xi32, #tpu.memory_space<vmem>>) target_semaphore(%arg32 : memref<!tpu.dma_semaphore, #tpu.memory_space<semaphore_mem>>)
      %dma_start3A_264 = arith.constant 3 : i32
      %dma_start3A_265 = arith.constant 0 : i32
      %dma_start3A_266 = tpu.memref_slice %arg9[%dma_start3A_264, %dma_start3A_265] : memref<8x125xi32, #tpu.memory_space<vmem>> -> memref<1x125xi32, #tpu.memory_space<vmem>>
      %dma_start3A_267 = tpu.memref_squeeze %dma_start3A_266 : memref<1x125xi32, #tpu.memory_space<vmem>> -> memref<125xi32, #tpu.memory_space<vmem>>
      %dma_start3A_268 = arith.constant 0 : i32
      %dma_start3A_269 = arith.constant 0 : i32
      %dma_start3A_270 = tpu.memref_slice %arg22[%dma_start3A_268, %dma_start3A_269] : memref<10000x64xf32, #tpu.memory_space<vmem_shared>> -> memref<10000x64xf32, #tpu.memory_space<vmem_shared>>
      tpu.enqueue_indirect_dma source(%dma_start3A_270 : memref<10000x64xf32, #tpu.memory_space<vmem_shared>>) target(%arg20 : memref<125x64xf32, #tpu.memory_space<vmem>>) offsets(%dma_start3A_267 : memref<125xi32, #tpu.memory_space<vmem>>) semaphore(%arg36 : memref<!tpu.dma_semaphore, #tpu.memory_space<semaphore_mem>>)
      %dma_wait3A_271 = arith.constant 1 : i32
      %dma_wait3A_272 = arith.constant 0 : i32
      %dma_wait3A_273 = tpu.memref_slice %arg9[%dma_wait3A_271, %dma_wait3A_272] : memref<8x125xi32, #tpu.memory_space<vmem>> -> memref<1x125xi32, #tpu.memory_space<vmem>>
      %dma_wait3A_274 = tpu.memref_squeeze %dma_wait3A_273 : memref<1x125xi32, #tpu.memory_space<vmem>> -> memref<125xi32, #tpu.memory_space<vmem>>
      %dma_wait3A_275 = arith.constant 0 : i32
      %dma_wait3A_276 = arith.constant 0 : i32
      %dma_wait3A_277 = tpu.memref_slice %arg22[%dma_wait3A_275, %dma_wait3A_276] : memref<10000x64xf32, #tpu.memory_space<vmem_shared>> -> memref<10000x64xf32, #tpu.memory_space<vmem_shared>>
      tpu.wait_indirect_dma semaphore(%arg34 : memref<!tpu.dma_semaphore, #tpu.memory_space<semaphore_mem>>) src(%dma_wait3A_277 : memref<10000x64xf32, #tpu.memory_space<vmem_shared>>) dst(%arg18 : memref<125x64xf32, #tpu.memory_space<vmem>>)
      %dma_start3A_278 = arith.constant 1 : i32
      %dma_start3A_279 = arith.constant 0 : i32
      %dma_start3A_280 = tpu.memref_slice %arg13[%dma_start3A_278, %dma_start3A_279] : memref<8x125xi32, #tpu.memory_space<vmem>> -> memref<1x125xi32, #tpu.memory_space<vmem>>
      %dma_start3A_281 = tpu.memref_squeeze %dma_start3A_280 : memref<1x125xi32, #tpu.memory_space<vmem>> -> memref<125xi32, #tpu.memory_space<vmem>>
      %dma_start3A_282 = arith.constant 0 : i32
      %dma_start3A_283 = arith.constant 0 : i32
      %dma_start3A_284 = tpu.memref_slice %arg23[%dma_start3A_282, %dma_start3A_283] : memref<10016x64xf32, #tpu.memory_space<vmem_shared>> -> memref<10016x64xf32, #tpu.memory_space<vmem_shared>>
      tpu.enqueue_indirect_dma source(%arg18 : memref<125x64xf32, #tpu.memory_space<vmem>>) target(%dma_start3A_284 : memref<10016x64xf32, #tpu.memory_space<vmem_shared>>) offsets(%dma_start3A_281 : memref<125xi32, #tpu.memory_space<vmem>>) semaphore(%arg38 : memref<!tpu.dma_semaphore, #tpu.memory_space<semaphore_mem>>) {add = true}
      %ne3A_285 = arith.constant 0 : i32
      %ne3A_286 = arith.cmpi ne, %arg0, %ne3A_285 : i32
      %convert_element_type3A_287 = arith.extui %ne3A_286 : i1 to i32
      %cond3A_288 = arith.constant 0 : i32
      %cond3A_289 = arith.cmpi ne, %convert_element_type3A_287, %cond3A_288 : i32
      scf.if %cond3A_289 {
        %dma_start3A_1461 = arith.constant 1 : i32
        %dma_start3A_1462 = arith.constant 0 : i32
        %dma_start3A_1463 = tpu.memref_slice %arg13[%dma_start3A_1461, %dma_start3A_1462] : memref<8x125xi32, #tpu.memory_space<vmem>> -> memref<1x125xi32, #tpu.memory_space<vmem>>
        %dma_start3A_1464 = tpu.memref_squeeze %dma_start3A_1463 : memref<1x125xi32, #tpu.memory_space<vmem>> -> memref<125xi32, #tpu.memory_space<vmem>>
        %dma_start3A_1465 = arith.constant 0 : i32
        %dma_start3A_1466 = arith.constant 0 : i32
        %dma_start3A_1467 = tpu.memref_slice %arg24[%dma_start3A_1465, %dma_start3A_1466] : memref<10016x8xf32, #tpu.memory_space<vmem_shared>> -> memref<10016x8xf32, #tpu.memory_space<vmem_shared>>
        tpu.enqueue_indirect_dma source(%arg21 : memref<125x8xf32, #tpu.memory_space<vmem>>) target(%dma_start3A_1467 : memref<10016x8xf32, #tpu.memory_space<vmem_shared>>) offsets(%dma_start3A_1464 : memref<125xi32, #tpu.memory_space<vmem>>) semaphore(%arg42 : memref<!tpu.dma_semaphore, #tpu.memory_space<semaphore_mem>>) {add = true}
      } else {
      }
      %dma_wait3A_290 = arith.constant 0 : i32
      %dma_wait3A_291 = arith.constant 0 : i32
      %dma_wait3A_292 = tpu.memref_slice %arg13[%dma_wait3A_290, %dma_wait3A_291] : memref<8x125xi32, #tpu.memory_space<vmem>> -> memref<1x125xi32, #tpu.memory_space<vmem>>
      %dma_wait3A_293 = tpu.memref_squeeze %dma_wait3A_292 : memref<1x125xi32, #tpu.memory_space<vmem>> -> memref<125xi32, #tpu.memory_space<vmem>>
      %dma_wait3A_294 = arith.constant 0 : i32
      %dma_wait3A_295 = arith.constant 0 : i32
      %dma_wait3A_296 = tpu.memref_slice %arg23[%dma_wait3A_294, %dma_wait3A_295] : memref<10016x64xf32, #tpu.memory_space<vmem_shared>> -> memref<10016x64xf32, #tpu.memory_space<vmem_shared>>
      tpu.wait_indirect_dma semaphore(%arg37 : memref<!tpu.dma_semaphore, #tpu.memory_space<semaphore_mem>>) src(%arg17 : memref<125x64xf32, #tpu.memory_space<vmem>>) dst(%dma_wait3A_296 : memref<10016x64xf32, #tpu.memory_space<vmem_shared>>)
      %eq3A_297 = arith.constant 0 : i32
      %eq3A_298 = arith.cmpi eq, %arg0, %eq3A_297 : i32
      %convert_element_type3A_299 = arith.extui %eq3A_298 : i1 to i32
      %cond3A_300 = arith.constant 0 : i32
      %cond3A_301 = arith.cmpi ne, %convert_element_type3A_299, %cond3A_300 : i32
      scf.if %cond3A_301 {
        %dma_wait3A_1461 = arith.constant 0 : i32
        %dma_wait3A_1462 = arith.constant 0 : i32
        %dma_wait3A_1463 = tpu.memref_slice %arg13[%dma_wait3A_1461, %dma_wait3A_1462] : memref<8x125xi32, #tpu.memory_space<vmem>> -> memref<1x125xi32, #tpu.memory_space<vmem>>
        %dma_wait3A_1464 = tpu.memref_squeeze %dma_wait3A_1463 : memref<1x125xi32, #tpu.memory_space<vmem>> -> memref<125xi32, #tpu.memory_space<vmem>>
        %dma_wait3A_1465 = arith.constant 0 : i32
        %dma_wait3A_1466 = arith.constant 0 : i32
        %dma_wait3A_1467 = tpu.memref_slice %arg24[%dma_wait3A_1465, %dma_wait3A_1466] : memref<10016x8xf32, #tpu.memory_space<vmem_shared>> -> memref<10016x8xf32, #tpu.memory_space<vmem_shared>>
        tpu.wait_indirect_dma semaphore(%arg41 : memref<!tpu.dma_semaphore, #tpu.memory_space<semaphore_mem>>) src(%arg21 : memref<125x8xf32, #tpu.memory_space<vmem>>) dst(%dma_wait3A_1467 : memref<10016x8xf32, #tpu.memory_space<vmem_shared>>)
      } else {
      }
      %dma_start3A_302 = arith.constant 4 : i32
      %dma_start3A_303 = arith.constant 0 : i32
      %dma_start3A_304 = tpu.memref_slice %arg9[%dma_start3A_302, %dma_start3A_303] : memref<8x125xi32, #tpu.memory_space<vmem>> -> memref<1x125xi32, #tpu.memory_space<vmem>>
      %dma_start3A_305 = tpu.memref_squeeze %dma_start3A_304 : memref<1x125xi32, #tpu.memory_space<vmem>> -> memref<125xi32, #tpu.memory_space<vmem>>
      %dma_start3A_306 = arith.constant 0 : i32
      %dma_start3A_307 = arith.constant 0 : i32
      %dma_start3A_308 = tpu.memref_slice %arg22[%dma_start3A_306, %dma_start3A_307] : memref<10000x64xf32, #tpu.memory_space<vmem_shared>> -> memref<10000x64xf32, #tpu.memory_space<vmem_shared>>
      tpu.enqueue_indirect_dma source(%dma_start3A_308 : memref<10000x64xf32, #tpu.memory_space<vmem_shared>>) target(%arg17 : memref<125x64xf32, #tpu.memory_space<vmem>>) offsets(%dma_start3A_305 : memref<125xi32, #tpu.memory_space<vmem>>) semaphore(%arg33 : memref<!tpu.dma_semaphore, #tpu.memory_space<semaphore_mem>>)
      %dma_wait3A_309 = arith.constant 2 : i32
      %dma_wait3A_310 = arith.constant 0 : i32
      %dma_wait3A_311 = tpu.memref_slice %arg9[%dma_wait3A_309, %dma_wait3A_310] : memref<8x125xi32, #tpu.memory_space<vmem>> -> memref<1x125xi32, #tpu.memory_space<vmem>>
      %dma_wait3A_312 = tpu.memref_squeeze %dma_wait3A_311 : memref<1x125xi32, #tpu.memory_space<vmem>> -> memref<125xi32, #tpu.memory_space<vmem>>
      %dma_wait3A_313 = arith.constant 0 : i32
      %dma_wait3A_314 = arith.constant 0 : i32
      %dma_wait3A_315 = tpu.memref_slice %arg22[%dma_wait3A_313, %dma_wait3A_314] : memref<10000x64xf32, #tpu.memory_space<vmem_shared>> -> memref<10000x64xf32, #tpu.memory_space<vmem_shared>>
      tpu.wait_indirect_dma semaphore(%arg35 : memref<!tpu.dma_semaphore, #tpu.memory_space<semaphore_mem>>) src(%dma_wait3A_315 : memref<10000x64xf32, #tpu.memory_space<vmem_shared>>) dst(%arg19 : memref<125x64xf32, #tpu.memory_space<vmem>>)
      %dma_start3A_316 = arith.constant 2 : i32
      %dma_start3A_317 = arith.constant 0 : i32
      %dma_start3A_318 = tpu.memref_slice %arg13[%dma_start3A_316, %dma_start3A_317] : memref<8x125xi32, #tpu.memory_space<vmem>> -> memref<1x125xi32, #tpu.memory_space<vmem>>
      %dma_start3A_319 = tpu.memref_squeeze %dma_start3A_318 : memref<1x125xi32, #tpu.memory_space<vmem>> -> memref<125xi32, #tpu.memory_space<vmem>>
      %dma_start3A_320 = arith.constant 0 : i32
      %dma_start3A_321 = arith.constant 0 : i32
      %dma_start3A_322 = tpu.memref_slice %arg23[%dma_start3A_320, %dma_start3A_321] : memref<10016x64xf32, #tpu.memory_space<vmem_shared>> -> memref<10016x64xf32, #tpu.memory_space<vmem_shared>>
      tpu.enqueue_indirect_dma source(%arg19 : memref<125x64xf32, #tpu.memory_space<vmem>>) target(%dma_start3A_322 : memref<10016x64xf32, #tpu.memory_space<vmem_shared>>) offsets(%dma_start3A_319 : memref<125xi32, #tpu.memory_space<vmem>>) semaphore(%arg39 : memref<!tpu.dma_semaphore, #tpu.memory_space<semaphore_mem>>) {add = true}
      %eq3A_323 = arith.constant 0 : i32
      %eq3A_324 = arith.cmpi eq, %arg0, %eq3A_323 : i32
      %convert_element_type3A_325 = arith.extui %eq3A_324 : i1 to i32
      %cond3A_326 = arith.constant 0 : i32
      %cond3A_327 = arith.cmpi ne, %convert_element_type3A_325, %cond3A_326 : i32
      scf.if %cond3A_327 {
        %dma_start3A_1461 = arith.constant 2 : i32
        %dma_start3A_1462 = arith.constant 0 : i32
        %dma_start3A_1463 = tpu.memref_slice %arg13[%dma_start3A_1461, %dma_start3A_1462] : memref<8x125xi32, #tpu.memory_space<vmem>> -> memref<1x125xi32, #tpu.memory_space<vmem>>
        %dma_start3A_1464 = tpu.memref_squeeze %dma_start3A_1463 : memref<1x125xi32, #tpu.memory_space<vmem>> -> memref<125xi32, #tpu.memory_space<vmem>>
        %dma_start3A_1465 = arith.constant 0 : i32
        %dma_start3A_1466 = arith.constant 0 : i32
        %dma_start3A_1467 = tpu.memref_slice %arg24[%dma_start3A_1465, %dma_start3A_1466] : memref<10016x8xf32, #tpu.memory_space<vmem_shared>> -> memref<10016x8xf32, #tpu.memory_space<vmem_shared>>
        tpu.enqueue_indirect_dma source(%arg21 : memref<125x8xf32, #tpu.memory_space<vmem>>) target(%dma_start3A_1467 : memref<10016x8xf32, #tpu.memory_space<vmem_shared>>) offsets(%dma_start3A_1464 : memref<125xi32, #tpu.memory_space<vmem>>) semaphore(%arg43 : memref<!tpu.dma_semaphore, #tpu.memory_space<semaphore_mem>>) {add = true}
      } else {
      }
      %dma_wait3A_328 = arith.constant 1 : i32
      %dma_wait3A_329 = arith.constant 0 : i32
      %dma_wait3A_330 = tpu.memref_slice %arg13[%dma_wait3A_328, %dma_wait3A_329] : memref<8x125xi32, #tpu.memory_space<vmem>> -> memref<1x125xi32, #tpu.memory_space<vmem>>
      %dma_wait3A_331 = tpu.memref_squeeze %dma_wait3A_330 : memref<1x125xi32, #tpu.memory_space<vmem>> -> memref<125xi32, #tpu.memory_space<vmem>>
      %dma_wait3A_332 = arith.constant 0 : i32
      %dma_wait3A_333 = arith.constant 0 : i32
      %dma_wait3A_334 = tpu.memref_slice %arg23[%dma_wait3A_332, %dma_wait3A_333] : memref<10016x64xf32, #tpu.memory_space<vmem_shared>> -> memref<10016x64xf32, #tpu.memory_space<vmem_shared>>
      tpu.wait_indirect_dma semaphore(%arg38 : memref<!tpu.dma_semaphore, #tpu.memory_space<semaphore_mem>>) src(%arg18 : memref<125x64xf32, #tpu.memory_space<vmem>>) dst(%dma_wait3A_334 : memref<10016x64xf32, #tpu.memory_space<vmem_shared>>)
      %ne3A_335 = arith.constant 0 : i32
      %ne3A_336 = arith.cmpi ne, %arg0, %ne3A_335 : i32
      %convert_element_type3A_337 = arith.extui %ne3A_336 : i1 to i32
      %cond3A_338 = arith.constant 0 : i32
      %cond3A_339 = arith.cmpi ne, %convert_element_type3A_337, %cond3A_338 : i32
      scf.if %cond3A_339 {
        %dma_wait3A_1461 = arith.constant 1 : i32
        %dma_wait3A_1462 = arith.constant 0 : i32
        %dma_wait3A_1463 = tpu.memref_slice %arg13[%dma_wait3A_1461, %dma_wait3A_1462] : memref<8x125xi32, #tpu.memory_space<vmem>> -> memref<1x125xi32, #tpu.memory_space<vmem>>
        %dma_wait3A_1464 = tpu.memref_squeeze %dma_wait3A_1463 : memref<1x125xi32, #tpu.memory_space<vmem>> -> memref<125xi32, #tpu.memory_space<vmem>>
        %dma_wait3A_1465 = arith.constant 0 : i32
        %dma_wait3A_1466 = arith.constant 0 : i32
        %dma_wait3A_1467 = tpu.memref_slice %arg24[%dma_wait3A_1465, %dma_wait3A_1466] : memref<10016x8xf32, #tpu.memory_space<vmem_shared>> -> memref<10016x8xf32, #tpu.memory_space<vmem_shared>>
        tpu.wait_indirect_dma semaphore(%arg42 : memref<!tpu.dma_semaphore, #tpu.memory_space<semaphore_mem>>) src(%arg21 : memref<125x8xf32, #tpu.memory_space<vmem>>) dst(%dma_wait3A_1467 : memref<10016x8xf32, #tpu.memory_space<vmem_shared>>)
      } else {
      }
      %dma_start3A_340 = arith.constant 5 : i32
      %dma_start3A_341 = arith.constant 0 : i32
      %dma_start3A_342 = tpu.memref_slice %arg9[%dma_start3A_340, %dma_start3A_341] : memref<8x125xi32, #tpu.memory_space<vmem>> -> memref<1x125xi32, #tpu.memory_space<vmem>>
      %dma_start3A_343 = tpu.memref_squeeze %dma_start3A_342 : memref<1x125xi32, #tpu.memory_space<vmem>> -> memref<125xi32, #tpu.memory_space<vmem>>
      %dma_start3A_344 = arith.constant 0 : i32
      %dma_start3A_345 = arith.constant 0 : i32
      %dma_start3A_346 = tpu.memref_slice %arg22[%dma_start3A_344, %dma_start3A_345] : memref<10000x64xf32, #tpu.memory_space<vmem_shared>> -> memref<10000x64xf32, #tpu.memory_space<vmem_shared>>
      tpu.enqueue_indirect_dma source(%dma_start3A_346 : memref<10000x64xf32, #tpu.memory_space<vmem_shared>>) target(%arg18 : memref<125x64xf32, #tpu.memory_space<vmem>>) offsets(%dma_start3A_343 : memref<125xi32, #tpu.memory_space<vmem>>) semaphore(%arg34 : memref<!tpu.dma_semaphore, #tpu.memory_space<semaphore_mem>>)
      %dma_wait3A_347 = arith.constant 3 : i32
      %dma_wait3A_348 = arith.constant 0 : i32
      %dma_wait3A_349 = tpu.memref_slice %arg9[%dma_wait3A_347, %dma_wait3A_348] : memref<8x125xi32, #tpu.memory_space<vmem>> -> memref<1x125xi32, #tpu.memory_space<vmem>>
      %dma_wait3A_350 = tpu.memref_squeeze %dma_wait3A_349 : memref<1x125xi32, #tpu.memory_space<vmem>> -> memref<125xi32, #tpu.memory_space<vmem>>
      %dma_wait3A_351 = arith.constant 0 : i32
      %dma_wait3A_352 = arith.constant 0 : i32
      %dma_wait3A_353 = tpu.memref_slice %arg22[%dma_wait3A_351, %dma_wait3A_352] : memref<10000x64xf32, #tpu.memory_space<vmem_shared>> -> memref<10000x64xf32, #tpu.memory_space<vmem_shared>>
      tpu.wait_indirect_dma semaphore(%arg36 : memref<!tpu.dma_semaphore, #tpu.memory_space<semaphore_mem>>) src(%dma_wait3A_353 : memref<10000x64xf32, #tpu.memory_space<vmem_shared>>) dst(%arg20 : memref<125x64xf32, #tpu.memory_space<vmem>>)
      %dma_start3A_354 = arith.constant 3 : i32
      %dma_start3A_355 = arith.constant 0 : i32
      %dma_start3A_356 = tpu.memref_slice %arg13[%dma_start3A_354, %dma_start3A_355] : memref<8x125xi32, #tpu.memory_space<vmem>> -> memref<1x125xi32, #tpu.memory_space<vmem>>
      %dma_start3A_357 = tpu.memref_squeeze %dma_start3A_356 : memref<1x125xi32, #tpu.memory_space<vmem>> -> memref<125xi32, #tpu.memory_space<vmem>>
      %dma_start3A_358 = arith.constant 0 : i32
      %dma_start3A_359 = arith.constant 0 : i32
      %dma_start3A_360 = tpu.memref_slice %arg23[%dma_start3A_358, %dma_start3A_359] : memref<10016x64xf32, #tpu.memory_space<vmem_shared>> -> memref<10016x64xf32, #tpu.memory_space<vmem_shared>>
      tpu.enqueue_indirect_dma source(%arg20 : memref<125x64xf32, #tpu.memory_space<vmem>>) target(%dma_start3A_360 : memref<10016x64xf32, #tpu.memory_space<vmem_shared>>) offsets(%dma_start3A_357 : memref<125xi32, #tpu.memory_space<vmem>>) semaphore(%arg40 : memref<!tpu.dma_semaphore, #tpu.memory_space<semaphore_mem>>) {add = true}
      %ne3A_361 = arith.constant 0 : i32
      %ne3A_362 = arith.cmpi ne, %arg0, %ne3A_361 : i32
      %convert_element_type3A_363 = arith.extui %ne3A_362 : i1 to i32
      %cond3A_364 = arith.constant 0 : i32
      %cond3A_365 = arith.cmpi ne, %convert_element_type3A_363, %cond3A_364 : i32
      scf.if %cond3A_365 {
        %dma_start3A_1461 = arith.constant 3 : i32
        %dma_start3A_1462 = arith.constant 0 : i32
        %dma_start3A_1463 = tpu.memref_slice %arg13[%dma_start3A_1461, %dma_start3A_1462] : memref<8x125xi32, #tpu.memory_space<vmem>> -> memref<1x125xi32, #tpu.memory_space<vmem>>
        %dma_start3A_1464 = tpu.memref_squeeze %dma_start3A_1463 : memref<1x125xi32, #tpu.memory_space<vmem>> -> memref<125xi32, #tpu.memory_space<vmem>>
        %dma_start3A_1465 = arith.constant 0 : i32
        %dma_start3A_1466 = arith.constant 0 : i32
        %dma_start3A_1467 = tpu.memref_slice %arg24[%dma_start3A_1465, %dma_start3A_1466] : memref<10016x8xf32, #tpu.memory_space<vmem_shared>> -> memref<10016x8xf32, #tpu.memory_space<vmem_shared>>
        tpu.enqueue_indirect_dma source(%arg21 : memref<125x8xf32, #tpu.memory_space<vmem>>) target(%dma_start3A_1467 : memref<10016x8xf32, #tpu.memory_space<vmem_shared>>) offsets(%dma_start3A_1464 : memref<125xi32, #tpu.memory_space<vmem>>) semaphore(%arg44 : memref<!tpu.dma_semaphore, #tpu.memory_space<semaphore_mem>>) {add = true}
      } else {
      }
      %dma_wait3A_366 = arith.constant 2 : i32
      %dma_wait3A_367 = arith.constant 0 : i32
      %dma_wait3A_368 = tpu.memref_slice %arg13[%dma_wait3A_366, %dma_wait3A_367] : memref<8x125xi32, #tpu.memory_space<vmem>> -> memref<1x125xi32, #tpu.memory_space<vmem>>
      %dma_wait3A_369 = tpu.memref_squeeze %dma_wait3A_368 : memref<1x125xi32, #tpu.memory_space<vmem>> -> memref<125xi32, #tpu.memory_space<vmem>>
      %dma_wait3A_370 = arith.constant 0 : i32
      %dma_wait3A_371 = arith.constant 0 : i32
      %dma_wait3A_372 = tpu.memref_slice %arg23[%dma_wait3A_370, %dma_wait3A_371] : memref<10016x64xf32, #tpu.memory_space<vmem_shared>> -> memref<10016x64xf32, #tpu.memory_space<vmem_shared>>
      tpu.wait_indirect_dma semaphore(%arg39 : memref<!tpu.dma_semaphore, #tpu.memory_space<semaphore_mem>>) src(%arg19 : memref<125x64xf32, #tpu.memory_space<vmem>>) dst(%dma_wait3A_372 : memref<10016x64xf32, #tpu.memory_space<vmem_shared>>)
      %eq3A_373 = arith.constant 0 : i32
      %eq3A_374 = arith.cmpi eq, %arg0, %eq3A_373 : i32
      %convert_element_type3A_375 = arith.extui %eq3A_374 : i1 to i32
      %cond3A_376 = arith.constant 0 : i32
      %cond3A_377 = arith.cmpi ne, %convert_element_type3A_375, %cond3A_376 : i32
      scf.if %cond3A_377 {
        %dma_wait3A_1461 = arith.constant 2 : i32
        %dma_wait3A_1462 = arith.constant 0 : i32
        %dma_wait3A_1463 = tpu.memref_slice %arg13[%dma_wait3A_1461, %dma_wait3A_1462] : memref<8x125xi32, #tpu.memory_space<vmem>> -> memref<1x125xi32, #tpu.memory_space<vmem>>
        %dma_wait3A_1464 = tpu.memref_squeeze %dma_wait3A_1463 : memref<1x125xi32, #tpu.memory_space<vmem>> -> memref<125xi32, #tpu.memory_space<vmem>>
        %dma_wait3A_1465 = arith.constant 0 : i32
        %dma_wait3A_1466 = arith.constant 0 : i32
        %dma_wait3A_1467 = tpu.memref_slice %arg24[%dma_wait3A_1465, %dma_wait3A_1466] : memref<10016x8xf32, #tpu.memory_space<vmem_shared>> -> memref<10016x8xf32, #tpu.memory_space<vmem_shared>>
        tpu.wait_indirect_dma semaphore(%arg43 : memref<!tpu.dma_semaphore, #tpu.memory_space<semaphore_mem>>) src(%arg21 : memref<125x8xf32, #tpu.memory_space<vmem>>) dst(%dma_wait3A_1467 : memref<10016x8xf32, #tpu.memory_space<vmem_shared>>)
      } else {
      }
      %dma_start3A_378 = arith.constant 6 : i32
      %dma_start3A_379 = arith.constant 0 : i32
      %dma_start3A_380 = tpu.memref_slice %arg9[%dma_start3A_378, %dma_start3A_379] : memref<8x125xi32, #tpu.memory_space<vmem>> -> memref<1x125xi32, #tpu.memory_space<vmem>>
      %dma_start3A_381 = tpu.memref_squeeze %dma_start3A_380 : memref<1x125xi32, #tpu.memory_space<vmem>> -> memref<125xi32, #tpu.memory_space<vmem>>
      %dma_start3A_382 = arith.constant 0 : i32
      %dma_start3A_383 = arith.constant 0 : i32
      %dma_start3A_384 = tpu.memref_slice %arg22[%dma_start3A_382, %dma_start3A_383] : memref<10000x64xf32, #tpu.memory_space<vmem_shared>> -> memref<10000x64xf32, #tpu.memory_space<vmem_shared>>
      tpu.enqueue_indirect_dma source(%dma_start3A_384 : memref<10000x64xf32, #tpu.memory_space<vmem_shared>>) target(%arg19 : memref<125x64xf32, #tpu.memory_space<vmem>>) offsets(%dma_start3A_381 : memref<125xi32, #tpu.memory_space<vmem>>) semaphore(%arg35 : memref<!tpu.dma_semaphore, #tpu.memory_space<semaphore_mem>>)
      %dma_wait3A_385 = arith.constant 4 : i32
      %dma_wait3A_386 = arith.constant 0 : i32
      %dma_wait3A_387 = tpu.memref_slice %arg9[%dma_wait3A_385, %dma_wait3A_386] : memref<8x125xi32, #tpu.memory_space<vmem>> -> memref<1x125xi32, #tpu.memory_space<vmem>>
      %dma_wait3A_388 = tpu.memref_squeeze %dma_wait3A_387 : memref<1x125xi32, #tpu.memory_space<vmem>> -> memref<125xi32, #tpu.memory_space<vmem>>
      %dma_wait3A_389 = arith.constant 0 : i32
      %dma_wait3A_390 = arith.constant 0 : i32
      %dma_wait3A_391 = tpu.memref_slice %arg22[%dma_wait3A_389, %dma_wait3A_390] : memref<10000x64xf32, #tpu.memory_space<vmem_shared>> -> memref<10000x64xf32, #tpu.memory_space<vmem_shared>>
      tpu.wait_indirect_dma semaphore(%arg33 : memref<!tpu.dma_semaphore, #tpu.memory_space<semaphore_mem>>) src(%dma_wait3A_391 : memref<10000x64xf32, #tpu.memory_space<vmem_shared>>) dst(%arg17 : memref<125x64xf32, #tpu.memory_space<vmem>>)
      %dma_start3A_392 = arith.constant 4 : i32
      %dma_start3A_393 = arith.constant 0 : i32
      %dma_start3A_394 = tpu.memref_slice %arg13[%dma_start3A_392, %dma_start3A_393] : memref<8x125xi32, #tpu.memory_space<vmem>> -> memref<1x125xi32, #tpu.memory_space<vmem>>
      %dma_start3A_395 = tpu.memref_squeeze %dma_start3A_394 : memref<1x125xi32, #tpu.memory_space<vmem>> -> memref<125xi32, #tpu.memory_space<vmem>>
      %dma_start3A_396 = arith.constant 0 : i32
      %dma_start3A_397 = arith.constant 0 : i32
      %dma_start3A_398 = tpu.memref_slice %arg23[%dma_start3A_396, %dma_start3A_397] : memref<10016x64xf32, #tpu.memory_space<vmem_shared>> -> memref<10016x64xf32, #tpu.memory_space<vmem_shared>>
      tpu.enqueue_indirect_dma source(%arg17 : memref<125x64xf32, #tpu.memory_space<vmem>>) target(%dma_start3A_398 : memref<10016x64xf32, #tpu.memory_space<vmem_shared>>) offsets(%dma_start3A_395 : memref<125xi32, #tpu.memory_space<vmem>>) semaphore(%arg37 : memref<!tpu.dma_semaphore, #tpu.memory_space<semaphore_mem>>) {add = true}
      %eq3A_399 = arith.constant 0 : i32
      %eq3A_400 = arith.cmpi eq, %arg0, %eq3A_399 : i32
      %convert_element_type3A_401 = arith.extui %eq3A_400 : i1 to i32
      %cond3A_402 = arith.constant 0 : i32
      %cond3A_403 = arith.cmpi ne, %convert_element_type3A_401, %cond3A_402 : i32
      scf.if %cond3A_403 {
        %dma_start3A_1461 = arith.constant 4 : i32
        %dma_start3A_1462 = arith.constant 0 : i32
        %dma_start3A_1463 = tpu.memref_slice %arg13[%dma_start3A_1461, %dma_start3A_1462] : memref<8x125xi32, #tpu.memory_space<vmem>> -> memref<1x125xi32, #tpu.memory_space<vmem>>
        %dma_start3A_1464 = tpu.memref_squeeze %dma_start3A_1463 : memref<1x125xi32, #tpu.memory_space<vmem>> -> memref<125xi32, #tpu.memory_space<vmem>>
        %dma_start3A_1465 = arith.constant 0 : i32
        %dma_start3A_1466 = arith.constant 0 : i32
        %dma_start3A_1467 = tpu.memref_slice %arg24[%dma_start3A_1465, %dma_start3A_1466] : memref<10016x8xf32, #tpu.memory_space<vmem_shared>> -> memref<10016x8xf32, #tpu.memory_space<vmem_shared>>
        tpu.enqueue_indirect_dma source(%arg21 : memref<125x8xf32, #tpu.memory_space<vmem>>) target(%dma_start3A_1467 : memref<10016x8xf32, #tpu.memory_space<vmem_shared>>) offsets(%dma_start3A_1464 : memref<125xi32, #tpu.memory_space<vmem>>) semaphore(%arg41 : memref<!tpu.dma_semaphore, #tpu.memory_space<semaphore_mem>>) {add = true}
      } else {
      }
      %dma_wait3A_404 = arith.constant 3 : i32
      %dma_wait3A_405 = arith.constant 0 : i32
      %dma_wait3A_406 = tpu.memref_slice %arg13[%dma_wait3A_404, %dma_wait3A_405] : memref<8x125xi32, #tpu.memory_space<vmem>> -> memref<1x125xi32, #tpu.memory_space<vmem>>
      %dma_wait3A_407 = tpu.memref_squeeze %dma_wait3A_406 : memref<1x125xi32, #tpu.memory_space<vmem>> -> memref<125xi32, #tpu.memory_space<vmem>>
      %dma_wait3A_408 = arith.constant 0 : i32
      %dma_wait3A_409 = arith.constant 0 : i32
      %dma_wait3A_410 = tpu.memref_slice %arg23[%dma_wait3A_408, %dma_wait3A_409] : memref<10016x64xf32, #tpu.memory_space<vmem_shared>> -> memref<10016x64xf32, #tpu.memory_space<vmem_shared>>
      tpu.wait_indirect_dma semaphore(%arg40 : memref<!tpu.dma_semaphore, #tpu.memory_space<semaphore_mem>>) src(%arg20 : memref<125x64xf32, #tpu.memory_space<vmem>>) dst(%dma_wait3A_410 : memref<10016x64xf32, #tpu.memory_space<vmem_shared>>)
      %ne3A_411 = arith.constant 0 : i32
      %ne3A_412 = arith.cmpi ne, %arg0, %ne3A_411 : i32
      %convert_element_type3A_413 = arith.extui %ne3A_412 : i1 to i32
      %cond3A_414 = arith.constant 0 : i32
      %cond3A_415 = arith.cmpi ne, %convert_element_type3A_413, %cond3A_414 : i32
      scf.if %cond3A_415 {
        %dma_wait3A_1461 = arith.constant 3 : i32
        %dma_wait3A_1462 = arith.constant 0 : i32
        %dma_wait3A_1463 = tpu.memref_slice %arg13[%dma_wait3A_1461, %dma_wait3A_1462] : memref<8x125xi32, #tpu.memory_space<vmem>> -> memref<1x125xi32, #tpu.memory_space<vmem>>
        %dma_wait3A_1464 = tpu.memref_squeeze %dma_wait3A_1463 : memref<1x125xi32, #tpu.memory_space<vmem>> -> memref<125xi32, #tpu.memory_space<vmem>>
        %dma_wait3A_1465 = arith.constant 0 : i32
        %dma_wait3A_1466 = arith.constant 0 : i32
        %dma_wait3A_1467 = tpu.memref_slice %arg24[%dma_wait3A_1465, %dma_wait3A_1466] : memref<10016x8xf32, #tpu.memory_space<vmem_shared>> -> memref<10016x8xf32, #tpu.memory_space<vmem_shared>>
        tpu.wait_indirect_dma semaphore(%arg44 : memref<!tpu.dma_semaphore, #tpu.memory_space<semaphore_mem>>) src(%arg21 : memref<125x8xf32, #tpu.memory_space<vmem>>) dst(%dma_wait3A_1467 : memref<10016x8xf32, #tpu.memory_space<vmem_shared>>)
      } else {
      }
      %dma_start3A_416 = arith.constant 7 : i32
      %dma_start3A_417 = arith.constant 0 : i32
      %dma_start3A_418 = tpu.memref_slice %arg9[%dma_start3A_416, %dma_start3A_417] : memref<8x125xi32, #tpu.memory_space<vmem>> -> memref<1x125xi32, #tpu.memory_space<vmem>>
      %dma_start3A_419 = tpu.memref_squeeze %dma_start3A_418 : memref<1x125xi32, #tpu.memory_space<vmem>> -> memref<125xi32, #tpu.memory_space<vmem>>
      %dma_start3A_420 = arith.constant 0 : i32
      %dma_start3A_421 = arith.constant 0 : i32
      %dma_start3A_422 = tpu.memref_slice %arg22[%dma_start3A_420, %dma_start3A_421] : memref<10000x64xf32, #tpu.memory_space<vmem_shared>> -> memref<10000x64xf32, #tpu.memory_space<vmem_shared>>
      tpu.enqueue_indirect_dma source(%dma_start3A_422 : memref<10000x64xf32, #tpu.memory_space<vmem_shared>>) target(%arg20 : memref<125x64xf32, #tpu.memory_space<vmem>>) offsets(%dma_start3A_419 : memref<125xi32, #tpu.memory_space<vmem>>) semaphore(%arg36 : memref<!tpu.dma_semaphore, #tpu.memory_space<semaphore_mem>>)
      %dma_wait3A_423 = arith.constant 5 : i32
      %dma_wait3A_424 = arith.constant 0 : i32
      %dma_wait3A_425 = tpu.memref_slice %arg9[%dma_wait3A_423, %dma_wait3A_424] : memref<8x125xi32, #tpu.memory_space<vmem>> -> memref<1x125xi32, #tpu.memory_space<vmem>>
      %dma_wait3A_426 = tpu.memref_squeeze %dma_wait3A_425 : memref<1x125xi32, #tpu.memory_space<vmem>> -> memref<125xi32, #tpu.memory_space<vmem>>
      %dma_wait3A_427 = arith.constant 0 : i32
      %dma_wait3A_428 = arith.constant 0 : i32
      %dma_wait3A_429 = tpu.memref_slice %arg22[%dma_wait3A_427, %dma_wait3A_428] : memref<10000x64xf32, #tpu.memory_space<vmem_shared>> -> memref<10000x64xf32, #tpu.memory_space<vmem_shared>>
      tpu.wait_indirect_dma semaphore(%arg34 : memref<!tpu.dma_semaphore, #tpu.memory_space<semaphore_mem>>) src(%dma_wait3A_429 : memref<10000x64xf32, #tpu.memory_space<vmem_shared>>) dst(%arg18 : memref<125x64xf32, #tpu.memory_space<vmem>>)
      %dma_start3A_430 = arith.constant 5 : i32
      %dma_start3A_431 = arith.constant 0 : i32
      %dma_start3A_432 = tpu.memref_slice %arg13[%dma_start3A_430, %dma_start3A_431] : memref<8x125xi32, #tpu.memory_space<vmem>> -> memref<1x125xi32, #tpu.memory_space<vmem>>
      %dma_start3A_433 = tpu.memref_squeeze %dma_start3A_432 : memref<1x125xi32, #tpu.memory_space<vmem>> -> memref<125xi32, #tpu.memory_space<vmem>>
      %dma_start3A_434 = arith.constant 0 : i32
      %dma_start3A_435 = arith.constant 0 : i32
      %dma_start3A_436 = tpu.memref_slice %arg23[%dma_start3A_434, %dma_start3A_435] : memref<10016x64xf32, #tpu.memory_space<vmem_shared>> -> memref<10016x64xf32, #tpu.memory_space<vmem_shared>>
      tpu.enqueue_indirect_dma source(%arg18 : memref<125x64xf32, #tpu.memory_space<vmem>>) target(%dma_start3A_436 : memref<10016x64xf32, #tpu.memory_space<vmem_shared>>) offsets(%dma_start3A_433 : memref<125xi32, #tpu.memory_space<vmem>>) semaphore(%arg38 : memref<!tpu.dma_semaphore, #tpu.memory_space<semaphore_mem>>) {add = true}
      %ne3A_437 = arith.constant 0 : i32
      %ne3A_438 = arith.cmpi ne, %arg0, %ne3A_437 : i32
      %convert_element_type3A_439 = arith.extui %ne3A_438 : i1 to i32
      %cond3A_440 = arith.constant 0 : i32
      %cond3A_441 = arith.cmpi ne, %convert_element_type3A_439, %cond3A_440 : i32
      scf.if %cond3A_441 {
        %dma_start3A_1461 = arith.constant 5 : i32
        %dma_start3A_1462 = arith.constant 0 : i32
        %dma_start3A_1463 = tpu.memref_slice %arg13[%dma_start3A_1461, %dma_start3A_1462] : memref<8x125xi32, #tpu.memory_space<vmem>> -> memref<1x125xi32, #tpu.memory_space<vmem>>
        %dma_start3A_1464 = tpu.memref_squeeze %dma_start3A_1463 : memref<1x125xi32, #tpu.memory_space<vmem>> -> memref<125xi32, #tpu.memory_space<vmem>>
        %dma_start3A_1465 = arith.constant 0 : i32
        %dma_start3A_1466 = arith.constant 0 : i32
        %dma_start3A_1467 = tpu.memref_slice %arg24[%dma_start3A_1465, %dma_start3A_1466] : memref<10016x8xf32, #tpu.memory_space<vmem_shared>> -> memref<10016x8xf32, #tpu.memory_space<vmem_shared>>
        tpu.enqueue_indirect_dma source(%arg21 : memref<125x8xf32, #tpu.memory_space<vmem>>) target(%dma_start3A_1467 : memref<10016x8xf32, #tpu.memory_space<vmem_shared>>) offsets(%dma_start3A_1464 : memref<125xi32, #tpu.memory_space<vmem>>) semaphore(%arg42 : memref<!tpu.dma_semaphore, #tpu.memory_space<semaphore_mem>>) {add = true}
      } else {
      }
      %dma_wait3A_442 = arith.constant 4 : i32
      %dma_wait3A_443 = arith.constant 0 : i32
      %dma_wait3A_444 = tpu.memref_slice %arg13[%dma_wait3A_442, %dma_wait3A_443] : memref<8x125xi32, #tpu.memory_space<vmem>> -> memref<1x125xi32, #tpu.memory_space<vmem>>
      %dma_wait3A_445 = tpu.memref_squeeze %dma_wait3A_444 : memref<1x125xi32, #tpu.memory_space<vmem>> -> memref<125xi32, #tpu.memory_space<vmem>>
      %dma_wait3A_446 = arith.constant 0 : i32
      %dma_wait3A_447 = arith.constant 0 : i32
      %dma_wait3A_448 = tpu.memref_slice %arg23[%dma_wait3A_446, %dma_wait3A_447] : memref<10016x64xf32, #tpu.memory_space<vmem_shared>> -> memref<10016x64xf32, #tpu.memory_space<vmem_shared>>
      tpu.wait_indirect_dma semaphore(%arg37 : memref<!tpu.dma_semaphore, #tpu.memory_space<semaphore_mem>>) src(%arg17 : memref<125x64xf32, #tpu.memory_space<vmem>>) dst(%dma_wait3A_448 : memref<10016x64xf32, #tpu.memory_space<vmem_shared>>)
      %eq3A_449 = arith.constant 0 : i32
      %eq3A_450 = arith.cmpi eq, %arg0, %eq3A_449 : i32
      %convert_element_type3A_451 = arith.extui %eq3A_450 : i1 to i32
      %cond3A_452 = arith.constant 0 : i32
      %cond3A_453 = arith.cmpi ne, %convert_element_type3A_451, %cond3A_452 : i32
      scf.if %cond3A_453 {
        %dma_wait3A_1461 = arith.constant 4 : i32
        %dma_wait3A_1462 = arith.constant 0 : i32
        %dma_wait3A_1463 = tpu.memref_slice %arg13[%dma_wait3A_1461, %dma_wait3A_1462] : memref<8x125xi32, #tpu.memory_space<vmem>> -> memref<1x125xi32, #tpu.memory_space<vmem>>
        %dma_wait3A_1464 = tpu.memref_squeeze %dma_wait3A_1463 : memref<1x125xi32, #tpu.memory_space<vmem>> -> memref<125xi32, #tpu.memory_space<vmem>>
        %dma_wait3A_1465 = arith.constant 0 : i32
        %dma_wait3A_1466 = arith.constant 0 : i32
        %dma_wait3A_1467 = tpu.memref_slice %arg24[%dma_wait3A_1465, %dma_wait3A_1466] : memref<10016x8xf32, #tpu.memory_space<vmem_shared>> -> memref<10016x8xf32, #tpu.memory_space<vmem_shared>>
        tpu.wait_indirect_dma semaphore(%arg41 : memref<!tpu.dma_semaphore, #tpu.memory_space<semaphore_mem>>) src(%arg21 : memref<125x8xf32, #tpu.memory_space<vmem>>) dst(%dma_wait3A_1467 : memref<10016x8xf32, #tpu.memory_space<vmem_shared>>)
      } else {
      }
      %dma_start3A_454 = arith.constant 0 : i32
      %dma_start3A_455 = arith.constant 0 : i32
      %dma_start3A_456 = tpu.memref_slice %arg10[%dma_start3A_454, %dma_start3A_455] : memref<8x125xi32, #tpu.memory_space<vmem>> -> memref<1x125xi32, #tpu.memory_space<vmem>>
      %dma_start3A_457 = tpu.memref_squeeze %dma_start3A_456 : memref<1x125xi32, #tpu.memory_space<vmem>> -> memref<125xi32, #tpu.memory_space<vmem>>
      %dma_start3A_458 = arith.constant 0 : i32
      %dma_start3A_459 = arith.constant 0 : i32
      %dma_start3A_460 = tpu.memref_slice %arg22[%dma_start3A_458, %dma_start3A_459] : memref<10000x64xf32, #tpu.memory_space<vmem_shared>> -> memref<10000x64xf32, #tpu.memory_space<vmem_shared>>
      tpu.enqueue_indirect_dma source(%dma_start3A_460 : memref<10000x64xf32, #tpu.memory_space<vmem_shared>>) target(%arg17 : memref<125x64xf32, #tpu.memory_space<vmem>>) offsets(%dma_start3A_457 : memref<125xi32, #tpu.memory_space<vmem>>) semaphore(%arg33 : memref<!tpu.dma_semaphore, #tpu.memory_space<semaphore_mem>>)
      %dma_wait3A_461 = arith.constant 6 : i32
      %dma_wait3A_462 = arith.constant 0 : i32
      %dma_wait3A_463 = tpu.memref_slice %arg9[%dma_wait3A_461, %dma_wait3A_462] : memref<8x125xi32, #tpu.memory_space<vmem>> -> memref<1x125xi32, #tpu.memory_space<vmem>>
      %dma_wait3A_464 = tpu.memref_squeeze %dma_wait3A_463 : memref<1x125xi32, #tpu.memory_space<vmem>> -> memref<125xi32, #tpu.memory_space<vmem>>
      %dma_wait3A_465 = arith.constant 0 : i32
      %dma_wait3A_466 = arith.constant 0 : i32
      %dma_wait3A_467 = tpu.memref_slice %arg22[%dma_wait3A_465, %dma_wait3A_466] : memref<10000x64xf32, #tpu.memory_space<vmem_shared>> -> memref<10000x64xf32, #tpu.memory_space<vmem_shared>>
      tpu.wait_indirect_dma semaphore(%arg35 : memref<!tpu.dma_semaphore, #tpu.memory_space<semaphore_mem>>) src(%dma_wait3A_467 : memref<10000x64xf32, #tpu.memory_space<vmem_shared>>) dst(%arg19 : memref<125x64xf32, #tpu.memory_space<vmem>>)
      %dma_start3A_468 = arith.constant 6 : i32
      %dma_start3A_469 = arith.constant 0 : i32
      %dma_start3A_470 = tpu.memref_slice %arg13[%dma_start3A_468, %dma_start3A_469] : memref<8x125xi32, #tpu.memory_space<vmem>> -> memref<1x125xi32, #tpu.memory_space<vmem>>
      %dma_start3A_471 = tpu.memref_squeeze %dma_start3A_470 : memref<1x125xi32, #tpu.memory_space<vmem>> -> memref<125xi32, #tpu.memory_space<vmem>>
      %dma_start3A_472 = arith.constant 0 : i32
      %dma_start3A_473 = arith.constant 0 : i32
      %dma_start3A_474 = tpu.memref_slice %arg23[%dma_start3A_472, %dma_start3A_473] : memref<10016x64xf32, #tpu.memory_space<vmem_shared>> -> memref<10016x64xf32, #tpu.memory_space<vmem_shared>>
      tpu.enqueue_indirect_dma source(%arg19 : memref<125x64xf32, #tpu.memory_space<vmem>>) target(%dma_start3A_474 : memref<10016x64xf32, #tpu.memory_space<vmem_shared>>) offsets(%dma_start3A_471 : memref<125xi32, #tpu.memory_space<vmem>>) semaphore(%arg39 : memref<!tpu.dma_semaphore, #tpu.memory_space<semaphore_mem>>) {add = true}
      %eq3A_475 = arith.constant 0 : i32
      %eq3A_476 = arith.cmpi eq, %arg0, %eq3A_475 : i32
      %convert_element_type3A_477 = arith.extui %eq3A_476 : i1 to i32
      %cond3A_478 = arith.constant 0 : i32
      %cond3A_479 = arith.cmpi ne, %convert_element_type3A_477, %cond3A_478 : i32
      scf.if %cond3A_479 {
        %dma_start3A_1461 = arith.constant 6 : i32
        %dma_start3A_1462 = arith.constant 0 : i32
        %dma_start3A_1463 = tpu.memref_slice %arg13[%dma_start3A_1461, %dma_start3A_1462] : memref<8x125xi32, #tpu.memory_space<vmem>> -> memref<1x125xi32, #tpu.memory_space<vmem>>
        %dma_start3A_1464 = tpu.memref_squeeze %dma_start3A_1463 : memref<1x125xi32, #tpu.memory_space<vmem>> -> memref<125xi32, #tpu.memory_space<vmem>>
        %dma_start3A_1465 = arith.constant 0 : i32
        %dma_start3A_1466 = arith.constant 0 : i32
        %dma_start3A_1467 = tpu.memref_slice %arg24[%dma_start3A_1465, %dma_start3A_1466] : memref<10016x8xf32, #tpu.memory_space<vmem_shared>> -> memref<10016x8xf32, #tpu.memory_space<vmem_shared>>
        tpu.enqueue_indirect_dma source(%arg21 : memref<125x8xf32, #tpu.memory_space<vmem>>) target(%dma_start3A_1467 : memref<10016x8xf32, #tpu.memory_space<vmem_shared>>) offsets(%dma_start3A_1464 : memref<125xi32, #tpu.memory_space<vmem>>) semaphore(%arg43 : memref<!tpu.dma_semaphore, #tpu.memory_space<semaphore_mem>>) {add = true}
      } else {
      }
      %dma_wait3A_480 = arith.constant 5 : i32
      %dma_wait3A_481 = arith.constant 0 : i32
      %dma_wait3A_482 = tpu.memref_slice %arg13[%dma_wait3A_480, %dma_wait3A_481] : memref<8x125xi32, #tpu.memory_space<vmem>> -> memref<1x125xi32, #tpu.memory_space<vmem>>
      %dma_wait3A_483 = tpu.memref_squeeze %dma_wait3A_482 : memref<1x125xi32, #tpu.memory_space<vmem>> -> memref<125xi32, #tpu.memory_space<vmem>>
      %dma_wait3A_484 = arith.constant 0 : i32
      %dma_wait3A_485 = arith.constant 0 : i32
      %dma_wait3A_486 = tpu.memref_slice %arg23[%dma_wait3A_484, %dma_wait3A_485] : memref<10016x64xf32, #tpu.memory_space<vmem_shared>> -> memref<10016x64xf32, #tpu.memory_space<vmem_shared>>
      tpu.wait_indirect_dma semaphore(%arg38 : memref<!tpu.dma_semaphore, #tpu.memory_space<semaphore_mem>>) src(%arg18 : memref<125x64xf32, #tpu.memory_space<vmem>>) dst(%dma_wait3A_486 : memref<10016x64xf32, #tpu.memory_space<vmem_shared>>)
      %ne3A_487 = arith.constant 0 : i32
      %ne3A_488 = arith.cmpi ne, %arg0, %ne3A_487 : i32
      %convert_element_type3A_489 = arith.extui %ne3A_488 : i1 to i32
      %cond3A_490 = arith.constant 0 : i32
      %cond3A_491 = arith.cmpi ne, %convert_element_type3A_489, %cond3A_490 : i32
      scf.if %cond3A_491 {
        %dma_wait3A_1461 = arith.constant 5 : i32
        %dma_wait3A_1462 = arith.constant 0 : i32
        %dma_wait3A_1463 = tpu.memref_slice %arg13[%dma_wait3A_1461, %dma_wait3A_1462] : memref<8x125xi32, #tpu.memory_space<vmem>> -> memref<1x125xi32, #tpu.memory_space<vmem>>
        %dma_wait3A_1464 = tpu.memref_squeeze %dma_wait3A_1463 : memref<1x125xi32, #tpu.memory_space<vmem>> -> memref<125xi32, #tpu.memory_space<vmem>>
        %dma_wait3A_1465 = arith.constant 0 : i32
        %dma_wait3A_1466 = arith.constant 0 : i32
        %dma_wait3A_1467 = tpu.memref_slice %arg24[%dma_wait3A_1465, %dma_wait3A_1466] : memref<10016x8xf32, #tpu.memory_space<vmem_shared>> -> memref<10016x8xf32, #tpu.memory_space<vmem_shared>>
        tpu.wait_indirect_dma semaphore(%arg42 : memref<!tpu.dma_semaphore, #tpu.memory_space<semaphore_mem>>) src(%arg21 : memref<125x8xf32, #tpu.memory_space<vmem>>) dst(%dma_wait3A_1467 : memref<10016x8xf32, #tpu.memory_space<vmem_shared>>)
      } else {
      }
      %dma_start3A_492 = arith.constant 1 : i32
      %dma_start3A_493 = arith.constant 0 : i32
      %dma_start3A_494 = tpu.memref_slice %arg10[%dma_start3A_492, %dma_start3A_493] : memref<8x125xi32, #tpu.memory_space<vmem>> -> memref<1x125xi32, #tpu.memory_space<vmem>>
      %dma_start3A_495 = tpu.memref_squeeze %dma_start3A_494 : memref<1x125xi32, #tpu.memory_space<vmem>> -> memref<125xi32, #tpu.memory_space<vmem>>
      %dma_start3A_496 = arith.constant 0 : i32
      %dma_start3A_497 = arith.constant 0 : i32
      %dma_start3A_498 = tpu.memref_slice %arg22[%dma_start3A_496, %dma_start3A_497] : memref<10000x64xf32, #tpu.memory_space<vmem_shared>> -> memref<10000x64xf32, #tpu.memory_space<vmem_shared>>
      tpu.enqueue_indirect_dma source(%dma_start3A_498 : memref<10000x64xf32, #tpu.memory_space<vmem_shared>>) target(%arg18 : memref<125x64xf32, #tpu.memory_space<vmem>>) offsets(%dma_start3A_495 : memref<125xi32, #tpu.memory_space<vmem>>) semaphore(%arg34 : memref<!tpu.dma_semaphore, #tpu.memory_space<semaphore_mem>>)
      %dma_wait3A_499 = arith.constant 7 : i32
      %dma_wait3A_500 = arith.constant 0 : i32
      %dma_wait3A_501 = tpu.memref_slice %arg9[%dma_wait3A_499, %dma_wait3A_500] : memref<8x125xi32, #tpu.memory_space<vmem>> -> memref<1x125xi32, #tpu.memory_space<vmem>>
      %dma_wait3A_502 = tpu.memref_squeeze %dma_wait3A_501 : memref<1x125xi32, #tpu.memory_space<vmem>> -> memref<125xi32, #tpu.memory_space<vmem>>
      %dma_wait3A_503 = arith.constant 0 : i32
      %dma_wait3A_504 = arith.constant 0 : i32
      %dma_wait3A_505 = tpu.memref_slice %arg22[%dma_wait3A_503, %dma_wait3A_504] : memref<10000x64xf32, #tpu.memory_space<vmem_shared>> -> memref<10000x64xf32, #tpu.memory_space<vmem_shared>>
      tpu.wait_indirect_dma semaphore(%arg36 : memref<!tpu.dma_semaphore, #tpu.memory_space<semaphore_mem>>) src(%dma_wait3A_505 : memref<10000x64xf32, #tpu.memory_space<vmem_shared>>) dst(%arg20 : memref<125x64xf32, #tpu.memory_space<vmem>>)
      %dma_start3A_506 = arith.constant 7 : i32
      %dma_start3A_507 = arith.constant 0 : i32
      %dma_start3A_508 = tpu.memref_slice %arg13[%dma_start3A_506, %dma_start3A_507] : memref<8x125xi32, #tpu.memory_space<vmem>> -> memref<1x125xi32, #tpu.memory_space<vmem>>
      %dma_start3A_509 = tpu.memref_squeeze %dma_start3A_508 : memref<1x125xi32, #tpu.memory_space<vmem>> -> memref<125xi32, #tpu.memory_space<vmem>>
      %dma_start3A_510 = arith.constant 0 : i32
      %dma_start3A_511 = arith.constant 0 : i32
      %dma_start3A_512 = tpu.memref_slice %arg23[%dma_start3A_510, %dma_start3A_511] : memref<10016x64xf32, #tpu.memory_space<vmem_shared>> -> memref<10016x64xf32, #tpu.memory_space<vmem_shared>>
      tpu.enqueue_indirect_dma source(%arg20 : memref<125x64xf32, #tpu.memory_space<vmem>>) target(%dma_start3A_512 : memref<10016x64xf32, #tpu.memory_space<vmem_shared>>) offsets(%dma_start3A_509 : memref<125xi32, #tpu.memory_space<vmem>>) semaphore(%arg40 : memref<!tpu.dma_semaphore, #tpu.memory_space<semaphore_mem>>) {add = true}
      %ne3A_513 = arith.constant 0 : i32
      %ne3A_514 = arith.cmpi ne, %arg0, %ne3A_513 : i32
      %convert_element_type3A_515 = arith.extui %ne3A_514 : i1 to i32
      %cond3A_516 = arith.constant 0 : i32
      %cond3A_517 = arith.cmpi ne, %convert_element_type3A_515, %cond3A_516 : i32
      scf.if %cond3A_517 {
        %dma_start3A_1461 = arith.constant 7 : i32
        %dma_start3A_1462 = arith.constant 0 : i32
        %dma_start3A_1463 = tpu.memref_slice %arg13[%dma_start3A_1461, %dma_start3A_1462] : memref<8x125xi32, #tpu.memory_space<vmem>> -> memref<1x125xi32, #tpu.memory_space<vmem>>
        %dma_start3A_1464 = tpu.memref_squeeze %dma_start3A_1463 : memref<1x125xi32, #tpu.memory_space<vmem>> -> memref<125xi32, #tpu.memory_space<vmem>>
        %dma_start3A_1465 = arith.constant 0 : i32
        %dma_start3A_1466 = arith.constant 0 : i32
        %dma_start3A_1467 = tpu.memref_slice %arg24[%dma_start3A_1465, %dma_start3A_1466] : memref<10016x8xf32, #tpu.memory_space<vmem_shared>> -> memref<10016x8xf32, #tpu.memory_space<vmem_shared>>
        tpu.enqueue_indirect_dma source(%arg21 : memref<125x8xf32, #tpu.memory_space<vmem>>) target(%dma_start3A_1467 : memref<10016x8xf32, #tpu.memory_space<vmem_shared>>) offsets(%dma_start3A_1464 : memref<125xi32, #tpu.memory_space<vmem>>) semaphore(%arg44 : memref<!tpu.dma_semaphore, #tpu.memory_space<semaphore_mem>>) {add = true}
      } else {
      }
      %dma_wait3A_518 = arith.constant 6 : i32
      %dma_wait3A_519 = arith.constant 0 : i32
      %dma_wait3A_520 = tpu.memref_slice %arg13[%dma_wait3A_518, %dma_wait3A_519] : memref<8x125xi32, #tpu.memory_space<vmem>> -> memref<1x125xi32, #tpu.memory_space<vmem>>
      %dma_wait3A_521 = tpu.memref_squeeze %dma_wait3A_520 : memref<1x125xi32, #tpu.memory_space<vmem>> -> memref<125xi32, #tpu.memory_space<vmem>>
      %dma_wait3A_522 = arith.constant 0 : i32
      %dma_wait3A_523 = arith.constant 0 : i32
      %dma_wait3A_524 = tpu.memref_slice %arg23[%dma_wait3A_522, %dma_wait3A_523] : memref<10016x64xf32, #tpu.memory_space<vmem_shared>> -> memref<10016x64xf32, #tpu.memory_space<vmem_shared>>
      tpu.wait_indirect_dma semaphore(%arg39 : memref<!tpu.dma_semaphore, #tpu.memory_space<semaphore_mem>>) src(%arg19 : memref<125x64xf32, #tpu.memory_space<vmem>>) dst(%dma_wait3A_524 : memref<10016x64xf32, #tpu.memory_space<vmem_shared>>)
      %eq3A_525 = arith.constant 0 : i32
      %eq3A_526 = arith.cmpi eq, %arg0, %eq3A_525 : i32
      %convert_element_type3A_527 = arith.extui %eq3A_526 : i1 to i32
      %cond3A_528 = arith.constant 0 : i32
      %cond3A_529 = arith.cmpi ne, %convert_element_type3A_527, %cond3A_528 : i32
      scf.if %cond3A_529 {
        %dma_wait3A_1461 = arith.constant 6 : i32
        %dma_wait3A_1462 = arith.constant 0 : i32
        %dma_wait3A_1463 = tpu.memref_slice %arg13[%dma_wait3A_1461, %dma_wait3A_1462] : memref<8x125xi32, #tpu.memory_space<vmem>> -> memref<1x125xi32, #tpu.memory_space<vmem>>
        %dma_wait3A_1464 = tpu.memref_squeeze %dma_wait3A_1463 : memref<1x125xi32, #tpu.memory_space<vmem>> -> memref<125xi32, #tpu.memory_space<vmem>>
        %dma_wait3A_1465 = arith.constant 0 : i32
        %dma_wait3A_1466 = arith.constant 0 : i32
        %dma_wait3A_1467 = tpu.memref_slice %arg24[%dma_wait3A_1465, %dma_wait3A_1466] : memref<10016x8xf32, #tpu.memory_space<vmem_shared>> -> memref<10016x8xf32, #tpu.memory_space<vmem_shared>>
        tpu.wait_indirect_dma semaphore(%arg43 : memref<!tpu.dma_semaphore, #tpu.memory_space<semaphore_mem>>) src(%arg21 : memref<125x8xf32, #tpu.memory_space<vmem>>) dst(%dma_wait3A_1467 : memref<10016x8xf32, #tpu.memory_space<vmem_shared>>)
      } else {
      }
      %dma_start3A_530 = arith.constant 2 : i32
      %dma_start3A_531 = arith.constant 0 : i32
      %dma_start3A_532 = tpu.memref_slice %arg10[%dma_start3A_530, %dma_start3A_531] : memref<8x125xi32, #tpu.memory_space<vmem>> -> memref<1x125xi32, #tpu.memory_space<vmem>>
      %dma_start3A_533 = tpu.memref_squeeze %dma_start3A_532 : memref<1x125xi32, #tpu.memory_space<vmem>> -> memref<125xi32, #tpu.memory_space<vmem>>
      %dma_start3A_534 = arith.constant 0 : i32
      %dma_start3A_535 = arith.constant 0 : i32
      %dma_start3A_536 = tpu.memref_slice %arg22[%dma_start3A_534, %dma_start3A_535] : memref<10000x64xf32, #tpu.memory_space<vmem_shared>> -> memref<10000x64xf32, #tpu.memory_space<vmem_shared>>
      tpu.enqueue_indirect_dma source(%dma_start3A_536 : memref<10000x64xf32, #tpu.memory_space<vmem_shared>>) target(%arg19 : memref<125x64xf32, #tpu.memory_space<vmem>>) offsets(%dma_start3A_533 : memref<125xi32, #tpu.memory_space<vmem>>) semaphore(%arg35 : memref<!tpu.dma_semaphore, #tpu.memory_space<semaphore_mem>>)
      %dma_wait3A_537 = arith.constant 0 : i32
      %dma_wait3A_538 = arith.constant 0 : i32
      %dma_wait3A_539 = tpu.memref_slice %arg10[%dma_wait3A_537, %dma_wait3A_538] : memref<8x125xi32, #tpu.memory_space<vmem>> -> memref<1x125xi32, #tpu.memory_space<vmem>>
      %dma_wait3A_540 = tpu.memref_squeeze %dma_wait3A_539 : memref<1x125xi32, #tpu.memory_space<vmem>> -> memref<125xi32, #tpu.memory_space<vmem>>
      %dma_wait3A_541 = arith.constant 0 : i32
      %dma_wait3A_542 = arith.constant 0 : i32
      %dma_wait3A_543 = tpu.memref_slice %arg22[%dma_wait3A_541, %dma_wait3A_542] : memref<10000x64xf32, #tpu.memory_space<vmem_shared>> -> memref<10000x64xf32, #tpu.memory_space<vmem_shared>>
      tpu.wait_indirect_dma semaphore(%arg33 : memref<!tpu.dma_semaphore, #tpu.memory_space<semaphore_mem>>) src(%dma_wait3A_543 : memref<10000x64xf32, #tpu.memory_space<vmem_shared>>) dst(%arg17 : memref<125x64xf32, #tpu.memory_space<vmem>>)
      %dma_start3A_544 = arith.constant 0 : i32
      %dma_start3A_545 = arith.constant 0 : i32
      %dma_start3A_546 = tpu.memref_slice %arg14[%dma_start3A_544, %dma_start3A_545] : memref<8x125xi32, #tpu.memory_space<vmem>> -> memref<1x125xi32, #tpu.memory_space<vmem>>
      %dma_start3A_547 = tpu.memref_squeeze %dma_start3A_546 : memref<1x125xi32, #tpu.memory_space<vmem>> -> memref<125xi32, #tpu.memory_space<vmem>>
      %dma_start3A_548 = arith.constant 0 : i32
      %dma_start3A_549 = arith.constant 0 : i32
      %dma_start3A_550 = tpu.memref_slice %arg23[%dma_start3A_548, %dma_start3A_549] : memref<10016x64xf32, #tpu.memory_space<vmem_shared>> -> memref<10016x64xf32, #tpu.memory_space<vmem_shared>>
      tpu.enqueue_indirect_dma source(%arg17 : memref<125x64xf32, #tpu.memory_space<vmem>>) target(%dma_start3A_550 : memref<10016x64xf32, #tpu.memory_space<vmem_shared>>) offsets(%dma_start3A_547 : memref<125xi32, #tpu.memory_space<vmem>>) semaphore(%arg37 : memref<!tpu.dma_semaphore, #tpu.memory_space<semaphore_mem>>) {add = true}
      %eq3A_551 = arith.constant 0 : i32
      %eq3A_552 = arith.cmpi eq, %arg0, %eq3A_551 : i32
      %convert_element_type3A_553 = arith.extui %eq3A_552 : i1 to i32
      %cond3A_554 = arith.constant 0 : i32
      %cond3A_555 = arith.cmpi ne, %convert_element_type3A_553, %cond3A_554 : i32
      scf.if %cond3A_555 {
        %dma_start3A_1461 = arith.constant 0 : i32
        %dma_start3A_1462 = arith.constant 0 : i32
        %dma_start3A_1463 = tpu.memref_slice %arg14[%dma_start3A_1461, %dma_start3A_1462] : memref<8x125xi32, #tpu.memory_space<vmem>> -> memref<1x125xi32, #tpu.memory_space<vmem>>
        %dma_start3A_1464 = tpu.memref_squeeze %dma_start3A_1463 : memref<1x125xi32, #tpu.memory_space<vmem>> -> memref<125xi32, #tpu.memory_space<vmem>>
        %dma_start3A_1465 = arith.constant 0 : i32
        %dma_start3A_1466 = arith.constant 0 : i32
        %dma_start3A_1467 = tpu.memref_slice %arg24[%dma_start3A_1465, %dma_start3A_1466] : memref<10016x8xf32, #tpu.memory_space<vmem_shared>> -> memref<10016x8xf32, #tpu.memory_space<vmem_shared>>
        tpu.enqueue_indirect_dma source(%arg21 : memref<125x8xf32, #tpu.memory_space<vmem>>) target(%dma_start3A_1467 : memref<10016x8xf32, #tpu.memory_space<vmem_shared>>) offsets(%dma_start3A_1464 : memref<125xi32, #tpu.memory_space<vmem>>) semaphore(%arg41 : memref<!tpu.dma_semaphore, #tpu.memory_space<semaphore_mem>>) {add = true}
      } else {
      }
      %dma_wait3A_556 = arith.constant 7 : i32
      %dma_wait3A_557 = arith.constant 0 : i32
      %dma_wait3A_558 = tpu.memref_slice %arg13[%dma_wait3A_556, %dma_wait3A_557] : memref<8x125xi32, #tpu.memory_space<vmem>> -> memref<1x125xi32, #tpu.memory_space<vmem>>
      %dma_wait3A_559 = tpu.memref_squeeze %dma_wait3A_558 : memref<1x125xi32, #tpu.memory_space<vmem>> -> memref<125xi32, #tpu.memory_space<vmem>>
      %dma_wait3A_560 = arith.constant 0 : i32
      %dma_wait3A_561 = arith.constant 0 : i32
      %dma_wait3A_562 = tpu.memref_slice %arg23[%dma_wait3A_560, %dma_wait3A_561] : memref<10016x64xf32, #tpu.memory_space<vmem_shared>> -> memref<10016x64xf32, #tpu.memory_space<vmem_shared>>
      tpu.wait_indirect_dma semaphore(%arg40 : memref<!tpu.dma_semaphore, #tpu.memory_space<semaphore_mem>>) src(%arg20 : memref<125x64xf32, #tpu.memory_space<vmem>>) dst(%dma_wait3A_562 : memref<10016x64xf32, #tpu.memory_space<vmem_shared>>)
      %ne3A_563 = arith.constant 0 : i32
      %ne3A_564 = arith.cmpi ne, %arg0, %ne3A_563 : i32
      %convert_element_type3A_565 = arith.extui %ne3A_564 : i1 to i32
      %cond3A_566 = arith.constant 0 : i32
      %cond3A_567 = arith.cmpi ne, %convert_element_type3A_565, %cond3A_566 : i32
      scf.if %cond3A_567 {
        %dma_wait3A_1461 = arith.constant 7 : i32
        %dma_wait3A_1462 = arith.constant 0 : i32
        %dma_wait3A_1463 = tpu.memref_slice %arg13[%dma_wait3A_1461, %dma_wait3A_1462] : memref<8x125xi32, #tpu.memory_space<vmem>> -> memref<1x125xi32, #tpu.memory_space<vmem>>
        %dma_wait3A_1464 = tpu.memref_squeeze %dma_wait3A_1463 : memref<1x125xi32, #tpu.memory_space<vmem>> -> memref<125xi32, #tpu.memory_space<vmem>>
        %dma_wait3A_1465 = arith.constant 0 : i32
        %dma_wait3A_1466 = arith.constant 0 : i32
        %dma_wait3A_1467 = tpu.memref_slice %arg24[%dma_wait3A_1465, %dma_wait3A_1466] : memref<10016x8xf32, #tpu.memory_space<vmem_shared>> -> memref<10016x8xf32, #tpu.memory_space<vmem_shared>>
        tpu.wait_indirect_dma semaphore(%arg44 : memref<!tpu.dma_semaphore, #tpu.memory_space<semaphore_mem>>) src(%arg21 : memref<125x8xf32, #tpu.memory_space<vmem>>) dst(%dma_wait3A_1467 : memref<10016x8xf32, #tpu.memory_space<vmem_shared>>)
      } else {
      }
      %dma_start3A_568 = arith.constant 3 : i32
      %dma_start3A_569 = arith.constant 0 : i32
      %dma_start3A_570 = tpu.memref_slice %arg10[%dma_start3A_568, %dma_start3A_569] : memref<8x125xi32, #tpu.memory_space<vmem>> -> memref<1x125xi32, #tpu.memory_space<vmem>>
      %dma_start3A_571 = tpu.memref_squeeze %dma_start3A_570 : memref<1x125xi32, #tpu.memory_space<vmem>> -> memref<125xi32, #tpu.memory_space<vmem>>
      %dma_start3A_572 = arith.constant 0 : i32
      %dma_start3A_573 = arith.constant 0 : i32
      %dma_start3A_574 = tpu.memref_slice %arg22[%dma_start3A_572, %dma_start3A_573] : memref<10000x64xf32, #tpu.memory_space<vmem_shared>> -> memref<10000x64xf32, #tpu.memory_space<vmem_shared>>
      tpu.enqueue_indirect_dma source(%dma_start3A_574 : memref<10000x64xf32, #tpu.memory_space<vmem_shared>>) target(%arg20 : memref<125x64xf32, #tpu.memory_space<vmem>>) offsets(%dma_start3A_571 : memref<125xi32, #tpu.memory_space<vmem>>) semaphore(%arg36 : memref<!tpu.dma_semaphore, #tpu.memory_space<semaphore_mem>>)
      %dma_wait3A_575 = arith.constant 1 : i32
      %dma_wait3A_576 = arith.constant 0 : i32
      %dma_wait3A_577 = tpu.memref_slice %arg10[%dma_wait3A_575, %dma_wait3A_576] : memref<8x125xi32, #tpu.memory_space<vmem>> -> memref<1x125xi32, #tpu.memory_space<vmem>>
      %dma_wait3A_578 = tpu.memref_squeeze %dma_wait3A_577 : memref<1x125xi32, #tpu.memory_space<vmem>> -> memref<125xi32, #tpu.memory_space<vmem>>
      %dma_wait3A_579 = arith.constant 0 : i32
      %dma_wait3A_580 = arith.constant 0 : i32
      %dma_wait3A_581 = tpu.memref_slice %arg22[%dma_wait3A_579, %dma_wait3A_580] : memref<10000x64xf32, #tpu.memory_space<vmem_shared>> -> memref<10000x64xf32, #tpu.memory_space<vmem_shared>>
      tpu.wait_indirect_dma semaphore(%arg34 : memref<!tpu.dma_semaphore, #tpu.memory_space<semaphore_mem>>) src(%dma_wait3A_581 : memref<10000x64xf32, #tpu.memory_space<vmem_shared>>) dst(%arg18 : memref<125x64xf32, #tpu.memory_space<vmem>>)
      %dma_start3A_582 = arith.constant 1 : i32
      %dma_start3A_583 = arith.constant 0 : i32
      %dma_start3A_584 = tpu.memref_slice %arg14[%dma_start3A_582, %dma_start3A_583] : memref<8x125xi32, #tpu.memory_space<vmem>> -> memref<1x125xi32, #tpu.memory_space<vmem>>
      %dma_start3A_585 = tpu.memref_squeeze %dma_start3A_584 : memref<1x125xi32, #tpu.memory_space<vmem>> -> memref<125xi32, #tpu.memory_space<vmem>>
      %dma_start3A_586 = arith.constant 0 : i32
      %dma_start3A_587 = arith.constant 0 : i32
      %dma_start3A_588 = tpu.memref_slice %arg23[%dma_start3A_586, %dma_start3A_587] : memref<10016x64xf32, #tpu.memory_space<vmem_shared>> -> memref<10016x64xf32, #tpu.memory_space<vmem_shared>>
      tpu.enqueue_indirect_dma source(%arg18 : memref<125x64xf32, #tpu.memory_space<vmem>>) target(%dma_start3A_588 : memref<10016x64xf32, #tpu.memory_space<vmem_shared>>) offsets(%dma_start3A_585 : memref<125xi32, #tpu.memory_space<vmem>>) semaphore(%arg38 : memref<!tpu.dma_semaphore, #tpu.memory_space<semaphore_mem>>) {add = true}
      %ne3A_589 = arith.constant 0 : i32
      %ne3A_590 = arith.cmpi ne, %arg0, %ne3A_589 : i32
      %convert_element_type3A_591 = arith.extui %ne3A_590 : i1 to i32
      %cond3A_592 = arith.constant 0 : i32
      %cond3A_593 = arith.cmpi ne, %convert_element_type3A_591, %cond3A_592 : i32
      scf.if %cond3A_593 {
        %dma_start3A_1461 = arith.constant 1 : i32
        %dma_start3A_1462 = arith.constant 0 : i32
        %dma_start3A_1463 = tpu.memref_slice %arg14[%dma_start3A_1461, %dma_start3A_1462] : memref<8x125xi32, #tpu.memory_space<vmem>> -> memref<1x125xi32, #tpu.memory_space<vmem>>
        %dma_start3A_1464 = tpu.memref_squeeze %dma_start3A_1463 : memref<1x125xi32, #tpu.memory_space<vmem>> -> memref<125xi32, #tpu.memory_space<vmem>>
        %dma_start3A_1465 = arith.constant 0 : i32
        %dma_start3A_1466 = arith.constant 0 : i32
        %dma_start3A_1467 = tpu.memref_slice %arg24[%dma_start3A_1465, %dma_start3A_1466] : memref<10016x8xf32, #tpu.memory_space<vmem_shared>> -> memref<10016x8xf32, #tpu.memory_space<vmem_shared>>
        tpu.enqueue_indirect_dma source(%arg21 : memref<125x8xf32, #tpu.memory_space<vmem>>) target(%dma_start3A_1467 : memref<10016x8xf32, #tpu.memory_space<vmem_shared>>) offsets(%dma_start3A_1464 : memref<125xi32, #tpu.memory_space<vmem>>) semaphore(%arg42 : memref<!tpu.dma_semaphore, #tpu.memory_space<semaphore_mem>>) {add = true}
      } else {
      }
      %dma_wait3A_594 = arith.constant 0 : i32
      %dma_wait3A_595 = arith.constant 0 : i32
      %dma_wait3A_596 = tpu.memref_slice %arg14[%dma_wait3A_594, %dma_wait3A_595] : memref<8x125xi32, #tpu.memory_space<vmem>> -> memref<1x125xi32, #tpu.memory_space<vmem>>
      %dma_wait3A_597 = tpu.memref_squeeze %dma_wait3A_596 : memref<1x125xi32, #tpu.memory_space<vmem>> -> memref<125xi32, #tpu.memory_space<vmem>>
      %dma_wait3A_598 = arith.constant 0 : i32
      %dma_wait3A_599 = arith.constant 0 : i32
      %dma_wait3A_600 = tpu.memref_slice %arg23[%dma_wait3A_598, %dma_wait3A_599] : memref<10016x64xf32, #tpu.memory_space<vmem_shared>> -> memref<10016x64xf32, #tpu.memory_space<vmem_shared>>
      tpu.wait_indirect_dma semaphore(%arg37 : memref<!tpu.dma_semaphore, #tpu.memory_space<semaphore_mem>>) src(%arg17 : memref<125x64xf32, #tpu.memory_space<vmem>>) dst(%dma_wait3A_600 : memref<10016x64xf32, #tpu.memory_space<vmem_shared>>)
      %eq3A_601 = arith.constant 0 : i32
      %eq3A_602 = arith.cmpi eq, %arg0, %eq3A_601 : i32
      %convert_element_type3A_603 = arith.extui %eq3A_602 : i1 to i32
      %cond3A_604 = arith.constant 0 : i32
      %cond3A_605 = arith.cmpi ne, %convert_element_type3A_603, %cond3A_604 : i32
      scf.if %cond3A_605 {
        %dma_wait3A_1461 = arith.constant 0 : i32
        %dma_wait3A_1462 = arith.constant 0 : i32
        %dma_wait3A_1463 = tpu.memref_slice %arg14[%dma_wait3A_1461, %dma_wait3A_1462] : memref<8x125xi32, #tpu.memory_space<vmem>> -> memref<1x125xi32, #tpu.memory_space<vmem>>
        %dma_wait3A_1464 = tpu.memref_squeeze %dma_wait3A_1463 : memref<1x125xi32, #tpu.memory_space<vmem>> -> memref<125xi32, #tpu.memory_space<vmem>>
        %dma_wait3A_1465 = arith.constant 0 : i32
        %dma_wait3A_1466 = arith.constant 0 : i32
        %dma_wait3A_1467 = tpu.memref_slice %arg24[%dma_wait3A_1465, %dma_wait3A_1466] : memref<10016x8xf32, #tpu.memory_space<vmem_shared>> -> memref<10016x8xf32, #tpu.memory_space<vmem_shared>>
        tpu.wait_indirect_dma semaphore(%arg41 : memref<!tpu.dma_semaphore, #tpu.memory_space<semaphore_mem>>) src(%arg21 : memref<125x8xf32, #tpu.memory_space<vmem>>) dst(%dma_wait3A_1467 : memref<10016x8xf32, #tpu.memory_space<vmem_shared>>)
      } else {
      }
      %dma_start3A_606 = arith.constant 4 : i32
      %dma_start3A_607 = arith.constant 0 : i32
      %dma_start3A_608 = tpu.memref_slice %arg10[%dma_start3A_606, %dma_start3A_607] : memref<8x125xi32, #tpu.memory_space<vmem>> -> memref<1x125xi32, #tpu.memory_space<vmem>>
      %dma_start3A_609 = tpu.memref_squeeze %dma_start3A_608 : memref<1x125xi32, #tpu.memory_space<vmem>> -> memref<125xi32, #tpu.memory_space<vmem>>
      %dma_start3A_610 = arith.constant 0 : i32
      %dma_start3A_611 = arith.constant 0 : i32
      %dma_start3A_612 = tpu.memref_slice %arg22[%dma_start3A_610, %dma_start3A_611] : memref<10000x64xf32, #tpu.memory_space<vmem_shared>> -> memref<10000x64xf32, #tpu.memory_space<vmem_shared>>
      tpu.enqueue_indirect_dma source(%dma_start3A_612 : memref<10000x64xf32, #tpu.memory_space<vmem_shared>>) target(%arg17 : memref<125x64xf32, #tpu.memory_space<vmem>>) offsets(%dma_start3A_609 : memref<125xi32, #tpu.memory_space<vmem>>) semaphore(%arg33 : memref<!tpu.dma_semaphore, #tpu.memory_space<semaphore_mem>>)
      %dma_wait3A_613 = arith.constant 2 : i32
      %dma_wait3A_614 = arith.constant 0 : i32
      %dma_wait3A_615 = tpu.memref_slice %arg10[%dma_wait3A_613, %dma_wait3A_614] : memref<8x125xi32, #tpu.memory_space<vmem>> -> memref<1x125xi32, #tpu.memory_space<vmem>>
      %dma_wait3A_616 = tpu.memref_squeeze %dma_wait3A_615 : memref<1x125xi32, #tpu.memory_space<vmem>> -> memref<125xi32, #tpu.memory_space<vmem>>
      %dma_wait3A_617 = arith.constant 0 : i32
      %dma_wait3A_618 = arith.constant 0 : i32
      %dma_wait3A_619 = tpu.memref_slice %arg22[%dma_wait3A_617, %dma_wait3A_618] : memref<10000x64xf32, #tpu.memory_space<vmem_shared>> -> memref<10000x64xf32, #tpu.memory_space<vmem_shared>>
      tpu.wait_indirect_dma semaphore(%arg35 : memref<!tpu.dma_semaphore, #tpu.memory_space<semaphore_mem>>) src(%dma_wait3A_619 : memref<10000x64xf32, #tpu.memory_space<vmem_shared>>) dst(%arg19 : memref<125x64xf32, #tpu.memory_space<vmem>>)
      %dma_start3A_620 = arith.constant 2 : i32
      %dma_start3A_621 = arith.constant 0 : i32
      %dma_start3A_622 = tpu.memref_slice %arg14[%dma_start3A_620, %dma_start3A_621] : memref<8x125xi32, #tpu.memory_space<vmem>> -> memref<1x125xi32, #tpu.memory_space<vmem>>
      %dma_start3A_623 = tpu.memref_squeeze %dma_start3A_622 : memref<1x125xi32, #tpu.memory_space<vmem>> -> memref<125xi32, #tpu.memory_space<vmem>>
      %dma_start3A_624 = arith.constant 0 : i32
      %dma_start3A_625 = arith.constant 0 : i32
      %dma_start3A_626 = tpu.memref_slice %arg23[%dma_start3A_624, %dma_start3A_625] : memref<10016x64xf32, #tpu.memory_space<vmem_shared>> -> memref<10016x64xf32, #tpu.memory_space<vmem_shared>>
      tpu.enqueue_indirect_dma source(%arg19 : memref<125x64xf32, #tpu.memory_space<vmem>>) target(%dma_start3A_626 : memref<10016x64xf32, #tpu.memory_space<vmem_shared>>) offsets(%dma_start3A_623 : memref<125xi32, #tpu.memory_space<vmem>>) semaphore(%arg39 : memref<!tpu.dma_semaphore, #tpu.memory_space<semaphore_mem>>) {add = true}
      %eq3A_627 = arith.constant 0 : i32
      %eq3A_628 = arith.cmpi eq, %arg0, %eq3A_627 : i32
      %convert_element_type3A_629 = arith.extui %eq3A_628 : i1 to i32
      %cond3A_630 = arith.constant 0 : i32
      %cond3A_631 = arith.cmpi ne, %convert_element_type3A_629, %cond3A_630 : i32
      scf.if %cond3A_631 {
        %dma_start3A_1461 = arith.constant 2 : i32
        %dma_start3A_1462 = arith.constant 0 : i32
        %dma_start3A_1463 = tpu.memref_slice %arg14[%dma_start3A_1461, %dma_start3A_1462] : memref<8x125xi32, #tpu.memory_space<vmem>> -> memref<1x125xi32, #tpu.memory_space<vmem>>
        %dma_start3A_1464 = tpu.memref_squeeze %dma_start3A_1463 : memref<1x125xi32, #tpu.memory_space<vmem>> -> memref<125xi32, #tpu.memory_space<vmem>>
        %dma_start3A_1465 = arith.constant 0 : i32
        %dma_start3A_1466 = arith.constant 0 : i32
        %dma_start3A_1467 = tpu.memref_slice %arg24[%dma_start3A_1465, %dma_start3A_1466] : memref<10016x8xf32, #tpu.memory_space<vmem_shared>> -> memref<10016x8xf32, #tpu.memory_space<vmem_shared>>
        tpu.enqueue_indirect_dma source(%arg21 : memref<125x8xf32, #tpu.memory_space<vmem>>) target(%dma_start3A_1467 : memref<10016x8xf32, #tpu.memory_space<vmem_shared>>) offsets(%dma_start3A_1464 : memref<125xi32, #tpu.memory_space<vmem>>) semaphore(%arg43 : memref<!tpu.dma_semaphore, #tpu.memory_space<semaphore_mem>>) {add = true}
      } else {
      }
      %dma_wait3A_632 = arith.constant 1 : i32
      %dma_wait3A_633 = arith.constant 0 : i32
      %dma_wait3A_634 = tpu.memref_slice %arg14[%dma_wait3A_632, %dma_wait3A_633] : memref<8x125xi32, #tpu.memory_space<vmem>> -> memref<1x125xi32, #tpu.memory_space<vmem>>
      %dma_wait3A_635 = tpu.memref_squeeze %dma_wait3A_634 : memref<1x125xi32, #tpu.memory_space<vmem>> -> memref<125xi32, #tpu.memory_space<vmem>>
      %dma_wait3A_636 = arith.constant 0 : i32
      %dma_wait3A_637 = arith.constant 0 : i32
      %dma_wait3A_638 = tpu.memref_slice %arg23[%dma_wait3A_636, %dma_wait3A_637] : memref<10016x64xf32, #tpu.memory_space<vmem_shared>> -> memref<10016x64xf32, #tpu.memory_space<vmem_shared>>
      tpu.wait_indirect_dma semaphore(%arg38 : memref<!tpu.dma_semaphore, #tpu.memory_space<semaphore_mem>>) src(%arg18 : memref<125x64xf32, #tpu.memory_space<vmem>>) dst(%dma_wait3A_638 : memref<10016x64xf32, #tpu.memory_space<vmem_shared>>)
      %ne3A_639 = arith.constant 0 : i32
      %ne3A_640 = arith.cmpi ne, %arg0, %ne3A_639 : i32
      %convert_element_type3A_641 = arith.extui %ne3A_640 : i1 to i32
      %cond3A_642 = arith.constant 0 : i32
      %cond3A_643 = arith.cmpi ne, %convert_element_type3A_641, %cond3A_642 : i32
      scf.if %cond3A_643 {
        %dma_wait3A_1461 = arith.constant 1 : i32
        %dma_wait3A_1462 = arith.constant 0 : i32
        %dma_wait3A_1463 = tpu.memref_slice %arg14[%dma_wait3A_1461, %dma_wait3A_1462] : memref<8x125xi32, #tpu.memory_space<vmem>> -> memref<1x125xi32, #tpu.memory_space<vmem>>
        %dma_wait3A_1464 = tpu.memref_squeeze %dma_wait3A_1463 : memref<1x125xi32, #tpu.memory_space<vmem>> -> memref<125xi32, #tpu.memory_space<vmem>>
        %dma_wait3A_1465 = arith.constant 0 : i32
        %dma_wait3A_1466 = arith.constant 0 : i32
        %dma_wait3A_1467 = tpu.memref_slice %arg24[%dma_wait3A_1465, %dma_wait3A_1466] : memref<10016x8xf32, #tpu.memory_space<vmem_shared>> -> memref<10016x8xf32, #tpu.memory_space<vmem_shared>>
        tpu.wait_indirect_dma semaphore(%arg42 : memref<!tpu.dma_semaphore, #tpu.memory_space<semaphore_mem>>) src(%arg21 : memref<125x8xf32, #tpu.memory_space<vmem>>) dst(%dma_wait3A_1467 : memref<10016x8xf32, #tpu.memory_space<vmem_shared>>)
      } else {
      }
      %dma_start3A_644 = arith.constant 5 : i32
      %dma_start3A_645 = arith.constant 0 : i32
      %dma_start3A_646 = tpu.memref_slice %arg10[%dma_start3A_644, %dma_start3A_645] : memref<8x125xi32, #tpu.memory_space<vmem>> -> memref<1x125xi32, #tpu.memory_space<vmem>>
      %dma_start3A_647 = tpu.memref_squeeze %dma_start3A_646 : memref<1x125xi32, #tpu.memory_space<vmem>> -> memref<125xi32, #tpu.memory_space<vmem>>
      %dma_start3A_648 = arith.constant 0 : i32
      %dma_start3A_649 = arith.constant 0 : i32
      %dma_start3A_650 = tpu.memref_slice %arg22[%dma_start3A_648, %dma_start3A_649] : memref<10000x64xf32, #tpu.memory_space<vmem_shared>> -> memref<10000x64xf32, #tpu.memory_space<vmem_shared>>
      tpu.enqueue_indirect_dma source(%dma_start3A_650 : memref<10000x64xf32, #tpu.memory_space<vmem_shared>>) target(%arg18 : memref<125x64xf32, #tpu.memory_space<vmem>>) offsets(%dma_start3A_647 : memref<125xi32, #tpu.memory_space<vmem>>) semaphore(%arg34 : memref<!tpu.dma_semaphore, #tpu.memory_space<semaphore_mem>>)
      %dma_wait3A_651 = arith.constant 3 : i32
      %dma_wait3A_652 = arith.constant 0 : i32
      %dma_wait3A_653 = tpu.memref_slice %arg10[%dma_wait3A_651, %dma_wait3A_652] : memref<8x125xi32, #tpu.memory_space<vmem>> -> memref<1x125xi32, #tpu.memory_space<vmem>>
      %dma_wait3A_654 = tpu.memref_squeeze %dma_wait3A_653 : memref<1x125xi32, #tpu.memory_space<vmem>> -> memref<125xi32, #tpu.memory_space<vmem>>
      %dma_wait3A_655 = arith.constant 0 : i32
      %dma_wait3A_656 = arith.constant 0 : i32
      %dma_wait3A_657 = tpu.memref_slice %arg22[%dma_wait3A_655, %dma_wait3A_656] : memref<10000x64xf32, #tpu.memory_space<vmem_shared>> -> memref<10000x64xf32, #tpu.memory_space<vmem_shared>>
      tpu.wait_indirect_dma semaphore(%arg36 : memref<!tpu.dma_semaphore, #tpu.memory_space<semaphore_mem>>) src(%dma_wait3A_657 : memref<10000x64xf32, #tpu.memory_space<vmem_shared>>) dst(%arg20 : memref<125x64xf32, #tpu.memory_space<vmem>>)
      %dma_start3A_658 = arith.constant 3 : i32
      %dma_start3A_659 = arith.constant 0 : i32
      %dma_start3A_660 = tpu.memref_slice %arg14[%dma_start3A_658, %dma_start3A_659] : memref<8x125xi32, #tpu.memory_space<vmem>> -> memref<1x125xi32, #tpu.memory_space<vmem>>
      %dma_start3A_661 = tpu.memref_squeeze %dma_start3A_660 : memref<1x125xi32, #tpu.memory_space<vmem>> -> memref<125xi32, #tpu.memory_space<vmem>>
      %dma_start3A_662 = arith.constant 0 : i32
      %dma_start3A_663 = arith.constant 0 : i32
      %dma_start3A_664 = tpu.memref_slice %arg23[%dma_start3A_662, %dma_start3A_663] : memref<10016x64xf32, #tpu.memory_space<vmem_shared>> -> memref<10016x64xf32, #tpu.memory_space<vmem_shared>>
      tpu.enqueue_indirect_dma source(%arg20 : memref<125x64xf32, #tpu.memory_space<vmem>>) target(%dma_start3A_664 : memref<10016x64xf32, #tpu.memory_space<vmem_shared>>) offsets(%dma_start3A_661 : memref<125xi32, #tpu.memory_space<vmem>>) semaphore(%arg40 : memref<!tpu.dma_semaphore, #tpu.memory_space<semaphore_mem>>) {add = true}
      %ne3A_665 = arith.constant 0 : i32
      %ne3A_666 = arith.cmpi ne, %arg0, %ne3A_665 : i32
      %convert_element_type3A_667 = arith.extui %ne3A_666 : i1 to i32
      %cond3A_668 = arith.constant 0 : i32
      %cond3A_669 = arith.cmpi ne, %convert_element_type3A_667, %cond3A_668 : i32
      scf.if %cond3A_669 {
        %dma_start3A_1461 = arith.constant 3 : i32
        %dma_start3A_1462 = arith.constant 0 : i32
        %dma_start3A_1463 = tpu.memref_slice %arg14[%dma_start3A_1461, %dma_start3A_1462] : memref<8x125xi32, #tpu.memory_space<vmem>> -> memref<1x125xi32, #tpu.memory_space<vmem>>
        %dma_start3A_1464 = tpu.memref_squeeze %dma_start3A_1463 : memref<1x125xi32, #tpu.memory_space<vmem>> -> memref<125xi32, #tpu.memory_space<vmem>>
        %dma_start3A_1465 = arith.constant 0 : i32
        %dma_start3A_1466 = arith.constant 0 : i32
        %dma_start3A_1467 = tpu.memref_slice %arg24[%dma_start3A_1465, %dma_start3A_1466] : memref<10016x8xf32, #tpu.memory_space<vmem_shared>> -> memref<10016x8xf32, #tpu.memory_space<vmem_shared>>
        tpu.enqueue_indirect_dma source(%arg21 : memref<125x8xf32, #tpu.memory_space<vmem>>) target(%dma_start3A_1467 : memref<10016x8xf32, #tpu.memory_space<vmem_shared>>) offsets(%dma_start3A_1464 : memref<125xi32, #tpu.memory_space<vmem>>) semaphore(%arg44 : memref<!tpu.dma_semaphore, #tpu.memory_space<semaphore_mem>>) {add = true}
      } else {
      }
      %dma_wait3A_670 = arith.constant 2 : i32
      %dma_wait3A_671 = arith.constant 0 : i32
      %dma_wait3A_672 = tpu.memref_slice %arg14[%dma_wait3A_670, %dma_wait3A_671] : memref<8x125xi32, #tpu.memory_space<vmem>> -> memref<1x125xi32, #tpu.memory_space<vmem>>
      %dma_wait3A_673 = tpu.memref_squeeze %dma_wait3A_672 : memref<1x125xi32, #tpu.memory_space<vmem>> -> memref<125xi32, #tpu.memory_space<vmem>>
      %dma_wait3A_674 = arith.constant 0 : i32
      %dma_wait3A_675 = arith.constant 0 : i32
      %dma_wait3A_676 = tpu.memref_slice %arg23[%dma_wait3A_674, %dma_wait3A_675] : memref<10016x64xf32, #tpu.memory_space<vmem_shared>> -> memref<10016x64xf32, #tpu.memory_space<vmem_shared>>
      tpu.wait_indirect_dma semaphore(%arg39 : memref<!tpu.dma_semaphore, #tpu.memory_space<semaphore_mem>>) src(%arg19 : memref<125x64xf32, #tpu.memory_space<vmem>>) dst(%dma_wait3A_676 : memref<10016x64xf32, #tpu.memory_space<vmem_shared>>)
      %eq3A_677 = arith.constant 0 : i32
      %eq3A_678 = arith.cmpi eq, %arg0, %eq3A_677 : i32
      %convert_element_type3A_679 = arith.extui %eq3A_678 : i1 to i32
      %cond3A_680 = arith.constant 0 : i32
      %cond3A_681 = arith.cmpi ne, %convert_element_type3A_679, %cond3A_680 : i32
      scf.if %cond3A_681 {
        %dma_wait3A_1461 = arith.constant 2 : i32
        %dma_wait3A_1462 = arith.constant 0 : i32
        %dma_wait3A_1463 = tpu.memref_slice %arg14[%dma_wait3A_1461, %dma_wait3A_1462] : memref<8x125xi32, #tpu.memory_space<vmem>> -> memref<1x125xi32, #tpu.memory_space<vmem>>
        %dma_wait3A_1464 = tpu.memref_squeeze %dma_wait3A_1463 : memref<1x125xi32, #tpu.memory_space<vmem>> -> memref<125xi32, #tpu.memory_space<vmem>>
        %dma_wait3A_1465 = arith.constant 0 : i32
        %dma_wait3A_1466 = arith.constant 0 : i32
        %dma_wait3A_1467 = tpu.memref_slice %arg24[%dma_wait3A_1465, %dma_wait3A_1466] : memref<10016x8xf32, #tpu.memory_space<vmem_shared>> -> memref<10016x8xf32, #tpu.memory_space<vmem_shared>>
        tpu.wait_indirect_dma semaphore(%arg43 : memref<!tpu.dma_semaphore, #tpu.memory_space<semaphore_mem>>) src(%arg21 : memref<125x8xf32, #tpu.memory_space<vmem>>) dst(%dma_wait3A_1467 : memref<10016x8xf32, #tpu.memory_space<vmem_shared>>)
      } else {
      }
      %dma_start3A_682 = arith.constant 6 : i32
      %dma_start3A_683 = arith.constant 0 : i32
      %dma_start3A_684 = tpu.memref_slice %arg10[%dma_start3A_682, %dma_start3A_683] : memref<8x125xi32, #tpu.memory_space<vmem>> -> memref<1x125xi32, #tpu.memory_space<vmem>>
      %dma_start3A_685 = tpu.memref_squeeze %dma_start3A_684 : memref<1x125xi32, #tpu.memory_space<vmem>> -> memref<125xi32, #tpu.memory_space<vmem>>
      %dma_start3A_686 = arith.constant 0 : i32
      %dma_start3A_687 = arith.constant 0 : i32
      %dma_start3A_688 = tpu.memref_slice %arg22[%dma_start3A_686, %dma_start3A_687] : memref<10000x64xf32, #tpu.memory_space<vmem_shared>> -> memref<10000x64xf32, #tpu.memory_space<vmem_shared>>
      tpu.enqueue_indirect_dma source(%dma_start3A_688 : memref<10000x64xf32, #tpu.memory_space<vmem_shared>>) target(%arg19 : memref<125x64xf32, #tpu.memory_space<vmem>>) offsets(%dma_start3A_685 : memref<125xi32, #tpu.memory_space<vmem>>) semaphore(%arg35 : memref<!tpu.dma_semaphore, #tpu.memory_space<semaphore_mem>>)
      %dma_wait3A_689 = arith.constant 4 : i32
      %dma_wait3A_690 = arith.constant 0 : i32
      %dma_wait3A_691 = tpu.memref_slice %arg10[%dma_wait3A_689, %dma_wait3A_690] : memref<8x125xi32, #tpu.memory_space<vmem>> -> memref<1x125xi32, #tpu.memory_space<vmem>>
      %dma_wait3A_692 = tpu.memref_squeeze %dma_wait3A_691 : memref<1x125xi32, #tpu.memory_space<vmem>> -> memref<125xi32, #tpu.memory_space<vmem>>
      %dma_wait3A_693 = arith.constant 0 : i32
      %dma_wait3A_694 = arith.constant 0 : i32
      %dma_wait3A_695 = tpu.memref_slice %arg22[%dma_wait3A_693, %dma_wait3A_694] : memref<10000x64xf32, #tpu.memory_space<vmem_shared>> -> memref<10000x64xf32, #tpu.memory_space<vmem_shared>>
      tpu.wait_indirect_dma semaphore(%arg33 : memref<!tpu.dma_semaphore, #tpu.memory_space<semaphore_mem>>) src(%dma_wait3A_695 : memref<10000x64xf32, #tpu.memory_space<vmem_shared>>) dst(%arg17 : memref<125x64xf32, #tpu.memory_space<vmem>>)
      %dma_start3A_696 = arith.constant 4 : i32
      %dma_start3A_697 = arith.constant 0 : i32
      %dma_start3A_698 = tpu.memref_slice %arg14[%dma_start3A_696, %dma_start3A_697] : memref<8x125xi32, #tpu.memory_space<vmem>> -> memref<1x125xi32, #tpu.memory_space<vmem>>
      %dma_start3A_699 = tpu.memref_squeeze %dma_start3A_698 : memref<1x125xi32, #tpu.memory_space<vmem>> -> memref<125xi32, #tpu.memory_space<vmem>>
      %dma_start3A_700 = arith.constant 0 : i32
      %dma_start3A_701 = arith.constant 0 : i32
      %dma_start3A_702 = tpu.memref_slice %arg23[%dma_start3A_700, %dma_start3A_701] : memref<10016x64xf32, #tpu.memory_space<vmem_shared>> -> memref<10016x64xf32, #tpu.memory_space<vmem_shared>>
      tpu.enqueue_indirect_dma source(%arg17 : memref<125x64xf32, #tpu.memory_space<vmem>>) target(%dma_start3A_702 : memref<10016x64xf32, #tpu.memory_space<vmem_shared>>) offsets(%dma_start3A_699 : memref<125xi32, #tpu.memory_space<vmem>>) semaphore(%arg37 : memref<!tpu.dma_semaphore, #tpu.memory_space<semaphore_mem>>) {add = true}
      %eq3A_703 = arith.constant 0 : i32
      %eq3A_704 = arith.cmpi eq, %arg0, %eq3A_703 : i32
      %convert_element_type3A_705 = arith.extui %eq3A_704 : i1 to i32
      %cond3A_706 = arith.constant 0 : i32
      %cond3A_707 = arith.cmpi ne, %convert_element_type3A_705, %cond3A_706 : i32
      scf.if %cond3A_707 {
        %dma_start3A_1461 = arith.constant 4 : i32
        %dma_start3A_1462 = arith.constant 0 : i32
        %dma_start3A_1463 = tpu.memref_slice %arg14[%dma_start3A_1461, %dma_start3A_1462] : memref<8x125xi32, #tpu.memory_space<vmem>> -> memref<1x125xi32, #tpu.memory_space<vmem>>
        %dma_start3A_1464 = tpu.memref_squeeze %dma_start3A_1463 : memref<1x125xi32, #tpu.memory_space<vmem>> -> memref<125xi32, #tpu.memory_space<vmem>>
        %dma_start3A_1465 = arith.constant 0 : i32
        %dma_start3A_1466 = arith.constant 0 : i32
        %dma_start3A_1467 = tpu.memref_slice %arg24[%dma_start3A_1465, %dma_start3A_1466] : memref<10016x8xf32, #tpu.memory_space<vmem_shared>> -> memref<10016x8xf32, #tpu.memory_space<vmem_shared>>
        tpu.enqueue_indirect_dma source(%arg21 : memref<125x8xf32, #tpu.memory_space<vmem>>) target(%dma_start3A_1467 : memref<10016x8xf32, #tpu.memory_space<vmem_shared>>) offsets(%dma_start3A_1464 : memref<125xi32, #tpu.memory_space<vmem>>) semaphore(%arg41 : memref<!tpu.dma_semaphore, #tpu.memory_space<semaphore_mem>>) {add = true}
      } else {
      }
      %dma_wait3A_708 = arith.constant 3 : i32
      %dma_wait3A_709 = arith.constant 0 : i32
      %dma_wait3A_710 = tpu.memref_slice %arg14[%dma_wait3A_708, %dma_wait3A_709] : memref<8x125xi32, #tpu.memory_space<vmem>> -> memref<1x125xi32, #tpu.memory_space<vmem>>
      %dma_wait3A_711 = tpu.memref_squeeze %dma_wait3A_710 : memref<1x125xi32, #tpu.memory_space<vmem>> -> memref<125xi32, #tpu.memory_space<vmem>>
      %dma_wait3A_712 = arith.constant 0 : i32
      %dma_wait3A_713 = arith.constant 0 : i32
      %dma_wait3A_714 = tpu.memref_slice %arg23[%dma_wait3A_712, %dma_wait3A_713] : memref<10016x64xf32, #tpu.memory_space<vmem_shared>> -> memref<10016x64xf32, #tpu.memory_space<vmem_shared>>
      tpu.wait_indirect_dma semaphore(%arg40 : memref<!tpu.dma_semaphore, #tpu.memory_space<semaphore_mem>>) src(%arg20 : memref<125x64xf32, #tpu.memory_space<vmem>>) dst(%dma_wait3A_714 : memref<10016x64xf32, #tpu.memory_space<vmem_shared>>)
      %ne3A_715 = arith.constant 0 : i32
      %ne3A_716 = arith.cmpi ne, %arg0, %ne3A_715 : i32
      %convert_element_type3A_717 = arith.extui %ne3A_716 : i1 to i32
      %cond3A_718 = arith.constant 0 : i32
      %cond3A_719 = arith.cmpi ne, %convert_element_type3A_717, %cond3A_718 : i32
      scf.if %cond3A_719 {
        %dma_wait3A_1461 = arith.constant 3 : i32
        %dma_wait3A_1462 = arith.constant 0 : i32
        %dma_wait3A_1463 = tpu.memref_slice %arg14[%dma_wait3A_1461, %dma_wait3A_1462] : memref<8x125xi32, #tpu.memory_space<vmem>> -> memref<1x125xi32, #tpu.memory_space<vmem>>
        %dma_wait3A_1464 = tpu.memref_squeeze %dma_wait3A_1463 : memref<1x125xi32, #tpu.memory_space<vmem>> -> memref<125xi32, #tpu.memory_space<vmem>>
        %dma_wait3A_1465 = arith.constant 0 : i32
        %dma_wait3A_1466 = arith.constant 0 : i32
        %dma_wait3A_1467 = tpu.memref_slice %arg24[%dma_wait3A_1465, %dma_wait3A_1466] : memref<10016x8xf32, #tpu.memory_space<vmem_shared>> -> memref<10016x8xf32, #tpu.memory_space<vmem_shared>>
        tpu.wait_indirect_dma semaphore(%arg44 : memref<!tpu.dma_semaphore, #tpu.memory_space<semaphore_mem>>) src(%arg21 : memref<125x8xf32, #tpu.memory_space<vmem>>) dst(%dma_wait3A_1467 : memref<10016x8xf32, #tpu.memory_space<vmem_shared>>)
      } else {
      }
      %dma_start3A_720 = arith.constant 7 : i32
      %dma_start3A_721 = arith.constant 0 : i32
      %dma_start3A_722 = tpu.memref_slice %arg10[%dma_start3A_720, %dma_start3A_721] : memref<8x125xi32, #tpu.memory_space<vmem>> -> memref<1x125xi32, #tpu.memory_space<vmem>>
      %dma_start3A_723 = tpu.memref_squeeze %dma_start3A_722 : memref<1x125xi32, #tpu.memory_space<vmem>> -> memref<125xi32, #tpu.memory_space<vmem>>
      %dma_start3A_724 = arith.constant 0 : i32
      %dma_start3A_725 = arith.constant 0 : i32
      %dma_start3A_726 = tpu.memref_slice %arg22[%dma_start3A_724, %dma_start3A_725] : memref<10000x64xf32, #tpu.memory_space<vmem_shared>> -> memref<10000x64xf32, #tpu.memory_space<vmem_shared>>
      tpu.enqueue_indirect_dma source(%dma_start3A_726 : memref<10000x64xf32, #tpu.memory_space<vmem_shared>>) target(%arg20 : memref<125x64xf32, #tpu.memory_space<vmem>>) offsets(%dma_start3A_723 : memref<125xi32, #tpu.memory_space<vmem>>) semaphore(%arg36 : memref<!tpu.dma_semaphore, #tpu.memory_space<semaphore_mem>>)
      %dma_wait3A_727 = arith.constant 5 : i32
      %dma_wait3A_728 = arith.constant 0 : i32
      %dma_wait3A_729 = tpu.memref_slice %arg10[%dma_wait3A_727, %dma_wait3A_728] : memref<8x125xi32, #tpu.memory_space<vmem>> -> memref<1x125xi32, #tpu.memory_space<vmem>>
      %dma_wait3A_730 = tpu.memref_squeeze %dma_wait3A_729 : memref<1x125xi32, #tpu.memory_space<vmem>> -> memref<125xi32, #tpu.memory_space<vmem>>
      %dma_wait3A_731 = arith.constant 0 : i32
      %dma_wait3A_732 = arith.constant 0 : i32
      %dma_wait3A_733 = tpu.memref_slice %arg22[%dma_wait3A_731, %dma_wait3A_732] : memref<10000x64xf32, #tpu.memory_space<vmem_shared>> -> memref<10000x64xf32, #tpu.memory_space<vmem_shared>>
      tpu.wait_indirect_dma semaphore(%arg34 : memref<!tpu.dma_semaphore, #tpu.memory_space<semaphore_mem>>) src(%dma_wait3A_733 : memref<10000x64xf32, #tpu.memory_space<vmem_shared>>) dst(%arg18 : memref<125x64xf32, #tpu.memory_space<vmem>>)
      %dma_start3A_734 = arith.constant 5 : i32
      %dma_start3A_735 = arith.constant 0 : i32
      %dma_start3A_736 = tpu.memref_slice %arg14[%dma_start3A_734, %dma_start3A_735] : memref<8x125xi32, #tpu.memory_space<vmem>> -> memref<1x125xi32, #tpu.memory_space<vmem>>
      %dma_start3A_737 = tpu.memref_squeeze %dma_start3A_736 : memref<1x125xi32, #tpu.memory_space<vmem>> -> memref<125xi32, #tpu.memory_space<vmem>>
      %dma_start3A_738 = arith.constant 0 : i32
      %dma_start3A_739 = arith.constant 0 : i32
      %dma_start3A_740 = tpu.memref_slice %arg23[%dma_start3A_738, %dma_start3A_739] : memref<10016x64xf32, #tpu.memory_space<vmem_shared>> -> memref<10016x64xf32, #tpu.memory_space<vmem_shared>>
      tpu.enqueue_indirect_dma source(%arg18 : memref<125x64xf32, #tpu.memory_space<vmem>>) target(%dma_start3A_740 : memref<10016x64xf32, #tpu.memory_space<vmem_shared>>) offsets(%dma_start3A_737 : memref<125xi32, #tpu.memory_space<vmem>>) semaphore(%arg38 : memref<!tpu.dma_semaphore, #tpu.memory_space<semaphore_mem>>) {add = true}
      %ne3A_741 = arith.constant 0 : i32
      %ne3A_742 = arith.cmpi ne, %arg0, %ne3A_741 : i32
      %convert_element_type3A_743 = arith.extui %ne3A_742 : i1 to i32
      %cond3A_744 = arith.constant 0 : i32
      %cond3A_745 = arith.cmpi ne, %convert_element_type3A_743, %cond3A_744 : i32
      scf.if %cond3A_745 {
        %dma_start3A_1461 = arith.constant 5 : i32
        %dma_start3A_1462 = arith.constant 0 : i32
        %dma_start3A_1463 = tpu.memref_slice %arg14[%dma_start3A_1461, %dma_start3A_1462] : memref<8x125xi32, #tpu.memory_space<vmem>> -> memref<1x125xi32, #tpu.memory_space<vmem>>
        %dma_start3A_1464 = tpu.memref_squeeze %dma_start3A_1463 : memref<1x125xi32, #tpu.memory_space<vmem>> -> memref<125xi32, #tpu.memory_space<vmem>>
        %dma_start3A_1465 = arith.constant 0 : i32
        %dma_start3A_1466 = arith.constant 0 : i32
        %dma_start3A_1467 = tpu.memref_slice %arg24[%dma_start3A_1465, %dma_start3A_1466] : memref<10016x8xf32, #tpu.memory_space<vmem_shared>> -> memref<10016x8xf32, #tpu.memory_space<vmem_shared>>
        tpu.enqueue_indirect_dma source(%arg21 : memref<125x8xf32, #tpu.memory_space<vmem>>) target(%dma_start3A_1467 : memref<10016x8xf32, #tpu.memory_space<vmem_shared>>) offsets(%dma_start3A_1464 : memref<125xi32, #tpu.memory_space<vmem>>) semaphore(%arg42 : memref<!tpu.dma_semaphore, #tpu.memory_space<semaphore_mem>>) {add = true}
      } else {
      }
      %dma_wait3A_746 = arith.constant 4 : i32
      %dma_wait3A_747 = arith.constant 0 : i32
      %dma_wait3A_748 = tpu.memref_slice %arg14[%dma_wait3A_746, %dma_wait3A_747] : memref<8x125xi32, #tpu.memory_space<vmem>> -> memref<1x125xi32, #tpu.memory_space<vmem>>
      %dma_wait3A_749 = tpu.memref_squeeze %dma_wait3A_748 : memref<1x125xi32, #tpu.memory_space<vmem>> -> memref<125xi32, #tpu.memory_space<vmem>>
      %dma_wait3A_750 = arith.constant 0 : i32
      %dma_wait3A_751 = arith.constant 0 : i32
      %dma_wait3A_752 = tpu.memref_slice %arg23[%dma_wait3A_750, %dma_wait3A_751] : memref<10016x64xf32, #tpu.memory_space<vmem_shared>> -> memref<10016x64xf32, #tpu.memory_space<vmem_shared>>
      tpu.wait_indirect_dma semaphore(%arg37 : memref<!tpu.dma_semaphore, #tpu.memory_space<semaphore_mem>>) src(%arg17 : memref<125x64xf32, #tpu.memory_space<vmem>>) dst(%dma_wait3A_752 : memref<10016x64xf32, #tpu.memory_space<vmem_shared>>)
      %eq3A_753 = arith.constant 0 : i32
      %eq3A_754 = arith.cmpi eq, %arg0, %eq3A_753 : i32
      %convert_element_type3A_755 = arith.extui %eq3A_754 : i1 to i32
      %cond3A_756 = arith.constant 0 : i32
      %cond3A_757 = arith.cmpi ne, %convert_element_type3A_755, %cond3A_756 : i32
      scf.if %cond3A_757 {
        %dma_wait3A_1461 = arith.constant 4 : i32
        %dma_wait3A_1462 = arith.constant 0 : i32
        %dma_wait3A_1463 = tpu.memref_slice %arg14[%dma_wait3A_1461, %dma_wait3A_1462] : memref<8x125xi32, #tpu.memory_space<vmem>> -> memref<1x125xi32, #tpu.memory_space<vmem>>
        %dma_wait3A_1464 = tpu.memref_squeeze %dma_wait3A_1463 : memref<1x125xi32, #tpu.memory_space<vmem>> -> memref<125xi32, #tpu.memory_space<vmem>>
        %dma_wait3A_1465 = arith.constant 0 : i32
        %dma_wait3A_1466 = arith.constant 0 : i32
        %dma_wait3A_1467 = tpu.memref_slice %arg24[%dma_wait3A_1465, %dma_wait3A_1466] : memref<10016x8xf32, #tpu.memory_space<vmem_shared>> -> memref<10016x8xf32, #tpu.memory_space<vmem_shared>>
        tpu.wait_indirect_dma semaphore(%arg41 : memref<!tpu.dma_semaphore, #tpu.memory_space<semaphore_mem>>) src(%arg21 : memref<125x8xf32, #tpu.memory_space<vmem>>) dst(%dma_wait3A_1467 : memref<10016x8xf32, #tpu.memory_space<vmem_shared>>)
      } else {
      }
      %dma_start3A_758 = arith.constant 0 : i32
      %dma_start3A_759 = arith.constant 0 : i32
      %dma_start3A_760 = tpu.memref_slice %arg11[%dma_start3A_758, %dma_start3A_759] : memref<8x125xi32, #tpu.memory_space<vmem>> -> memref<1x125xi32, #tpu.memory_space<vmem>>
      %dma_start3A_761 = tpu.memref_squeeze %dma_start3A_760 : memref<1x125xi32, #tpu.memory_space<vmem>> -> memref<125xi32, #tpu.memory_space<vmem>>
      %dma_start3A_762 = arith.constant 0 : i32
      %dma_start3A_763 = arith.constant 0 : i32
      %dma_start3A_764 = tpu.memref_slice %arg22[%dma_start3A_762, %dma_start3A_763] : memref<10000x64xf32, #tpu.memory_space<vmem_shared>> -> memref<10000x64xf32, #tpu.memory_space<vmem_shared>>
      tpu.enqueue_indirect_dma source(%dma_start3A_764 : memref<10000x64xf32, #tpu.memory_space<vmem_shared>>) target(%arg17 : memref<125x64xf32, #tpu.memory_space<vmem>>) offsets(%dma_start3A_761 : memref<125xi32, #tpu.memory_space<vmem>>) semaphore(%arg33 : memref<!tpu.dma_semaphore, #tpu.memory_space<semaphore_mem>>)
      %dma_wait3A_765 = arith.constant 6 : i32
      %dma_wait3A_766 = arith.constant 0 : i32
      %dma_wait3A_767 = tpu.memref_slice %arg10[%dma_wait3A_765, %dma_wait3A_766] : memref<8x125xi32, #tpu.memory_space<vmem>> -> memref<1x125xi32, #tpu.memory_space<vmem>>
      %dma_wait3A_768 = tpu.memref_squeeze %dma_wait3A_767 : memref<1x125xi32, #tpu.memory_space<vmem>> -> memref<125xi32, #tpu.memory_space<vmem>>
      %dma_wait3A_769 = arith.constant 0 : i32
      %dma_wait3A_770 = arith.constant 0 : i32
      %dma_wait3A_771 = tpu.memref_slice %arg22[%dma_wait3A_769, %dma_wait3A_770] : memref<10000x64xf32, #tpu.memory_space<vmem_shared>> -> memref<10000x64xf32, #tpu.memory_space<vmem_shared>>
      tpu.wait_indirect_dma semaphore(%arg35 : memref<!tpu.dma_semaphore, #tpu.memory_space<semaphore_mem>>) src(%dma_wait3A_771 : memref<10000x64xf32, #tpu.memory_space<vmem_shared>>) dst(%arg19 : memref<125x64xf32, #tpu.memory_space<vmem>>)
      %dma_start3A_772 = arith.constant 6 : i32
      %dma_start3A_773 = arith.constant 0 : i32
      %dma_start3A_774 = tpu.memref_slice %arg14[%dma_start3A_772, %dma_start3A_773] : memref<8x125xi32, #tpu.memory_space<vmem>> -> memref<1x125xi32, #tpu.memory_space<vmem>>
      %dma_start3A_775 = tpu.memref_squeeze %dma_start3A_774 : memref<1x125xi32, #tpu.memory_space<vmem>> -> memref<125xi32, #tpu.memory_space<vmem>>
      %dma_start3A_776 = arith.constant 0 : i32
      %dma_start3A_777 = arith.constant 0 : i32
      %dma_start3A_778 = tpu.memref_slice %arg23[%dma_start3A_776, %dma_start3A_777] : memref<10016x64xf32, #tpu.memory_space<vmem_shared>> -> memref<10016x64xf32, #tpu.memory_space<vmem_shared>>
      tpu.enqueue_indirect_dma source(%arg19 : memref<125x64xf32, #tpu.memory_space<vmem>>) target(%dma_start3A_778 : memref<10016x64xf32, #tpu.memory_space<vmem_shared>>) offsets(%dma_start3A_775 : memref<125xi32, #tpu.memory_space<vmem>>) semaphore(%arg39 : memref<!tpu.dma_semaphore, #tpu.memory_space<semaphore_mem>>) {add = true}
      %eq3A_779 = arith.constant 0 : i32
      %eq3A_780 = arith.cmpi eq, %arg0, %eq3A_779 : i32
      %convert_element_type3A_781 = arith.extui %eq3A_780 : i1 to i32
      %cond3A_782 = arith.constant 0 : i32
      %cond3A_783 = arith.cmpi ne, %convert_element_type3A_781, %cond3A_782 : i32
      scf.if %cond3A_783 {
        %dma_start3A_1461 = arith.constant 6 : i32
        %dma_start3A_1462 = arith.constant 0 : i32
        %dma_start3A_1463 = tpu.memref_slice %arg14[%dma_start3A_1461, %dma_start3A_1462] : memref<8x125xi32, #tpu.memory_space<vmem>> -> memref<1x125xi32, #tpu.memory_space<vmem>>
        %dma_start3A_1464 = tpu.memref_squeeze %dma_start3A_1463 : memref<1x125xi32, #tpu.memory_space<vmem>> -> memref<125xi32, #tpu.memory_space<vmem>>
        %dma_start3A_1465 = arith.constant 0 : i32
        %dma_start3A_1466 = arith.constant 0 : i32
        %dma_start3A_1467 = tpu.memref_slice %arg24[%dma_start3A_1465, %dma_start3A_1466] : memref<10016x8xf32, #tpu.memory_space<vmem_shared>> -> memref<10016x8xf32, #tpu.memory_space<vmem_shared>>
        tpu.enqueue_indirect_dma source(%arg21 : memref<125x8xf32, #tpu.memory_space<vmem>>) target(%dma_start3A_1467 : memref<10016x8xf32, #tpu.memory_space<vmem_shared>>) offsets(%dma_start3A_1464 : memref<125xi32, #tpu.memory_space<vmem>>) semaphore(%arg43 : memref<!tpu.dma_semaphore, #tpu.memory_space<semaphore_mem>>) {add = true}
      } else {
      }
      %dma_wait3A_784 = arith.constant 5 : i32
      %dma_wait3A_785 = arith.constant 0 : i32
      %dma_wait3A_786 = tpu.memref_slice %arg14[%dma_wait3A_784, %dma_wait3A_785] : memref<8x125xi32, #tpu.memory_space<vmem>> -> memref<1x125xi32, #tpu.memory_space<vmem>>
      %dma_wait3A_787 = tpu.memref_squeeze %dma_wait3A_786 : memref<1x125xi32, #tpu.memory_space<vmem>> -> memref<125xi32, #tpu.memory_space<vmem>>
      %dma_wait3A_788 = arith.constant 0 : i32
      %dma_wait3A_789 = arith.constant 0 : i32
      %dma_wait3A_790 = tpu.memref_slice %arg23[%dma_wait3A_788, %dma_wait3A_789] : memref<10016x64xf32, #tpu.memory_space<vmem_shared>> -> memref<10016x64xf32, #tpu.memory_space<vmem_shared>>
      tpu.wait_indirect_dma semaphore(%arg38 : memref<!tpu.dma_semaphore, #tpu.memory_space<semaphore_mem>>) src(%arg18 : memref<125x64xf32, #tpu.memory_space<vmem>>) dst(%dma_wait3A_790 : memref<10016x64xf32, #tpu.memory_space<vmem_shared>>)
      %ne3A_791 = arith.constant 0 : i32
      %ne3A_792 = arith.cmpi ne, %arg0, %ne3A_791 : i32
      %convert_element_type3A_793 = arith.extui %ne3A_792 : i1 to i32
      %cond3A_794 = arith.constant 0 : i32
      %cond3A_795 = arith.cmpi ne, %convert_element_type3A_793, %cond3A_794 : i32
      scf.if %cond3A_795 {
        %dma_wait3A_1461 = arith.constant 5 : i32
        %dma_wait3A_1462 = arith.constant 0 : i32
        %dma_wait3A_1463 = tpu.memref_slice %arg14[%dma_wait3A_1461, %dma_wait3A_1462] : memref<8x125xi32, #tpu.memory_space<vmem>> -> memref<1x125xi32, #tpu.memory_space<vmem>>
        %dma_wait3A_1464 = tpu.memref_squeeze %dma_wait3A_1463 : memref<1x125xi32, #tpu.memory_space<vmem>> -> memref<125xi32, #tpu.memory_space<vmem>>
        %dma_wait3A_1465 = arith.constant 0 : i32
        %dma_wait3A_1466 = arith.constant 0 : i32
        %dma_wait3A_1467 = tpu.memref_slice %arg24[%dma_wait3A_1465, %dma_wait3A_1466] : memref<10016x8xf32, #tpu.memory_space<vmem_shared>> -> memref<10016x8xf32, #tpu.memory_space<vmem_shared>>
        tpu.wait_indirect_dma semaphore(%arg42 : memref<!tpu.dma_semaphore, #tpu.memory_space<semaphore_mem>>) src(%arg21 : memref<125x8xf32, #tpu.memory_space<vmem>>) dst(%dma_wait3A_1467 : memref<10016x8xf32, #tpu.memory_space<vmem_shared>>)
      } else {
      }
      %dma_start3A_796 = arith.constant 1 : i32
      %dma_start3A_797 = arith.constant 0 : i32
      %dma_start3A_798 = tpu.memref_slice %arg11[%dma_start3A_796, %dma_start3A_797] : memref<8x125xi32, #tpu.memory_space<vmem>> -> memref<1x125xi32, #tpu.memory_space<vmem>>
      %dma_start3A_799 = tpu.memref_squeeze %dma_start3A_798 : memref<1x125xi32, #tpu.memory_space<vmem>> -> memref<125xi32, #tpu.memory_space<vmem>>
      %dma_start3A_800 = arith.constant 0 : i32
      %dma_start3A_801 = arith.constant 0 : i32
      %dma_start3A_802 = tpu.memref_slice %arg22[%dma_start3A_800, %dma_start3A_801] : memref<10000x64xf32, #tpu.memory_space<vmem_shared>> -> memref<10000x64xf32, #tpu.memory_space<vmem_shared>>
      tpu.enqueue_indirect_dma source(%dma_start3A_802 : memref<10000x64xf32, #tpu.memory_space<vmem_shared>>) target(%arg18 : memref<125x64xf32, #tpu.memory_space<vmem>>) offsets(%dma_start3A_799 : memref<125xi32, #tpu.memory_space<vmem>>) semaphore(%arg34 : memref<!tpu.dma_semaphore, #tpu.memory_space<semaphore_mem>>)
      %dma_wait3A_803 = arith.constant 7 : i32
      %dma_wait3A_804 = arith.constant 0 : i32
      %dma_wait3A_805 = tpu.memref_slice %arg10[%dma_wait3A_803, %dma_wait3A_804] : memref<8x125xi32, #tpu.memory_space<vmem>> -> memref<1x125xi32, #tpu.memory_space<vmem>>
      %dma_wait3A_806 = tpu.memref_squeeze %dma_wait3A_805 : memref<1x125xi32, #tpu.memory_space<vmem>> -> memref<125xi32, #tpu.memory_space<vmem>>
      %dma_wait3A_807 = arith.constant 0 : i32
      %dma_wait3A_808 = arith.constant 0 : i32
      %dma_wait3A_809 = tpu.memref_slice %arg22[%dma_wait3A_807, %dma_wait3A_808] : memref<10000x64xf32, #tpu.memory_space<vmem_shared>> -> memref<10000x64xf32, #tpu.memory_space<vmem_shared>>
      tpu.wait_indirect_dma semaphore(%arg36 : memref<!tpu.dma_semaphore, #tpu.memory_space<semaphore_mem>>) src(%dma_wait3A_809 : memref<10000x64xf32, #tpu.memory_space<vmem_shared>>) dst(%arg20 : memref<125x64xf32, #tpu.memory_space<vmem>>)
      %dma_start3A_810 = arith.constant 7 : i32
      %dma_start3A_811 = arith.constant 0 : i32
      %dma_start3A_812 = tpu.memref_slice %arg14[%dma_start3A_810, %dma_start3A_811] : memref<8x125xi32, #tpu.memory_space<vmem>> -> memref<1x125xi32, #tpu.memory_space<vmem>>
      %dma_start3A_813 = tpu.memref_squeeze %dma_start3A_812 : memref<1x125xi32, #tpu.memory_space<vmem>> -> memref<125xi32, #tpu.memory_space<vmem>>
      %dma_start3A_814 = arith.constant 0 : i32
      %dma_start3A_815 = arith.constant 0 : i32
      %dma_start3A_816 = tpu.memref_slice %arg23[%dma_start3A_814, %dma_start3A_815] : memref<10016x64xf32, #tpu.memory_space<vmem_shared>> -> memref<10016x64xf32, #tpu.memory_space<vmem_shared>>
      tpu.enqueue_indirect_dma source(%arg20 : memref<125x64xf32, #tpu.memory_space<vmem>>) target(%dma_start3A_816 : memref<10016x64xf32, #tpu.memory_space<vmem_shared>>) offsets(%dma_start3A_813 : memref<125xi32, #tpu.memory_space<vmem>>) semaphore(%arg40 : memref<!tpu.dma_semaphore, #tpu.memory_space<semaphore_mem>>) {add = true}
      %ne3A_817 = arith.constant 0 : i32
      %ne3A_818 = arith.cmpi ne, %arg0, %ne3A_817 : i32
      %convert_element_type3A_819 = arith.extui %ne3A_818 : i1 to i32
      %cond3A_820 = arith.constant 0 : i32
      %cond3A_821 = arith.cmpi ne, %convert_element_type3A_819, %cond3A_820 : i32
      scf.if %cond3A_821 {
        %dma_start3A_1461 = arith.constant 7 : i32
        %dma_start3A_1462 = arith.constant 0 : i32
        %dma_start3A_1463 = tpu.memref_slice %arg14[%dma_start3A_1461, %dma_start3A_1462] : memref<8x125xi32, #tpu.memory_space<vmem>> -> memref<1x125xi32, #tpu.memory_space<vmem>>
        %dma_start3A_1464 = tpu.memref_squeeze %dma_start3A_1463 : memref<1x125xi32, #tpu.memory_space<vmem>> -> memref<125xi32, #tpu.memory_space<vmem>>
        %dma_start3A_1465 = arith.constant 0 : i32
        %dma_start3A_1466 = arith.constant 0 : i32
        %dma_start3A_1467 = tpu.memref_slice %arg24[%dma_start3A_1465, %dma_start3A_1466] : memref<10016x8xf32, #tpu.memory_space<vmem_shared>> -> memref<10016x8xf32, #tpu.memory_space<vmem_shared>>
        tpu.enqueue_indirect_dma source(%arg21 : memref<125x8xf32, #tpu.memory_space<vmem>>) target(%dma_start3A_1467 : memref<10016x8xf32, #tpu.memory_space<vmem_shared>>) offsets(%dma_start3A_1464 : memref<125xi32, #tpu.memory_space<vmem>>) semaphore(%arg44 : memref<!tpu.dma_semaphore, #tpu.memory_space<semaphore_mem>>) {add = true}
      } else {
      }
      %dma_wait3A_822 = arith.constant 6 : i32
      %dma_wait3A_823 = arith.constant 0 : i32
      %dma_wait3A_824 = tpu.memref_slice %arg14[%dma_wait3A_822, %dma_wait3A_823] : memref<8x125xi32, #tpu.memory_space<vmem>> -> memref<1x125xi32, #tpu.memory_space<vmem>>
      %dma_wait3A_825 = tpu.memref_squeeze %dma_wait3A_824 : memref<1x125xi32, #tpu.memory_space<vmem>> -> memref<125xi32, #tpu.memory_space<vmem>>
      %dma_wait3A_826 = arith.constant 0 : i32
      %dma_wait3A_827 = arith.constant 0 : i32
      %dma_wait3A_828 = tpu.memref_slice %arg23[%dma_wait3A_826, %dma_wait3A_827] : memref<10016x64xf32, #tpu.memory_space<vmem_shared>> -> memref<10016x64xf32, #tpu.memory_space<vmem_shared>>
      tpu.wait_indirect_dma semaphore(%arg39 : memref<!tpu.dma_semaphore, #tpu.memory_space<semaphore_mem>>) src(%arg19 : memref<125x64xf32, #tpu.memory_space<vmem>>) dst(%dma_wait3A_828 : memref<10016x64xf32, #tpu.memory_space<vmem_shared>>)
      %eq3A_829 = arith.constant 0 : i32
      %eq3A_830 = arith.cmpi eq, %arg0, %eq3A_829 : i32
      %convert_element_type3A_831 = arith.extui %eq3A_830 : i1 to i32
      %cond3A_832 = arith.constant 0 : i32
      %cond3A_833 = arith.cmpi ne, %convert_element_type3A_831, %cond3A_832 : i32
      scf.if %cond3A_833 {
        %dma_wait3A_1461 = arith.constant 6 : i32
        %dma_wait3A_1462 = arith.constant 0 : i32
        %dma_wait3A_1463 = tpu.memref_slice %arg14[%dma_wait3A_1461, %dma_wait3A_1462] : memref<8x125xi32, #tpu.memory_space<vmem>> -> memref<1x125xi32, #tpu.memory_space<vmem>>
        %dma_wait3A_1464 = tpu.memref_squeeze %dma_wait3A_1463 : memref<1x125xi32, #tpu.memory_space<vmem>> -> memref<125xi32, #tpu.memory_space<vmem>>
        %dma_wait3A_1465 = arith.constant 0 : i32
        %dma_wait3A_1466 = arith.constant 0 : i32
        %dma_wait3A_1467 = tpu.memref_slice %arg24[%dma_wait3A_1465, %dma_wait3A_1466] : memref<10016x8xf32, #tpu.memory_space<vmem_shared>> -> memref<10016x8xf32, #tpu.memory_space<vmem_shared>>
        tpu.wait_indirect_dma semaphore(%arg43 : memref<!tpu.dma_semaphore, #tpu.memory_space<semaphore_mem>>) src(%arg21 : memref<125x8xf32, #tpu.memory_space<vmem>>) dst(%dma_wait3A_1467 : memref<10016x8xf32, #tpu.memory_space<vmem_shared>>)
      } else {
      }
      %dma_start3A_834 = arith.constant 2 : i32
      %dma_start3A_835 = arith.constant 0 : i32
      %dma_start3A_836 = tpu.memref_slice %arg11[%dma_start3A_834, %dma_start3A_835] : memref<8x125xi32, #tpu.memory_space<vmem>> -> memref<1x125xi32, #tpu.memory_space<vmem>>
      %dma_start3A_837 = tpu.memref_squeeze %dma_start3A_836 : memref<1x125xi32, #tpu.memory_space<vmem>> -> memref<125xi32, #tpu.memory_space<vmem>>
      %dma_start3A_838 = arith.constant 0 : i32
      %dma_start3A_839 = arith.constant 0 : i32
      %dma_start3A_840 = tpu.memref_slice %arg22[%dma_start3A_838, %dma_start3A_839] : memref<10000x64xf32, #tpu.memory_space<vmem_shared>> -> memref<10000x64xf32, #tpu.memory_space<vmem_shared>>
      tpu.enqueue_indirect_dma source(%dma_start3A_840 : memref<10000x64xf32, #tpu.memory_space<vmem_shared>>) target(%arg19 : memref<125x64xf32, #tpu.memory_space<vmem>>) offsets(%dma_start3A_837 : memref<125xi32, #tpu.memory_space<vmem>>) semaphore(%arg35 : memref<!tpu.dma_semaphore, #tpu.memory_space<semaphore_mem>>)
      %dma_wait3A_841 = arith.constant 0 : i32
      %dma_wait3A_842 = arith.constant 0 : i32
      %dma_wait3A_843 = tpu.memref_slice %arg11[%dma_wait3A_841, %dma_wait3A_842] : memref<8x125xi32, #tpu.memory_space<vmem>> -> memref<1x125xi32, #tpu.memory_space<vmem>>
      %dma_wait3A_844 = tpu.memref_squeeze %dma_wait3A_843 : memref<1x125xi32, #tpu.memory_space<vmem>> -> memref<125xi32, #tpu.memory_space<vmem>>
      %dma_wait3A_845 = arith.constant 0 : i32
      %dma_wait3A_846 = arith.constant 0 : i32
      %dma_wait3A_847 = tpu.memref_slice %arg22[%dma_wait3A_845, %dma_wait3A_846] : memref<10000x64xf32, #tpu.memory_space<vmem_shared>> -> memref<10000x64xf32, #tpu.memory_space<vmem_shared>>
      tpu.wait_indirect_dma semaphore(%arg33 : memref<!tpu.dma_semaphore, #tpu.memory_space<semaphore_mem>>) src(%dma_wait3A_847 : memref<10000x64xf32, #tpu.memory_space<vmem_shared>>) dst(%arg17 : memref<125x64xf32, #tpu.memory_space<vmem>>)
      %dma_start3A_848 = arith.constant 0 : i32
      %dma_start3A_849 = arith.constant 0 : i32
      %dma_start3A_850 = tpu.memref_slice %arg15[%dma_start3A_848, %dma_start3A_849] : memref<8x125xi32, #tpu.memory_space<vmem>> -> memref<1x125xi32, #tpu.memory_space<vmem>>
      %dma_start3A_851 = tpu.memref_squeeze %dma_start3A_850 : memref<1x125xi32, #tpu.memory_space<vmem>> -> memref<125xi32, #tpu.memory_space<vmem>>
      %dma_start3A_852 = arith.constant 0 : i32
      %dma_start3A_853 = arith.constant 0 : i32
      %dma_start3A_854 = tpu.memref_slice %arg23[%dma_start3A_852, %dma_start3A_853] : memref<10016x64xf32, #tpu.memory_space<vmem_shared>> -> memref<10016x64xf32, #tpu.memory_space<vmem_shared>>
      tpu.enqueue_indirect_dma source(%arg17 : memref<125x64xf32, #tpu.memory_space<vmem>>) target(%dma_start3A_854 : memref<10016x64xf32, #tpu.memory_space<vmem_shared>>) offsets(%dma_start3A_851 : memref<125xi32, #tpu.memory_space<vmem>>) semaphore(%arg37 : memref<!tpu.dma_semaphore, #tpu.memory_space<semaphore_mem>>) {add = true}
      %eq3A_855 = arith.constant 0 : i32
      %eq3A_856 = arith.cmpi eq, %arg0, %eq3A_855 : i32
      %convert_element_type3A_857 = arith.extui %eq3A_856 : i1 to i32
      %cond3A_858 = arith.constant 0 : i32
      %cond3A_859 = arith.cmpi ne, %convert_element_type3A_857, %cond3A_858 : i32
      scf.if %cond3A_859 {
        %dma_start3A_1461 = arith.constant 0 : i32
        %dma_start3A_1462 = arith.constant 0 : i32
        %dma_start3A_1463 = tpu.memref_slice %arg15[%dma_start3A_1461, %dma_start3A_1462] : memref<8x125xi32, #tpu.memory_space<vmem>> -> memref<1x125xi32, #tpu.memory_space<vmem>>
        %dma_start3A_1464 = tpu.memref_squeeze %dma_start3A_1463 : memref<1x125xi32, #tpu.memory_space<vmem>> -> memref<125xi32, #tpu.memory_space<vmem>>
        %dma_start3A_1465 = arith.constant 0 : i32
        %dma_start3A_1466 = arith.constant 0 : i32
        %dma_start3A_1467 = tpu.memref_slice %arg24[%dma_start3A_1465, %dma_start3A_1466] : memref<10016x8xf32, #tpu.memory_space<vmem_shared>> -> memref<10016x8xf32, #tpu.memory_space<vmem_shared>>
        tpu.enqueue_indirect_dma source(%arg21 : memref<125x8xf32, #tpu.memory_space<vmem>>) target(%dma_start3A_1467 : memref<10016x8xf32, #tpu.memory_space<vmem_shared>>) offsets(%dma_start3A_1464 : memref<125xi32, #tpu.memory_space<vmem>>) semaphore(%arg41 : memref<!tpu.dma_semaphore, #tpu.memory_space<semaphore_mem>>) {add = true}
      } else {
      }
      %dma_wait3A_860 = arith.constant 7 : i32
      %dma_wait3A_861 = arith.constant 0 : i32
      %dma_wait3A_862 = tpu.memref_slice %arg14[%dma_wait3A_860, %dma_wait3A_861] : memref<8x125xi32, #tpu.memory_space<vmem>> -> memref<1x125xi32, #tpu.memory_space<vmem>>
      %dma_wait3A_863 = tpu.memref_squeeze %dma_wait3A_862 : memref<1x125xi32, #tpu.memory_space<vmem>> -> memref<125xi32, #tpu.memory_space<vmem>>
      %dma_wait3A_864 = arith.constant 0 : i32
      %dma_wait3A_865 = arith.constant 0 : i32
      %dma_wait3A_866 = tpu.memref_slice %arg23[%dma_wait3A_864, %dma_wait3A_865] : memref<10016x64xf32, #tpu.memory_space<vmem_shared>> -> memref<10016x64xf32, #tpu.memory_space<vmem_shared>>
      tpu.wait_indirect_dma semaphore(%arg40 : memref<!tpu.dma_semaphore, #tpu.memory_space<semaphore_mem>>) src(%arg20 : memref<125x64xf32, #tpu.memory_space<vmem>>) dst(%dma_wait3A_866 : memref<10016x64xf32, #tpu.memory_space<vmem_shared>>)
      %ne3A_867 = arith.constant 0 : i32
      %ne3A_868 = arith.cmpi ne, %arg0, %ne3A_867 : i32
      %convert_element_type3A_869 = arith.extui %ne3A_868 : i1 to i32
      %cond3A_870 = arith.constant 0 : i32
      %cond3A_871 = arith.cmpi ne, %convert_element_type3A_869, %cond3A_870 : i32
      scf.if %cond3A_871 {
        %dma_wait3A_1461 = arith.constant 7 : i32
        %dma_wait3A_1462 = arith.constant 0 : i32
        %dma_wait3A_1463 = tpu.memref_slice %arg14[%dma_wait3A_1461, %dma_wait3A_1462] : memref<8x125xi32, #tpu.memory_space<vmem>> -> memref<1x125xi32, #tpu.memory_space<vmem>>
        %dma_wait3A_1464 = tpu.memref_squeeze %dma_wait3A_1463 : memref<1x125xi32, #tpu.memory_space<vmem>> -> memref<125xi32, #tpu.memory_space<vmem>>
        %dma_wait3A_1465 = arith.constant 0 : i32
        %dma_wait3A_1466 = arith.constant 0 : i32
        %dma_wait3A_1467 = tpu.memref_slice %arg24[%dma_wait3A_1465, %dma_wait3A_1466] : memref<10016x8xf32, #tpu.memory_space<vmem_shared>> -> memref<10016x8xf32, #tpu.memory_space<vmem_shared>>
        tpu.wait_indirect_dma semaphore(%arg44 : memref<!tpu.dma_semaphore, #tpu.memory_space<semaphore_mem>>) src(%arg21 : memref<125x8xf32, #tpu.memory_space<vmem>>) dst(%dma_wait3A_1467 : memref<10016x8xf32, #tpu.memory_space<vmem_shared>>)
      } else {
      }
      %dma_start3A_872 = arith.constant 3 : i32
      %dma_start3A_873 = arith.constant 0 : i32
      %dma_start3A_874 = tpu.memref_slice %arg11[%dma_start3A_872, %dma_start3A_873] : memref<8x125xi32, #tpu.memory_space<vmem>> -> memref<1x125xi32, #tpu.memory_space<vmem>>
      %dma_start3A_875 = tpu.memref_squeeze %dma_start3A_874 : memref<1x125xi32, #tpu.memory_space<vmem>> -> memref<125xi32, #tpu.memory_space<vmem>>
      %dma_start3A_876 = arith.constant 0 : i32
      %dma_start3A_877 = arith.constant 0 : i32
      %dma_start3A_878 = tpu.memref_slice %arg22[%dma_start3A_876, %dma_start3A_877] : memref<10000x64xf32, #tpu.memory_space<vmem_shared>> -> memref<10000x64xf32, #tpu.memory_space<vmem_shared>>
      tpu.enqueue_indirect_dma source(%dma_start3A_878 : memref<10000x64xf32, #tpu.memory_space<vmem_shared>>) target(%arg20 : memref<125x64xf32, #tpu.memory_space<vmem>>) offsets(%dma_start3A_875 : memref<125xi32, #tpu.memory_space<vmem>>) semaphore(%arg36 : memref<!tpu.dma_semaphore, #tpu.memory_space<semaphore_mem>>)
      %dma_wait3A_879 = arith.constant 1 : i32
      %dma_wait3A_880 = arith.constant 0 : i32
      %dma_wait3A_881 = tpu.memref_slice %arg11[%dma_wait3A_879, %dma_wait3A_880] : memref<8x125xi32, #tpu.memory_space<vmem>> -> memref<1x125xi32, #tpu.memory_space<vmem>>
      %dma_wait3A_882 = tpu.memref_squeeze %dma_wait3A_881 : memref<1x125xi32, #tpu.memory_space<vmem>> -> memref<125xi32, #tpu.memory_space<vmem>>
      %dma_wait3A_883 = arith.constant 0 : i32
      %dma_wait3A_884 = arith.constant 0 : i32
      %dma_wait3A_885 = tpu.memref_slice %arg22[%dma_wait3A_883, %dma_wait3A_884] : memref<10000x64xf32, #tpu.memory_space<vmem_shared>> -> memref<10000x64xf32, #tpu.memory_space<vmem_shared>>
      tpu.wait_indirect_dma semaphore(%arg34 : memref<!tpu.dma_semaphore, #tpu.memory_space<semaphore_mem>>) src(%dma_wait3A_885 : memref<10000x64xf32, #tpu.memory_space<vmem_shared>>) dst(%arg18 : memref<125x64xf32, #tpu.memory_space<vmem>>)
      %dma_start3A_886 = arith.constant 1 : i32
      %dma_start3A_887 = arith.constant 0 : i32
      %dma_start3A_888 = tpu.memref_slice %arg15[%dma_start3A_886, %dma_start3A_887] : memref<8x125xi32, #tpu.memory_space<vmem>> -> memref<1x125xi32, #tpu.memory_space<vmem>>
      %dma_start3A_889 = tpu.memref_squeeze %dma_start3A_888 : memref<1x125xi32, #tpu.memory_space<vmem>> -> memref<125xi32, #tpu.memory_space<vmem>>
      %dma_start3A_890 = arith.constant 0 : i32
      %dma_start3A_891 = arith.constant 0 : i32
      %dma_start3A_892 = tpu.memref_slice %arg23[%dma_start3A_890, %dma_start3A_891] : memref<10016x64xf32, #tpu.memory_space<vmem_shared>> -> memref<10016x64xf32, #tpu.memory_space<vmem_shared>>
      tpu.enqueue_indirect_dma source(%arg18 : memref<125x64xf32, #tpu.memory_space<vmem>>) target(%dma_start3A_892 : memref<10016x64xf32, #tpu.memory_space<vmem_shared>>) offsets(%dma_start3A_889 : memref<125xi32, #tpu.memory_space<vmem>>) semaphore(%arg38 : memref<!tpu.dma_semaphore, #tpu.memory_space<semaphore_mem>>) {add = true}
      %ne3A_893 = arith.constant 0 : i32
      %ne3A_894 = arith.cmpi ne, %arg0, %ne3A_893 : i32
      %convert_element_type3A_895 = arith.extui %ne3A_894 : i1 to i32
      %cond3A_896 = arith.constant 0 : i32
      %cond3A_897 = arith.cmpi ne, %convert_element_type3A_895, %cond3A_896 : i32
      scf.if %cond3A_897 {
        %dma_start3A_1461 = arith.constant 1 : i32
        %dma_start3A_1462 = arith.constant 0 : i32
        %dma_start3A_1463 = tpu.memref_slice %arg15[%dma_start3A_1461, %dma_start3A_1462] : memref<8x125xi32, #tpu.memory_space<vmem>> -> memref<1x125xi32, #tpu.memory_space<vmem>>
        %dma_start3A_1464 = tpu.memref_squeeze %dma_start3A_1463 : memref<1x125xi32, #tpu.memory_space<vmem>> -> memref<125xi32, #tpu.memory_space<vmem>>
        %dma_start3A_1465 = arith.constant 0 : i32
        %dma_start3A_1466 = arith.constant 0 : i32
        %dma_start3A_1467 = tpu.memref_slice %arg24[%dma_start3A_1465, %dma_start3A_1466] : memref<10016x8xf32, #tpu.memory_space<vmem_shared>> -> memref<10016x8xf32, #tpu.memory_space<vmem_shared>>
        tpu.enqueue_indirect_dma source(%arg21 : memref<125x8xf32, #tpu.memory_space<vmem>>) target(%dma_start3A_1467 : memref<10016x8xf32, #tpu.memory_space<vmem_shared>>) offsets(%dma_start3A_1464 : memref<125xi32, #tpu.memory_space<vmem>>) semaphore(%arg42 : memref<!tpu.dma_semaphore, #tpu.memory_space<semaphore_mem>>) {add = true}
      } else {
      }
      %dma_wait3A_898 = arith.constant 0 : i32
      %dma_wait3A_899 = arith.constant 0 : i32
      %dma_wait3A_900 = tpu.memref_slice %arg15[%dma_wait3A_898, %dma_wait3A_899] : memref<8x125xi32, #tpu.memory_space<vmem>> -> memref<1x125xi32, #tpu.memory_space<vmem>>
      %dma_wait3A_901 = tpu.memref_squeeze %dma_wait3A_900 : memref<1x125xi32, #tpu.memory_space<vmem>> -> memref<125xi32, #tpu.memory_space<vmem>>
      %dma_wait3A_902 = arith.constant 0 : i32
      %dma_wait3A_903 = arith.constant 0 : i32
      %dma_wait3A_904 = tpu.memref_slice %arg23[%dma_wait3A_902, %dma_wait3A_903] : memref<10016x64xf32, #tpu.memory_space<vmem_shared>> -> memref<10016x64xf32, #tpu.memory_space<vmem_shared>>
      tpu.wait_indirect_dma semaphore(%arg37 : memref<!tpu.dma_semaphore, #tpu.memory_space<semaphore_mem>>) src(%arg17 : memref<125x64xf32, #tpu.memory_space<vmem>>) dst(%dma_wait3A_904 : memref<10016x64xf32, #tpu.memory_space<vmem_shared>>)
      %eq3A_905 = arith.constant 0 : i32
      %eq3A_906 = arith.cmpi eq, %arg0, %eq3A_905 : i32
      %convert_element_type3A_907 = arith.extui %eq3A_906 : i1 to i32
      %cond3A_908 = arith.constant 0 : i32
      %cond3A_909 = arith.cmpi ne, %convert_element_type3A_907, %cond3A_908 : i32
      scf.if %cond3A_909 {
        %dma_wait3A_1461 = arith.constant 0 : i32
        %dma_wait3A_1462 = arith.constant 0 : i32
        %dma_wait3A_1463 = tpu.memref_slice %arg15[%dma_wait3A_1461, %dma_wait3A_1462] : memref<8x125xi32, #tpu.memory_space<vmem>> -> memref<1x125xi32, #tpu.memory_space<vmem>>
        %dma_wait3A_1464 = tpu.memref_squeeze %dma_wait3A_1463 : memref<1x125xi32, #tpu.memory_space<vmem>> -> memref<125xi32, #tpu.memory_space<vmem>>
        %dma_wait3A_1465 = arith.constant 0 : i32
        %dma_wait3A_1466 = arith.constant 0 : i32
        %dma_wait3A_1467 = tpu.memref_slice %arg24[%dma_wait3A_1465, %dma_wait3A_1466] : memref<10016x8xf32, #tpu.memory_space<vmem_shared>> -> memref<10016x8xf32, #tpu.memory_space<vmem_shared>>
        tpu.wait_indirect_dma semaphore(%arg41 : memref<!tpu.dma_semaphore, #tpu.memory_space<semaphore_mem>>) src(%arg21 : memref<125x8xf32, #tpu.memory_space<vmem>>) dst(%dma_wait3A_1467 : memref<10016x8xf32, #tpu.memory_space<vmem_shared>>)
      } else {
      }
      %dma_start3A_910 = arith.constant 4 : i32
      %dma_start3A_911 = arith.constant 0 : i32
      %dma_start3A_912 = tpu.memref_slice %arg11[%dma_start3A_910, %dma_start3A_911] : memref<8x125xi32, #tpu.memory_space<vmem>> -> memref<1x125xi32, #tpu.memory_space<vmem>>
      %dma_start3A_913 = tpu.memref_squeeze %dma_start3A_912 : memref<1x125xi32, #tpu.memory_space<vmem>> -> memref<125xi32, #tpu.memory_space<vmem>>
      %dma_start3A_914 = arith.constant 0 : i32
      %dma_start3A_915 = arith.constant 0 : i32
      %dma_start3A_916 = tpu.memref_slice %arg22[%dma_start3A_914, %dma_start3A_915] : memref<10000x64xf32, #tpu.memory_space<vmem_shared>> -> memref<10000x64xf32, #tpu.memory_space<vmem_shared>>
      tpu.enqueue_indirect_dma source(%dma_start3A_916 : memref<10000x64xf32, #tpu.memory_space<vmem_shared>>) target(%arg17 : memref<125x64xf32, #tpu.memory_space<vmem>>) offsets(%dma_start3A_913 : memref<125xi32, #tpu.memory_space<vmem>>) semaphore(%arg33 : memref<!tpu.dma_semaphore, #tpu.memory_space<semaphore_mem>>)
      %dma_wait3A_917 = arith.constant 2 : i32
      %dma_wait3A_918 = arith.constant 0 : i32
      %dma_wait3A_919 = tpu.memref_slice %arg11[%dma_wait3A_917, %dma_wait3A_918] : memref<8x125xi32, #tpu.memory_space<vmem>> -> memref<1x125xi32, #tpu.memory_space<vmem>>
      %dma_wait3A_920 = tpu.memref_squeeze %dma_wait3A_919 : memref<1x125xi32, #tpu.memory_space<vmem>> -> memref<125xi32, #tpu.memory_space<vmem>>
      %dma_wait3A_921 = arith.constant 0 : i32
      %dma_wait3A_922 = arith.constant 0 : i32
      %dma_wait3A_923 = tpu.memref_slice %arg22[%dma_wait3A_921, %dma_wait3A_922] : memref<10000x64xf32, #tpu.memory_space<vmem_shared>> -> memref<10000x64xf32, #tpu.memory_space<vmem_shared>>
      tpu.wait_indirect_dma semaphore(%arg35 : memref<!tpu.dma_semaphore, #tpu.memory_space<semaphore_mem>>) src(%dma_wait3A_923 : memref<10000x64xf32, #tpu.memory_space<vmem_shared>>) dst(%arg19 : memref<125x64xf32, #tpu.memory_space<vmem>>)
      %dma_start3A_924 = arith.constant 2 : i32
      %dma_start3A_925 = arith.constant 0 : i32
      %dma_start3A_926 = tpu.memref_slice %arg15[%dma_start3A_924, %dma_start3A_925] : memref<8x125xi32, #tpu.memory_space<vmem>> -> memref<1x125xi32, #tpu.memory_space<vmem>>
      %dma_start3A_927 = tpu.memref_squeeze %dma_start3A_926 : memref<1x125xi32, #tpu.memory_space<vmem>> -> memref<125xi32, #tpu.memory_space<vmem>>
      %dma_start3A_928 = arith.constant 0 : i32
      %dma_start3A_929 = arith.constant 0 : i32
      %dma_start3A_930 = tpu.memref_slice %arg23[%dma_start3A_928, %dma_start3A_929] : memref<10016x64xf32, #tpu.memory_space<vmem_shared>> -> memref<10016x64xf32, #tpu.memory_space<vmem_shared>>
      tpu.enqueue_indirect_dma source(%arg19 : memref<125x64xf32, #tpu.memory_space<vmem>>) target(%dma_start3A_930 : memref<10016x64xf32, #tpu.memory_space<vmem_shared>>) offsets(%dma_start3A_927 : memref<125xi32, #tpu.memory_space<vmem>>) semaphore(%arg39 : memref<!tpu.dma_semaphore, #tpu.memory_space<semaphore_mem>>) {add = true}
      %eq3A_931 = arith.constant 0 : i32
      %eq3A_932 = arith.cmpi eq, %arg0, %eq3A_931 : i32
      %convert_element_type3A_933 = arith.extui %eq3A_932 : i1 to i32
      %cond3A_934 = arith.constant 0 : i32
      %cond3A_935 = arith.cmpi ne, %convert_element_type3A_933, %cond3A_934 : i32
      scf.if %cond3A_935 {
        %dma_start3A_1461 = arith.constant 2 : i32
        %dma_start3A_1462 = arith.constant 0 : i32
        %dma_start3A_1463 = tpu.memref_slice %arg15[%dma_start3A_1461, %dma_start3A_1462] : memref<8x125xi32, #tpu.memory_space<vmem>> -> memref<1x125xi32, #tpu.memory_space<vmem>>
        %dma_start3A_1464 = tpu.memref_squeeze %dma_start3A_1463 : memref<1x125xi32, #tpu.memory_space<vmem>> -> memref<125xi32, #tpu.memory_space<vmem>>
        %dma_start3A_1465 = arith.constant 0 : i32
        %dma_start3A_1466 = arith.constant 0 : i32
        %dma_start3A_1467 = tpu.memref_slice %arg24[%dma_start3A_1465, %dma_start3A_1466] : memref<10016x8xf32, #tpu.memory_space<vmem_shared>> -> memref<10016x8xf32, #tpu.memory_space<vmem_shared>>
        tpu.enqueue_indirect_dma source(%arg21 : memref<125x8xf32, #tpu.memory_space<vmem>>) target(%dma_start3A_1467 : memref<10016x8xf32, #tpu.memory_space<vmem_shared>>) offsets(%dma_start3A_1464 : memref<125xi32, #tpu.memory_space<vmem>>) semaphore(%arg43 : memref<!tpu.dma_semaphore, #tpu.memory_space<semaphore_mem>>) {add = true}
      } else {
      }
      %dma_wait3A_936 = arith.constant 1 : i32
      %dma_wait3A_937 = arith.constant 0 : i32
      %dma_wait3A_938 = tpu.memref_slice %arg15[%dma_wait3A_936, %dma_wait3A_937] : memref<8x125xi32, #tpu.memory_space<vmem>> -> memref<1x125xi32, #tpu.memory_space<vmem>>
      %dma_wait3A_939 = tpu.memref_squeeze %dma_wait3A_938 : memref<1x125xi32, #tpu.memory_space<vmem>> -> memref<125xi32, #tpu.memory_space<vmem>>
      %dma_wait3A_940 = arith.constant 0 : i32
      %dma_wait3A_941 = arith.constant 0 : i32
      %dma_wait3A_942 = tpu.memref_slice %arg23[%dma_wait3A_940, %dma_wait3A_941] : memref<10016x64xf32, #tpu.memory_space<vmem_shared>> -> memref<10016x64xf32, #tpu.memory_space<vmem_shared>>
      tpu.wait_indirect_dma semaphore(%arg38 : memref<!tpu.dma_semaphore, #tpu.memory_space<semaphore_mem>>) src(%arg18 : memref<125x64xf32, #tpu.memory_space<vmem>>) dst(%dma_wait3A_942 : memref<10016x64xf32, #tpu.memory_space<vmem_shared>>)
      %ne3A_943 = arith.constant 0 : i32
      %ne3A_944 = arith.cmpi ne, %arg0, %ne3A_943 : i32
      %convert_element_type3A_945 = arith.extui %ne3A_944 : i1 to i32
      %cond3A_946 = arith.constant 0 : i32
      %cond3A_947 = arith.cmpi ne, %convert_element_type3A_945, %cond3A_946 : i32
      scf.if %cond3A_947 {
        %dma_wait3A_1461 = arith.constant 1 : i32
        %dma_wait3A_1462 = arith.constant 0 : i32
        %dma_wait3A_1463 = tpu.memref_slice %arg15[%dma_wait3A_1461, %dma_wait3A_1462] : memref<8x125xi32, #tpu.memory_space<vmem>> -> memref<1x125xi32, #tpu.memory_space<vmem>>
        %dma_wait3A_1464 = tpu.memref_squeeze %dma_wait3A_1463 : memref<1x125xi32, #tpu.memory_space<vmem>> -> memref<125xi32, #tpu.memory_space<vmem>>
        %dma_wait3A_1465 = arith.constant 0 : i32
        %dma_wait3A_1466 = arith.constant 0 : i32
        %dma_wait3A_1467 = tpu.memref_slice %arg24[%dma_wait3A_1465, %dma_wait3A_1466] : memref<10016x8xf32, #tpu.memory_space<vmem_shared>> -> memref<10016x8xf32, #tpu.memory_space<vmem_shared>>
        tpu.wait_indirect_dma semaphore(%arg42 : memref<!tpu.dma_semaphore, #tpu.memory_space<semaphore_mem>>) src(%arg21 : memref<125x8xf32, #tpu.memory_space<vmem>>) dst(%dma_wait3A_1467 : memref<10016x8xf32, #tpu.memory_space<vmem_shared>>)
      } else {
      }
      %dma_start3A_948 = arith.constant 5 : i32
      %dma_start3A_949 = arith.constant 0 : i32
      %dma_start3A_950 = tpu.memref_slice %arg11[%dma_start3A_948, %dma_start3A_949] : memref<8x125xi32, #tpu.memory_space<vmem>> -> memref<1x125xi32, #tpu.memory_space<vmem>>
      %dma_start3A_951 = tpu.memref_squeeze %dma_start3A_950 : memref<1x125xi32, #tpu.memory_space<vmem>> -> memref<125xi32, #tpu.memory_space<vmem>>
      %dma_start3A_952 = arith.constant 0 : i32
      %dma_start3A_953 = arith.constant 0 : i32
      %dma_start3A_954 = tpu.memref_slice %arg22[%dma_start3A_952, %dma_start3A_953] : memref<10000x64xf32, #tpu.memory_space<vmem_shared>> -> memref<10000x64xf32, #tpu.memory_space<vmem_shared>>
      tpu.enqueue_indirect_dma source(%dma_start3A_954 : memref<10000x64xf32, #tpu.memory_space<vmem_shared>>) target(%arg18 : memref<125x64xf32, #tpu.memory_space<vmem>>) offsets(%dma_start3A_951 : memref<125xi32, #tpu.memory_space<vmem>>) semaphore(%arg34 : memref<!tpu.dma_semaphore, #tpu.memory_space<semaphore_mem>>)
      %dma_wait3A_955 = arith.constant 3 : i32
      %dma_wait3A_956 = arith.constant 0 : i32
      %dma_wait3A_957 = tpu.memref_slice %arg11[%dma_wait3A_955, %dma_wait3A_956] : memref<8x125xi32, #tpu.memory_space<vmem>> -> memref<1x125xi32, #tpu.memory_space<vmem>>
      %dma_wait3A_958 = tpu.memref_squeeze %dma_wait3A_957 : memref<1x125xi32, #tpu.memory_space<vmem>> -> memref<125xi32, #tpu.memory_space<vmem>>
      %dma_wait3A_959 = arith.constant 0 : i32
      %dma_wait3A_960 = arith.constant 0 : i32
      %dma_wait3A_961 = tpu.memref_slice %arg22[%dma_wait3A_959, %dma_wait3A_960] : memref<10000x64xf32, #tpu.memory_space<vmem_shared>> -> memref<10000x64xf32, #tpu.memory_space<vmem_shared>>
      tpu.wait_indirect_dma semaphore(%arg36 : memref<!tpu.dma_semaphore, #tpu.memory_space<semaphore_mem>>) src(%dma_wait3A_961 : memref<10000x64xf32, #tpu.memory_space<vmem_shared>>) dst(%arg20 : memref<125x64xf32, #tpu.memory_space<vmem>>)
      %dma_start3A_962 = arith.constant 3 : i32
      %dma_start3A_963 = arith.constant 0 : i32
      %dma_start3A_964 = tpu.memref_slice %arg15[%dma_start3A_962, %dma_start3A_963] : memref<8x125xi32, #tpu.memory_space<vmem>> -> memref<1x125xi32, #tpu.memory_space<vmem>>
      %dma_start3A_965 = tpu.memref_squeeze %dma_start3A_964 : memref<1x125xi32, #tpu.memory_space<vmem>> -> memref<125xi32, #tpu.memory_space<vmem>>
      %dma_start3A_966 = arith.constant 0 : i32
      %dma_start3A_967 = arith.constant 0 : i32
      %dma_start3A_968 = tpu.memref_slice %arg23[%dma_start3A_966, %dma_start3A_967] : memref<10016x64xf32, #tpu.memory_space<vmem_shared>> -> memref<10016x64xf32, #tpu.memory_space<vmem_shared>>
      tpu.enqueue_indirect_dma source(%arg20 : memref<125x64xf32, #tpu.memory_space<vmem>>) target(%dma_start3A_968 : memref<10016x64xf32, #tpu.memory_space<vmem_shared>>) offsets(%dma_start3A_965 : memref<125xi32, #tpu.memory_space<vmem>>) semaphore(%arg40 : memref<!tpu.dma_semaphore, #tpu.memory_space<semaphore_mem>>) {add = true}
      %ne3A_969 = arith.constant 0 : i32
      %ne3A_970 = arith.cmpi ne, %arg0, %ne3A_969 : i32
      %convert_element_type3A_971 = arith.extui %ne3A_970 : i1 to i32
      %cond3A_972 = arith.constant 0 : i32
      %cond3A_973 = arith.cmpi ne, %convert_element_type3A_971, %cond3A_972 : i32
      scf.if %cond3A_973 {
        %dma_start3A_1461 = arith.constant 3 : i32
        %dma_start3A_1462 = arith.constant 0 : i32
        %dma_start3A_1463 = tpu.memref_slice %arg15[%dma_start3A_1461, %dma_start3A_1462] : memref<8x125xi32, #tpu.memory_space<vmem>> -> memref<1x125xi32, #tpu.memory_space<vmem>>
        %dma_start3A_1464 = tpu.memref_squeeze %dma_start3A_1463 : memref<1x125xi32, #tpu.memory_space<vmem>> -> memref<125xi32, #tpu.memory_space<vmem>>
        %dma_start3A_1465 = arith.constant 0 : i32
        %dma_start3A_1466 = arith.constant 0 : i32
        %dma_start3A_1467 = tpu.memref_slice %arg24[%dma_start3A_1465, %dma_start3A_1466] : memref<10016x8xf32, #tpu.memory_space<vmem_shared>> -> memref<10016x8xf32, #tpu.memory_space<vmem_shared>>
        tpu.enqueue_indirect_dma source(%arg21 : memref<125x8xf32, #tpu.memory_space<vmem>>) target(%dma_start3A_1467 : memref<10016x8xf32, #tpu.memory_space<vmem_shared>>) offsets(%dma_start3A_1464 : memref<125xi32, #tpu.memory_space<vmem>>) semaphore(%arg44 : memref<!tpu.dma_semaphore, #tpu.memory_space<semaphore_mem>>) {add = true}
      } else {
      }
      %dma_wait3A_974 = arith.constant 2 : i32
      %dma_wait3A_975 = arith.constant 0 : i32
      %dma_wait3A_976 = tpu.memref_slice %arg15[%dma_wait3A_974, %dma_wait3A_975] : memref<8x125xi32, #tpu.memory_space<vmem>> -> memref<1x125xi32, #tpu.memory_space<vmem>>
      %dma_wait3A_977 = tpu.memref_squeeze %dma_wait3A_976 : memref<1x125xi32, #tpu.memory_space<vmem>> -> memref<125xi32, #tpu.memory_space<vmem>>
      %dma_wait3A_978 = arith.constant 0 : i32
      %dma_wait3A_979 = arith.constant 0 : i32
      %dma_wait3A_980 = tpu.memref_slice %arg23[%dma_wait3A_978, %dma_wait3A_979] : memref<10016x64xf32, #tpu.memory_space<vmem_shared>> -> memref<10016x64xf32, #tpu.memory_space<vmem_shared>>
      tpu.wait_indirect_dma semaphore(%arg39 : memref<!tpu.dma_semaphore, #tpu.memory_space<semaphore_mem>>) src(%arg19 : memref<125x64xf32, #tpu.memory_space<vmem>>) dst(%dma_wait3A_980 : memref<10016x64xf32, #tpu.memory_space<vmem_shared>>)
      %eq3A_981 = arith.constant 0 : i32
      %eq3A_982 = arith.cmpi eq, %arg0, %eq3A_981 : i32
      %convert_element_type3A_983 = arith.extui %eq3A_982 : i1 to i32
      %cond3A_984 = arith.constant 0 : i32
      %cond3A_985 = arith.cmpi ne, %convert_element_type3A_983, %cond3A_984 : i32
      scf.if %cond3A_985 {
        %dma_wait3A_1461 = arith.constant 2 : i32
        %dma_wait3A_1462 = arith.constant 0 : i32
        %dma_wait3A_1463 = tpu.memref_slice %arg15[%dma_wait3A_1461, %dma_wait3A_1462] : memref<8x125xi32, #tpu.memory_space<vmem>> -> memref<1x125xi32, #tpu.memory_space<vmem>>
        %dma_wait3A_1464 = tpu.memref_squeeze %dma_wait3A_1463 : memref<1x125xi32, #tpu.memory_space<vmem>> -> memref<125xi32, #tpu.memory_space<vmem>>
        %dma_wait3A_1465 = arith.constant 0 : i32
        %dma_wait3A_1466 = arith.constant 0 : i32
        %dma_wait3A_1467 = tpu.memref_slice %arg24[%dma_wait3A_1465, %dma_wait3A_1466] : memref<10016x8xf32, #tpu.memory_space<vmem_shared>> -> memref<10016x8xf32, #tpu.memory_space<vmem_shared>>
        tpu.wait_indirect_dma semaphore(%arg43 : memref<!tpu.dma_semaphore, #tpu.memory_space<semaphore_mem>>) src(%arg21 : memref<125x8xf32, #tpu.memory_space<vmem>>) dst(%dma_wait3A_1467 : memref<10016x8xf32, #tpu.memory_space<vmem_shared>>)
      } else {
      }
      %dma_start3A_986 = arith.constant 6 : i32
      %dma_start3A_987 = arith.constant 0 : i32
      %dma_start3A_988 = tpu.memref_slice %arg11[%dma_start3A_986, %dma_start3A_987] : memref<8x125xi32, #tpu.memory_space<vmem>> -> memref<1x125xi32, #tpu.memory_space<vmem>>
      %dma_start3A_989 = tpu.memref_squeeze %dma_start3A_988 : memref<1x125xi32, #tpu.memory_space<vmem>> -> memref<125xi32, #tpu.memory_space<vmem>>
      %dma_start3A_990 = arith.constant 0 : i32
      %dma_start3A_991 = arith.constant 0 : i32
      %dma_start3A_992 = tpu.memref_slice %arg22[%dma_start3A_990, %dma_start3A_991] : memref<10000x64xf32, #tpu.memory_space<vmem_shared>> -> memref<10000x64xf32, #tpu.memory_space<vmem_shared>>
      tpu.enqueue_indirect_dma source(%dma_start3A_992 : memref<10000x64xf32, #tpu.memory_space<vmem_shared>>) target(%arg19 : memref<125x64xf32, #tpu.memory_space<vmem>>) offsets(%dma_start3A_989 : memref<125xi32, #tpu.memory_space<vmem>>) semaphore(%arg35 : memref<!tpu.dma_semaphore, #tpu.memory_space<semaphore_mem>>)
      %dma_wait3A_993 = arith.constant 4 : i32
      %dma_wait3A_994 = arith.constant 0 : i32
      %dma_wait3A_995 = tpu.memref_slice %arg11[%dma_wait3A_993, %dma_wait3A_994] : memref<8x125xi32, #tpu.memory_space<vmem>> -> memref<1x125xi32, #tpu.memory_space<vmem>>
      %dma_wait3A_996 = tpu.memref_squeeze %dma_wait3A_995 : memref<1x125xi32, #tpu.memory_space<vmem>> -> memref<125xi32, #tpu.memory_space<vmem>>
      %dma_wait3A_997 = arith.constant 0 : i32
      %dma_wait3A_998 = arith.constant 0 : i32
      %dma_wait3A_999 = tpu.memref_slice %arg22[%dma_wait3A_997, %dma_wait3A_998] : memref<10000x64xf32, #tpu.memory_space<vmem_shared>> -> memref<10000x64xf32, #tpu.memory_space<vmem_shared>>
      tpu.wait_indirect_dma semaphore(%arg33 : memref<!tpu.dma_semaphore, #tpu.memory_space<semaphore_mem>>) src(%dma_wait3A_999 : memref<10000x64xf32, #tpu.memory_space<vmem_shared>>) dst(%arg17 : memref<125x64xf32, #tpu.memory_space<vmem>>)
      %dma_start3A_1000 = arith.constant 4 : i32
      %dma_start3A_1001 = arith.constant 0 : i32
      %dma_start3A_1002 = tpu.memref_slice %arg15[%dma_start3A_1000, %dma_start3A_1001] : memref<8x125xi32, #tpu.memory_space<vmem>> -> memref<1x125xi32, #tpu.memory_space<vmem>>
      %dma_start3A_1003 = tpu.memref_squeeze %dma_start3A_1002 : memref<1x125xi32, #tpu.memory_space<vmem>> -> memref<125xi32, #tpu.memory_space<vmem>>
      %dma_start3A_1004 = arith.constant 0 : i32
      %dma_start3A_1005 = arith.constant 0 : i32
      %dma_start3A_1006 = tpu.memref_slice %arg23[%dma_start3A_1004, %dma_start3A_1005] : memref<10016x64xf32, #tpu.memory_space<vmem_shared>> -> memref<10016x64xf32, #tpu.memory_space<vmem_shared>>
      tpu.enqueue_indirect_dma source(%arg17 : memref<125x64xf32, #tpu.memory_space<vmem>>) target(%dma_start3A_1006 : memref<10016x64xf32, #tpu.memory_space<vmem_shared>>) offsets(%dma_start3A_1003 : memref<125xi32, #tpu.memory_space<vmem>>) semaphore(%arg37 : memref<!tpu.dma_semaphore, #tpu.memory_space<semaphore_mem>>) {add = true}
      %eq3A_1007 = arith.constant 0 : i32
      %eq3A_1008 = arith.cmpi eq, %arg0, %eq3A_1007 : i32
      %convert_element_type3A_1009 = arith.extui %eq3A_1008 : i1 to i32
      %cond3A_1010 = arith.constant 0 : i32
      %cond3A_1011 = arith.cmpi ne, %convert_element_type3A_1009, %cond3A_1010 : i32
      scf.if %cond3A_1011 {
        %dma_start3A_1461 = arith.constant 4 : i32
        %dma_start3A_1462 = arith.constant 0 : i32
        %dma_start3A_1463 = tpu.memref_slice %arg15[%dma_start3A_1461, %dma_start3A_1462] : memref<8x125xi32, #tpu.memory_space<vmem>> -> memref<1x125xi32, #tpu.memory_space<vmem>>
        %dma_start3A_1464 = tpu.memref_squeeze %dma_start3A_1463 : memref<1x125xi32, #tpu.memory_space<vmem>> -> memref<125xi32, #tpu.memory_space<vmem>>
        %dma_start3A_1465 = arith.constant 0 : i32
        %dma_start3A_1466 = arith.constant 0 : i32
        %dma_start3A_1467 = tpu.memref_slice %arg24[%dma_start3A_1465, %dma_start3A_1466] : memref<10016x8xf32, #tpu.memory_space<vmem_shared>> -> memref<10016x8xf32, #tpu.memory_space<vmem_shared>>
        tpu.enqueue_indirect_dma source(%arg21 : memref<125x8xf32, #tpu.memory_space<vmem>>) target(%dma_start3A_1467 : memref<10016x8xf32, #tpu.memory_space<vmem_shared>>) offsets(%dma_start3A_1464 : memref<125xi32, #tpu.memory_space<vmem>>) semaphore(%arg41 : memref<!tpu.dma_semaphore, #tpu.memory_space<semaphore_mem>>) {add = true}
      } else {
      }
      %dma_wait3A_1012 = arith.constant 3 : i32
      %dma_wait3A_1013 = arith.constant 0 : i32
      %dma_wait3A_1014 = tpu.memref_slice %arg15[%dma_wait3A_1012, %dma_wait3A_1013] : memref<8x125xi32, #tpu.memory_space<vmem>> -> memref<1x125xi32, #tpu.memory_space<vmem>>
      %dma_wait3A_1015 = tpu.memref_squeeze %dma_wait3A_1014 : memref<1x125xi32, #tpu.memory_space<vmem>> -> memref<125xi32, #tpu.memory_space<vmem>>
      %dma_wait3A_1016 = arith.constant 0 : i32
      %dma_wait3A_1017 = arith.constant 0 : i32
      %dma_wait3A_1018 = tpu.memref_slice %arg23[%dma_wait3A_1016, %dma_wait3A_1017] : memref<10016x64xf32, #tpu.memory_space<vmem_shared>> -> memref<10016x64xf32, #tpu.memory_space<vmem_shared>>
      tpu.wait_indirect_dma semaphore(%arg40 : memref<!tpu.dma_semaphore, #tpu.memory_space<semaphore_mem>>) src(%arg20 : memref<125x64xf32, #tpu.memory_space<vmem>>) dst(%dma_wait3A_1018 : memref<10016x64xf32, #tpu.memory_space<vmem_shared>>)
      %ne3A_1019 = arith.constant 0 : i32
      %ne3A_1020 = arith.cmpi ne, %arg0, %ne3A_1019 : i32
      %convert_element_type3A_1021 = arith.extui %ne3A_1020 : i1 to i32
      %cond3A_1022 = arith.constant 0 : i32
      %cond3A_1023 = arith.cmpi ne, %convert_element_type3A_1021, %cond3A_1022 : i32
      scf.if %cond3A_1023 {
        %dma_wait3A_1461 = arith.constant 3 : i32
        %dma_wait3A_1462 = arith.constant 0 : i32
        %dma_wait3A_1463 = tpu.memref_slice %arg15[%dma_wait3A_1461, %dma_wait3A_1462] : memref<8x125xi32, #tpu.memory_space<vmem>> -> memref<1x125xi32, #tpu.memory_space<vmem>>
        %dma_wait3A_1464 = tpu.memref_squeeze %dma_wait3A_1463 : memref<1x125xi32, #tpu.memory_space<vmem>> -> memref<125xi32, #tpu.memory_space<vmem>>
        %dma_wait3A_1465 = arith.constant 0 : i32
        %dma_wait3A_1466 = arith.constant 0 : i32
        %dma_wait3A_1467 = tpu.memref_slice %arg24[%dma_wait3A_1465, %dma_wait3A_1466] : memref<10016x8xf32, #tpu.memory_space<vmem_shared>> -> memref<10016x8xf32, #tpu.memory_space<vmem_shared>>
        tpu.wait_indirect_dma semaphore(%arg44 : memref<!tpu.dma_semaphore, #tpu.memory_space<semaphore_mem>>) src(%arg21 : memref<125x8xf32, #tpu.memory_space<vmem>>) dst(%dma_wait3A_1467 : memref<10016x8xf32, #tpu.memory_space<vmem_shared>>)
      } else {
      }
      %mul3A_1024 = arith.constant 4 : i32
      %mul3A_1025 = arith.muli %scan3A_107, %mul3A_1024 : i32
      %add3A_1026 = arith.constant 3 : i32
      %add3A_1027 = arith.addi %mul3A_1025, %add3A_1026 : i32
      %mul3A_1028 = arith.constant 20 : i32
      %mul3A_1029 = arith.muli %arg1, %mul3A_1028 : i32
      %add3A_1030 = arith.addi %mul3A_1029, %add3A_1027 : i32
      %add3A_1031 = arith.constant 16 : i32
      %add3A_1032 = arith.addi %add3A_1031, %arg1 : i32
      %mul3A_1033 = arith.constant 20 : i32
      %mul3A_1034 = arith.muli %add3A_1032, %mul3A_1033 : i32
      %add3A_1035 = arith.addi %mul3A_1034, %add3A_1027 : i32
      %dma_wait3A_1036 = arith.constant 0 : i32
      %dma_wait3A_1037 = arith.constant 0 : i32
      %dma_wait3A_1038 = tpu.memref_slice %arg3[%add3A_1030, %dma_wait3A_1036, %dma_wait3A_1037] : memref<640x8x125xi32, #tpu.memory_space<hbm>> -> memref<1x8x125xi32, #tpu.memory_space<hbm>>
      %dma_wait3A_1039 = tpu.memref_squeeze %dma_wait3A_1038 : memref<1x8x125xi32, #tpu.memory_space<hbm>> -> memref<8x125xi32, #tpu.memory_space<hbm>>
      %dma_wait3A_1040 = arith.constant 0 : i32
      %dma_wait3A_1041 = arith.constant 0 : i32
      %dma_wait3A_1042 = tpu.memref_slice %arg3[%add3A_1030, %dma_wait3A_1040, %dma_wait3A_1041] : memref<640x8x125xi32, #tpu.memory_space<hbm>> -> memref<1x8x125xi32, #tpu.memory_space<hbm>>
      %dma_wait3A_1043 = tpu.memref_squeeze %dma_wait3A_1042 : memref<1x8x125xi32, #tpu.memory_space<hbm>> -> memref<8x125xi32, #tpu.memory_space<hbm>>
      tpu.wait_dma2 semaphore(%arg28 : memref<!tpu.dma_semaphore, #tpu.memory_space<semaphore_mem>>) src(%dma_wait3A_1043 : memref<8x125xi32, #tpu.memory_space<hbm>>) dst(%arg12 : memref<8x125xi32, #tpu.memory_space<vmem>>)
      %dma_wait3A_1044 = arith.constant 0 : i32
      %dma_wait3A_1045 = arith.constant 0 : i32
      %dma_wait3A_1046 = tpu.memref_slice %arg3[%add3A_1035, %dma_wait3A_1044, %dma_wait3A_1045] : memref<640x8x125xi32, #tpu.memory_space<hbm>> -> memref<1x8x125xi32, #tpu.memory_space<hbm>>
      %dma_wait3A_1047 = tpu.memref_squeeze %dma_wait3A_1046 : memref<1x8x125xi32, #tpu.memory_space<hbm>> -> memref<8x125xi32, #tpu.memory_space<hbm>>
      %dma_wait3A_1048 = arith.constant 0 : i32
      %dma_wait3A_1049 = arith.constant 0 : i32
      %dma_wait3A_1050 = tpu.memref_slice %arg3[%add3A_1035, %dma_wait3A_1048, %dma_wait3A_1049] : memref<640x8x125xi32, #tpu.memory_space<hbm>> -> memref<1x8x125xi32, #tpu.memory_space<hbm>>
      %dma_wait3A_1051 = tpu.memref_squeeze %dma_wait3A_1050 : memref<1x8x125xi32, #tpu.memory_space<hbm>> -> memref<8x125xi32, #tpu.memory_space<hbm>>
      tpu.wait_dma2 semaphore(%arg32 : memref<!tpu.dma_semaphore, #tpu.memory_space<semaphore_mem>>) src(%dma_wait3A_1051 : memref<8x125xi32, #tpu.memory_space<hbm>>) dst(%arg16 : memref<8x125xi32, #tpu.memory_space<vmem>>)
      %dma_start3A_1052 = arith.constant 7 : i32
      %dma_start3A_1053 = arith.constant 0 : i32
      %dma_start3A_1054 = tpu.memref_slice %arg11[%dma_start3A_1052, %dma_start3A_1053] : memref<8x125xi32, #tpu.memory_space<vmem>> -> memref<1x125xi32, #tpu.memory_space<vmem>>
      %dma_start3A_1055 = tpu.memref_squeeze %dma_start3A_1054 : memref<1x125xi32, #tpu.memory_space<vmem>> -> memref<125xi32, #tpu.memory_space<vmem>>
      %dma_start3A_1056 = arith.constant 0 : i32
      %dma_start3A_1057 = arith.constant 0 : i32
      %dma_start3A_1058 = tpu.memref_slice %arg22[%dma_start3A_1056, %dma_start3A_1057] : memref<10000x64xf32, #tpu.memory_space<vmem_shared>> -> memref<10000x64xf32, #tpu.memory_space<vmem_shared>>
      tpu.enqueue_indirect_dma source(%dma_start3A_1058 : memref<10000x64xf32, #tpu.memory_space<vmem_shared>>) target(%arg20 : memref<125x64xf32, #tpu.memory_space<vmem>>) offsets(%dma_start3A_1055 : memref<125xi32, #tpu.memory_space<vmem>>) semaphore(%arg36 : memref<!tpu.dma_semaphore, #tpu.memory_space<semaphore_mem>>)
      %dma_wait3A_1059 = arith.constant 5 : i32
      %dma_wait3A_1060 = arith.constant 0 : i32
      %dma_wait3A_1061 = tpu.memref_slice %arg11[%dma_wait3A_1059, %dma_wait3A_1060] : memref<8x125xi32, #tpu.memory_space<vmem>> -> memref<1x125xi32, #tpu.memory_space<vmem>>
      %dma_wait3A_1062 = tpu.memref_squeeze %dma_wait3A_1061 : memref<1x125xi32, #tpu.memory_space<vmem>> -> memref<125xi32, #tpu.memory_space<vmem>>
      %dma_wait3A_1063 = arith.constant 0 : i32
      %dma_wait3A_1064 = arith.constant 0 : i32
      %dma_wait3A_1065 = tpu.memref_slice %arg22[%dma_wait3A_1063, %dma_wait3A_1064] : memref<10000x64xf32, #tpu.memory_space<vmem_shared>> -> memref<10000x64xf32, #tpu.memory_space<vmem_shared>>
      tpu.wait_indirect_dma semaphore(%arg34 : memref<!tpu.dma_semaphore, #tpu.memory_space<semaphore_mem>>) src(%dma_wait3A_1065 : memref<10000x64xf32, #tpu.memory_space<vmem_shared>>) dst(%arg18 : memref<125x64xf32, #tpu.memory_space<vmem>>)
      %dma_start3A_1066 = arith.constant 5 : i32
      %dma_start3A_1067 = arith.constant 0 : i32
      %dma_start3A_1068 = tpu.memref_slice %arg15[%dma_start3A_1066, %dma_start3A_1067] : memref<8x125xi32, #tpu.memory_space<vmem>> -> memref<1x125xi32, #tpu.memory_space<vmem>>
      %dma_start3A_1069 = tpu.memref_squeeze %dma_start3A_1068 : memref<1x125xi32, #tpu.memory_space<vmem>> -> memref<125xi32, #tpu.memory_space<vmem>>
      %dma_start3A_1070 = arith.constant 0 : i32
      %dma_start3A_1071 = arith.constant 0 : i32
      %dma_start3A_1072 = tpu.memref_slice %arg23[%dma_start3A_1070, %dma_start3A_1071] : memref<10016x64xf32, #tpu.memory_space<vmem_shared>> -> memref<10016x64xf32, #tpu.memory_space<vmem_shared>>
      tpu.enqueue_indirect_dma source(%arg18 : memref<125x64xf32, #tpu.memory_space<vmem>>) target(%dma_start3A_1072 : memref<10016x64xf32, #tpu.memory_space<vmem_shared>>) offsets(%dma_start3A_1069 : memref<125xi32, #tpu.memory_space<vmem>>) semaphore(%arg38 : memref<!tpu.dma_semaphore, #tpu.memory_space<semaphore_mem>>) {add = true}
      %ne3A_1073 = arith.constant 0 : i32
      %ne3A_1074 = arith.cmpi ne, %arg0, %ne3A_1073 : i32
      %convert_element_type3A_1075 = arith.extui %ne3A_1074 : i1 to i32
      %cond3A_1076 = arith.constant 0 : i32
      %cond3A_1077 = arith.cmpi ne, %convert_element_type3A_1075, %cond3A_1076 : i32
      scf.if %cond3A_1077 {
        %dma_start3A_1461 = arith.constant 5 : i32
        %dma_start3A_1462 = arith.constant 0 : i32
        %dma_start3A_1463 = tpu.memref_slice %arg15[%dma_start3A_1461, %dma_start3A_1462] : memref<8x125xi32, #tpu.memory_space<vmem>> -> memref<1x125xi32, #tpu.memory_space<vmem>>
        %dma_start3A_1464 = tpu.memref_squeeze %dma_start3A_1463 : memref<1x125xi32, #tpu.memory_space<vmem>> -> memref<125xi32, #tpu.memory_space<vmem>>
        %dma_start3A_1465 = arith.constant 0 : i32
        %dma_start3A_1466 = arith.constant 0 : i32
        %dma_start3A_1467 = tpu.memref_slice %arg24[%dma_start3A_1465, %dma_start3A_1466] : memref<10016x8xf32, #tpu.memory_space<vmem_shared>> -> memref<10016x8xf32, #tpu.memory_space<vmem_shared>>
        tpu.enqueue_indirect_dma source(%arg21 : memref<125x8xf32, #tpu.memory_space<vmem>>) target(%dma_start3A_1467 : memref<10016x8xf32, #tpu.memory_space<vmem_shared>>) offsets(%dma_start3A_1464 : memref<125xi32, #tpu.memory_space<vmem>>) semaphore(%arg42 : memref<!tpu.dma_semaphore, #tpu.memory_space<semaphore_mem>>) {add = true}
      } else {
      }
      %dma_wait3A_1078 = arith.constant 4 : i32
      %dma_wait3A_1079 = arith.constant 0 : i32
      %dma_wait3A_1080 = tpu.memref_slice %arg15[%dma_wait3A_1078, %dma_wait3A_1079] : memref<8x125xi32, #tpu.memory_space<vmem>> -> memref<1x125xi32, #tpu.memory_space<vmem>>
      %dma_wait3A_1081 = tpu.memref_squeeze %dma_wait3A_1080 : memref<1x125xi32, #tpu.memory_space<vmem>> -> memref<125xi32, #tpu.memory_space<vmem>>
      %dma_wait3A_1082 = arith.constant 0 : i32
      %dma_wait3A_1083 = arith.constant 0 : i32
      %dma_wait3A_1084 = tpu.memref_slice %arg23[%dma_wait3A_1082, %dma_wait3A_1083] : memref<10016x64xf32, #tpu.memory_space<vmem_shared>> -> memref<10016x64xf32, #tpu.memory_space<vmem_shared>>
      tpu.wait_indirect_dma semaphore(%arg37 : memref<!tpu.dma_semaphore, #tpu.memory_space<semaphore_mem>>) src(%arg17 : memref<125x64xf32, #tpu.memory_space<vmem>>) dst(%dma_wait3A_1084 : memref<10016x64xf32, #tpu.memory_space<vmem_shared>>)
      %eq3A_1085 = arith.constant 0 : i32
      %eq3A_1086 = arith.cmpi eq, %arg0, %eq3A_1085 : i32
      %convert_element_type3A_1087 = arith.extui %eq3A_1086 : i1 to i32
      %cond3A_1088 = arith.constant 0 : i32
      %cond3A_1089 = arith.cmpi ne, %convert_element_type3A_1087, %cond3A_1088 : i32
      scf.if %cond3A_1089 {
        %dma_wait3A_1461 = arith.constant 4 : i32
        %dma_wait3A_1462 = arith.constant 0 : i32
        %dma_wait3A_1463 = tpu.memref_slice %arg15[%dma_wait3A_1461, %dma_wait3A_1462] : memref<8x125xi32, #tpu.memory_space<vmem>> -> memref<1x125xi32, #tpu.memory_space<vmem>>
        %dma_wait3A_1464 = tpu.memref_squeeze %dma_wait3A_1463 : memref<1x125xi32, #tpu.memory_space<vmem>> -> memref<125xi32, #tpu.memory_space<vmem>>
        %dma_wait3A_1465 = arith.constant 0 : i32
        %dma_wait3A_1466 = arith.constant 0 : i32
        %dma_wait3A_1467 = tpu.memref_slice %arg24[%dma_wait3A_1465, %dma_wait3A_1466] : memref<10016x8xf32, #tpu.memory_space<vmem_shared>> -> memref<10016x8xf32, #tpu.memory_space<vmem_shared>>
        tpu.wait_indirect_dma semaphore(%arg41 : memref<!tpu.dma_semaphore, #tpu.memory_space<semaphore_mem>>) src(%arg21 : memref<125x8xf32, #tpu.memory_space<vmem>>) dst(%dma_wait3A_1467 : memref<10016x8xf32, #tpu.memory_space<vmem_shared>>)
      } else {
      }
      %dma_start3A_1090 = arith.constant 0 : i32
      %dma_start3A_1091 = arith.constant 0 : i32
      %dma_start3A_1092 = tpu.memref_slice %arg12[%dma_start3A_1090, %dma_start3A_1091] : memref<8x125xi32, #tpu.memory_space<vmem>> -> memref<1x125xi32, #tpu.memory_space<vmem>>
      %dma_start3A_1093 = tpu.memref_squeeze %dma_start3A_1092 : memref<1x125xi32, #tpu.memory_space<vmem>> -> memref<125xi32, #tpu.memory_space<vmem>>
      %dma_start3A_1094 = arith.constant 0 : i32
      %dma_start3A_1095 = arith.constant 0 : i32
      %dma_start3A_1096 = tpu.memref_slice %arg22[%dma_start3A_1094, %dma_start3A_1095] : memref<10000x64xf32, #tpu.memory_space<vmem_shared>> -> memref<10000x64xf32, #tpu.memory_space<vmem_shared>>
      tpu.enqueue_indirect_dma source(%dma_start3A_1096 : memref<10000x64xf32, #tpu.memory_space<vmem_shared>>) target(%arg17 : memref<125x64xf32, #tpu.memory_space<vmem>>) offsets(%dma_start3A_1093 : memref<125xi32, #tpu.memory_space<vmem>>) semaphore(%arg33 : memref<!tpu.dma_semaphore, #tpu.memory_space<semaphore_mem>>)
      %dma_wait3A_1097 = arith.constant 6 : i32
      %dma_wait3A_1098 = arith.constant 0 : i32
      %dma_wait3A_1099 = tpu.memref_slice %arg11[%dma_wait3A_1097, %dma_wait3A_1098] : memref<8x125xi32, #tpu.memory_space<vmem>> -> memref<1x125xi32, #tpu.memory_space<vmem>>
      %dma_wait3A_1100 = tpu.memref_squeeze %dma_wait3A_1099 : memref<1x125xi32, #tpu.memory_space<vmem>> -> memref<125xi32, #tpu.memory_space<vmem>>
      %dma_wait3A_1101 = arith.constant 0 : i32
      %dma_wait3A_1102 = arith.constant 0 : i32
      %dma_wait3A_1103 = tpu.memref_slice %arg22[%dma_wait3A_1101, %dma_wait3A_1102] : memref<10000x64xf32, #tpu.memory_space<vmem_shared>> -> memref<10000x64xf32, #tpu.memory_space<vmem_shared>>
      tpu.wait_indirect_dma semaphore(%arg35 : memref<!tpu.dma_semaphore, #tpu.memory_space<semaphore_mem>>) src(%dma_wait3A_1103 : memref<10000x64xf32, #tpu.memory_space<vmem_shared>>) dst(%arg19 : memref<125x64xf32, #tpu.memory_space<vmem>>)
      %dma_start3A_1104 = arith.constant 6 : i32
      %dma_start3A_1105 = arith.constant 0 : i32
      %dma_start3A_1106 = tpu.memref_slice %arg15[%dma_start3A_1104, %dma_start3A_1105] : memref<8x125xi32, #tpu.memory_space<vmem>> -> memref<1x125xi32, #tpu.memory_space<vmem>>
      %dma_start3A_1107 = tpu.memref_squeeze %dma_start3A_1106 : memref<1x125xi32, #tpu.memory_space<vmem>> -> memref<125xi32, #tpu.memory_space<vmem>>
      %dma_start3A_1108 = arith.constant 0 : i32
      %dma_start3A_1109 = arith.constant 0 : i32
      %dma_start3A_1110 = tpu.memref_slice %arg23[%dma_start3A_1108, %dma_start3A_1109] : memref<10016x64xf32, #tpu.memory_space<vmem_shared>> -> memref<10016x64xf32, #tpu.memory_space<vmem_shared>>
      tpu.enqueue_indirect_dma source(%arg19 : memref<125x64xf32, #tpu.memory_space<vmem>>) target(%dma_start3A_1110 : memref<10016x64xf32, #tpu.memory_space<vmem_shared>>) offsets(%dma_start3A_1107 : memref<125xi32, #tpu.memory_space<vmem>>) semaphore(%arg39 : memref<!tpu.dma_semaphore, #tpu.memory_space<semaphore_mem>>) {add = true}
      %eq3A_1111 = arith.constant 0 : i32
      %eq3A_1112 = arith.cmpi eq, %arg0, %eq3A_1111 : i32
      %convert_element_type3A_1113 = arith.extui %eq3A_1112 : i1 to i32
      %cond3A_1114 = arith.constant 0 : i32
      %cond3A_1115 = arith.cmpi ne, %convert_element_type3A_1113, %cond3A_1114 : i32
      scf.if %cond3A_1115 {
        %dma_start3A_1461 = arith.constant 6 : i32
        %dma_start3A_1462 = arith.constant 0 : i32
        %dma_start3A_1463 = tpu.memref_slice %arg15[%dma_start3A_1461, %dma_start3A_1462] : memref<8x125xi32, #tpu.memory_space<vmem>> -> memref<1x125xi32, #tpu.memory_space<vmem>>
        %dma_start3A_1464 = tpu.memref_squeeze %dma_start3A_1463 : memref<1x125xi32, #tpu.memory_space<vmem>> -> memref<125xi32, #tpu.memory_space<vmem>>
        %dma_start3A_1465 = arith.constant 0 : i32
        %dma_start3A_1466 = arith.constant 0 : i32
        %dma_start3A_1467 = tpu.memref_slice %arg24[%dma_start3A_1465, %dma_start3A_1466] : memref<10016x8xf32, #tpu.memory_space<vmem_shared>> -> memref<10016x8xf32, #tpu.memory_space<vmem_shared>>
        tpu.enqueue_indirect_dma source(%arg21 : memref<125x8xf32, #tpu.memory_space<vmem>>) target(%dma_start3A_1467 : memref<10016x8xf32, #tpu.memory_space<vmem_shared>>) offsets(%dma_start3A_1464 : memref<125xi32, #tpu.memory_space<vmem>>) semaphore(%arg43 : memref<!tpu.dma_semaphore, #tpu.memory_space<semaphore_mem>>) {add = true}
      } else {
      }
      %dma_wait3A_1116 = arith.constant 5 : i32
      %dma_wait3A_1117 = arith.constant 0 : i32
      %dma_wait3A_1118 = tpu.memref_slice %arg15[%dma_wait3A_1116, %dma_wait3A_1117] : memref<8x125xi32, #tpu.memory_space<vmem>> -> memref<1x125xi32, #tpu.memory_space<vmem>>
      %dma_wait3A_1119 = tpu.memref_squeeze %dma_wait3A_1118 : memref<1x125xi32, #tpu.memory_space<vmem>> -> memref<125xi32, #tpu.memory_space<vmem>>
      %dma_wait3A_1120 = arith.constant 0 : i32
      %dma_wait3A_1121 = arith.constant 0 : i32
      %dma_wait3A_1122 = tpu.memref_slice %arg23[%dma_wait3A_1120, %dma_wait3A_1121] : memref<10016x64xf32, #tpu.memory_space<vmem_shared>> -> memref<10016x64xf32, #tpu.memory_space<vmem_shared>>
      tpu.wait_indirect_dma semaphore(%arg38 : memref<!tpu.dma_semaphore, #tpu.memory_space<semaphore_mem>>) src(%arg18 : memref<125x64xf32, #tpu.memory_space<vmem>>) dst(%dma_wait3A_1122 : memref<10016x64xf32, #tpu.memory_space<vmem_shared>>)
      %ne3A_1123 = arith.constant 0 : i32
      %ne3A_1124 = arith.cmpi ne, %arg0, %ne3A_1123 : i32
      %convert_element_type3A_1125 = arith.extui %ne3A_1124 : i1 to i32
      %cond3A_1126 = arith.constant 0 : i32
      %cond3A_1127 = arith.cmpi ne, %convert_element_type3A_1125, %cond3A_1126 : i32
      scf.if %cond3A_1127 {
        %dma_wait3A_1461 = arith.constant 5 : i32
        %dma_wait3A_1462 = arith.constant 0 : i32
        %dma_wait3A_1463 = tpu.memref_slice %arg15[%dma_wait3A_1461, %dma_wait3A_1462] : memref<8x125xi32, #tpu.memory_space<vmem>> -> memref<1x125xi32, #tpu.memory_space<vmem>>
        %dma_wait3A_1464 = tpu.memref_squeeze %dma_wait3A_1463 : memref<1x125xi32, #tpu.memory_space<vmem>> -> memref<125xi32, #tpu.memory_space<vmem>>
        %dma_wait3A_1465 = arith.constant 0 : i32
        %dma_wait3A_1466 = arith.constant 0 : i32
        %dma_wait3A_1467 = tpu.memref_slice %arg24[%dma_wait3A_1465, %dma_wait3A_1466] : memref<10016x8xf32, #tpu.memory_space<vmem_shared>> -> memref<10016x8xf32, #tpu.memory_space<vmem_shared>>
        tpu.wait_indirect_dma semaphore(%arg42 : memref<!tpu.dma_semaphore, #tpu.memory_space<semaphore_mem>>) src(%arg21 : memref<125x8xf32, #tpu.memory_space<vmem>>) dst(%dma_wait3A_1467 : memref<10016x8xf32, #tpu.memory_space<vmem_shared>>)
      } else {
      }
      %dma_start3A_1128 = arith.constant 1 : i32
      %dma_start3A_1129 = arith.constant 0 : i32
      %dma_start3A_1130 = tpu.memref_slice %arg12[%dma_start3A_1128, %dma_start3A_1129] : memref<8x125xi32, #tpu.memory_space<vmem>> -> memref<1x125xi32, #tpu.memory_space<vmem>>
      %dma_start3A_1131 = tpu.memref_squeeze %dma_start3A_1130 : memref<1x125xi32, #tpu.memory_space<vmem>> -> memref<125xi32, #tpu.memory_space<vmem>>
      %dma_start3A_1132 = arith.constant 0 : i32
      %dma_start3A_1133 = arith.constant 0 : i32
      %dma_start3A_1134 = tpu.memref_slice %arg22[%dma_start3A_1132, %dma_start3A_1133] : memref<10000x64xf32, #tpu.memory_space<vmem_shared>> -> memref<10000x64xf32, #tpu.memory_space<vmem_shared>>
      tpu.enqueue_indirect_dma source(%dma_start3A_1134 : memref<10000x64xf32, #tpu.memory_space<vmem_shared>>) target(%arg18 : memref<125x64xf32, #tpu.memory_space<vmem>>) offsets(%dma_start3A_1131 : memref<125xi32, #tpu.memory_space<vmem>>) semaphore(%arg34 : memref<!tpu.dma_semaphore, #tpu.memory_space<semaphore_mem>>)
      %dma_wait3A_1135 = arith.constant 7 : i32
      %dma_wait3A_1136 = arith.constant 0 : i32
      %dma_wait3A_1137 = tpu.memref_slice %arg11[%dma_wait3A_1135, %dma_wait3A_1136] : memref<8x125xi32, #tpu.memory_space<vmem>> -> memref<1x125xi32, #tpu.memory_space<vmem>>
      %dma_wait3A_1138 = tpu.memref_squeeze %dma_wait3A_1137 : memref<1x125xi32, #tpu.memory_space<vmem>> -> memref<125xi32, #tpu.memory_space<vmem>>
      %dma_wait3A_1139 = arith.constant 0 : i32
      %dma_wait3A_1140 = arith.constant 0 : i32
      %dma_wait3A_1141 = tpu.memref_slice %arg22[%dma_wait3A_1139, %dma_wait3A_1140] : memref<10000x64xf32, #tpu.memory_space<vmem_shared>> -> memref<10000x64xf32, #tpu.memory_space<vmem_shared>>
      tpu.wait_indirect_dma semaphore(%arg36 : memref<!tpu.dma_semaphore, #tpu.memory_space<semaphore_mem>>) src(%dma_wait3A_1141 : memref<10000x64xf32, #tpu.memory_space<vmem_shared>>) dst(%arg20 : memref<125x64xf32, #tpu.memory_space<vmem>>)
      %dma_start3A_1142 = arith.constant 7 : i32
      %dma_start3A_1143 = arith.constant 0 : i32
      %dma_start3A_1144 = tpu.memref_slice %arg15[%dma_start3A_1142, %dma_start3A_1143] : memref<8x125xi32, #tpu.memory_space<vmem>> -> memref<1x125xi32, #tpu.memory_space<vmem>>
      %dma_start3A_1145 = tpu.memref_squeeze %dma_start3A_1144 : memref<1x125xi32, #tpu.memory_space<vmem>> -> memref<125xi32, #tpu.memory_space<vmem>>
      %dma_start3A_1146 = arith.constant 0 : i32
      %dma_start3A_1147 = arith.constant 0 : i32
      %dma_start3A_1148 = tpu.memref_slice %arg23[%dma_start3A_1146, %dma_start3A_1147] : memref<10016x64xf32, #tpu.memory_space<vmem_shared>> -> memref<10016x64xf32, #tpu.memory_space<vmem_shared>>
      tpu.enqueue_indirect_dma source(%arg20 : memref<125x64xf32, #tpu.memory_space<vmem>>) target(%dma_start3A_1148 : memref<10016x64xf32, #tpu.memory_space<vmem_shared>>) offsets(%dma_start3A_1145 : memref<125xi32, #tpu.memory_space<vmem>>) semaphore(%arg40 : memref<!tpu.dma_semaphore, #tpu.memory_space<semaphore_mem>>) {add = true}
      %ne3A_1149 = arith.constant 0 : i32
      %ne3A_1150 = arith.cmpi ne, %arg0, %ne3A_1149 : i32
      %convert_element_type3A_1151 = arith.extui %ne3A_1150 : i1 to i32
      %cond3A_1152 = arith.constant 0 : i32
      %cond3A_1153 = arith.cmpi ne, %convert_element_type3A_1151, %cond3A_1152 : i32
      scf.if %cond3A_1153 {
        %dma_start3A_1461 = arith.constant 7 : i32
        %dma_start3A_1462 = arith.constant 0 : i32
        %dma_start3A_1463 = tpu.memref_slice %arg15[%dma_start3A_1461, %dma_start3A_1462] : memref<8x125xi32, #tpu.memory_space<vmem>> -> memref<1x125xi32, #tpu.memory_space<vmem>>
        %dma_start3A_1464 = tpu.memref_squeeze %dma_start3A_1463 : memref<1x125xi32, #tpu.memory_space<vmem>> -> memref<125xi32, #tpu.memory_space<vmem>>
        %dma_start3A_1465 = arith.constant 0 : i32
        %dma_start3A_1466 = arith.constant 0 : i32
        %dma_start3A_1467 = tpu.memref_slice %arg24[%dma_start3A_1465, %dma_start3A_1466] : memref<10016x8xf32, #tpu.memory_space<vmem_shared>> -> memref<10016x8xf32, #tpu.memory_space<vmem_shared>>
        tpu.enqueue_indirect_dma source(%arg21 : memref<125x8xf32, #tpu.memory_space<vmem>>) target(%dma_start3A_1467 : memref<10016x8xf32, #tpu.memory_space<vmem_shared>>) offsets(%dma_start3A_1464 : memref<125xi32, #tpu.memory_space<vmem>>) semaphore(%arg44 : memref<!tpu.dma_semaphore, #tpu.memory_space<semaphore_mem>>) {add = true}
      } else {
      }
      %dma_wait3A_1154 = arith.constant 6 : i32
      %dma_wait3A_1155 = arith.constant 0 : i32
      %dma_wait3A_1156 = tpu.memref_slice %arg15[%dma_wait3A_1154, %dma_wait3A_1155] : memref<8x125xi32, #tpu.memory_space<vmem>> -> memref<1x125xi32, #tpu.memory_space<vmem>>
      %dma_wait3A_1157 = tpu.memref_squeeze %dma_wait3A_1156 : memref<1x125xi32, #tpu.memory_space<vmem>> -> memref<125xi32, #tpu.memory_space<vmem>>
      %dma_wait3A_1158 = arith.constant 0 : i32
      %dma_wait3A_1159 = arith.constant 0 : i32
      %dma_wait3A_1160 = tpu.memref_slice %arg23[%dma_wait3A_1158, %dma_wait3A_1159] : memref<10016x64xf32, #tpu.memory_space<vmem_shared>> -> memref<10016x64xf32, #tpu.memory_space<vmem_shared>>
      tpu.wait_indirect_dma semaphore(%arg39 : memref<!tpu.dma_semaphore, #tpu.memory_space<semaphore_mem>>) src(%arg19 : memref<125x64xf32, #tpu.memory_space<vmem>>) dst(%dma_wait3A_1160 : memref<10016x64xf32, #tpu.memory_space<vmem_shared>>)
      %eq3A_1161 = arith.constant 0 : i32
      %eq3A_1162 = arith.cmpi eq, %arg0, %eq3A_1161 : i32
      %convert_element_type3A_1163 = arith.extui %eq3A_1162 : i1 to i32
      %cond3A_1164 = arith.constant 0 : i32
      %cond3A_1165 = arith.cmpi ne, %convert_element_type3A_1163, %cond3A_1164 : i32
      scf.if %cond3A_1165 {
        %dma_wait3A_1461 = arith.constant 6 : i32
        %dma_wait3A_1462 = arith.constant 0 : i32
        %dma_wait3A_1463 = tpu.memref_slice %arg15[%dma_wait3A_1461, %dma_wait3A_1462] : memref<8x125xi32, #tpu.memory_space<vmem>> -> memref<1x125xi32, #tpu.memory_space<vmem>>
        %dma_wait3A_1464 = tpu.memref_squeeze %dma_wait3A_1463 : memref<1x125xi32, #tpu.memory_space<vmem>> -> memref<125xi32, #tpu.memory_space<vmem>>
        %dma_wait3A_1465 = arith.constant 0 : i32
        %dma_wait3A_1466 = arith.constant 0 : i32
        %dma_wait3A_1467 = tpu.memref_slice %arg24[%dma_wait3A_1465, %dma_wait3A_1466] : memref<10016x8xf32, #tpu.memory_space<vmem_shared>> -> memref<10016x8xf32, #tpu.memory_space<vmem_shared>>
        tpu.wait_indirect_dma semaphore(%arg43 : memref<!tpu.dma_semaphore, #tpu.memory_space<semaphore_mem>>) src(%arg21 : memref<125x8xf32, #tpu.memory_space<vmem>>) dst(%dma_wait3A_1467 : memref<10016x8xf32, #tpu.memory_space<vmem_shared>>)
      } else {
      }
      %dma_start3A_1166 = arith.constant 2 : i32
      %dma_start3A_1167 = arith.constant 0 : i32
      %dma_start3A_1168 = tpu.memref_slice %arg12[%dma_start3A_1166, %dma_start3A_1167] : memref<8x125xi32, #tpu.memory_space<vmem>> -> memref<1x125xi32, #tpu.memory_space<vmem>>
      %dma_start3A_1169 = tpu.memref_squeeze %dma_start3A_1168 : memref<1x125xi32, #tpu.memory_space<vmem>> -> memref<125xi32, #tpu.memory_space<vmem>>
      %dma_start3A_1170 = arith.constant 0 : i32
      %dma_start3A_1171 = arith.constant 0 : i32
      %dma_start3A_1172 = tpu.memref_slice %arg22[%dma_start3A_1170, %dma_start3A_1171] : memref<10000x64xf32, #tpu.memory_space<vmem_shared>> -> memref<10000x64xf32, #tpu.memory_space<vmem_shared>>
      tpu.enqueue_indirect_dma source(%dma_start3A_1172 : memref<10000x64xf32, #tpu.memory_space<vmem_shared>>) target(%arg19 : memref<125x64xf32, #tpu.memory_space<vmem>>) offsets(%dma_start3A_1169 : memref<125xi32, #tpu.memory_space<vmem>>) semaphore(%arg35 : memref<!tpu.dma_semaphore, #tpu.memory_space<semaphore_mem>>)
      %dma_wait3A_1173 = arith.constant 0 : i32
      %dma_wait3A_1174 = arith.constant 0 : i32
      %dma_wait3A_1175 = tpu.memref_slice %arg12[%dma_wait3A_1173, %dma_wait3A_1174] : memref<8x125xi32, #tpu.memory_space<vmem>> -> memref<1x125xi32, #tpu.memory_space<vmem>>
      %dma_wait3A_1176 = tpu.memref_squeeze %dma_wait3A_1175 : memref<1x125xi32, #tpu.memory_space<vmem>> -> memref<125xi32, #tpu.memory_space<vmem>>
      %dma_wait3A_1177 = arith.constant 0 : i32
      %dma_wait3A_1178 = arith.constant 0 : i32
      %dma_wait3A_1179 = tpu.memref_slice %arg22[%dma_wait3A_1177, %dma_wait3A_1178] : memref<10000x64xf32, #tpu.memory_space<vmem_shared>> -> memref<10000x64xf32, #tpu.memory_space<vmem_shared>>
      tpu.wait_indirect_dma semaphore(%arg33 : memref<!tpu.dma_semaphore, #tpu.memory_space<semaphore_mem>>) src(%dma_wait3A_1179 : memref<10000x64xf32, #tpu.memory_space<vmem_shared>>) dst(%arg17 : memref<125x64xf32, #tpu.memory_space<vmem>>)
      %dma_start3A_1180 = arith.constant 0 : i32
      %dma_start3A_1181 = arith.constant 0 : i32
      %dma_start3A_1182 = tpu.memref_slice %arg16[%dma_start3A_1180, %dma_start3A_1181] : memref<8x125xi32, #tpu.memory_space<vmem>> -> memref<1x125xi32, #tpu.memory_space<vmem>>
      %dma_start3A_1183 = tpu.memref_squeeze %dma_start3A_1182 : memref<1x125xi32, #tpu.memory_space<vmem>> -> memref<125xi32, #tpu.memory_space<vmem>>
      %dma_start3A_1184 = arith.constant 0 : i32
      %dma_start3A_1185 = arith.constant 0 : i32
      %dma_start3A_1186 = tpu.memref_slice %arg23[%dma_start3A_1184, %dma_start3A_1185] : memref<10016x64xf32, #tpu.memory_space<vmem_shared>> -> memref<10016x64xf32, #tpu.memory_space<vmem_shared>>
      tpu.enqueue_indirect_dma source(%arg17 : memref<125x64xf32, #tpu.memory_space<vmem>>) target(%dma_start3A_1186 : memref<10016x64xf32, #tpu.memory_space<vmem_shared>>) offsets(%dma_start3A_1183 : memref<125xi32, #tpu.memory_space<vmem>>) semaphore(%arg37 : memref<!tpu.dma_semaphore, #tpu.memory_space<semaphore_mem>>) {add = true}
      %eq3A_1187 = arith.constant 0 : i32
      %eq3A_1188 = arith.cmpi eq, %arg0, %eq3A_1187 : i32
      %convert_element_type3A_1189 = arith.extui %eq3A_1188 : i1 to i32
      %cond3A_1190 = arith.constant 0 : i32
      %cond3A_1191 = arith.cmpi ne, %convert_element_type3A_1189, %cond3A_1190 : i32
      scf.if %cond3A_1191 {
        %dma_start3A_1461 = arith.constant 0 : i32
        %dma_start3A_1462 = arith.constant 0 : i32
        %dma_start3A_1463 = tpu.memref_slice %arg16[%dma_start3A_1461, %dma_start3A_1462] : memref<8x125xi32, #tpu.memory_space<vmem>> -> memref<1x125xi32, #tpu.memory_space<vmem>>
        %dma_start3A_1464 = tpu.memref_squeeze %dma_start3A_1463 : memref<1x125xi32, #tpu.memory_space<vmem>> -> memref<125xi32, #tpu.memory_space<vmem>>
        %dma_start3A_1465 = arith.constant 0 : i32
        %dma_start3A_1466 = arith.constant 0 : i32
        %dma_start3A_1467 = tpu.memref_slice %arg24[%dma_start3A_1465, %dma_start3A_1466] : memref<10016x8xf32, #tpu.memory_space<vmem_shared>> -> memref<10016x8xf32, #tpu.memory_space<vmem_shared>>
        tpu.enqueue_indirect_dma source(%arg21 : memref<125x8xf32, #tpu.memory_space<vmem>>) target(%dma_start3A_1467 : memref<10016x8xf32, #tpu.memory_space<vmem_shared>>) offsets(%dma_start3A_1464 : memref<125xi32, #tpu.memory_space<vmem>>) semaphore(%arg41 : memref<!tpu.dma_semaphore, #tpu.memory_space<semaphore_mem>>) {add = true}
      } else {
      }
      %dma_wait3A_1192 = arith.constant 7 : i32
      %dma_wait3A_1193 = arith.constant 0 : i32
      %dma_wait3A_1194 = tpu.memref_slice %arg15[%dma_wait3A_1192, %dma_wait3A_1193] : memref<8x125xi32, #tpu.memory_space<vmem>> -> memref<1x125xi32, #tpu.memory_space<vmem>>
      %dma_wait3A_1195 = tpu.memref_squeeze %dma_wait3A_1194 : memref<1x125xi32, #tpu.memory_space<vmem>> -> memref<125xi32, #tpu.memory_space<vmem>>
      %dma_wait3A_1196 = arith.constant 0 : i32
      %dma_wait3A_1197 = arith.constant 0 : i32
      %dma_wait3A_1198 = tpu.memref_slice %arg23[%dma_wait3A_1196, %dma_wait3A_1197] : memref<10016x64xf32, #tpu.memory_space<vmem_shared>> -> memref<10016x64xf32, #tpu.memory_space<vmem_shared>>
      tpu.wait_indirect_dma semaphore(%arg40 : memref<!tpu.dma_semaphore, #tpu.memory_space<semaphore_mem>>) src(%arg20 : memref<125x64xf32, #tpu.memory_space<vmem>>) dst(%dma_wait3A_1198 : memref<10016x64xf32, #tpu.memory_space<vmem_shared>>)
      %ne3A_1199 = arith.constant 0 : i32
      %ne3A_1200 = arith.cmpi ne, %arg0, %ne3A_1199 : i32
      %convert_element_type3A_1201 = arith.extui %ne3A_1200 : i1 to i32
      %cond3A_1202 = arith.constant 0 : i32
      %cond3A_1203 = arith.cmpi ne, %convert_element_type3A_1201, %cond3A_1202 : i32
      scf.if %cond3A_1203 {
        %dma_wait3A_1461 = arith.constant 7 : i32
        %dma_wait3A_1462 = arith.constant 0 : i32
        %dma_wait3A_1463 = tpu.memref_slice %arg15[%dma_wait3A_1461, %dma_wait3A_1462] : memref<8x125xi32, #tpu.memory_space<vmem>> -> memref<1x125xi32, #tpu.memory_space<vmem>>
        %dma_wait3A_1464 = tpu.memref_squeeze %dma_wait3A_1463 : memref<1x125xi32, #tpu.memory_space<vmem>> -> memref<125xi32, #tpu.memory_space<vmem>>
        %dma_wait3A_1465 = arith.constant 0 : i32
        %dma_wait3A_1466 = arith.constant 0 : i32
        %dma_wait3A_1467 = tpu.memref_slice %arg24[%dma_wait3A_1465, %dma_wait3A_1466] : memref<10016x8xf32, #tpu.memory_space<vmem_shared>> -> memref<10016x8xf32, #tpu.memory_space<vmem_shared>>
        tpu.wait_indirect_dma semaphore(%arg44 : memref<!tpu.dma_semaphore, #tpu.memory_space<semaphore_mem>>) src(%arg21 : memref<125x8xf32, #tpu.memory_space<vmem>>) dst(%dma_wait3A_1467 : memref<10016x8xf32, #tpu.memory_space<vmem_shared>>)
      } else {
      }
      %dma_start3A_1204 = arith.constant 3 : i32
      %dma_start3A_1205 = arith.constant 0 : i32
      %dma_start3A_1206 = tpu.memref_slice %arg12[%dma_start3A_1204, %dma_start3A_1205] : memref<8x125xi32, #tpu.memory_space<vmem>> -> memref<1x125xi32, #tpu.memory_space<vmem>>
      %dma_start3A_1207 = tpu.memref_squeeze %dma_start3A_1206 : memref<1x125xi32, #tpu.memory_space<vmem>> -> memref<125xi32, #tpu.memory_space<vmem>>
      %dma_start3A_1208 = arith.constant 0 : i32
      %dma_start3A_1209 = arith.constant 0 : i32
      %dma_start3A_1210 = tpu.memref_slice %arg22[%dma_start3A_1208, %dma_start3A_1209] : memref<10000x64xf32, #tpu.memory_space<vmem_shared>> -> memref<10000x64xf32, #tpu.memory_space<vmem_shared>>
      tpu.enqueue_indirect_dma source(%dma_start3A_1210 : memref<10000x64xf32, #tpu.memory_space<vmem_shared>>) target(%arg20 : memref<125x64xf32, #tpu.memory_space<vmem>>) offsets(%dma_start3A_1207 : memref<125xi32, #tpu.memory_space<vmem>>) semaphore(%arg36 : memref<!tpu.dma_semaphore, #tpu.memory_space<semaphore_mem>>)
      %dma_wait3A_1211 = arith.constant 1 : i32
      %dma_wait3A_1212 = arith.constant 0 : i32
      %dma_wait3A_1213 = tpu.memref_slice %arg12[%dma_wait3A_1211, %dma_wait3A_1212] : memref<8x125xi32, #tpu.memory_space<vmem>> -> memref<1x125xi32, #tpu.memory_space<vmem>>
      %dma_wait3A_1214 = tpu.memref_squeeze %dma_wait3A_1213 : memref<1x125xi32, #tpu.memory_space<vmem>> -> memref<125xi32, #tpu.memory_space<vmem>>
      %dma_wait3A_1215 = arith.constant 0 : i32
      %dma_wait3A_1216 = arith.constant 0 : i32
      %dma_wait3A_1217 = tpu.memref_slice %arg22[%dma_wait3A_1215, %dma_wait3A_1216] : memref<10000x64xf32, #tpu.memory_space<vmem_shared>> -> memref<10000x64xf32, #tpu.memory_space<vmem_shared>>
      tpu.wait_indirect_dma semaphore(%arg34 : memref<!tpu.dma_semaphore, #tpu.memory_space<semaphore_mem>>) src(%dma_wait3A_1217 : memref<10000x64xf32, #tpu.memory_space<vmem_shared>>) dst(%arg18 : memref<125x64xf32, #tpu.memory_space<vmem>>)
      %dma_start3A_1218 = arith.constant 1 : i32
      %dma_start3A_1219 = arith.constant 0 : i32
      %dma_start3A_1220 = tpu.memref_slice %arg16[%dma_start3A_1218, %dma_start3A_1219] : memref<8x125xi32, #tpu.memory_space<vmem>> -> memref<1x125xi32, #tpu.memory_space<vmem>>
      %dma_start3A_1221 = tpu.memref_squeeze %dma_start3A_1220 : memref<1x125xi32, #tpu.memory_space<vmem>> -> memref<125xi32, #tpu.memory_space<vmem>>
      %dma_start3A_1222 = arith.constant 0 : i32
      %dma_start3A_1223 = arith.constant 0 : i32
      %dma_start3A_1224 = tpu.memref_slice %arg23[%dma_start3A_1222, %dma_start3A_1223] : memref<10016x64xf32, #tpu.memory_space<vmem_shared>> -> memref<10016x64xf32, #tpu.memory_space<vmem_shared>>
      tpu.enqueue_indirect_dma source(%arg18 : memref<125x64xf32, #tpu.memory_space<vmem>>) target(%dma_start3A_1224 : memref<10016x64xf32, #tpu.memory_space<vmem_shared>>) offsets(%dma_start3A_1221 : memref<125xi32, #tpu.memory_space<vmem>>) semaphore(%arg38 : memref<!tpu.dma_semaphore, #tpu.memory_space<semaphore_mem>>) {add = true}
      %ne3A_1225 = arith.constant 0 : i32
      %ne3A_1226 = arith.cmpi ne, %arg0, %ne3A_1225 : i32
      %convert_element_type3A_1227 = arith.extui %ne3A_1226 : i1 to i32
      %cond3A_1228 = arith.constant 0 : i32
      %cond3A_1229 = arith.cmpi ne, %convert_element_type3A_1227, %cond3A_1228 : i32
      scf.if %cond3A_1229 {
        %dma_start3A_1461 = arith.constant 1 : i32
        %dma_start3A_1462 = arith.constant 0 : i32
        %dma_start3A_1463 = tpu.memref_slice %arg16[%dma_start3A_1461, %dma_start3A_1462] : memref<8x125xi32, #tpu.memory_space<vmem>> -> memref<1x125xi32, #tpu.memory_space<vmem>>
        %dma_start3A_1464 = tpu.memref_squeeze %dma_start3A_1463 : memref<1x125xi32, #tpu.memory_space<vmem>> -> memref<125xi32, #tpu.memory_space<vmem>>
        %dma_start3A_1465 = arith.constant 0 : i32
        %dma_start3A_1466 = arith.constant 0 : i32
        %dma_start3A_1467 = tpu.memref_slice %arg24[%dma_start3A_1465, %dma_start3A_1466] : memref<10016x8xf32, #tpu.memory_space<vmem_shared>> -> memref<10016x8xf32, #tpu.memory_space<vmem_shared>>
        tpu.enqueue_indirect_dma source(%arg21 : memref<125x8xf32, #tpu.memory_space<vmem>>) target(%dma_start3A_1467 : memref<10016x8xf32, #tpu.memory_space<vmem_shared>>) offsets(%dma_start3A_1464 : memref<125xi32, #tpu.memory_space<vmem>>) semaphore(%arg42 : memref<!tpu.dma_semaphore, #tpu.memory_space<semaphore_mem>>) {add = true}
      } else {
      }
      %dma_wait3A_1230 = arith.constant 0 : i32
      %dma_wait3A_1231 = arith.constant 0 : i32
      %dma_wait3A_1232 = tpu.memref_slice %arg16[%dma_wait3A_1230, %dma_wait3A_1231] : memref<8x125xi32, #tpu.memory_space<vmem>> -> memref<1x125xi32, #tpu.memory_space<vmem>>
      %dma_wait3A_1233 = tpu.memref_squeeze %dma_wait3A_1232 : memref<1x125xi32, #tpu.memory_space<vmem>> -> memref<125xi32, #tpu.memory_space<vmem>>
      %dma_wait3A_1234 = arith.constant 0 : i32
      %dma_wait3A_1235 = arith.constant 0 : i32
      %dma_wait3A_1236 = tpu.memref_slice %arg23[%dma_wait3A_1234, %dma_wait3A_1235] : memref<10016x64xf32, #tpu.memory_space<vmem_shared>> -> memref<10016x64xf32, #tpu.memory_space<vmem_shared>>
      tpu.wait_indirect_dma semaphore(%arg37 : memref<!tpu.dma_semaphore, #tpu.memory_space<semaphore_mem>>) src(%arg17 : memref<125x64xf32, #tpu.memory_space<vmem>>) dst(%dma_wait3A_1236 : memref<10016x64xf32, #tpu.memory_space<vmem_shared>>)
      %eq3A_1237 = arith.constant 0 : i32
      %eq3A_1238 = arith.cmpi eq, %arg0, %eq3A_1237 : i32
      %convert_element_type3A_1239 = arith.extui %eq3A_1238 : i1 to i32
      %cond3A_1240 = arith.constant 0 : i32
      %cond3A_1241 = arith.cmpi ne, %convert_element_type3A_1239, %cond3A_1240 : i32
      scf.if %cond3A_1241 {
        %dma_wait3A_1461 = arith.constant 0 : i32
        %dma_wait3A_1462 = arith.constant 0 : i32
        %dma_wait3A_1463 = tpu.memref_slice %arg16[%dma_wait3A_1461, %dma_wait3A_1462] : memref<8x125xi32, #tpu.memory_space<vmem>> -> memref<1x125xi32, #tpu.memory_space<vmem>>
        %dma_wait3A_1464 = tpu.memref_squeeze %dma_wait3A_1463 : memref<1x125xi32, #tpu.memory_space<vmem>> -> memref<125xi32, #tpu.memory_space<vmem>>
        %dma_wait3A_1465 = arith.constant 0 : i32
        %dma_wait3A_1466 = arith.constant 0 : i32
        %dma_wait3A_1467 = tpu.memref_slice %arg24[%dma_wait3A_1465, %dma_wait3A_1466] : memref<10016x8xf32, #tpu.memory_space<vmem_shared>> -> memref<10016x8xf32, #tpu.memory_space<vmem_shared>>
        tpu.wait_indirect_dma semaphore(%arg41 : memref<!tpu.dma_semaphore, #tpu.memory_space<semaphore_mem>>) src(%arg21 : memref<125x8xf32, #tpu.memory_space<vmem>>) dst(%dma_wait3A_1467 : memref<10016x8xf32, #tpu.memory_space<vmem_shared>>)
      } else {
      }
      %dma_start3A_1242 = arith.constant 4 : i32
      %dma_start3A_1243 = arith.constant 0 : i32
      %dma_start3A_1244 = tpu.memref_slice %arg12[%dma_start3A_1242, %dma_start3A_1243] : memref<8x125xi32, #tpu.memory_space<vmem>> -> memref<1x125xi32, #tpu.memory_space<vmem>>
      %dma_start3A_1245 = tpu.memref_squeeze %dma_start3A_1244 : memref<1x125xi32, #tpu.memory_space<vmem>> -> memref<125xi32, #tpu.memory_space<vmem>>
      %dma_start3A_1246 = arith.constant 0 : i32
      %dma_start3A_1247 = arith.constant 0 : i32
      %dma_start3A_1248 = tpu.memref_slice %arg22[%dma_start3A_1246, %dma_start3A_1247] : memref<10000x64xf32, #tpu.memory_space<vmem_shared>> -> memref<10000x64xf32, #tpu.memory_space<vmem_shared>>
      tpu.enqueue_indirect_dma source(%dma_start3A_1248 : memref<10000x64xf32, #tpu.memory_space<vmem_shared>>) target(%arg17 : memref<125x64xf32, #tpu.memory_space<vmem>>) offsets(%dma_start3A_1245 : memref<125xi32, #tpu.memory_space<vmem>>) semaphore(%arg33 : memref<!tpu.dma_semaphore, #tpu.memory_space<semaphore_mem>>)
      %dma_wait3A_1249 = arith.constant 2 : i32
      %dma_wait3A_1250 = arith.constant 0 : i32
      %dma_wait3A_1251 = tpu.memref_slice %arg12[%dma_wait3A_1249, %dma_wait3A_1250] : memref<8x125xi32, #tpu.memory_space<vmem>> -> memref<1x125xi32, #tpu.memory_space<vmem>>
      %dma_wait3A_1252 = tpu.memref_squeeze %dma_wait3A_1251 : memref<1x125xi32, #tpu.memory_space<vmem>> -> memref<125xi32, #tpu.memory_space<vmem>>
      %dma_wait3A_1253 = arith.constant 0 : i32
      %dma_wait3A_1254 = arith.constant 0 : i32
      %dma_wait3A_1255 = tpu.memref_slice %arg22[%dma_wait3A_1253, %dma_wait3A_1254] : memref<10000x64xf32, #tpu.memory_space<vmem_shared>> -> memref<10000x64xf32, #tpu.memory_space<vmem_shared>>
      tpu.wait_indirect_dma semaphore(%arg35 : memref<!tpu.dma_semaphore, #tpu.memory_space<semaphore_mem>>) src(%dma_wait3A_1255 : memref<10000x64xf32, #tpu.memory_space<vmem_shared>>) dst(%arg19 : memref<125x64xf32, #tpu.memory_space<vmem>>)
      %dma_start3A_1256 = arith.constant 2 : i32
      %dma_start3A_1257 = arith.constant 0 : i32
      %dma_start3A_1258 = tpu.memref_slice %arg16[%dma_start3A_1256, %dma_start3A_1257] : memref<8x125xi32, #tpu.memory_space<vmem>> -> memref<1x125xi32, #tpu.memory_space<vmem>>
      %dma_start3A_1259 = tpu.memref_squeeze %dma_start3A_1258 : memref<1x125xi32, #tpu.memory_space<vmem>> -> memref<125xi32, #tpu.memory_space<vmem>>
      %dma_start3A_1260 = arith.constant 0 : i32
      %dma_start3A_1261 = arith.constant 0 : i32
      %dma_start3A_1262 = tpu.memref_slice %arg23[%dma_start3A_1260, %dma_start3A_1261] : memref<10016x64xf32, #tpu.memory_space<vmem_shared>> -> memref<10016x64xf32, #tpu.memory_space<vmem_shared>>
      tpu.enqueue_indirect_dma source(%arg19 : memref<125x64xf32, #tpu.memory_space<vmem>>) target(%dma_start3A_1262 : memref<10016x64xf32, #tpu.memory_space<vmem_shared>>) offsets(%dma_start3A_1259 : memref<125xi32, #tpu.memory_space<vmem>>) semaphore(%arg39 : memref<!tpu.dma_semaphore, #tpu.memory_space<semaphore_mem>>) {add = true}
      %eq3A_1263 = arith.constant 0 : i32
      %eq3A_1264 = arith.cmpi eq, %arg0, %eq3A_1263 : i32
      %convert_element_type3A_1265 = arith.extui %eq3A_1264 : i1 to i32
      %cond3A_1266 = arith.constant 0 : i32
      %cond3A_1267 = arith.cmpi ne, %convert_element_type3A_1265, %cond3A_1266 : i32
      scf.if %cond3A_1267 {
        %dma_start3A_1461 = arith.constant 2 : i32
        %dma_start3A_1462 = arith.constant 0 : i32
        %dma_start3A_1463 = tpu.memref_slice %arg16[%dma_start3A_1461, %dma_start3A_1462] : memref<8x125xi32, #tpu.memory_space<vmem>> -> memref<1x125xi32, #tpu.memory_space<vmem>>
        %dma_start3A_1464 = tpu.memref_squeeze %dma_start3A_1463 : memref<1x125xi32, #tpu.memory_space<vmem>> -> memref<125xi32, #tpu.memory_space<vmem>>
        %dma_start3A_1465 = arith.constant 0 : i32
        %dma_start3A_1466 = arith.constant 0 : i32
        %dma_start3A_1467 = tpu.memref_slice %arg24[%dma_start3A_1465, %dma_start3A_1466] : memref<10016x8xf32, #tpu.memory_space<vmem_shared>> -> memref<10016x8xf32, #tpu.memory_space<vmem_shared>>
        tpu.enqueue_indirect_dma source(%arg21 : memref<125x8xf32, #tpu.memory_space<vmem>>) target(%dma_start3A_1467 : memref<10016x8xf32, #tpu.memory_space<vmem_shared>>) offsets(%dma_start3A_1464 : memref<125xi32, #tpu.memory_space<vmem>>) semaphore(%arg43 : memref<!tpu.dma_semaphore, #tpu.memory_space<semaphore_mem>>) {add = true}
      } else {
      }
      %dma_wait3A_1268 = arith.constant 1 : i32
      %dma_wait3A_1269 = arith.constant 0 : i32
      %dma_wait3A_1270 = tpu.memref_slice %arg16[%dma_wait3A_1268, %dma_wait3A_1269] : memref<8x125xi32, #tpu.memory_space<vmem>> -> memref<1x125xi32, #tpu.memory_space<vmem>>
      %dma_wait3A_1271 = tpu.memref_squeeze %dma_wait3A_1270 : memref<1x125xi32, #tpu.memory_space<vmem>> -> memref<125xi32, #tpu.memory_space<vmem>>
      %dma_wait3A_1272 = arith.constant 0 : i32
      %dma_wait3A_1273 = arith.constant 0 : i32
      %dma_wait3A_1274 = tpu.memref_slice %arg23[%dma_wait3A_1272, %dma_wait3A_1273] : memref<10016x64xf32, #tpu.memory_space<vmem_shared>> -> memref<10016x64xf32, #tpu.memory_space<vmem_shared>>
      tpu.wait_indirect_dma semaphore(%arg38 : memref<!tpu.dma_semaphore, #tpu.memory_space<semaphore_mem>>) src(%arg18 : memref<125x64xf32, #tpu.memory_space<vmem>>) dst(%dma_wait3A_1274 : memref<10016x64xf32, #tpu.memory_space<vmem_shared>>)
      %ne3A_1275 = arith.constant 0 : i32
      %ne3A_1276 = arith.cmpi ne, %arg0, %ne3A_1275 : i32
      %convert_element_type3A_1277 = arith.extui %ne3A_1276 : i1 to i32
      %cond3A_1278 = arith.constant 0 : i32
      %cond3A_1279 = arith.cmpi ne, %convert_element_type3A_1277, %cond3A_1278 : i32
      scf.if %cond3A_1279 {
        %dma_wait3A_1461 = arith.constant 1 : i32
        %dma_wait3A_1462 = arith.constant 0 : i32
        %dma_wait3A_1463 = tpu.memref_slice %arg16[%dma_wait3A_1461, %dma_wait3A_1462] : memref<8x125xi32, #tpu.memory_space<vmem>> -> memref<1x125xi32, #tpu.memory_space<vmem>>
        %dma_wait3A_1464 = tpu.memref_squeeze %dma_wait3A_1463 : memref<1x125xi32, #tpu.memory_space<vmem>> -> memref<125xi32, #tpu.memory_space<vmem>>
        %dma_wait3A_1465 = arith.constant 0 : i32
        %dma_wait3A_1466 = arith.constant 0 : i32
        %dma_wait3A_1467 = tpu.memref_slice %arg24[%dma_wait3A_1465, %dma_wait3A_1466] : memref<10016x8xf32, #tpu.memory_space<vmem_shared>> -> memref<10016x8xf32, #tpu.memory_space<vmem_shared>>
        tpu.wait_indirect_dma semaphore(%arg42 : memref<!tpu.dma_semaphore, #tpu.memory_space<semaphore_mem>>) src(%arg21 : memref<125x8xf32, #tpu.memory_space<vmem>>) dst(%dma_wait3A_1467 : memref<10016x8xf32, #tpu.memory_space<vmem_shared>>)
      } else {
      }
      %dma_start3A_1280 = arith.constant 5 : i32
      %dma_start3A_1281 = arith.constant 0 : i32
      %dma_start3A_1282 = tpu.memref_slice %arg12[%dma_start3A_1280, %dma_start3A_1281] : memref<8x125xi32, #tpu.memory_space<vmem>> -> memref<1x125xi32, #tpu.memory_space<vmem>>
      %dma_start3A_1283 = tpu.memref_squeeze %dma_start3A_1282 : memref<1x125xi32, #tpu.memory_space<vmem>> -> memref<125xi32, #tpu.memory_space<vmem>>
      %dma_start3A_1284 = arith.constant 0 : i32
      %dma_start3A_1285 = arith.constant 0 : i32
      %dma_start3A_1286 = tpu.memref_slice %arg22[%dma_start3A_1284, %dma_start3A_1285] : memref<10000x64xf32, #tpu.memory_space<vmem_shared>> -> memref<10000x64xf32, #tpu.memory_space<vmem_shared>>
      tpu.enqueue_indirect_dma source(%dma_start3A_1286 : memref<10000x64xf32, #tpu.memory_space<vmem_shared>>) target(%arg18 : memref<125x64xf32, #tpu.memory_space<vmem>>) offsets(%dma_start3A_1283 : memref<125xi32, #tpu.memory_space<vmem>>) semaphore(%arg34 : memref<!tpu.dma_semaphore, #tpu.memory_space<semaphore_mem>>)
      %dma_wait3A_1287 = arith.constant 3 : i32
      %dma_wait3A_1288 = arith.constant 0 : i32
      %dma_wait3A_1289 = tpu.memref_slice %arg12[%dma_wait3A_1287, %dma_wait3A_1288] : memref<8x125xi32, #tpu.memory_space<vmem>> -> memref<1x125xi32, #tpu.memory_space<vmem>>
      %dma_wait3A_1290 = tpu.memref_squeeze %dma_wait3A_1289 : memref<1x125xi32, #tpu.memory_space<vmem>> -> memref<125xi32, #tpu.memory_space<vmem>>
      %dma_wait3A_1291 = arith.constant 0 : i32
      %dma_wait3A_1292 = arith.constant 0 : i32
      %dma_wait3A_1293 = tpu.memref_slice %arg22[%dma_wait3A_1291, %dma_wait3A_1292] : memref<10000x64xf32, #tpu.memory_space<vmem_shared>> -> memref<10000x64xf32, #tpu.memory_space<vmem_shared>>
      tpu.wait_indirect_dma semaphore(%arg36 : memref<!tpu.dma_semaphore, #tpu.memory_space<semaphore_mem>>) src(%dma_wait3A_1293 : memref<10000x64xf32, #tpu.memory_space<vmem_shared>>) dst(%arg20 : memref<125x64xf32, #tpu.memory_space<vmem>>)
      %dma_start3A_1294 = arith.constant 3 : i32
      %dma_start3A_1295 = arith.constant 0 : i32
      %dma_start3A_1296 = tpu.memref_slice %arg16[%dma_start3A_1294, %dma_start3A_1295] : memref<8x125xi32, #tpu.memory_space<vmem>> -> memref<1x125xi32, #tpu.memory_space<vmem>>
      %dma_start3A_1297 = tpu.memref_squeeze %dma_start3A_1296 : memref<1x125xi32, #tpu.memory_space<vmem>> -> memref<125xi32, #tpu.memory_space<vmem>>
      %dma_start3A_1298 = arith.constant 0 : i32
      %dma_start3A_1299 = arith.constant 0 : i32
      %dma_start3A_1300 = tpu.memref_slice %arg23[%dma_start3A_1298, %dma_start3A_1299] : memref<10016x64xf32, #tpu.memory_space<vmem_shared>> -> memref<10016x64xf32, #tpu.memory_space<vmem_shared>>
      tpu.enqueue_indirect_dma source(%arg20 : memref<125x64xf32, #tpu.memory_space<vmem>>) target(%dma_start3A_1300 : memref<10016x64xf32, #tpu.memory_space<vmem_shared>>) offsets(%dma_start3A_1297 : memref<125xi32, #tpu.memory_space<vmem>>) semaphore(%arg40 : memref<!tpu.dma_semaphore, #tpu.memory_space<semaphore_mem>>) {add = true}
      %ne3A_1301 = arith.constant 0 : i32
      %ne3A_1302 = arith.cmpi ne, %arg0, %ne3A_1301 : i32
      %convert_element_type3A_1303 = arith.extui %ne3A_1302 : i1 to i32
      %cond3A_1304 = arith.constant 0 : i32
      %cond3A_1305 = arith.cmpi ne, %convert_element_type3A_1303, %cond3A_1304 : i32
      scf.if %cond3A_1305 {
        %dma_start3A_1461 = arith.constant 3 : i32
        %dma_start3A_1462 = arith.constant 0 : i32
        %dma_start3A_1463 = tpu.memref_slice %arg16[%dma_start3A_1461, %dma_start3A_1462] : memref<8x125xi32, #tpu.memory_space<vmem>> -> memref<1x125xi32, #tpu.memory_space<vmem>>
        %dma_start3A_1464 = tpu.memref_squeeze %dma_start3A_1463 : memref<1x125xi32, #tpu.memory_space<vmem>> -> memref<125xi32, #tpu.memory_space<vmem>>
        %dma_start3A_1465 = arith.constant 0 : i32
        %dma_start3A_1466 = arith.constant 0 : i32
        %dma_start3A_1467 = tpu.memref_slice %arg24[%dma_start3A_1465, %dma_start3A_1466] : memref<10016x8xf32, #tpu.memory_space<vmem_shared>> -> memref<10016x8xf32, #tpu.memory_space<vmem_shared>>
        tpu.enqueue_indirect_dma source(%arg21 : memref<125x8xf32, #tpu.memory_space<vmem>>) target(%dma_start3A_1467 : memref<10016x8xf32, #tpu.memory_space<vmem_shared>>) offsets(%dma_start3A_1464 : memref<125xi32, #tpu.memory_space<vmem>>) semaphore(%arg44 : memref<!tpu.dma_semaphore, #tpu.memory_space<semaphore_mem>>) {add = true}
      } else {
      }
      %dma_wait3A_1306 = arith.constant 2 : i32
      %dma_wait3A_1307 = arith.constant 0 : i32
      %dma_wait3A_1308 = tpu.memref_slice %arg16[%dma_wait3A_1306, %dma_wait3A_1307] : memref<8x125xi32, #tpu.memory_space<vmem>> -> memref<1x125xi32, #tpu.memory_space<vmem>>
      %dma_wait3A_1309 = tpu.memref_squeeze %dma_wait3A_1308 : memref<1x125xi32, #tpu.memory_space<vmem>> -> memref<125xi32, #tpu.memory_space<vmem>>
      %dma_wait3A_1310 = arith.constant 0 : i32
      %dma_wait3A_1311 = arith.constant 0 : i32
      %dma_wait3A_1312 = tpu.memref_slice %arg23[%dma_wait3A_1310, %dma_wait3A_1311] : memref<10016x64xf32, #tpu.memory_space<vmem_shared>> -> memref<10016x64xf32, #tpu.memory_space<vmem_shared>>
      tpu.wait_indirect_dma semaphore(%arg39 : memref<!tpu.dma_semaphore, #tpu.memory_space<semaphore_mem>>) src(%arg19 : memref<125x64xf32, #tpu.memory_space<vmem>>) dst(%dma_wait3A_1312 : memref<10016x64xf32, #tpu.memory_space<vmem_shared>>)
      %eq3A_1313 = arith.constant 0 : i32
      %eq3A_1314 = arith.cmpi eq, %arg0, %eq3A_1313 : i32
      %convert_element_type3A_1315 = arith.extui %eq3A_1314 : i1 to i32
      %cond3A_1316 = arith.constant 0 : i32
      %cond3A_1317 = arith.cmpi ne, %convert_element_type3A_1315, %cond3A_1316 : i32
      scf.if %cond3A_1317 {
        %dma_wait3A_1461 = arith.constant 2 : i32
        %dma_wait3A_1462 = arith.constant 0 : i32
        %dma_wait3A_1463 = tpu.memref_slice %arg16[%dma_wait3A_1461, %dma_wait3A_1462] : memref<8x125xi32, #tpu.memory_space<vmem>> -> memref<1x125xi32, #tpu.memory_space<vmem>>
        %dma_wait3A_1464 = tpu.memref_squeeze %dma_wait3A_1463 : memref<1x125xi32, #tpu.memory_space<vmem>> -> memref<125xi32, #tpu.memory_space<vmem>>
        %dma_wait3A_1465 = arith.constant 0 : i32
        %dma_wait3A_1466 = arith.constant 0 : i32
        %dma_wait3A_1467 = tpu.memref_slice %arg24[%dma_wait3A_1465, %dma_wait3A_1466] : memref<10016x8xf32, #tpu.memory_space<vmem_shared>> -> memref<10016x8xf32, #tpu.memory_space<vmem_shared>>
        tpu.wait_indirect_dma semaphore(%arg43 : memref<!tpu.dma_semaphore, #tpu.memory_space<semaphore_mem>>) src(%arg21 : memref<125x8xf32, #tpu.memory_space<vmem>>) dst(%dma_wait3A_1467 : memref<10016x8xf32, #tpu.memory_space<vmem_shared>>)
      } else {
      }
      %dma_start3A_1318 = arith.constant 6 : i32
      %dma_start3A_1319 = arith.constant 0 : i32
      %dma_start3A_1320 = tpu.memref_slice %arg12[%dma_start3A_1318, %dma_start3A_1319] : memref<8x125xi32, #tpu.memory_space<vmem>> -> memref<1x125xi32, #tpu.memory_space<vmem>>
      %dma_start3A_1321 = tpu.memref_squeeze %dma_start3A_1320 : memref<1x125xi32, #tpu.memory_space<vmem>> -> memref<125xi32, #tpu.memory_space<vmem>>
      %dma_start3A_1322 = arith.constant 0 : i32
      %dma_start3A_1323 = arith.constant 0 : i32
      %dma_start3A_1324 = tpu.memref_slice %arg22[%dma_start3A_1322, %dma_start3A_1323] : memref<10000x64xf32, #tpu.memory_space<vmem_shared>> -> memref<10000x64xf32, #tpu.memory_space<vmem_shared>>
      tpu.enqueue_indirect_dma source(%dma_start3A_1324 : memref<10000x64xf32, #tpu.memory_space<vmem_shared>>) target(%arg19 : memref<125x64xf32, #tpu.memory_space<vmem>>) offsets(%dma_start3A_1321 : memref<125xi32, #tpu.memory_space<vmem>>) semaphore(%arg35 : memref<!tpu.dma_semaphore, #tpu.memory_space<semaphore_mem>>)
      %dma_wait3A_1325 = arith.constant 4 : i32
      %dma_wait3A_1326 = arith.constant 0 : i32
      %dma_wait3A_1327 = tpu.memref_slice %arg12[%dma_wait3A_1325, %dma_wait3A_1326] : memref<8x125xi32, #tpu.memory_space<vmem>> -> memref<1x125xi32, #tpu.memory_space<vmem>>
      %dma_wait3A_1328 = tpu.memref_squeeze %dma_wait3A_1327 : memref<1x125xi32, #tpu.memory_space<vmem>> -> memref<125xi32, #tpu.memory_space<vmem>>
      %dma_wait3A_1329 = arith.constant 0 : i32
      %dma_wait3A_1330 = arith.constant 0 : i32
      %dma_wait3A_1331 = tpu.memref_slice %arg22[%dma_wait3A_1329, %dma_wait3A_1330] : memref<10000x64xf32, #tpu.memory_space<vmem_shared>> -> memref<10000x64xf32, #tpu.memory_space<vmem_shared>>
      tpu.wait_indirect_dma semaphore(%arg33 : memref<!tpu.dma_semaphore, #tpu.memory_space<semaphore_mem>>) src(%dma_wait3A_1331 : memref<10000x64xf32, #tpu.memory_space<vmem_shared>>) dst(%arg17 : memref<125x64xf32, #tpu.memory_space<vmem>>)
      %dma_start3A_1332 = arith.constant 4 : i32
      %dma_start3A_1333 = arith.constant 0 : i32
      %dma_start3A_1334 = tpu.memref_slice %arg16[%dma_start3A_1332, %dma_start3A_1333] : memref<8x125xi32, #tpu.memory_space<vmem>> -> memref<1x125xi32, #tpu.memory_space<vmem>>
      %dma_start3A_1335 = tpu.memref_squeeze %dma_start3A_1334 : memref<1x125xi32, #tpu.memory_space<vmem>> -> memref<125xi32, #tpu.memory_space<vmem>>
      %dma_start3A_1336 = arith.constant 0 : i32
      %dma_start3A_1337 = arith.constant 0 : i32
      %dma_start3A_1338 = tpu.memref_slice %arg23[%dma_start3A_1336, %dma_start3A_1337] : memref<10016x64xf32, #tpu.memory_space<vmem_shared>> -> memref<10016x64xf32, #tpu.memory_space<vmem_shared>>
      tpu.enqueue_indirect_dma source(%arg17 : memref<125x64xf32, #tpu.memory_space<vmem>>) target(%dma_start3A_1338 : memref<10016x64xf32, #tpu.memory_space<vmem_shared>>) offsets(%dma_start3A_1335 : memref<125xi32, #tpu.memory_space<vmem>>) semaphore(%arg37 : memref<!tpu.dma_semaphore, #tpu.memory_space<semaphore_mem>>) {add = true}
      %eq3A_1339 = arith.constant 0 : i32
      %eq3A_1340 = arith.cmpi eq, %arg0, %eq3A_1339 : i32
      %convert_element_type3A_1341 = arith.extui %eq3A_1340 : i1 to i32
      %cond3A_1342 = arith.constant 0 : i32
      %cond3A_1343 = arith.cmpi ne, %convert_element_type3A_1341, %cond3A_1342 : i32
      scf.if %cond3A_1343 {
        %dma_start3A_1461 = arith.constant 4 : i32
        %dma_start3A_1462 = arith.constant 0 : i32
        %dma_start3A_1463 = tpu.memref_slice %arg16[%dma_start3A_1461, %dma_start3A_1462] : memref<8x125xi32, #tpu.memory_space<vmem>> -> memref<1x125xi32, #tpu.memory_space<vmem>>
        %dma_start3A_1464 = tpu.memref_squeeze %dma_start3A_1463 : memref<1x125xi32, #tpu.memory_space<vmem>> -> memref<125xi32, #tpu.memory_space<vmem>>
        %dma_start3A_1465 = arith.constant 0 : i32
        %dma_start3A_1466 = arith.constant 0 : i32
        %dma_start3A_1467 = tpu.memref_slice %arg24[%dma_start3A_1465, %dma_start3A_1466] : memref<10016x8xf32, #tpu.memory_space<vmem_shared>> -> memref<10016x8xf32, #tpu.memory_space<vmem_shared>>
        tpu.enqueue_indirect_dma source(%arg21 : memref<125x8xf32, #tpu.memory_space<vmem>>) target(%dma_start3A_1467 : memref<10016x8xf32, #tpu.memory_space<vmem_shared>>) offsets(%dma_start3A_1464 : memref<125xi32, #tpu.memory_space<vmem>>) semaphore(%arg41 : memref<!tpu.dma_semaphore, #tpu.memory_space<semaphore_mem>>) {add = true}
      } else {
      }
      %dma_wait3A_1344 = arith.constant 3 : i32
      %dma_wait3A_1345 = arith.constant 0 : i32
      %dma_wait3A_1346 = tpu.memref_slice %arg16[%dma_wait3A_1344, %dma_wait3A_1345] : memref<8x125xi32, #tpu.memory_space<vmem>> -> memref<1x125xi32, #tpu.memory_space<vmem>>
      %dma_wait3A_1347 = tpu.memref_squeeze %dma_wait3A_1346 : memref<1x125xi32, #tpu.memory_space<vmem>> -> memref<125xi32, #tpu.memory_space<vmem>>
      %dma_wait3A_1348 = arith.constant 0 : i32
      %dma_wait3A_1349 = arith.constant 0 : i32
      %dma_wait3A_1350 = tpu.memref_slice %arg23[%dma_wait3A_1348, %dma_wait3A_1349] : memref<10016x64xf32, #tpu.memory_space<vmem_shared>> -> memref<10016x64xf32, #tpu.memory_space<vmem_shared>>
      tpu.wait_indirect_dma semaphore(%arg40 : memref<!tpu.dma_semaphore, #tpu.memory_space<semaphore_mem>>) src(%arg20 : memref<125x64xf32, #tpu.memory_space<vmem>>) dst(%dma_wait3A_1350 : memref<10016x64xf32, #tpu.memory_space<vmem_shared>>)
      %ne3A_1351 = arith.constant 0 : i32
      %ne3A_1352 = arith.cmpi ne, %arg0, %ne3A_1351 : i32
      %convert_element_type3A_1353 = arith.extui %ne3A_1352 : i1 to i32
      %cond3A_1354 = arith.constant 0 : i32
      %cond3A_1355 = arith.cmpi ne, %convert_element_type3A_1353, %cond3A_1354 : i32
      scf.if %cond3A_1355 {
        %dma_wait3A_1461 = arith.constant 3 : i32
        %dma_wait3A_1462 = arith.constant 0 : i32
        %dma_wait3A_1463 = tpu.memref_slice %arg16[%dma_wait3A_1461, %dma_wait3A_1462] : memref<8x125xi32, #tpu.memory_space<vmem>> -> memref<1x125xi32, #tpu.memory_space<vmem>>
        %dma_wait3A_1464 = tpu.memref_squeeze %dma_wait3A_1463 : memref<1x125xi32, #tpu.memory_space<vmem>> -> memref<125xi32, #tpu.memory_space<vmem>>
        %dma_wait3A_1465 = arith.constant 0 : i32
        %dma_wait3A_1466 = arith.constant 0 : i32
        %dma_wait3A_1467 = tpu.memref_slice %arg24[%dma_wait3A_1465, %dma_wait3A_1466] : memref<10016x8xf32, #tpu.memory_space<vmem_shared>> -> memref<10016x8xf32, #tpu.memory_space<vmem_shared>>
        tpu.wait_indirect_dma semaphore(%arg44 : memref<!tpu.dma_semaphore, #tpu.memory_space<semaphore_mem>>) src(%arg21 : memref<125x8xf32, #tpu.memory_space<vmem>>) dst(%dma_wait3A_1467 : memref<10016x8xf32, #tpu.memory_space<vmem_shared>>)
      } else {
      }
      %dma_start3A_1356 = arith.constant 7 : i32
      %dma_start3A_1357 = arith.constant 0 : i32
      %dma_start3A_1358 = tpu.memref_slice %arg12[%dma_start3A_1356, %dma_start3A_1357] : memref<8x125xi32, #tpu.memory_space<vmem>> -> memref<1x125xi32, #tpu.memory_space<vmem>>
      %dma_start3A_1359 = tpu.memref_squeeze %dma_start3A_1358 : memref<1x125xi32, #tpu.memory_space<vmem>> -> memref<125xi32, #tpu.memory_space<vmem>>
      %dma_start3A_1360 = arith.constant 0 : i32
      %dma_start3A_1361 = arith.constant 0 : i32
      %dma_start3A_1362 = tpu.memref_slice %arg22[%dma_start3A_1360, %dma_start3A_1361] : memref<10000x64xf32, #tpu.memory_space<vmem_shared>> -> memref<10000x64xf32, #tpu.memory_space<vmem_shared>>
      tpu.enqueue_indirect_dma source(%dma_start3A_1362 : memref<10000x64xf32, #tpu.memory_space<vmem_shared>>) target(%arg20 : memref<125x64xf32, #tpu.memory_space<vmem>>) offsets(%dma_start3A_1359 : memref<125xi32, #tpu.memory_space<vmem>>) semaphore(%arg36 : memref<!tpu.dma_semaphore, #tpu.memory_space<semaphore_mem>>)
      %dma_wait3A_1363 = arith.constant 5 : i32
      %dma_wait3A_1364 = arith.constant 0 : i32
      %dma_wait3A_1365 = tpu.memref_slice %arg12[%dma_wait3A_1363, %dma_wait3A_1364] : memref<8x125xi32, #tpu.memory_space<vmem>> -> memref<1x125xi32, #tpu.memory_space<vmem>>
      %dma_wait3A_1366 = tpu.memref_squeeze %dma_wait3A_1365 : memref<1x125xi32, #tpu.memory_space<vmem>> -> memref<125xi32, #tpu.memory_space<vmem>>
      %dma_wait3A_1367 = arith.constant 0 : i32
      %dma_wait3A_1368 = arith.constant 0 : i32
      %dma_wait3A_1369 = tpu.memref_slice %arg22[%dma_wait3A_1367, %dma_wait3A_1368] : memref<10000x64xf32, #tpu.memory_space<vmem_shared>> -> memref<10000x64xf32, #tpu.memory_space<vmem_shared>>
      tpu.wait_indirect_dma semaphore(%arg34 : memref<!tpu.dma_semaphore, #tpu.memory_space<semaphore_mem>>) src(%dma_wait3A_1369 : memref<10000x64xf32, #tpu.memory_space<vmem_shared>>) dst(%arg18 : memref<125x64xf32, #tpu.memory_space<vmem>>)
      %dma_start3A_1370 = arith.constant 5 : i32
      %dma_start3A_1371 = arith.constant 0 : i32
      %dma_start3A_1372 = tpu.memref_slice %arg16[%dma_start3A_1370, %dma_start3A_1371] : memref<8x125xi32, #tpu.memory_space<vmem>> -> memref<1x125xi32, #tpu.memory_space<vmem>>
      %dma_start3A_1373 = tpu.memref_squeeze %dma_start3A_1372 : memref<1x125xi32, #tpu.memory_space<vmem>> -> memref<125xi32, #tpu.memory_space<vmem>>
      %dma_start3A_1374 = arith.constant 0 : i32
      %dma_start3A_1375 = arith.constant 0 : i32
      %dma_start3A_1376 = tpu.memref_slice %arg23[%dma_start3A_1374, %dma_start3A_1375] : memref<10016x64xf32, #tpu.memory_space<vmem_shared>> -> memref<10016x64xf32, #tpu.memory_space<vmem_shared>>
      tpu.enqueue_indirect_dma source(%arg18 : memref<125x64xf32, #tpu.memory_space<vmem>>) target(%dma_start3A_1376 : memref<10016x64xf32, #tpu.memory_space<vmem_shared>>) offsets(%dma_start3A_1373 : memref<125xi32, #tpu.memory_space<vmem>>) semaphore(%arg38 : memref<!tpu.dma_semaphore, #tpu.memory_space<semaphore_mem>>) {add = true}
      %ne3A_1377 = arith.constant 0 : i32
      %ne3A_1378 = arith.cmpi ne, %arg0, %ne3A_1377 : i32
      %convert_element_type3A_1379 = arith.extui %ne3A_1378 : i1 to i32
      %cond3A_1380 = arith.constant 0 : i32
      %cond3A_1381 = arith.cmpi ne, %convert_element_type3A_1379, %cond3A_1380 : i32
      scf.if %cond3A_1381 {
        %dma_start3A_1461 = arith.constant 5 : i32
        %dma_start3A_1462 = arith.constant 0 : i32
        %dma_start3A_1463 = tpu.memref_slice %arg16[%dma_start3A_1461, %dma_start3A_1462] : memref<8x125xi32, #tpu.memory_space<vmem>> -> memref<1x125xi32, #tpu.memory_space<vmem>>
        %dma_start3A_1464 = tpu.memref_squeeze %dma_start3A_1463 : memref<1x125xi32, #tpu.memory_space<vmem>> -> memref<125xi32, #tpu.memory_space<vmem>>
        %dma_start3A_1465 = arith.constant 0 : i32
        %dma_start3A_1466 = arith.constant 0 : i32
        %dma_start3A_1467 = tpu.memref_slice %arg24[%dma_start3A_1465, %dma_start3A_1466] : memref<10016x8xf32, #tpu.memory_space<vmem_shared>> -> memref<10016x8xf32, #tpu.memory_space<vmem_shared>>
        tpu.enqueue_indirect_dma source(%arg21 : memref<125x8xf32, #tpu.memory_space<vmem>>) target(%dma_start3A_1467 : memref<10016x8xf32, #tpu.memory_space<vmem_shared>>) offsets(%dma_start3A_1464 : memref<125xi32, #tpu.memory_space<vmem>>) semaphore(%arg42 : memref<!tpu.dma_semaphore, #tpu.memory_space<semaphore_mem>>) {add = true}
      } else {
      }
      %dma_wait3A_1382 = arith.constant 4 : i32
      %dma_wait3A_1383 = arith.constant 0 : i32
      %dma_wait3A_1384 = tpu.memref_slice %arg16[%dma_wait3A_1382, %dma_wait3A_1383] : memref<8x125xi32, #tpu.memory_space<vmem>> -> memref<1x125xi32, #tpu.memory_space<vmem>>
      %dma_wait3A_1385 = tpu.memref_squeeze %dma_wait3A_1384 : memref<1x125xi32, #tpu.memory_space<vmem>> -> memref<125xi32, #tpu.memory_space<vmem>>
      %dma_wait3A_1386 = arith.constant 0 : i32
      %dma_wait3A_1387 = arith.constant 0 : i32
      %dma_wait3A_1388 = tpu.memref_slice %arg23[%dma_wait3A_1386, %dma_wait3A_1387] : memref<10016x64xf32, #tpu.memory_space<vmem_shared>> -> memref<10016x64xf32, #tpu.memory_space<vmem_shared>>
      tpu.wait_indirect_dma semaphore(%arg37 : memref<!tpu.dma_semaphore, #tpu.memory_space<semaphore_mem>>) src(%arg17 : memref<125x64xf32, #tpu.memory_space<vmem>>) dst(%dma_wait3A_1388 : memref<10016x64xf32, #tpu.memory_space<vmem_shared>>)
      %eq3A_1389 = arith.constant 0 : i32
      %eq3A_1390 = arith.cmpi eq, %arg0, %eq3A_1389 : i32
      %convert_element_type3A_1391 = arith.extui %eq3A_1390 : i1 to i32
      %cond3A_1392 = arith.constant 0 : i32
      %cond3A_1393 = arith.cmpi ne, %convert_element_type3A_1391, %cond3A_1392 : i32
      scf.if %cond3A_1393 {
        %dma_wait3A_1461 = arith.constant 4 : i32
        %dma_wait3A_1462 = arith.constant 0 : i32
        %dma_wait3A_1463 = tpu.memref_slice %arg16[%dma_wait3A_1461, %dma_wait3A_1462] : memref<8x125xi32, #tpu.memory_space<vmem>> -> memref<1x125xi32, #tpu.memory_space<vmem>>
        %dma_wait3A_1464 = tpu.memref_squeeze %dma_wait3A_1463 : memref<1x125xi32, #tpu.memory_space<vmem>> -> memref<125xi32, #tpu.memory_space<vmem>>
        %dma_wait3A_1465 = arith.constant 0 : i32
        %dma_wait3A_1466 = arith.constant 0 : i32
        %dma_wait3A_1467 = tpu.memref_slice %arg24[%dma_wait3A_1465, %dma_wait3A_1466] : memref<10016x8xf32, #tpu.memory_space<vmem_shared>> -> memref<10016x8xf32, #tpu.memory_space<vmem_shared>>
        tpu.wait_indirect_dma semaphore(%arg41 : memref<!tpu.dma_semaphore, #tpu.memory_space<semaphore_mem>>) src(%arg21 : memref<125x8xf32, #tpu.memory_space<vmem>>) dst(%dma_wait3A_1467 : memref<10016x8xf32, #tpu.memory_space<vmem_shared>>)
      } else {
      }
      %dma_wait3A_1394 = arith.constant 6 : i32
      %dma_wait3A_1395 = arith.constant 0 : i32
      %dma_wait3A_1396 = tpu.memref_slice %arg12[%dma_wait3A_1394, %dma_wait3A_1395] : memref<8x125xi32, #tpu.memory_space<vmem>> -> memref<1x125xi32, #tpu.memory_space<vmem>>
      %dma_wait3A_1397 = tpu.memref_squeeze %dma_wait3A_1396 : memref<1x125xi32, #tpu.memory_space<vmem>> -> memref<125xi32, #tpu.memory_space<vmem>>
      %dma_wait3A_1398 = arith.constant 0 : i32
      %dma_wait3A_1399 = arith.constant 0 : i32
      %dma_wait3A_1400 = tpu.memref_slice %arg22[%dma_wait3A_1398, %dma_wait3A_1399] : memref<10000x64xf32, #tpu.memory_space<vmem_shared>> -> memref<10000x64xf32, #tpu.memory_space<vmem_shared>>
      tpu.wait_indirect_dma semaphore(%arg35 : memref<!tpu.dma_semaphore, #tpu.memory_space<semaphore_mem>>) src(%dma_wait3A_1400 : memref<10000x64xf32, #tpu.memory_space<vmem_shared>>) dst(%arg19 : memref<125x64xf32, #tpu.memory_space<vmem>>)
      %dma_start3A_1401 = arith.constant 6 : i32
      %dma_start3A_1402 = arith.constant 0 : i32
      %dma_start3A_1403 = tpu.memref_slice %arg16[%dma_start3A_1401, %dma_start3A_1402] : memref<8x125xi32, #tpu.memory_space<vmem>> -> memref<1x125xi32, #tpu.memory_space<vmem>>
      %dma_start3A_1404 = tpu.memref_squeeze %dma_start3A_1403 : memref<1x125xi32, #tpu.memory_space<vmem>> -> memref<125xi32, #tpu.memory_space<vmem>>
      %dma_start3A_1405 = arith.constant 0 : i32
      %dma_start3A_1406 = arith.constant 0 : i32
      %dma_start3A_1407 = tpu.memref_slice %arg23[%dma_start3A_1405, %dma_start3A_1406] : memref<10016x64xf32, #tpu.memory_space<vmem_shared>> -> memref<10016x64xf32, #tpu.memory_space<vmem_shared>>
      tpu.enqueue_indirect_dma source(%arg19 : memref<125x64xf32, #tpu.memory_space<vmem>>) target(%dma_start3A_1407 : memref<10016x64xf32, #tpu.memory_space<vmem_shared>>) offsets(%dma_start3A_1404 : memref<125xi32, #tpu.memory_space<vmem>>) semaphore(%arg39 : memref<!tpu.dma_semaphore, #tpu.memory_space<semaphore_mem>>) {add = true}
      %eq3A_1408 = arith.constant 0 : i32
      %eq3A_1409 = arith.cmpi eq, %arg0, %eq3A_1408 : i32
      %convert_element_type3A_1410 = arith.extui %eq3A_1409 : i1 to i32
      %cond3A_1411 = arith.constant 0 : i32
      %cond3A_1412 = arith.cmpi ne, %convert_element_type3A_1410, %cond3A_1411 : i32
      scf.if %cond3A_1412 {
        %dma_start3A_1461 = arith.constant 6 : i32
        %dma_start3A_1462 = arith.constant 0 : i32
        %dma_start3A_1463 = tpu.memref_slice %arg16[%dma_start3A_1461, %dma_start3A_1462] : memref<8x125xi32, #tpu.memory_space<vmem>> -> memref<1x125xi32, #tpu.memory_space<vmem>>
        %dma_start3A_1464 = tpu.memref_squeeze %dma_start3A_1463 : memref<1x125xi32, #tpu.memory_space<vmem>> -> memref<125xi32, #tpu.memory_space<vmem>>
        %dma_start3A_1465 = arith.constant 0 : i32
        %dma_start3A_1466 = arith.constant 0 : i32
        %dma_start3A_1467 = tpu.memref_slice %arg24[%dma_start3A_1465, %dma_start3A_1466] : memref<10016x8xf32, #tpu.memory_space<vmem_shared>> -> memref<10016x8xf32, #tpu.memory_space<vmem_shared>>
        tpu.enqueue_indirect_dma source(%arg21 : memref<125x8xf32, #tpu.memory_space<vmem>>) target(%dma_start3A_1467 : memref<10016x8xf32, #tpu.memory_space<vmem_shared>>) offsets(%dma_start3A_1464 : memref<125xi32, #tpu.memory_space<vmem>>) semaphore(%arg43 : memref<!tpu.dma_semaphore, #tpu.memory_space<semaphore_mem>>) {add = true}
      } else {
      }
      %dma_wait3A_1413 = arith.constant 5 : i32
      %dma_wait3A_1414 = arith.constant 0 : i32
      %dma_wait3A_1415 = tpu.memref_slice %arg16[%dma_wait3A_1413, %dma_wait3A_1414] : memref<8x125xi32, #tpu.memory_space<vmem>> -> memref<1x125xi32, #tpu.memory_space<vmem>>
      %dma_wait3A_1416 = tpu.memref_squeeze %dma_wait3A_1415 : memref<1x125xi32, #tpu.memory_space<vmem>> -> memref<125xi32, #tpu.memory_space<vmem>>
      %dma_wait3A_1417 = arith.constant 0 : i32
      %dma_wait3A_1418 = arith.constant 0 : i32
      %dma_wait3A_1419 = tpu.memref_slice %arg23[%dma_wait3A_1417, %dma_wait3A_1418] : memref<10016x64xf32, #tpu.memory_space<vmem_shared>> -> memref<10016x64xf32, #tpu.memory_space<vmem_shared>>
      tpu.wait_indirect_dma semaphore(%arg38 : memref<!tpu.dma_semaphore, #tpu.memory_space<semaphore_mem>>) src(%arg18 : memref<125x64xf32, #tpu.memory_space<vmem>>) dst(%dma_wait3A_1419 : memref<10016x64xf32, #tpu.memory_space<vmem_shared>>)
      %ne3A_1420 = arith.constant 0 : i32
      %ne3A_1421 = arith.cmpi ne, %arg0, %ne3A_1420 : i32
      %convert_element_type3A_1422 = arith.extui %ne3A_1421 : i1 to i32
      %cond3A_1423 = arith.constant 0 : i32
      %cond3A_1424 = arith.cmpi ne, %convert_element_type3A_1422, %cond3A_1423 : i32
      scf.if %cond3A_1424 {
        %dma_wait3A_1461 = arith.constant 5 : i32
        %dma_wait3A_1462 = arith.constant 0 : i32
        %dma_wait3A_1463 = tpu.memref_slice %arg16[%dma_wait3A_1461, %dma_wait3A_1462] : memref<8x125xi32, #tpu.memory_space<vmem>> -> memref<1x125xi32, #tpu.memory_space<vmem>>
        %dma_wait3A_1464 = tpu.memref_squeeze %dma_wait3A_1463 : memref<1x125xi32, #tpu.memory_space<vmem>> -> memref<125xi32, #tpu.memory_space<vmem>>
        %dma_wait3A_1465 = arith.constant 0 : i32
        %dma_wait3A_1466 = arith.constant 0 : i32
        %dma_wait3A_1467 = tpu.memref_slice %arg24[%dma_wait3A_1465, %dma_wait3A_1466] : memref<10016x8xf32, #tpu.memory_space<vmem_shared>> -> memref<10016x8xf32, #tpu.memory_space<vmem_shared>>
        tpu.wait_indirect_dma semaphore(%arg42 : memref<!tpu.dma_semaphore, #tpu.memory_space<semaphore_mem>>) src(%arg21 : memref<125x8xf32, #tpu.memory_space<vmem>>) dst(%dma_wait3A_1467 : memref<10016x8xf32, #tpu.memory_space<vmem_shared>>)
      } else {
      }
      %dma_wait3A_1425 = arith.constant 7 : i32
      %dma_wait3A_1426 = arith.constant 0 : i32
      %dma_wait3A_1427 = tpu.memref_slice %arg12[%dma_wait3A_1425, %dma_wait3A_1426] : memref<8x125xi32, #tpu.memory_space<vmem>> -> memref<1x125xi32, #tpu.memory_space<vmem>>
      %dma_wait3A_1428 = tpu.memref_squeeze %dma_wait3A_1427 : memref<1x125xi32, #tpu.memory_space<vmem>> -> memref<125xi32, #tpu.memory_space<vmem>>
      %dma_wait3A_1429 = arith.constant 0 : i32
      %dma_wait3A_1430 = arith.constant 0 : i32
      %dma_wait3A_1431 = tpu.memref_slice %arg22[%dma_wait3A_1429, %dma_wait3A_1430] : memref<10000x64xf32, #tpu.memory_space<vmem_shared>> -> memref<10000x64xf32, #tpu.memory_space<vmem_shared>>
      tpu.wait_indirect_dma semaphore(%arg36 : memref<!tpu.dma_semaphore, #tpu.memory_space<semaphore_mem>>) src(%dma_wait3A_1431 : memref<10000x64xf32, #tpu.memory_space<vmem_shared>>) dst(%arg20 : memref<125x64xf32, #tpu.memory_space<vmem>>)
      %dma_start3A_1432 = arith.constant 7 : i32
      %dma_start3A_1433 = arith.constant 0 : i32
      %dma_start3A_1434 = tpu.memref_slice %arg16[%dma_start3A_1432, %dma_start3A_1433] : memref<8x125xi32, #tpu.memory_space<vmem>> -> memref<1x125xi32, #tpu.memory_space<vmem>>
      %dma_start3A_1435 = tpu.memref_squeeze %dma_start3A_1434 : memref<1x125xi32, #tpu.memory_space<vmem>> -> memref<125xi32, #tpu.memory_space<vmem>>
      %dma_start3A_1436 = arith.constant 0 : i32
      %dma_start3A_1437 = arith.constant 0 : i32
      %dma_start3A_1438 = tpu.memref_slice %arg23[%dma_start3A_1436, %dma_start3A_1437] : memref<10016x64xf32, #tpu.memory_space<vmem_shared>> -> memref<10016x64xf32, #tpu.memory_space<vmem_shared>>
      tpu.enqueue_indirect_dma source(%arg20 : memref<125x64xf32, #tpu.memory_space<vmem>>) target(%dma_start3A_1438 : memref<10016x64xf32, #tpu.memory_space<vmem_shared>>) offsets(%dma_start3A_1435 : memref<125xi32, #tpu.memory_space<vmem>>) semaphore(%arg40 : memref<!tpu.dma_semaphore, #tpu.memory_space<semaphore_mem>>) {add = true}
      %ne3A_1439 = arith.constant 0 : i32
      %ne3A_1440 = arith.cmpi ne, %arg0, %ne3A_1439 : i32
      %convert_element_type3A_1441 = arith.extui %ne3A_1440 : i1 to i32
      %cond3A_1442 = arith.constant 0 : i32
      %cond3A_1443 = arith.cmpi ne, %convert_element_type3A_1441, %cond3A_1442 : i32
      scf.if %cond3A_1443 {
        %dma_start3A_1461 = arith.constant 7 : i32
        %dma_start3A_1462 = arith.constant 0 : i32
        %dma_start3A_1463 = tpu.memref_slice %arg16[%dma_start3A_1461, %dma_start3A_1462] : memref<8x125xi32, #tpu.memory_space<vmem>> -> memref<1x125xi32, #tpu.memory_space<vmem>>
        %dma_start3A_1464 = tpu.memref_squeeze %dma_start3A_1463 : memref<1x125xi32, #tpu.memory_space<vmem>> -> memref<125xi32, #tpu.memory_space<vmem>>
        %dma_start3A_1465 = arith.constant 0 : i32
        %dma_start3A_1466 = arith.constant 0 : i32
        %dma_start3A_1467 = tpu.memref_slice %arg24[%dma_start3A_1465, %dma_start3A_1466] : memref<10016x8xf32, #tpu.memory_space<vmem_shared>> -> memref<10016x8xf32, #tpu.memory_space<vmem_shared>>
        tpu.enqueue_indirect_dma source(%arg21 : memref<125x8xf32, #tpu.memory_space<vmem>>) target(%dma_start3A_1467 : memref<10016x8xf32, #tpu.memory_space<vmem_shared>>) offsets(%dma_start3A_1464 : memref<125xi32, #tpu.memory_space<vmem>>) semaphore(%arg44 : memref<!tpu.dma_semaphore, #tpu.memory_space<semaphore_mem>>) {add = true}
      } else {
      }
      %dma_wait3A_1444 = arith.constant 6 : i32
      %dma_wait3A_1445 = arith.constant 0 : i32
      %dma_wait3A_1446 = tpu.memref_slice %arg16[%dma_wait3A_1444, %dma_wait3A_1445] : memref<8x125xi32, #tpu.memory_space<vmem>> -> memref<1x125xi32, #tpu.memory_space<vmem>>
      %dma_wait3A_1447 = tpu.memref_squeeze %dma_wait3A_1446 : memref<1x125xi32, #tpu.memory_space<vmem>> -> memref<125xi32, #tpu.memory_space<vmem>>
      %dma_wait3A_1448 = arith.constant 0 : i32
      %dma_wait3A_1449 = arith.constant 0 : i32
      %dma_wait3A_1450 = tpu.memref_slice %arg23[%dma_wait3A_1448, %dma_wait3A_1449] : memref<10016x64xf32, #tpu.memory_space<vmem_shared>> -> memref<10016x64xf32, #tpu.memory_space<vmem_shared>>
      tpu.wait_indirect_dma semaphore(%arg39 : memref<!tpu.dma_semaphore, #tpu.memory_space<semaphore_mem>>) src(%arg19 : memref<125x64xf32, #tpu.memory_space<vmem>>) dst(%dma_wait3A_1450 : memref<10016x64xf32, #tpu.memory_space<vmem_shared>>)
      %eq3A_1451 = arith.constant 0 : i32
      %eq3A_1452 = arith.cmpi eq, %arg0, %eq3A_1451 : i32
      %convert_element_type3A_1453 = arith.extui %eq3A_1452 : i1 to i32
      %cond3A_1454 = arith.constant 0 : i32
      %cond3A_1455 = arith.cmpi ne, %convert_element_type3A_1453, %cond3A_1454 : i32
      scf.if %cond3A_1455 {
        %dma_wait3A_1461 = arith.constant 6 : i32
        %dma_wait3A_1462 = arith.constant 0 : i32
        %dma_wait3A_1463 = tpu.memref_slice %arg16[%dma_wait3A_1461, %dma_wait3A_1462] : memref<8x125xi32, #tpu.memory_space<vmem>> -> memref<1x125xi32, #tpu.memory_space<vmem>>
        %dma_wait3A_1464 = tpu.memref_squeeze %dma_wait3A_1463 : memref<1x125xi32, #tpu.memory_space<vmem>> -> memref<125xi32, #tpu.memory_space<vmem>>
        %dma_wait3A_1465 = arith.constant 0 : i32
        %dma_wait3A_1466 = arith.constant 0 : i32
        %dma_wait3A_1467 = tpu.memref_slice %arg24[%dma_wait3A_1465, %dma_wait3A_1466] : memref<10016x8xf32, #tpu.memory_space<vmem_shared>> -> memref<10016x8xf32, #tpu.memory_space<vmem_shared>>
        tpu.wait_indirect_dma semaphore(%arg43 : memref<!tpu.dma_semaphore, #tpu.memory_space<semaphore_mem>>) src(%arg21 : memref<125x8xf32, #tpu.memory_space<vmem>>) dst(%dma_wait3A_1467 : memref<10016x8xf32, #tpu.memory_space<vmem_shared>>)
      } else {
      }
      %lt3A_1456 = arith.constant 4 : i32
      %lt3A_1457 = arith.cmpi slt, %scan3A_107, %lt3A_1456 : i32
      %convert_element_type3A_1458 = arith.extui %lt3A_1457 : i1 to i32
      %cond3A_1459 = arith.constant 0 : i32
      %cond3A_1460 = arith.cmpi ne, %convert_element_type3A_1458, %cond3A_1459 : i32
      scf.if %cond3A_1460 {
        %add3A_1461 = arith.constant 1 : i32
        %add3A_1462 = arith.addi %scan3A_107, %add3A_1461 : i32
        %mul3A_1463 = arith.constant 4 : i32
        %mul3A_1464 = arith.muli %add3A_1462, %mul3A_1463 : i32
        %add3A_1465 = arith.constant 0 : i32
        %add3A_1466 = arith.addi %mul3A_1464, %add3A_1465 : i32
        %mul3A_1467 = arith.constant 20 : i32
        %mul3A_1468 = arith.muli %arg1, %mul3A_1467 : i32
        %add3A_1469 = arith.addi %mul3A_1468, %add3A_1466 : i32
        %add3A_1470 = arith.constant 16 : i32
        %add3A_1471 = arith.addi %add3A_1470, %arg1 : i32
        %mul3A_1472 = arith.constant 20 : i32
        %mul3A_1473 = arith.muli %add3A_1471, %mul3A_1472 : i32
        %add3A_1474 = arith.addi %mul3A_1473, %add3A_1466 : i32
        %dma_start3A_1475 = arith.constant 0 : i32
        %dma_start3A_1476 = arith.constant 0 : i32
        %dma_start3A_1477 = tpu.memref_slice %arg3[%add3A_1469, %dma_start3A_1475, %dma_start3A_1476] : memref<640x8x125xi32, #tpu.memory_space<hbm>> -> memref<1x8x125xi32, #tpu.memory_space<hbm>>
        %dma_start3A_1478 = tpu.memref_squeeze %dma_start3A_1477 : memref<1x8x125xi32, #tpu.memory_space<hbm>> -> memref<8x125xi32, #tpu.memory_space<hbm>>
        %dma_start3A_1479 = arith.constant 0 : i32
        %dma_start3A_1480 = arith.constant 0 : i32
        %dma_start3A_1481 = tpu.memref_slice %arg3[%add3A_1469, %dma_start3A_1479, %dma_start3A_1480] : memref<640x8x125xi32, #tpu.memory_space<hbm>> -> memref<1x8x125xi32, #tpu.memory_space<hbm>>
        %dma_start3A_1482 = tpu.memref_squeeze %dma_start3A_1481 : memref<1x8x125xi32, #tpu.memory_space<hbm>> -> memref<8x125xi32, #tpu.memory_space<hbm>>
        tpu.enqueue_dma source(%dma_start3A_1482 : memref<8x125xi32, #tpu.memory_space<hbm>>) target(%arg9 : memref<8x125xi32, #tpu.memory_space<vmem>>) target_semaphore(%arg25 : memref<!tpu.dma_semaphore, #tpu.memory_space<semaphore_mem>>)
        %dma_start3A_1483 = arith.constant 0 : i32
        %dma_start3A_1484 = arith.constant 0 : i32
        %dma_start3A_1485 = tpu.memref_slice %arg3[%add3A_1474, %dma_start3A_1483, %dma_start3A_1484] : memref<640x8x125xi32, #tpu.memory_space<hbm>> -> memref<1x8x125xi32, #tpu.memory_space<hbm>>
        %dma_start3A_1486 = tpu.memref_squeeze %dma_start3A_1485 : memref<1x8x125xi32, #tpu.memory_space<hbm>> -> memref<8x125xi32, #tpu.memory_space<hbm>>
        %dma_start3A_1487 = arith.constant 0 : i32
        %dma_start3A_1488 = arith.constant 0 : i32
        %dma_start3A_1489 = tpu.memref_slice %arg3[%add3A_1474, %dma_start3A_1487, %dma_start3A_1488] : memref<640x8x125xi32, #tpu.memory_space<hbm>> -> memref<1x8x125xi32, #tpu.memory_space<hbm>>
        %dma_start3A_1490 = tpu.memref_squeeze %dma_start3A_1489 : memref<1x8x125xi32, #tpu.memory_space<hbm>> -> memref<8x125xi32, #tpu.memory_space<hbm>>
        tpu.enqueue_dma source(%dma_start3A_1490 : memref<8x125xi32, #tpu.memory_space<hbm>>) target(%arg13 : memref<8x125xi32, #tpu.memory_space<vmem>>) target_semaphore(%arg29 : memref<!tpu.dma_semaphore, #tpu.memory_space<semaphore_mem>>)
        %add3A_1491 = arith.constant 1 : i32
        %add3A_1492 = arith.addi %scan3A_107, %add3A_1491 : i32
        %mul3A_1493 = arith.constant 4 : i32
        %mul3A_1494 = arith.muli %add3A_1492, %mul3A_1493 : i32
        %add3A_1495 = arith.constant 1 : i32
        %add3A_1496 = arith.addi %mul3A_1494, %add3A_1495 : i32
        %mul3A_1497 = arith.constant 20 : i32
        %mul3A_1498 = arith.muli %arg1, %mul3A_1497 : i32
        %add3A_1499 = arith.addi %mul3A_1498, %add3A_1496 : i32
        %add3A_1500 = arith.constant 16 : i32
        %add3A_1501 = arith.addi %add3A_1500, %arg1 : i32
        %mul3A_1502 = arith.constant 20 : i32
        %mul3A_1503 = arith.muli %add3A_1501, %mul3A_1502 : i32
        %add3A_1504 = arith.addi %mul3A_1503, %add3A_1496 : i32
        %dma_start3A_1505 = arith.constant 0 : i32
        %dma_start3A_1506 = arith.constant 0 : i32
        %dma_start3A_1507 = tpu.memref_slice %arg3[%add3A_1499, %dma_start3A_1505, %dma_start3A_1506] : memref<640x8x125xi32, #tpu.memory_space<hbm>> -> memref<1x8x125xi32, #tpu.memory_space<hbm>>
        %dma_start3A_1508 = tpu.memref_squeeze %dma_start3A_1507 : memref<1x8x125xi32, #tpu.memory_space<hbm>> -> memref<8x125xi32, #tpu.memory_space<hbm>>
        %dma_start3A_1509 = arith.constant 0 : i32
        %dma_start3A_1510 = arith.constant 0 : i32
        %dma_start3A_1511 = tpu.memref_slice %arg3[%add3A_1499, %dma_start3A_1509, %dma_start3A_1510] : memref<640x8x125xi32, #tpu.memory_space<hbm>> -> memref<1x8x125xi32, #tpu.memory_space<hbm>>
        %dma_start3A_1512 = tpu.memref_squeeze %dma_start3A_1511 : memref<1x8x125xi32, #tpu.memory_space<hbm>> -> memref<8x125xi32, #tpu.memory_space<hbm>>
        tpu.enqueue_dma source(%dma_start3A_1512 : memref<8x125xi32, #tpu.memory_space<hbm>>) target(%arg10 : memref<8x125xi32, #tpu.memory_space<vmem>>) target_semaphore(%arg26 : memref<!tpu.dma_semaphore, #tpu.memory_space<semaphore_mem>>)
        %dma_start3A_1513 = arith.constant 0 : i32
        %dma_start3A_1514 = arith.constant 0 : i32
        %dma_start3A_1515 = tpu.memref_slice %arg3[%add3A_1504, %dma_start3A_1513, %dma_start3A_1514] : memref<640x8x125xi32, #tpu.memory_space<hbm>> -> memref<1x8x125xi32, #tpu.memory_space<hbm>>
        %dma_start3A_1516 = tpu.memref_squeeze %dma_start3A_1515 : memref<1x8x125xi32, #tpu.memory_space<hbm>> -> memref<8x125xi32, #tpu.memory_space<hbm>>
        %dma_start3A_1517 = arith.constant 0 : i32
        %dma_start3A_1518 = arith.constant 0 : i32
        %dma_start3A_1519 = tpu.memref_slice %arg3[%add3A_1504, %dma_start3A_1517, %dma_start3A_1518] : memref<640x8x125xi32, #tpu.memory_space<hbm>> -> memref<1x8x125xi32, #tpu.memory_space<hbm>>
        %dma_start3A_1520 = tpu.memref_squeeze %dma_start3A_1519 : memref<1x8x125xi32, #tpu.memory_space<hbm>> -> memref<8x125xi32, #tpu.memory_space<hbm>>
        tpu.enqueue_dma source(%dma_start3A_1520 : memref<8x125xi32, #tpu.memory_space<hbm>>) target(%arg14 : memref<8x125xi32, #tpu.memory_space<vmem>>) target_semaphore(%arg30 : memref<!tpu.dma_semaphore, #tpu.memory_space<semaphore_mem>>)
        %add3A_1521 = arith.constant 1 : i32
        %add3A_1522 = arith.addi %scan3A_107, %add3A_1521 : i32
        %mul3A_1523 = arith.constant 4 : i32
        %mul3A_1524 = arith.muli %add3A_1522, %mul3A_1523 : i32
        %add3A_1525 = arith.constant 2 : i32
        %add3A_1526 = arith.addi %mul3A_1524, %add3A_1525 : i32
        %mul3A_1527 = arith.constant 20 : i32
        %mul3A_1528 = arith.muli %arg1, %mul3A_1527 : i32
        %add3A_1529 = arith.addi %mul3A_1528, %add3A_1526 : i32
        %add3A_1530 = arith.constant 16 : i32
        %add3A_1531 = arith.addi %add3A_1530, %arg1 : i32
        %mul3A_1532 = arith.constant 20 : i32
        %mul3A_1533 = arith.muli %add3A_1531, %mul3A_1532 : i32
        %add3A_1534 = arith.addi %mul3A_1533, %add3A_1526 : i32
        %dma_start3A_1535 = arith.constant 0 : i32
        %dma_start3A_1536 = arith.constant 0 : i32
        %dma_start3A_1537 = tpu.memref_slice %arg3[%add3A_1529, %dma_start3A_1535, %dma_start3A_1536] : memref<640x8x125xi32, #tpu.memory_space<hbm>> -> memref<1x8x125xi32, #tpu.memory_space<hbm>>
        %dma_start3A_1538 = tpu.memref_squeeze %dma_start3A_1537 : memref<1x8x125xi32, #tpu.memory_space<hbm>> -> memref<8x125xi32, #tpu.memory_space<hbm>>
        %dma_start3A_1539 = arith.constant 0 : i32
        %dma_start3A_1540 = arith.constant 0 : i32
        %dma_start3A_1541 = tpu.memref_slice %arg3[%add3A_1529, %dma_start3A_1539, %dma_start3A_1540] : memref<640x8x125xi32, #tpu.memory_space<hbm>> -> memref<1x8x125xi32, #tpu.memory_space<hbm>>
        %dma_start3A_1542 = tpu.memref_squeeze %dma_start3A_1541 : memref<1x8x125xi32, #tpu.memory_space<hbm>> -> memref<8x125xi32, #tpu.memory_space<hbm>>
        tpu.enqueue_dma source(%dma_start3A_1542 : memref<8x125xi32, #tpu.memory_space<hbm>>) target(%arg11 : memref<8x125xi32, #tpu.memory_space<vmem>>) target_semaphore(%arg27 : memref<!tpu.dma_semaphore, #tpu.memory_space<semaphore_mem>>)
        %dma_start3A_1543 = arith.constant 0 : i32
        %dma_start3A_1544 = arith.constant 0 : i32
        %dma_start3A_1545 = tpu.memref_slice %arg3[%add3A_1534, %dma_start3A_1543, %dma_start3A_1544] : memref<640x8x125xi32, #tpu.memory_space<hbm>> -> memref<1x8x125xi32, #tpu.memory_space<hbm>>
        %dma_start3A_1546 = tpu.memref_squeeze %dma_start3A_1545 : memref<1x8x125xi32, #tpu.memory_space<hbm>> -> memref<8x125xi32, #tpu.memory_space<hbm>>
        %dma_start3A_1547 = arith.constant 0 : i32
        %dma_start3A_1548 = arith.constant 0 : i32
        %dma_start3A_1549 = tpu.memref_slice %arg3[%add3A_1534, %dma_start3A_1547, %dma_start3A_1548] : memref<640x8x125xi32, #tpu.memory_space<hbm>> -> memref<1x8x125xi32, #tpu.memory_space<hbm>>
        %dma_start3A_1550 = tpu.memref_squeeze %dma_start3A_1549 : memref<1x8x125xi32, #tpu.memory_space<hbm>> -> memref<8x125xi32, #tpu.memory_space<hbm>>
        tpu.enqueue_dma source(%dma_start3A_1550 : memref<8x125xi32, #tpu.memory_space<hbm>>) target(%arg15 : memref<8x125xi32, #tpu.memory_space<vmem>>) target_semaphore(%arg31 : memref<!tpu.dma_semaphore, #tpu.memory_space<semaphore_mem>>)
      } else {
      }
    }
    %scan3A_85 = arith.constant 5 : i32
    %dma_wait3A = arith.constant 7 : i32
    %dma_wait3A_86 = arith.constant 0 : i32
    %dma_wait3A_87 = tpu.memref_slice %arg16[%dma_wait3A, %dma_wait3A_86] : memref<8x125xi32, #tpu.memory_space<vmem>> -> memref<1x125xi32, #tpu.memory_space<vmem>>
    %dma_wait3A_88 = tpu.memref_squeeze %dma_wait3A_87 : memref<1x125xi32, #tpu.memory_space<vmem>> -> memref<125xi32, #tpu.memory_space<vmem>>
    %dma_wait3A_89 = arith.constant 0 : i32
    %dma_wait3A_90 = arith.constant 0 : i32
    %dma_wait3A_91 = tpu.memref_slice %arg23[%dma_wait3A_89, %dma_wait3A_90] : memref<10016x64xf32, #tpu.memory_space<vmem_shared>> -> memref<10016x64xf32, #tpu.memory_space<vmem_shared>>
    tpu.wait_indirect_dma semaphore(%arg40 : memref<!tpu.dma_semaphore, #tpu.memory_space<semaphore_mem>>) src(%arg20 : memref<125x64xf32, #tpu.memory_space<vmem>>) dst(%dma_wait3A_91 : memref<10016x64xf32, #tpu.memory_space<vmem_shared>>)
    %ne3A = arith.constant 0 : i32
    %ne3A_92 = arith.cmpi ne, %arg0, %ne3A : i32
    %convert_element_type3A_93 = arith.extui %ne3A_92 : i1 to i32
    %cond3A_94 = arith.constant 0 : i32
    %cond3A_95 = arith.cmpi ne, %convert_element_type3A_93, %cond3A_94 : i32
    scf.if %cond3A_95 {
      %dma_wait3A_107 = arith.constant 7 : i32
      %dma_wait3A_108 = arith.constant 0 : i32
      %dma_wait3A_109 = tpu.memref_slice %arg16[%dma_wait3A_107, %dma_wait3A_108] : memref<8x125xi32, #tpu.memory_space<vmem>> -> memref<1x125xi32, #tpu.memory_space<vmem>>
      %dma_wait3A_110 = tpu.memref_squeeze %dma_wait3A_109 : memref<1x125xi32, #tpu.memory_space<vmem>> -> memref<125xi32, #tpu.memory_space<vmem>>
      %dma_wait3A_111 = arith.constant 0 : i32
      %dma_wait3A_112 = arith.constant 0 : i32
      %dma_wait3A_113 = tpu.memref_slice %arg24[%dma_wait3A_111, %dma_wait3A_112] : memref<10016x8xf32, #tpu.memory_space<vmem_shared>> -> memref<10016x8xf32, #tpu.memory_space<vmem_shared>>
      tpu.wait_indirect_dma semaphore(%arg44 : memref<!tpu.dma_semaphore, #tpu.memory_space<semaphore_mem>>) src(%arg21 : memref<125x8xf32, #tpu.memory_space<vmem>>) dst(%dma_wait3A_113 : memref<10016x8xf32, #tpu.memory_space<vmem_shared>>)
    } else {
    }
    %barrier3A_96 = arith.constant 0 : index
    tpu.barrier barrier_id(%barrier3A_96)
    %lt3A_97 = arith.constant 15 : i32
    %lt3A_98 = arith.cmpi slt, %arg1, %lt3A_97 : i32
    %convert_element_type3A_99 = arith.extui %lt3A_98 : i1 to i32
    %cond3A_100 = arith.constant 0 : i32
    %cond3A_101 = arith.cmpi ne, %convert_element_type3A_99, %cond3A_100 : i32
    scf.if %cond3A_101 {
      %mul3A_107 = arith.constant 640 : i32
      %mul3A_108 = arith.muli %arg1, %mul3A_107 : i32
      %mul3A_109 = arith.constant 640 : i32
      %mul3A_110 = arith.muli %arg1, %mul3A_109 : i32
      "tpu.region"() ({
        %run_scoped3A = tpu.sem_alloc : memref<!tpu.dma_semaphore, #tpu.memory_space<semaphore_mem>>
        %dma_start3A_115 = arith.constant 0 : i32
        %dma_start3A_116 = tpu.memref_slice %arg7[%arg0, %mul3A_110, %dma_start3A_115] : memref<2x10000x64xf32, #tpu.memory_space<hbm>> -> memref<1x640x64xf32, #tpu.memory_space<hbm>>
        %dma_start3A_117 = tpu.memref_squeeze %dma_start3A_116 : memref<1x640x64xf32, #tpu.memory_space<hbm>> -> memref<640x64xf32, #tpu.memory_space<hbm>>
        %dma_start3A_118 = arith.constant 0 : i32
        %dma_start3A_119 = tpu.memref_slice %arg23[%mul3A_108, %dma_start3A_118] : memref<10016x64xf32, #tpu.memory_space<vmem_shared>> -> memref<640x64xf32, #tpu.memory_space<vmem_shared>>
        tpu.enqueue_dma source(%dma_start3A_119 : memref<640x64xf32, #tpu.memory_space<vmem_shared>>) target(%dma_start3A_117 : memref<640x64xf32, #tpu.memory_space<hbm>>) target_semaphore(%run_scoped3A : memref<!tpu.dma_semaphore, #tpu.memory_space<semaphore_mem>>)
        %dma_wait3A_120 = arith.constant 0 : i32
        %dma_wait3A_121 = tpu.memref_slice %arg7[%arg0, %mul3A_110, %dma_wait3A_120] : memref<2x10000x64xf32, #tpu.memory_space<hbm>> -> memref<1x640x64xf32, #tpu.memory_space<hbm>>
        %dma_wait3A_122 = tpu.memref_squeeze %dma_wait3A_121 : memref<1x640x64xf32, #tpu.memory_space<hbm>> -> memref<640x64xf32, #tpu.memory_space<hbm>>
        %dma_wait3A_123 = arith.constant 0 : i32
        %dma_wait3A_124 = tpu.memref_slice %arg23[%mul3A_108, %dma_wait3A_123] : memref<10016x64xf32, #tpu.memory_space<vmem_shared>> -> memref<640x64xf32, #tpu.memory_space<vmem_shared>>
        tpu.wait_dma2 semaphore(%run_scoped3A : memref<!tpu.dma_semaphore, #tpu.memory_space<semaphore_mem>>) src(%dma_wait3A_124 : memref<640x64xf32, #tpu.memory_space<vmem_shared>>) dst(%dma_wait3A_122 : memref<640x64xf32, #tpu.memory_space<hbm>>)
        tpu.yield
      }) : () -> ()
      %mul3A_111 = arith.constant 640 : i32
      %mul3A_112 = arith.muli %arg1, %mul3A_111 : i32
      %mul3A_113 = arith.constant 640 : i32
      %mul3A_114 = arith.muli %arg1, %mul3A_113 : i32
      "tpu.region"() ({
        %run_scoped3A = tpu.sem_alloc : memref<!tpu.dma_semaphore, #tpu.memory_space<semaphore_mem>>
        %dma_start3A_115 = arith.constant 0 : i32
        %dma_start3A_116 = tpu.memref_slice %arg8[%arg0, %mul3A_114, %dma_start3A_115] : memref<2x10000x8xf32, #tpu.memory_space<hbm>> -> memref<1x640x8xf32, #tpu.memory_space<hbm>>
        %dma_start3A_117 = tpu.memref_squeeze %dma_start3A_116 : memref<1x640x8xf32, #tpu.memory_space<hbm>> -> memref<640x8xf32, #tpu.memory_space<hbm>>
        %dma_start3A_118 = arith.constant 0 : i32
        %dma_start3A_119 = tpu.memref_slice %arg24[%mul3A_112, %dma_start3A_118] : memref<10016x8xf32, #tpu.memory_space<vmem_shared>> -> memref<640x8xf32, #tpu.memory_space<vmem_shared>>
        tpu.enqueue_dma source(%dma_start3A_119 : memref<640x8xf32, #tpu.memory_space<vmem_shared>>) target(%dma_start3A_117 : memref<640x8xf32, #tpu.memory_space<hbm>>) target_semaphore(%run_scoped3A : memref<!tpu.dma_semaphore, #tpu.memory_space<semaphore_mem>>)
        %dma_wait3A_120 = arith.constant 0 : i32
        %dma_wait3A_121 = tpu.memref_slice %arg8[%arg0, %mul3A_114, %dma_wait3A_120] : memref<2x10000x8xf32, #tpu.memory_space<hbm>> -> memref<1x640x8xf32, #tpu.memory_space<hbm>>
        %dma_wait3A_122 = tpu.memref_squeeze %dma_wait3A_121 : memref<1x640x8xf32, #tpu.memory_space<hbm>> -> memref<640x8xf32, #tpu.memory_space<hbm>>
        %dma_wait3A_123 = arith.constant 0 : i32
        %dma_wait3A_124 = tpu.memref_slice %arg24[%mul3A_112, %dma_wait3A_123] : memref<10016x8xf32, #tpu.memory_space<vmem_shared>> -> memref<640x8xf32, #tpu.memory_space<vmem_shared>>
        tpu.wait_dma2 semaphore(%run_scoped3A : memref<!tpu.dma_semaphore, #tpu.memory_space<semaphore_mem>>) src(%dma_wait3A_124 : memref<640x8xf32, #tpu.memory_space<vmem_shared>>) dst(%dma_wait3A_122 : memref<640x8xf32, #tpu.memory_space<hbm>>)
        tpu.yield
      }) : () -> ()
    } else {
    }
    %eq3A_102 = arith.constant 15 : i32
    %eq3A_103 = arith.cmpi eq, %arg1, %eq3A_102 : i32
    %convert_element_type3A_104 = arith.extui %eq3A_103 : i1 to i32
    %cond3A_105 = arith.constant 0 : i32
    %cond3A_106 = arith.cmpi ne, %convert_element_type3A_104, %cond3A_105 : i32
    scf.if %cond3A_106 {
      "tpu.region"() ({
        %run_scoped3A = tpu.sem_alloc : memref<!tpu.dma_semaphore, #tpu.memory_space<semaphore_mem>>
        %dma_start3A_107 = arith.constant 9600 : i32
        %dma_start3A_108 = arith.constant 0 : i32
        %dma_start3A_109 = tpu.memref_slice %arg7[%arg0, %dma_start3A_107, %dma_start3A_108] : memref<2x10000x64xf32, #tpu.memory_space<hbm>> -> memref<1x400x64xf32, #tpu.memory_space<hbm>>
        %dma_start3A_110 = tpu.memref_squeeze %dma_start3A_109 : memref<1x400x64xf32, #tpu.memory_space<hbm>> -> memref<400x64xf32, #tpu.memory_space<hbm>>
        %dma_start3A_111 = arith.constant 9600 : i32
        %dma_start3A_112 = arith.constant 0 : i32
        %dma_start3A_113 = tpu.memref_slice %arg23[%dma_start3A_111, %dma_start3A_112] : memref<10016x64xf32, #tpu.memory_space<vmem_shared>> -> memref<400x64xf32, #tpu.memory_space<vmem_shared>>
        tpu.enqueue_dma source(%dma_start3A_113 : memref<400x64xf32, #tpu.memory_space<vmem_shared>>) target(%dma_start3A_110 : memref<400x64xf32, #tpu.memory_space<hbm>>) target_semaphore(%run_scoped3A : memref<!tpu.dma_semaphore, #tpu.memory_space<semaphore_mem>>)
        %dma_wait3A_114 = arith.constant 9600 : i32
        %dma_wait3A_115 = arith.constant 0 : i32
        %dma_wait3A_116 = tpu.memref_slice %arg7[%arg0, %dma_wait3A_114, %dma_wait3A_115] : memref<2x10000x64xf32, #tpu.memory_space<hbm>> -> memref<1x400x64xf32, #tpu.memory_space<hbm>>
        %dma_wait3A_117 = tpu.memref_squeeze %dma_wait3A_116 : memref<1x400x64xf32, #tpu.memory_space<hbm>> -> memref<400x64xf32, #tpu.memory_space<hbm>>
        %dma_wait3A_118 = arith.constant 9600 : i32
        %dma_wait3A_119 = arith.constant 0 : i32
        %dma_wait3A_120 = tpu.memref_slice %arg23[%dma_wait3A_118, %dma_wait3A_119] : memref<10016x64xf32, #tpu.memory_space<vmem_shared>> -> memref<400x64xf32, #tpu.memory_space<vmem_shared>>
        tpu.wait_dma2 semaphore(%run_scoped3A : memref<!tpu.dma_semaphore, #tpu.memory_space<semaphore_mem>>) src(%dma_wait3A_120 : memref<400x64xf32, #tpu.memory_space<vmem_shared>>) dst(%dma_wait3A_117 : memref<400x64xf32, #tpu.memory_space<hbm>>)
        tpu.yield
      }) : () -> ()
      "tpu.region"() ({
        %run_scoped3A = tpu.sem_alloc : memref<!tpu.dma_semaphore, #tpu.memory_space<semaphore_mem>>
        %dma_start3A_107 = arith.constant 9600 : i32
        %dma_start3A_108 = arith.constant 0 : i32
        %dma_start3A_109 = tpu.memref_slice %arg8[%arg0, %dma_start3A_107, %dma_start3A_108] : memref<2x10000x8xf32, #tpu.memory_space<hbm>> -> memref<1x400x8xf32, #tpu.memory_space<hbm>>
        %dma_start3A_110 = tpu.memref_squeeze %dma_start3A_109 : memref<1x400x8xf32, #tpu.memory_space<hbm>> -> memref<400x8xf32, #tpu.memory_space<hbm>>
        %dma_start3A_111 = arith.constant 9600 : i32
        %dma_start3A_112 = arith.constant 0 : i32
        %dma_start3A_113 = tpu.memref_slice %arg24[%dma_start3A_111, %dma_start3A_112] : memref<10016x8xf32, #tpu.memory_space<vmem_shared>> -> memref<400x8xf32, #tpu.memory_space<vmem_shared>>
        tpu.enqueue_dma source(%dma_start3A_113 : memref<400x8xf32, #tpu.memory_space<vmem_shared>>) target(%dma_start3A_110 : memref<400x8xf32, #tpu.memory_space<hbm>>) target_semaphore(%run_scoped3A : memref<!tpu.dma_semaphore, #tpu.memory_space<semaphore_mem>>)
        %dma_wait3A_114 = arith.constant 9600 : i32
        %dma_wait3A_115 = arith.constant 0 : i32
        %dma_wait3A_116 = tpu.memref_slice %arg8[%arg0, %dma_wait3A_114, %dma_wait3A_115] : memref<2x10000x8xf32, #tpu.memory_space<hbm>> -> memref<1x400x8xf32, #tpu.memory_space<hbm>>
        %dma_wait3A_117 = tpu.memref_squeeze %dma_wait3A_116 : memref<1x400x8xf32, #tpu.memory_space<hbm>> -> memref<400x8xf32, #tpu.memory_space<hbm>>
        %dma_wait3A_118 = arith.constant 9600 : i32
        %dma_wait3A_119 = arith.constant 0 : i32
        %dma_wait3A_120 = tpu.memref_slice %arg24[%dma_wait3A_118, %dma_wait3A_119] : memref<10016x8xf32, #tpu.memory_space<vmem_shared>> -> memref<400x8xf32, #tpu.memory_space<vmem_shared>>
        tpu.wait_dma2 semaphore(%run_scoped3A : memref<!tpu.dma_semaphore, #tpu.memory_space<semaphore_mem>>) src(%dma_wait3A_120 : memref<400x8xf32, #tpu.memory_space<vmem_shared>>) dst(%dma_wait3A_117 : memref<400x8xf32, #tpu.memory_space<hbm>>)
        tpu.yield
      }) : () -> ()
    } else {
    }
    return
  }
}

module attributes {stable_mosaic.version = 14 : i64} {
  func.func @_combine_body(%arg0: i32, %arg1: memref<2x5000x64xf32, #tpu.memory_space<vmem>>, %arg2: memref<2x5000x8xf32, #tpu.memory_space<vmem>>, %arg3: memref<5000x128xf32, #tpu.memory_space<vmem>>) attributes {dimension_semantics = [#tpu.dimension_semantics<arbitrary>], iteration_bounds = array<i64: 2>, scalar_prefetch = 0 : i64, scratch_operands = 0 : i64, tpu.core_type = #tpu.core_type<tc>, window_params = [{transform_indices = @transform_0, window_bounds = array<i64: 2, 5000, 64>}, {transform_indices = @transform_1, window_bounds = array<i64: 2, 5000, 8>}, {transform_indices = @transform_2, window_bounds = array<i64: 5000, 128>}]} {
    %get3A = arith.constant 0 : index
    %get3A_0 = arith.constant 0 : index
    %get3A_1 = arith.constant 0 : index
    %get3A_2 = vector.load %arg2[%get3A, %get3A_0, %get3A_1] : memref<2x5000x8xf32, #tpu.memory_space<vmem>>, vector<1x5000x1xf32>
    %get3A_3 = vector.shape_cast %get3A_2 : vector<1x5000x1xf32> to vector<5000xf32>
    %get3A_4 = arith.constant 1 : index
    %get3A_5 = arith.constant 0 : index
    %get3A_6 = arith.constant 0 : index
    %get3A_7 = vector.load %arg2[%get3A_4, %get3A_5, %get3A_6] : memref<2x5000x8xf32, #tpu.memory_space<vmem>>, vector<1x5000x1xf32>
    %get3A_8 = vector.shape_cast %get3A_7 : vector<1x5000x1xf32> to vector<5000xf32>
    %add3A = arith.addf %get3A_3, %get3A_8 : vector<5000xf32>
    %jit3A = arith.constant 1.000000e+00 : f32
    %max3A = vector.broadcast %jit3A : f32 to vector<5000xf32>
    %max3A_9 = arith.maximumf %max3A, %add3A : vector<5000xf32>
    %broadcast_in_dim3A = vector.shape_cast %max3A_9 : vector<5000xf32> to vector<5000x1xf32>
    %div3A = arith.constant 1.000000e+00 : f32
    %div3A_10 = vector.broadcast %div3A : f32 to vector<5000x1xf32>
    %div3A_11 = arith.divf %div3A_10, %broadcast_in_dim3A : vector<5000x1xf32>
    %get3A_12 = arith.constant 0 : index
    %get3A_13 = arith.constant 0 : index
    %get3A_14 = arith.constant 0 : index
    %get3A_15 = vector.load %arg1[%get3A_12, %get3A_13, %get3A_14] : memref<2x5000x64xf32, #tpu.memory_space<vmem>>, vector<1x5000x64xf32>
    %get3A_16 = vector.shape_cast %get3A_15 : vector<1x5000x64xf32> to vector<5000x64xf32>
    %get3A_17 = arith.constant 1 : index
    %get3A_18 = arith.constant 0 : index
    %get3A_19 = arith.constant 0 : index
    %get3A_20 = vector.load %arg1[%get3A_17, %get3A_18, %get3A_19] : memref<2x5000x64xf32, #tpu.memory_space<vmem>>, vector<1x5000x64xf32>
    %get3A_21 = vector.shape_cast %get3A_20 : vector<1x5000x64xf32> to vector<5000x64xf32>
    %concatenate3A = tpu.concatenate %get3A_16, %get3A_21 in 1 : vector<5000x64xf32>, vector<5000x64xf32> -> vector<5000x128xf32>
    %mul3A = vector.broadcast %div3A_11 : vector<5000x1xf32> to vector<5000x128xf32>
    %mul3A_22 = arith.mulf %concatenate3A, %mul3A : vector<5000x128xf32>
    %swap3A = arith.constant 0 : index
    %swap3A_23 = arith.constant 0 : index
    %swap3A_24 = vector.load %arg3[%swap3A, %swap3A_23] : memref<5000x128xf32, #tpu.memory_space<vmem>>, vector<5000x128xf32>
    tpu.vector_store %arg3[%swap3A, %swap3A_23], %mul3A_22 {strides = array<i32>} : memref<5000x128xf32, #tpu.memory_space<vmem>>, vector<5000x128xf32>,
    return
  }
  func.func @transform_0(%arg0: i32) -> (i32, i32, i32) {
    %c0_i32 = arith.constant 0 : i32
    %c0_i32_0 = arith.constant 0 : i32
    %c0_i32_1 = arith.constant 0 : i32
    return %c0_i32, %arg0, %c0_i32_0 : i32, i32, i32
  }
  func.func @transform_1(%arg0: i32) -> (i32, i32, i32) {
    %c0_i32 = arith.constant 0 : i32
    %c0_i32_0 = arith.constant 0 : i32
    %c0_i32_1 = arith.constant 0 : i32
    return %c0_i32, %arg0, %c0_i32_0 : i32, i32, i32
  }
  func.func @transform_2(%arg0: i32) -> (i32, i32) {
    %c0_i32 = arith.constant 0 : i32
    %c0_i32_0 = arith.constant 0 : i32
    return %arg0, %c0_i32 : i32, i32
  }
}

</mosaic_0001>

<sc_bundles>
// kernel: kernel.4.cloned.1.call-start
scs
__scs_entry_jumppad:
0x0: {  	(pc) =	sbr.rel $0x88, $3  }
0x1: {  	(tag) =	ssettag $0x0;
	lr =	simm.s32 $0x1  }
0x2: {  	[smem:$0x3F9F] =	sst lr;
	_ =	strace $0xD0000000  }
0x3: {  	_ = 	snop  }
0x4: {  	_ = 	snop  }
0x5: {  	_ = 	snop  }
0x6: {  	_ = 	snop  }
0x7: {  	_ = 	snop  }
__scs_overlays_trampoline_lowered:
0x8: {  	[smem:$0x3FAE] =	sst s0  }
0x9: {  	[smem:$0x3FAF] =	sst s1  }
0xa: {  	[smem:$0x3FB0] =	sst s2  }
0xb: {  	[smem:$0x3FB1] =	sst s3  }
0xc: {  	[smem:$0x3FB2] =	sst s4  }
0xd: {  	[smem:$0x3FB3] =	sst s5  }
0xe: {  	[smem:$0x3FB4] =	sst s6  }
0xf: {  	[smem:$0x3FB5] =	sst s7  }
0x10: {  	[smem:$0x3FB6] =	sst s8  }
0x11: {  	[smem:$0x3FB7] =	sst s9;
	s0 =	simm.s32 @!p0 $0x0  }
0x12: {  	s1 =	sld [smem:$0x3F9D];
	s0 =	simm.s32 @p0 $0x1  }
0x13: {  	[smem:$0x3FB8] =	sst s0;
	s0 =	simm.s32 @!p1 $0x0  }
0x14: {  	s2 =	sld [smem:$0x3F9C];
	s0 =	simm.s32 @p1 $0x1  }
0x15: {  	[smem:$0x3FB9] =	sst s0;
	s0 =	simm.s32 @!p2 $0x0  }
0x16: {  	s3 =	sld [smem:$0x3FDB];
	s0 =	simm.s32 @p2 $0x1  }
0x17: {  	s4 =	simm.s32 $0x1BF5;
	[smem:$0x3FBB] =	sst s0  }
0x18: {  	s0 =	sld [smem:$0x3F9E];
	_ =	swait.ge [sflag:s4], $0x0  }
0x19: {  	s7 =	sld [smem:$0x3F9F]  }
0x1a: {  	s8 =	sadd.s32 $0xFFFFE003, lr  }
0x1b: {  	s9 =	sadd.s32 $0xFFFFFEF7, lr;
	s5 =	simm.s32 $0xFFFFFFFF;
	p2 =	slt.u32 s8, $0xFFFFF086  }
0x1c: {  	p1 =	slt.u32 s9, $0xF7A;
	s5 =	simm.s32 @!p2 $0x0  }
0x1d: {  	s5 =	simm.s32 @p1 $0x1;
	p0 =	seq.s32 s7, s2  }
0x1e: {  	s7 =	smul.u32 @!p0 $0xF7A, s2;
	p2 =	seq.s32 @!p0 s5, $0x0  }
0x1f: {  	s9 =	smul.u32 $0xF7A, s1;
	s8 =	simm.s32 @!p0 $0x1BF5;
	p2 =	por !p2, p0  }
0x20: {  	[sflag:s8] =	ssyncset.s32 @!p0 $0xFFFFF086;
	s6 =	sadd.s32 @!p0 s3, s7;
	s7 =	simm.s32 @!p0 $0x108  }
0x21: {  	s3 =	sadd.s32 s3, s9;
	s6 =	sadd.s32 @!p0 $0x88, s6;
	s7 =	simm.s32 @p2 $0x1082  }
0x22: {  	[simem:s7], [sflag:s8] =	dma.local @!p0 [hbm:s6], $0xF7A  }
0x23: {  	s9 =	sor.u32 $0xD0000000, s2;
	s6 =	simm.s32 $0x108;
	_ =	swait.ge @!p0 [sflag:s8], $0x0  }
0x24: {  	s3 =	sadd.s32 $0x88, s3;
	s6 =	simm.s32 @!p1 $0x1082;
	[sflag:s4] =	ssyncset.s32 $0xFFFFF086  }
0x25: {  	[simem:s6], [sflag:s4] =	dma.local [hbm:s3], $0xF7A  }
0x26: {  	[smem:$0x3F9F] =	sst s1;
	(tag) =	ssettag s2;
	_ =	strace s9  }
0x27: {  	s1 =	sld [smem:$0x3FAF]  }
0x28: {  	s2 =	sld [smem:$0x3FB0]  }
0x29: {  	s4 =	sld [smem:$0x3FB2]  }
0x2a: {  	p0 =	seq.s32 s5, $0x0;
	s5 =	sld [smem:$0x3FB3]  }
0x2b: {  	s6 =	sld [smem:$0x3FB4]  }
0x2c: {  	s7 =	sld [smem:$0x3FB5]  }
0x2d: {  	s3 =	simm.s32 $0x108;
	s8 =	sld [smem:$0x3FB6]  }
0x2e: {  	s3 =	simm.s32 @!p0 $0x1082;
	s9 =	sld [smem:$0x3FB7]  }
0x2f: {  	lr =	sadd.s32 s0, s3;
	s0 =	sld [smem:$0x3FAE]  }
0x30: {  	s3 =	sld [smem:$0x3FB1]  }
0x31: {  	[smem:$0x3FBA] =	sst s10  }
0x32: {  	s10 =	sld [smem:$0x3FB8];
	_ =	sdelay $0x3  }
0x33: {  	p0 =	seq.s32 s10, $0x1;
	s10 =	sld [smem:$0x3FBA];
	_ =	sdelay $0x3  }
0x34: {  	[smem:$0x3FBA] =	sst s10  }
0x35: {  	s10 =	sld [smem:$0x3FB9];
	_ =	sdelay $0x3  }
0x36: {  	p1 =	seq.s32 s10, $0x1;
	s10 =	sld [smem:$0x3FBA];
	_ =	sdelay $0x3  }
0x37: {  	[smem:$0x3FBA] =	sst s10  }
0x38: {  	s10 =	sld [smem:$0x3FBB]  }
0x39: {  	_ = 	snop;
	(pc) =	sbr.ind lr, $3  }
0x3a: {  	_ = 	snop  }
0x3b: {  	_ = 	snop  }
0x3c: {  	p2 =	seq.s32 s10, $0x1;
	s10 =	sld [smem:$0x3FBA]  }
0x3d: {  	_ =	shalt  }
0x3e: {  	_ =	shalt  }
0x3f: {  	_ =	shalt  }
0x40: {  	_ =	shalt  }
0x41: {  	_ =	shalt  }
0x42: {  	_ =	shalt  }
0x43: {  	_ =	shalt  }
0x44: {  	_ =	shalt  }
0x45: {  	_ =	shalt  }
0x46: {  	_ =	shalt  }
0x47: {  	_ =	shalt  }
0x48: {  	_ =	shalt  }
0x49: {  	_ =	shalt  }
0x4a: {  	_ =	shalt  }
0x4b: {  	_ =	shalt  }
0x4c: {  	_ =	shalt  }
0x4d: {  	_ =	shalt  }
0x4e: {  	_ =	shalt  }
0x4f: {  	_ =	shalt  }
0x50: {  	_ =	shalt  }
0x51: {  	_ =	shalt  }
0x52: {  	_ =	shalt  }
0x53: {  	_ =	shalt  }
0x54: {  	_ =	shalt  }
0x55: {  	_ =	shalt  }
0x56: {  	_ =	shalt  }
0x57: {  	_ =	shalt  }
0x58: {  	_ =	shalt  }
0x59: {  	_ =	shalt  }
0x5a: {  	_ =	shalt  }
0x5b: {  	_ =	shalt  }
0x5c: {  	_ =	shalt  }
0x5d: {  	_ =	shalt  }
0x5e: {  	_ =	shalt  }
0x5f: {  	_ =	shalt  }
0x60: {  	_ =	shalt  }
0x61: {  	_ =	shalt  }
0x62: {  	_ =	shalt  }
0x63: {  	_ =	shalt  }
0x64: {  	_ =	shalt  }
0x65: {  	_ =	shalt  }
0x66: {  	_ =	shalt  }
0x67: {  	_ =	shalt  }
0x68: {  	_ =	shalt  }
0x69: {  	_ =	shalt  }
0x6a: {  	_ =	shalt  }
0x6b: {  	_ =	shalt  }
0x6c: {  	_ =	shalt  }
0x6d: {  	_ =	shalt  }
0x6e: {  	_ =	shalt  }
0x6f: {  	_ =	shalt  }
0x70: {  	_ =	shalt  }
0x71: {  	_ =	shalt  }
0x72: {  	_ =	shalt  }
0x73: {  	_ =	shalt  }
0x74: {  	_ =	shalt  }
0x75: {  	_ =	shalt  }
0x76: {  	_ =	shalt  }
0x77: {  	_ =	shalt  }
0x78: {  	_ =	shalt  }
0x79: {  	_ =	shalt  }
0x7a: {  	_ =	shalt  }
0x7b: {  	_ =	shalt  }
0x7c: {  	_ =	shalt  }
0x7d: {  	_ =	shalt  }
0x7e: {  	_ =	shalt  }
0x7f: {  	_ =	shalt  }
0x80: {  	_ =	shalt  }
0x81: {  	_ =	shalt  }
0x82: {  	_ =	shalt  }
0x83: {  	_ =	shalt  }
0x84: {  	_ =	shalt  }
0x85: {  	_ =	shalt  }
0x86: {  	_ =	shalt  }
0x87: {  	_ =	shalt  }
.Lfunc_end0:
.L_simem_size_0:
called_computation_lowered:
.L_overlay_start_0:
0x88: {  	s2 =	sld [smem:$0x3FD9]  }
0x89: {  	s3 =	sld [smem:$0x3FFE];
	_ =	sdelay $0x1  }
0x8a: {  	s1 =	srdreg.scid  }
0x8b: {  	s0 =	sand.u32 $0x1, s1  }
0x8c: {  	s17 =	sshll.u32 s0, $0xA;
	s2 =	sadd.s32 s3, s2  }
0x8d: {  	s2 =	sadd.s32 s2, s17  }
0x8e: {  	[smem:$0x3FC6] =	sst s2  }
0x8f: {  	_ = 	snop  }
0x90: {  	s2 =	sld [smem:$0x3FD0];
	(tm) =	ssettm $0x1  }
0x91: {  	s18 =	sld [smem:$0x3FFB];
	_ =	sdelay $0x3  }
0x92: {  	_ =	strace s18  }
0x93: {  	s3 =	sld [smem:$0x3FFC];
	_ =	sdelay $0x3  }
0x94: {  	_ =	strace s3  }
0x95: {  	s3 =	sld [smem:$0x3FFD];
	_ =	sdelay $0x3  }
0x96: {  	_ =	strace s3  }
0x97: {  	_ =	strace $0x8FFFFFFF  }
0x98: {  	s19 =	sld [smem:$0x3FDB];
	_ =	sdelay $0x1  }
0x99: {  	s4 =	simm.s32 $_scs_section_size  }
0x9a: {  	s5 =	simm.s32 $_size__tile_overlayer_lowered;
	s6 =	simm.s32 $_tile_overlayer_lowered  }
0x9b: {  	s22 =	simm.s32 $0x1BFF;
	s21 =	sshll.u32 s6, $0x1;
	s3 =	sadd.s32 s4, s19  }
0x9c: {  	s7 =	simm.s32 $0x0;
	s20 =	sshll.u32 s5, $0x1;
	s5 =	sadd.s32 s21, s3  }
0x9d: {  	[timem:s7], [sflag:s22] =	dma.local [hbm:s5], s20  }
0x9e: {  	_ =	swait.ge [sflag:s22], s20  }
0x9f: {  	s4 =	ssub.s32 $0x0, s20;
	[sflag:s22] =	ssyncset.done $0x0  }
0xa0: {  	[sflag:s22] =	ssyncadd.s32 s4;
	_ =	sdelay $0x1  }
0xa1: {  	s23 =	simm.s32 $0x1B8B  }
0xa2: {  	_ =	swait.ge [sflag:s23], $0x1  }
0xa3: {  	[sflag:s23] =	ssyncset.done $0x0  }
0xa4: {  	s25 =	simm.s32 $0x1B8E;
	s24 =	sld [smem:$0x3FFE];
	[sflag:s23] =	ssyncadd.s32 $0xFFFFFFFF  }
0xa5: {  	s26 =	simm.s32 $execute0_lowered;
	[smem:$0x3FD2] =	sst s25  }
0xa6: {  	s5 =	sshll.u32 s26, $0x1;
	_ =	strace $0x80000046;
	[dreg:$0x1] =	wrdreg $0xFFFFFFFF  }
0xa7: {  	s28 =	simm.s32 $_size_execute0_lowered;
	s3 =	sadd.s32 s3, s5;
	[dreg:$0x0] =	wrdreg $0x0  }
0xa8: {  	s5 =	sshll.u32 s28, $0x1;
	[dreg:$0x2] =	wrdreg s3  }
0xa9: {  	[dreg:$0x3] =	wrdreg s5  }
0xaa: {  	[dreg:$0x4] =	wrdreg $0xC0  }
0xab: {  	_ =	task [dreg:s7], $0x5FFFF  }
0xac: {  	[dreg:$0x1] =	wrdreg $0xFFFFFFFF  }
0xad: {  	[dreg:$0x0] =	wrdreg $0x60  }
0xae: {  	[dreg:$0x2] =	wrdreg s2  }
0xaf: {  	[dreg:$0x3] =	wrdreg s24  }
0xb0: {  	[dreg:$0x4] =	wrdreg $0xA0E80  }
0xb1: {  	[dreg:$0x5] =	wrdreg $0x13D280  }
0xb2: {  	[dreg:$0x6] =	wrdreg $0x1D9A80  }
0xb3: {  	[dreg:$0x7] =	wrdreg $0x9  }
0xb4: {  	_ =	task.clear_ibuf [dreg:s7], $0x8FFFF;
	_ =	strace $0x90000046  }
0xb5: {  	s29 =	simm.s32 $0x9;
	_ =	strace $0x80000048  }
0xb6: {  	_ =	swait.ge [sflag:s29], $0x1  }
0xb7: {  	[sflag:s29] =	ssyncadd.s32 $0xFFFFFFFF  }
0xb8: {  	_ =	strace $0x90000048  }
0xb9: {  	_ =	sfence  }
0xba: {  	s30 =	sld [smem:$0x0];
	_ =	sdelay $0x2  }
0xbb: {  	s31 =	sshll.u32 s1, $0xD;
	s1 =	sshrl.u32 s1, $0x2  }
0xbc: {  	s3 =	sand.u32 $0x4000, s31;
	s1 =	sadd.s32 s1, s30  }
0xbd: {  	s0 =	sor.u32 s3, s0;
	s1 =	sshll.u32 s1, $0x11  }
0xbe: {  	s0 =	sor.u32 s1, s0  }
0xbf: {  	s0 =	sadd.s32 $0x8F2B, s0  }
0xc0: {  	[sflag:s0] =	ssyncadd.remote.s32 $0x1  }
0xc1: {  	_ =	sfence.sel $0xFFFF  }
0xc2: {  	[dreg:$0x0] =	wrdreg $0xFFFFFFFF;
	(pc) =	sbr.abs _section_cstart, $3  }
0xc3: {  	[dreg:$0x1] =	wrdreg $0xFFFFFFFF  }
0xc4: {  	_ =	task.clear_ibuf [dreg:s7], $0x2FFFF;
	_ =	strace $0x9FFFFFFF  }
0xc5: {  	(tm) =	ssettm $0x7FFFFFFF  }
tec
execute0_lowered:
.L_overlay_start_1:
0x0: {  	(tag) =	ssettag $0x1  }
0x1: {  	s0 =	rddreg [dreg:$0x0]  }
0x2: {  	s5 =	rddreg [dreg:$0x1]  }
0x3: {  	s1 =	rddreg [dreg:$0x2]  }
0x4: {  	s2 =	rddreg [dreg:$0x3]  }
0x5: {  	s3 =	rddreg [dreg:$0x4];
	s4 =	simm.s32 $0x0;
	s6 =	srdreg.scid  }
0x6: {  	s31 =	simm.s32 $0x9D00;
	s30 =	simm.s32 $0xB;
	s28 =	simm.s32 $0x8  }
0x7: {  	[smem:$0x7FF] =	sst s4;
	s7 =	sadd.s32 $0xC00, s5;
	s19 =	sand.u32 $0x1, s6  }
0x8: {  	s18 =	sadd.s32 $0x15200, s5;
	s8 =	sadd.s32 $0x14E00, s5;
	s10 =	sadd.s32 $0x14C00, s5  }
0x9: {  	s22 =	sadd.s32 $0x16600, s5;
	_ =	strace $0x80000047;
	[dreg:$0x7] =	wrdreg s18  }
0xa: {  	s5 =	sadd.s32 $0x3D800, s5;
	s18 =	stileid.u32;
	s20 =	smul.u32 $0x9C400, s19  }
0xb: {  	s17 =	sadd.s32 $0x96000, s1;
	[dreg:$0x8] =	wrdreg s8;
	s15 =	smul.u32 $0x13880, s19  }
0xc: {  	s21 =	ssub.s32 $0x2, s19;
	[dreg:$0x9] =	wrdreg s10;
	s9 =	smul.u32 $0xA000, s18  }
0xd: {  	p1 =	sne.s32 s19, $0x0;
	[dreg:$0x6] =	wrdreg s19;
	s13 =	smul.u32 $0x5000, s18  }
0xe: {  	p2 =	seq.s32 s19, $0x0;
	s19 =	simm.s32 $0x1C00;
	s24 =	smul.u32 $0xA00, s18  }
0xf: {  	s10 =	simm.s32 $0x12;
	s11 =	sshrl.u32 s21, $0x1;
	s16 =	smul.u32 $0x1400, s18  }
0x10: {  	p0 =	seq.s32 s18, $0xF;
	s18 =	simm.s32 $0x1800;
	s8 =	ssub.s32 s21, s11  }
0x11: {  	s6 =	sshrl.u32 s20, $0x3;
	s21 =	sshrl.u32 s15, $0x3;
	s23 =	sadd.s32 s9, s20  }
0x12: {  	s12 =	sadd.s32 s9, s1;
	s9 =	sadd.s32 s9, s2;
	s25 =	sshrl.u32 s13, $0x2  }
0x13: {  	s6 =	sadd.s32 $0x12C00, s6;
	s26 =	sshrl.u32 s13, $0x3;
	s29 =	sadd.s32 s16, s15  }
0x14: {  	s13 =	sadd.s32 $0x96000, s2;
	s11 =	sshrl.u32 s23, $0x3;
	[dreg:$0xb] =	wrdreg s9  }
0x15: {  	s9 =	sadd.s32 s7, s24;
	[dreg:$0x10] =	wrdreg s13;
	s23 =	smax.u32 s8, $0x1  }
0x16: {  	s24 =	sadd.s32 $0x12C00, s3;
	s8 =	simm.s32 $0xE;
	[dreg:$0x15] =	wrdreg s23  }
0x17: {  	s13 =	simm.s32 $0x10;
	s14 =	sadd.s32 s0, s11;
	[dreg:$0x1a] =	wrdreg s24  }
0x18: {  	s0 =	sadd.s32 s0, s6;
	s11 =	sadd.s32 s22, s11;
	[dreg:$0xd] =	wrdreg s9  }
0x19: {  	s6 =	sadd.s32 s22, s6;
	s23 =	simm.s32 $0x3F40;
	[dreg:$0xa] =	wrdreg s14  }
0x1a: {  	s24 =	simm.s32 $0x11;
	s14 =	sadd.s32 s25, s3;
	[dreg:$0xc] =	wrdreg s0  }
0x1b: {  	s0 =	sadd.s32 s7, s26;
	[dreg:$0xe] =	wrdreg s11;
	s7 =	sshrl.u32 s29, $0x3  }
0x1c: {  	[dreg:$0xf] =	wrdreg s6;
	s25 =	sadd.s32 $0xA000, s9;
	s26 =	sadd.s32 $0x80, s9  }
0x1d: {  	s29 =	sadd.s32 $0x100, s9;
	s6 =	simm.s32 $0xC;
	[dreg:$0x1b] =	wrdreg s25  }
0x1e: {  	s9 =	simm.s32 $0x13;
	s20 =	sadd.s32 s5, s7;
	[dreg:$0x1c] =	wrdreg s26  }
0x1f: {  	s5 =	sadd.s32 s5, s21;
	s22 =	sadd.s32 $0xA080, s0;
	[dreg:$0x1d] =	wrdreg s29  }
0x20: {  	s0 =	sadd.s32 $0xA100, s0;
	s21 =	simm.s32 $0x2000;
	[dreg:$0x11] =	wrdreg s20  }
0x21: {  	s25 =	simm.s32 $0x5E80;
	s26 =	simm.s32 $0x9;
	[dreg:$0x12] =	wrdreg s22  }
0x22: {  	s7 =	simm.s32 $0xA;
	[dreg:$0x13] =	wrdreg s0;
	s0 =	sadd.s32 s16, s3  }
0x23: {  	s5 =	sadd.s32 $0x2580, s5;
	s20 =	simm.s32 $0x7D;
	s22 =	simm.s32 $0xD  }
.Ltmp0:
0x24: {  	[dreg:$0x14] =	wrdreg s5;
	s5 =	sshrl.u32 @p0 s17, $0x3;
	(pc) =	sbr.rel .LBB2_1-.Ltmp0, $4  }
0x25: {  	s16 =	simm.s32 $0x0;
	s0 =	sshrl.u32 @!p0 s0, $0x3;
	[dreg:$0x16] =	wrdreg s5  }
0x26: {  	s17 =	simm.s32 $0x1400;
	s5 =	sshrl.u32 @!p0 s12, $0x3;
	[dreg:$0x19] =	wrdreg s0  }
0x27: {  	s0 =	simm.s32 $0x7DC0;
	[dreg:$0x17] =	wrdreg s5;
	s5 =	sshrl.u32 @!p0 s14, $0x3  }
0x28: {  	s12 =	simm.s32 $0x14;
	[dreg:$0x18] =	wrdreg s5;
	s5 =	simm.s32 $0xF  }
.LBB2_10:
0x29: {  	_ =	swait.ge [sflag:s13], $0x1F40  }
0x2a: {  	[sflag:s13] =	ssyncset.done $0x0  }
0x2b: {  	s14 =	simm.s32 @!p2 $0x14;
	[sflag:s13] =	ssyncadd.s32 $0xFFFFE0C0  }
0x2c: {  	_ =	swait.ge @!p2 [sflag:s14], $0x3E8  }
0x2d: {  	[sflag:s14] =	ssyncset.done @!p2 $0x0  }
0x2e: {  	[sflag:s14] =	ssyncadd.s32 @!p2 $0xFFFFFC18  }
0x2f: {  	[bflag:$0x0] =	sbarrier.arrive $0xFFFF  }
0x30: {  	s11 =	sld [smem:$0x7FB];
	_ =	sdelay $0x1  }
0x31: {  	s14 =	simm.s32 @p0 $0x1FD5;
	s15 =	rddreg [dreg:$0xf]  }
0x32: {  	[hbm:s15], [sflag:s14] =	dma.local @p0 [spmem:s11], $0xC80  }
0x33: {  	s15 =	simm.s32 @p0 $0x15  }
0x34: {  	_ =	swait.ge @p0 [sflag:s15], $0xC80  }
0x35: {  	s11 =	sld [smem:$0x7FC]  }
0x36: {  	[sflag:s15] =	ssyncset.done @p0 $0x0  }
0x37: {  	s16 =	rddreg [dreg:$0x14];
	[sflag:s15] =	ssyncadd.s32 @p0 $0xFFFFF380  }
0x38: {  	[hbm:s16], [sflag:s14] =	dma.local @p0 [spmem:s11], $0x190  }
0x39: {  	_ =	swait.ge @p0 [sflag:s15], $0x190  }
0x3a: {  	[sflag:s15] =	ssyncset.done @p0 $0x0  }
0x3b: {  	[sflag:s15] =	ssyncadd.s32 @p0 $0xFFFFFE70;
	s15 =	sld [smem:$0x7FD]  }
0x3c: {  	s14 =	rddreg [dreg:$0xe]  }
0x3d: {  	s11 =	rddreg [dreg:$0x1f]  }
0x3e: {  	[hbm:s14], [sflag:s11] =	dma.local @!p0 [spmem:s15], $0x1400  }
0x3f: {  	s14 =	simm.s32 @!p0 $0x15  }
0x40: {  	_ =	swait.ge @!p0 [sflag:s14], $0x1400  }
0x41: {  	[sflag:s14] =	ssyncset.done @!p0 $0x0;
	s15 =	rddreg [dreg:$0x11]  }
0x42: {  	s16 =	rddreg [dreg:$0x19];
	[sflag:s14] =	ssyncadd.s32 @!p0 $0xFFFFEC00  }
0x43: {  	[hbm:s15], [sflag:s11] =	dma.local @!p0 [spmem:s16], $0x280  }
0x44: {  	_ =	swait.ge @!p0 [sflag:s14], $0x280  }
0x45: {  	s15 =	rddreg [dreg:$0x1e]  }
0x46: {  	s29 =	rddreg [dreg:$0x15];
	s16 =	sadd.s32 $0x1, s15  }
0x47: {  	p3 =	sne.s32 s16, s29  }
.Ltmp1:
0x48: {  	_ = 	snop;
	(pc) =	sbr.rel @!p3 .LBB2_11-.Ltmp1, $3  }
0x49: {  	_ =	sdelay $0x1  }
0x4a: {  	[sflag:s14] =	ssyncset.done @!p0 $0x0  }
0x4b: {  	[sflag:s14] =	ssyncadd.s32 @!p0 $0xFFFFFD80  }
.LBB2_1:
0x4c: {  	[dreg:$0x1e] =	wrdreg s16  }
0x4d: {  	s14 =	rddreg [dreg:$0x9];
	s15 =	simm.s32 $0x15  }
0x4e: {  	[tilespmem:s31], [sflag:$0x15] =	stream.linear.gather [hbm4b:s14+s4], $0x3E8, $0x38;
	[tilespmem:$0x1ED38] =	vst v63  }
0x4f: {  	_ =	swait.ge [sflag:s15], $0x3E8  }
0x50: {  	s29 =	simm.s32 @p0 $0x15;
	[sflag:s15] =	ssyncset.done $0x0;
	s16 =	rddreg [dreg:$0x16]  }
0x51: {  	s14 =	simm.s32 @p0 $0x1FD5;
	[sflag:s15] =	ssyncadd.s32 $0xFFFFFC18;
	s15 =	rddreg [dreg:$0xc]  }
0x52: {  	[spmem:s16], [sflag:s14] =	dma.local @p0 [hbm:s15], $0xC80  }
0x53: {  	_ =	swait.ge @p0 [sflag:s29], $0xC80  }
0x54: {  	s15 =	rddreg [dreg:$0x10]  }
0x55: {  	[sflag:s29] =	ssyncset.done @p0 $0x0;
	s11 =	sshrl.u32 @p0 s15, $0x3;
	s15 =	rddreg [dreg:$0x7]  }
0x56: {  	[sflag:s29] =	ssyncadd.s32 @p0 $0xFFFFF380;
	[smem:$0x7FB] =	sst s11  }
0x57: {  	[spmem:s11], [sflag:s14] =	dma.local @p0 [hbm:s15], $0xC80  }
0x58: {  	_ =	swait.ge @p0 [sflag:s29], $0xC80  }
0x59: {  	s16 =	rddreg [dreg:$0x1a]  }
0x5a: {  	[sflag:s29] =	ssyncset.done @p0 $0x0;
	s11 =	sshrl.u32 @p0 s16, $0x3;
	s16 =	rddreg [dreg:$0x8]  }
0x5b: {  	[sflag:s29] =	ssyncadd.s32 @p0 $0xFFFFF380;
	[smem:$0x7FC] =	sst s11  }
0x5c: {  	[spmem:s11], [sflag:s14] =	dma.local @p0 [hbm:s16], $0x190  }
0x5d: {  	s14 =	stileid.u32  }
0x5e: {  	_ =	swait.ge @p0 [sflag:s29], $0x190;
	s14 =	sshll.u32 @!p0 s14, $0x6  }
0x5f: {  	[sflag:s29] =	ssyncset.done @p0 $0x0;
	s11 =	sor.u32 @!p0 $0x1C15, s14;
	s14 =	rddreg [dreg:$0xa]  }
0x60: {  	[sflag:s29] =	ssyncadd.s32 @p0 $0xFFFFFE70;
	s29 =	rddreg [dreg:$0x17]  }
0x61: {  	[spmem:s29], [sflag:s11] =	dma.local @!p0 [hbm:s14], $0x1400  }
0x62: {  	s14 =	simm.s32 @!p0 $0x15  }
0x63: {  	_ =	swait.ge @!p0 [sflag:s14], $0x1400  }
0x64: {  	s29 =	rddreg [dreg:$0xb]  }
0x65: {  	[sflag:s14] =	ssyncset.done @!p0 $0x0;
	s29 =	sshrl.u32 @!p0 s29, $0x3  }
0x66: {  	[sflag:s14] =	ssyncadd.s32 @!p0 $0xFFFFEC00;
	[smem:$0x7FD] =	sst s29  }
0x67: {  	[spmem:s29], [sflag:s11] =	dma.local @!p0 [hbm:s15], $0x1400  }
0x68: {  	_ =	swait.ge @!p0 [sflag:s14], $0x1400  }
0x69: {  	[dreg:$0x1f] =	wrdreg s11;
	[sflag:s14] =	ssyncset.done @!p0 $0x0  }
0x6a: {  	s15 =	rddreg [dreg:$0x18];
	[sflag:s14] =	ssyncadd.s32 @!p0 $0xFFFFEC00  }
0x6b: {  	[spmem:s15], [sflag:s11] =	dma.local @!p0 [hbm:s16], $0x280  }
0x6c: {  	_ =	swait.ge @!p0 [sflag:s14], $0x280  }
0x6d: {  	[sflag:s14] =	ssyncset.done @!p0 $0x0  }
0x6e: {  	[sflag:s14] =	ssyncadd.s32 @!p0 $0xFFFFFD80  }
0x6f: {  	[bflag:$0x0] =	sbarrier.arrive $0xFFFF  }
0x70: {  	s16 =	rddreg [dreg:$0xd]  }
0x71: {  	[tilespmem:s4], [sflag:$0x1] =	stream.linear.gather [hbm4b:s16+s4], $0x400, $0x38;
	[tilespmem:$0x1ED38] =	vst v63  }
0x72: {  	s11 =	rddreg [dreg:$0x1b];
	s16 =	simm.s32 $0x1000  }
0x73: {  	[tilespmem:s16], [sflag:$0x5] =	stream.linear.gather [hbm4b:s11+s4], $0x400, $0x38;
	[tilespmem:$0x1ED38] =	vst v63  }
0x74: {  	s15 =	rddreg [dreg:$0x1c];
	s11 =	simm.s32 $0x400  }
0x75: {  	[tilespmem:s11], [sflag:$0x2] =	stream.linear.gather [hbm4b:s15+s4], $0x400, $0x38;
	[tilespmem:$0x1ED38] =	vst v63  }
0x76: {  	s11 =	rddreg [dreg:$0x12]  }
0x77: {  	[tilespmem:s17], [sflag:$0x6] =	stream.linear.gather [hbm4b:s11+s4], $0x400, $0x38;
	[tilespmem:$0x1ED38] =	vst v63  }
0x78: {  	s15 =	rddreg [dreg:$0x1d];
	s11 =	simm.s32 $0x800  }
0x79: {  	[tilespmem:s11], [sflag:$0x3] =	stream.linear.gather [hbm4b:s15+s4], $0x400, $0x38;
	[tilespmem:$0x1ED38] =	vst v63  }
0x7a: {  	s29 =	simm.s32 $0x0;
	s15 =	rddreg [dreg:$0x13];
	s11 =	simm.s32 $0x4  }
0x7b: {  	[tilespmem:s18], [sflag:$0x7] =	stream.linear.gather [hbm4b:s15+s4], $0x400, $0x38;
	[tilespmem:$0x1ED38] =	vst v63  }
.LBB2_2:
0x7c: {  	s14 =	simm.s32 $0x1  }
0x7d: {  	_ =	swait.ge [sflag:s14], $0x400  }
0x7e: {  	[sflag:s14] =	ssyncset.done $0x0  }
0x7f: {  	s15 =	simm.s32 $0x5;
	[sflag:s14] =	ssyncadd.s32 $0xFFFFFC00  }
0x80: {  	_ =	swait.ge [sflag:s15], $0x400  }
0x81: {  	[sflag:s15] =	ssyncset.done $0x0  }
0x82: {  	[sflag:s15] =	ssyncadd.s32 $0xFFFFFC00;
	s15 =	simm.s32 $0x2  }
0x83: {  	_ =	swait.ge [sflag:s15], $0x400  }
0x84: {  	[sflag:s15] =	ssyncset.done $0x0  }
0x85: {  	[sflag:s15] =	ssyncadd.s32 $0xFFFFFC00;
	s15 =	simm.s32 $0x6  }
0x86: {  	_ =	swait.ge [sflag:s15], $0x400  }
0x87: {  	[sflag:s15] =	ssyncset.done $0x0  }
0x88: {  	[sflag:s15] =	ssyncadd.s32 $0xFFFFFC00;
	s15 =	simm.s32 $0x3  }
0x89: {  	_ =	swait.ge [sflag:s15], $0x400  }
0x8a: {  	[sflag:s15] =	ssyncset.done $0x0  }
0x8b: {  	[sflag:s15] =	ssyncadd.s32 $0xFFFFFC00;
	s15 =	simm.s32 $0x7  }
0x8c: {  	_ =	swait.ge [sflag:s15], $0x400  }
0x8d: {  	[sflag:s15] =	ssyncset.done $0x0  }
0x8e: {  	[sflag:s15] =	ssyncadd.s32 $0xFFFFFC00  }
0x8f: {  	[tilespmem:s21], [sflag:$0x9] =	stream.indirect.gather [spmem:s1], $0x40, s4, s20, $0xb8;
	[tilespmem:$0x1ED38] =	vst v63  }
0x90: {  	s15 =	simm.s32 $0x80  }
0x91: {  	[tilespmem:s23], [sflag:$0xA] =	stream.indirect.gather [spmem:s1], $0x40, s15, s20, $0xb8;
	[tilespmem:$0x1ED38] =	vst v63  }
0x92: {  	s15 =	simm.s32 $0x100  }
0x93: {  	[tilespmem:s25], [sflag:$0xB] =	stream.indirect.gather [spmem:s1], $0x40, s15, s20, $0xb8;
	[tilespmem:$0x1ED38] =	vst v63  }
0x94: {  	_ =	swait.ge [sflag:s26], $0x1F40  }
0x95: {  	[sflag:s26] =	ssyncset.done $0x0  }
0x96: {  	p3 =	seq.s32 s29, $0x0;
	[sflag:s26] =	ssyncadd.s32 $0xFFFFE0C0  }
0x97: {  	[spmem:s2] =	stream.indirect.scatter.add.f32 [tilespmem:s21], [sflag:$0xD], $0x40, s16, s20, $0xb8;
	[tilespmem:$0x1ED38] =	vst v63  }
0x98: {  	s14 =	simm.s32 @!p1 $0x7D;
	s15 =	simm.s32 @!p1 $0x1000;
	s16 =	simm.s32 @!p1 $0x9D00  }
0x99: {  	[spmem:s3] =	stream.indirect.scatter.add.f32 @!p1 [tilespmem:s16], [sflag:$0x11], $0x8, s15, s14, $0xb8;
	[tilespmem:$0x1ED38] =	vst v63  }
0x9a: {  	s14 =	simm.s32 @!p3 $0x10;
	s15 =	rddreg [dreg:$0x6]  }
0x9b: {  	p4 =	seq.s32 @!p3 s15, $0x0;
	_ =	swait.ge @!p3 [sflag:s14], $0x1F40  }
0x9c: {  	[sflag:s14] =	ssyncset.done @!p3 $0x0;
	p4 =	por p4, p3  }
0x9d: {  	[sflag:s14] =	ssyncadd.s32 @!p3 $0xFFFFE0C0;
	s15 =	simm.s32 @!p4 $0x14  }
0x9e: {  	_ =	swait.ge @!p4 [sflag:s15], $0x3E8  }
0x9f: {  	s16 =	rddreg [dreg:$0xd]  }
0xa0: {  	[sflag:s15] =	ssyncset.done @!p4 $0x0;
	s14 =	sadd.s32 s29, s16  }
0xa1: {  	[sflag:s15] =	ssyncadd.s32 @!p4 $0xFFFFFC18;
	s16 =	simm.s32 $0xC00;
	s15 =	sadd.s32 $0x180, s14  }
0xa2: {  	[tilespmem:s16], [sflag:$0x4] =	stream.linear.gather [hbm4b:s15+s4], $0x400, $0x38;
	[tilespmem:$0x1ED38] =	vst v63  }
0xa3: {  	s16 =	sadd.s32 $0xA180, s14  }
0xa4: {  	[tilespmem:s19], [sflag:$0x8] =	stream.linear.gather [hbm4b:s16+s4], $0x400, $0x38;
	[tilespmem:$0x1ED38] =	vst v63  }
0xa5: {  	s16 =	simm.s32 $0x180  }
0xa6: {  	[tilespmem:s0], [sflag:$0xC] =	stream.indirect.gather [spmem:s1], $0x40, s16, s20, $0xb8;
	[tilespmem:$0x1ED38] =	vst v63  }
.Ltmp2:
0xa7: {  	_ = 	snop;
	(pc) =	sbr.rel @p1 .LBB2_4-.Ltmp2, $4  }
0xa8: {  	_ =	swait.ge [sflag:s7], $0x1F40  }
0xa9: {  	[sflag:s7] =	ssyncset.done $0x0  }
0xaa: {  	s15 =	simm.s32 $0x1080;
	[sflag:s7] =	ssyncadd.s32 $0xFFFFE0C0  }
0xab: {  	[spmem:s2] =	stream.indirect.scatter.add.f32 [tilespmem:s23], [sflag:$0xE], $0x40, s15, s20, $0xb8;
	[tilespmem:$0x1ED38] =	vst v63  }
0xac: {  	_ =	swait.ge [sflag:s22], $0x1F40  }
0xad: {  	[sflag:s22] =	ssyncset.done $0x0  }
0xae: {  	[sflag:s22] =	ssyncadd.s32 $0xFFFFE0C0  }
0xaf: {  	_ =	swait.ge [sflag:s24], $0x3E8  }
0xb0: {  	[sflag:s24] =	ssyncset.done $0x0  }
0xb1: {  	s15 =	simm.s32 $0x200;
	[sflag:s24] =	ssyncadd.s32 $0xFFFFFC18  }
0xb2: {  	[tilespmem:s21], [sflag:$0x9] =	stream.indirect.gather [spmem:s1], $0x40, s15, s20, $0xb8;
	[tilespmem:$0x1ED38] =	vst v63  }
0xb3: {  	_ =	swait.ge [sflag:s30], $0x1F40  }
0xb4: {  	[sflag:s30] =	ssyncset.done $0x0  }
0xb5: {  	s16 =	simm.s32 $0x1100;
	[sflag:s30] =	ssyncadd.s32 $0xFFFFE0C0  }
0xb6: {  	[spmem:s2] =	stream.indirect.scatter.add.f32 [tilespmem:s25], [sflag:$0xF], $0x40, s16, s20, $0xb8;
	[tilespmem:$0x1ED38] =	vst v63  }
0xb7: {  	_ = 	snop  }
0xb8: {  	[spmem:s3] =	stream.indirect.scatter.add.f32 [tilespmem:s31], [sflag:$0x13], $0x8, s16, s20, $0xb8;
	[tilespmem:$0x1ED38] =	vst v63  }
0xb9: {  	_ =	swait.ge [sflag:s8], $0x1F40  }
0xba: {  	[sflag:s8] =	ssyncset.done $0x0  }
0xbb: {  	s16 =	simm.s32 $0x280;
	[sflag:s8] =	ssyncadd.s32 $0xFFFFE0C0  }
0xbc: {  	[tilespmem:s23], [sflag:$0xA] =	stream.indirect.gather [spmem:s1], $0x40, s16, s20, $0xb8;
	[tilespmem:$0x1ED38] =	vst v63  }
0xbd: {  	_ =	swait.ge [sflag:s6], $0x1F40  }
0xbe: {  	[sflag:s6] =	ssyncset.done $0x0  }
0xbf: {  	s16 =	simm.s32 $0x1180;
	[sflag:s6] =	ssyncadd.s32 $0xFFFFE0C0  }
0xc0: {  	[spmem:s2] =	stream.indirect.scatter.add.f32 [tilespmem:s0], [sflag:$0x10], $0x40, s16, s20, $0xb8;
	[tilespmem:$0x1ED38] =	vst v63  }
0xc1: {  	_ =	swait.ge [sflag:s5], $0x1F40  }
0xc2: {  	[sflag:s5] =	ssyncset.done $0x0  }
0xc3: {  	[sflag:s5] =	ssyncadd.s32 $0xFFFFE0C0  }
0xc4: {  	_ =	swait.ge [sflag:s9], $0x3E8  }
0xc5: {  	[sflag:s9] =	ssyncset.done $0x0  }
0xc6: {  	s16 =	simm.s32 $0x300;
	[sflag:s9] =	ssyncadd.s32 $0xFFFFFC18  }
0xc7: {  	[tilespmem:s25], [sflag:$0xB] =	stream.indirect.gather [spmem:s1], $0x40, s16, s20, $0xb8;
	[tilespmem:$0x1ED38] =	vst v63  }
0xc8: {  	_ =	swait.ge [sflag:s26], $0x1F40  }
0xc9: {  	[sflag:s26] =	ssyncset.done $0x0  }
0xca: {  	s16 =	simm.s32 $0x1200;
	[sflag:s26] =	ssyncadd.s32 $0xFFFFE0C0  }
0xcb: {  	[spmem:s2] =	stream.indirect.scatter.add.f32 [tilespmem:s21], [sflag:$0xD], $0x40, s16, s20, $0xb8;
	[tilespmem:$0x1ED38] =	vst v63  }
0xcc: {  	_ = 	snop  }
0xcd: {  	[spmem:s3] =	stream.indirect.scatter.add.f32 [tilespmem:s31], [sflag:$0x11], $0x8, s16, s20, $0xb8;
	[tilespmem:$0x1ED38] =	vst v63  }
0xce: {  	_ =	swait.ge [sflag:s13], $0x1F40  }
0xcf: {  	[sflag:s13] =	ssyncset.done $0x0  }
0xd0: {  	s16 =	simm.s32 $0x380;
	[sflag:s13] =	ssyncadd.s32 $0xFFFFE0C0  }
0xd1: {  	[tilespmem:s0], [sflag:$0xC] =	stream.indirect.gather [spmem:s1], $0x40, s16, s20, $0xb8;
	[tilespmem:$0x1ED38] =	vst v63  }
0xd2: {  	_ =	swait.ge [sflag:s7], $0x1F40  }
0xd3: {  	[sflag:s7] =	ssyncset.done $0x0  }
0xd4: {  	s16 =	simm.s32 $0x1280;
	[sflag:s7] =	ssyncadd.s32 $0xFFFFE0C0  }
0xd5: {  	[spmem:s2] =	stream.indirect.scatter.add.f32 [tilespmem:s23], [sflag:$0xE], $0x40, s16, s20, $0xb8;
	[tilespmem:$0x1ED38] =	vst v63  }
0xd6: {  	_ =	swait.ge [sflag:s22], $0x1F40  }
0xd7: {  	[sflag:s22] =	ssyncset.done $0x0  }
0xd8: {  	[sflag:s22] =	ssyncadd.s32 $0xFFFFE0C0  }
0xd9: {  	_ =	swait.ge [sflag:s24], $0x3E8  }
0xda: {  	[sflag:s24] =	ssyncset.done $0x0  }
0xdb: {  	s16 =	simm.s32 $0x400;
	[sflag:s24] =	ssyncadd.s32 $0xFFFFFC18  }
0xdc: {  	[tilespmem:s21], [sflag:$0x9] =	stream.indirect.gather [spmem:s1], $0x40, s16, s20, $0xb8;
	[tilespmem:$0x1ED38] =	vst v63  }
0xdd: {  	_ =	swait.ge [sflag:s30], $0x1F40  }
0xde: {  	[sflag:s30] =	ssyncset.done $0x0  }
0xdf: {  	s16 =	simm.s32 $0x1300;
	[sflag:s30] =	ssyncadd.s32 $0xFFFFE0C0  }
0xe0: {  	[spmem:s2] =	stream.indirect.scatter.add.f32 [tilespmem:s25], [sflag:$0xF], $0x40, s16, s20, $0xb8;
	[tilespmem:$0x1ED38] =	vst v63  }
0xe1: {  	_ = 	snop  }
0xe2: {  	[spmem:s3] =	stream.indirect.scatter.add.f32 [tilespmem:s31], [sflag:$0x13], $0x8, s16, s20, $0xb8;
	[tilespmem:$0x1ED38] =	vst v63  }
0xe3: {  	_ =	swait.ge [sflag:s8], $0x1F40  }
0xe4: {  	[sflag:s8] =	ssyncset.done $0x0  }
0xe5: {  	s16 =	simm.s32 $0x480;
	[sflag:s8] =	ssyncadd.s32 $0xFFFFE0C0  }
0xe6: {  	[tilespmem:s23], [sflag:$0xA] =	stream.indirect.gather [spmem:s1], $0x40, s16, s20, $0xb8;
	[tilespmem:$0x1ED38] =	vst v63  }
0xe7: {  	_ =	swait.ge [sflag:s6], $0x1F40  }
0xe8: {  	[sflag:s6] =	ssyncset.done $0x0  }
0xe9: {  	s16 =	simm.s32 $0x1380;
	[sflag:s6] =	ssyncadd.s32 $0xFFFFE0C0  }
0xea: {  	[spmem:s2] =	stream.indirect.scatter.add.f32 [tilespmem:s0], [sflag:$0x10], $0x40, s16, s20, $0xb8;
	[tilespmem:$0x1ED38] =	vst v63  }
0xeb: {  	_ =	swait.ge [sflag:s5], $0x1F40  }
0xec: {  	[sflag:s5] =	ssyncset.done $0x0  }
0xed: {  	[sflag:s5] =	ssyncadd.s32 $0xFFFFE0C0  }
0xee: {  	_ =	swait.ge [sflag:s9], $0x3E8  }
0xef: {  	[sflag:s9] =	ssyncset.done $0x0  }
0xf0: {  	s16 =	simm.s32 $0x500;
	[sflag:s9] =	ssyncadd.s32 $0xFFFFFC18  }
0xf1: {  	[tilespmem:s25], [sflag:$0xB] =	stream.indirect.gather [spmem:s1], $0x40, s16, s20, $0xb8;
	[tilespmem:$0x1ED38] =	vst v63  }
0xf2: {  	_ =	swait.ge [sflag:s26], $0x1F40  }
0xf3: {  	[sflag:s26] =	ssyncset.done $0x0  }
0xf4: {  	[sflag:s26] =	ssyncadd.s32 $0xFFFFE0C0  }
0xf5: {  	[spmem:s2] =	stream.indirect.scatter.add.f32 [tilespmem:s21], [sflag:$0xD], $0x40, s17, s20, $0xb8;
	[tilespmem:$0x1ED38] =	vst v63  }
0xf6: {  	_ = 	snop  }
0xf7: {  	[spmem:s3] =	stream.indirect.scatter.add.f32 [tilespmem:s31], [sflag:$0x11], $0x8, s17, s20, $0xb8;
	[tilespmem:$0x1ED38] =	vst v63  }
0xf8: {  	_ =	swait.ge [sflag:s13], $0x1F40  }
0xf9: {  	[sflag:s13] =	ssyncset.done $0x0  }
0xfa: {  	s16 =	simm.s32 $0x580;
	[sflag:s13] =	ssyncadd.s32 $0xFFFFE0C0  }
0xfb: {  	[tilespmem:s0], [sflag:$0xC] =	stream.indirect.gather [spmem:s1], $0x40, s16, s20, $0xb8;
	[tilespmem:$0x1ED38] =	vst v63  }
0xfc: {  	_ =	swait.ge [sflag:s7], $0x1F40  }
0xfd: {  	[sflag:s7] =	ssyncset.done $0x0  }
0xfe: {  	s16 =	simm.s32 $0x1480;
	[sflag:s7] =	ssyncadd.s32 $0xFFFFE0C0  }
0xff: {  	[spmem:s2] =	stream.indirect.scatter.add.f32 [tilespmem:s23], [sflag:$0xE], $0x40, s16, s20, $0xb8;
	[tilespmem:$0x1ED38] =	vst v63  }
0x100: {  	_ =	swait.ge [sflag:s22], $0x1F40  }
0x101: {  	[sflag:s22] =	ssyncset.done $0x0  }
0x102: {  	[sflag:s22] =	ssyncadd.s32 $0xFFFFE0C0  }
0x103: {  	_ =	swait.ge [sflag:s24], $0x3E8  }
0x104: {  	[sflag:s24] =	ssyncset.done $0x0  }
0x105: {  	s16 =	simm.s32 $0x600;
	[sflag:s24] =	ssyncadd.s32 $0xFFFFFC18  }
0x106: {  	[tilespmem:s21], [sflag:$0x9] =	stream.indirect.gather [spmem:s1], $0x40, s16, s20, $0xb8;
	[tilespmem:$0x1ED38] =	vst v63  }
0x107: {  	_ =	swait.ge [sflag:s30], $0x1F40  }
0x108: {  	[sflag:s30] =	ssyncset.done $0x0  }
0x109: {  	s16 =	simm.s32 $0x1500;
	[sflag:s30] =	ssyncadd.s32 $0xFFFFE0C0  }
0x10a: {  	[spmem:s2] =	stream.indirect.scatter.add.f32 [tilespmem:s25], [sflag:$0xF], $0x40, s16, s20, $0xb8;
	[tilespmem:$0x1ED38] =	vst v63  }
0x10b: {  	_ = 	snop  }
0x10c: {  	[spmem:s3] =	stream.indirect.scatter.add.f32 [tilespmem:s31], [sflag:$0x13], $0x8, s16, s20, $0xb8;
	[tilespmem:$0x1ED38] =	vst v63  }
0x10d: {  	_ =	swait.ge [sflag:s8], $0x1F40  }
0x10e: {  	[sflag:s8] =	ssyncset.done $0x0  }
0x10f: {  	s16 =	simm.s32 $0x680;
	[sflag:s8] =	ssyncadd.s32 $0xFFFFE0C0  }
0x110: {  	[tilespmem:s23], [sflag:$0xA] =	stream.indirect.gather [spmem:s1], $0x40, s16, s20, $0xb8;
	[tilespmem:$0x1ED38] =	vst v63  }
0x111: {  	_ =	swait.ge [sflag:s6], $0x1F40  }
0x112: {  	[sflag:s6] =	ssyncset.done $0x0  }
0x113: {  	s16 =	simm.s32 $0x1580;
	[sflag:s6] =	ssyncadd.s32 $0xFFFFE0C0  }
0x114: {  	[spmem:s2] =	stream.indirect.scatter.add.f32 [tilespmem:s0], [sflag:$0x10], $0x40, s16, s20, $0xb8;
	[tilespmem:$0x1ED38] =	vst v63  }
0x115: {  	_ =	swait.ge [sflag:s5], $0x1F40  }
0x116: {  	[sflag:s5] =	ssyncset.done $0x0  }
0x117: {  	[sflag:s5] =	ssyncadd.s32 $0xFFFFE0C0  }
0x118: {  	_ =	swait.ge [sflag:s9], $0x3E8  }
0x119: {  	[sflag:s9] =	ssyncset.done $0x0  }
0x11a: {  	s16 =	simm.s32 $0x700;
	[sflag:s9] =	ssyncadd.s32 $0xFFFFFC18  }
0x11b: {  	[tilespmem:s25], [sflag:$0xB] =	stream.indirect.gather [spmem:s1], $0x40, s16, s20, $0xb8;
	[tilespmem:$0x1ED38] =	vst v63  }
0x11c: {  	_ =	swait.ge [sflag:s26], $0x1F40  }
0x11d: {  	[sflag:s26] =	ssyncset.done $0x0  }
0x11e: {  	s16 =	simm.s32 $0x1600;
	[sflag:s26] =	ssyncadd.s32 $0xFFFFE0C0  }
0x11f: {  	[spmem:s2] =	stream.indirect.scatter.add.f32 [tilespmem:s21], [sflag:$0xD], $0x40, s16, s20, $0xb8;
	[tilespmem:$0x1ED38] =	vst v63  }
0x120: {  	_ = 	snop  }
0x121: {  	[spmem:s3] =	stream.indirect.scatter.add.f32 [tilespmem:s31], [sflag:$0x11], $0x8, s16, s20, $0xb8;
	[tilespmem:$0x1ED38] =	vst v63  }
0x122: {  	_ =	swait.ge [sflag:s13], $0x1F40  }
0x123: {  	[sflag:s13] =	ssyncset.done $0x0  }
0x124: {  	s16 =	simm.s32 $0x780;
	[sflag:s13] =	ssyncadd.s32 $0xFFFFE0C0  }
0x125: {  	[tilespmem:s0], [sflag:$0xC] =	stream.indirect.gather [spmem:s1], $0x40, s16, s20, $0xb8;
	[tilespmem:$0x1ED38] =	vst v63  }
0x126: {  	_ =	swait.ge [sflag:s7], $0x1F40  }
0x127: {  	[sflag:s7] =	ssyncset.done $0x0  }
0x128: {  	s16 =	simm.s32 $0x1680;
	[sflag:s7] =	ssyncadd.s32 $0xFFFFE0C0  }
0x129: {  	[spmem:s2] =	stream.indirect.scatter.add.f32 [tilespmem:s23], [sflag:$0xE], $0x40, s16, s20, $0xb8;
	[tilespmem:$0x1ED38] =	vst v63  }
0x12a: {  	_ =	swait.ge [sflag:s22], $0x1F40  }
0x12b: {  	[sflag:s22] =	ssyncset.done $0x0  }
0x12c: {  	[sflag:s22] =	ssyncadd.s32 $0xFFFFE0C0  }
0x12d: {  	_ =	swait.ge [sflag:s24], $0x3E8  }
0x12e: {  	[sflag:s24] =	ssyncset.done $0x0  }
0x12f: {  	s16 =	simm.s32 $0x800;
	[sflag:s24] =	ssyncadd.s32 $0xFFFFFC18  }
0x130: {  	[tilespmem:s21], [sflag:$0x9] =	stream.indirect.gather [spmem:s1], $0x40, s16, s20, $0xb8;
	[tilespmem:$0x1ED38] =	vst v63  }
0x131: {  	_ =	swait.ge [sflag:s30], $0x1F40  }
0x132: {  	[sflag:s30] =	ssyncset.done $0x0  }
0x133: {  	s16 =	simm.s32 $0x1700;
	[sflag:s30] =	ssyncadd.s32 $0xFFFFE0C0  }
0x134: {  	[spmem:s2] =	stream.indirect.scatter.add.f32 [tilespmem:s25], [sflag:$0xF], $0x40, s16, s20, $0xb8;
	[tilespmem:$0x1ED38] =	vst v63  }
0x135: {  	_ = 	snop  }
0x136: {  	[spmem:s3] =	stream.indirect.scatter.add.f32 [tilespmem:s31], [sflag:$0x13], $0x8, s16, s20, $0xb8;
	[tilespmem:$0x1ED38] =	vst v63  }
0x137: {  	_ =	swait.ge [sflag:s8], $0x1F40  }
0x138: {  	[sflag:s8] =	ssyncset.done $0x0  }
0x139: {  	s16 =	simm.s32 $0x880;
	[sflag:s8] =	ssyncadd.s32 $0xFFFFE0C0  }
0x13a: {  	[tilespmem:s23], [sflag:$0xA] =	stream.indirect.gather [spmem:s1], $0x40, s16, s20, $0xb8;
	[tilespmem:$0x1ED38] =	vst v63  }
0x13b: {  	_ =	swait.ge [sflag:s6], $0x1F40  }
0x13c: {  	[sflag:s6] =	ssyncset.done $0x0  }
0x13d: {  	s16 =	simm.s32 $0x1780;
	[sflag:s6] =	ssyncadd.s32 $0xFFFFE0C0  }
0x13e: {  	[spmem:s2] =	stream.indirect.scatter.add.f32 [tilespmem:s0], [sflag:$0x10], $0x40, s16, s20, $0xb8;
	[tilespmem:$0x1ED38] =	vst v63  }
0x13f: {  	_ =	swait.ge [sflag:s5], $0x1F40  }
0x140: {  	[sflag:s5] =	ssyncset.done $0x0  }
0x141: {  	[sflag:s5] =	ssyncadd.s32 $0xFFFFE0C0  }
0x142: {  	_ =	swait.ge [sflag:s9], $0x3E8  }
0x143: {  	[sflag:s9] =	ssyncset.done $0x0  }
0x144: {  	s16 =	simm.s32 $0x900;
	[sflag:s9] =	ssyncadd.s32 $0xFFFFFC18  }
0x145: {  	[tilespmem:s25], [sflag:$0xB] =	stream.indirect.gather [spmem:s1], $0x40, s16, s20, $0xb8;
	[tilespmem:$0x1ED38] =	vst v63  }
0x146: {  	_ =	swait.ge [sflag:s26], $0x1F40  }
0x147: {  	[sflag:s26] =	ssyncset.done $0x0  }
0x148: {  	[sflag:s26] =	ssyncadd.s32 $0xFFFFE0C0  }
0x149: {  	[spmem:s2] =	stream.indirect.scatter.add.f32 [tilespmem:s21], [sflag:$0xD], $0x40, s18, s20, $0xb8;
	[tilespmem:$0x1ED38] =	vst v63  }
0x14a: {  	_ = 	snop  }
0x14b: {  	[spmem:s3] =	stream.indirect.scatter.add.f32 [tilespmem:s31], [sflag:$0x11], $0x8, s18, s20, $0xb8;
	[tilespmem:$0x1ED38] =	vst v63  }
0x14c: {  	_ =	swait.ge [sflag:s13], $0x1F40  }
0x14d: {  	[sflag:s13] =	ssyncset.done $0x0  }
0x14e: {  	s16 =	simm.s32 $0x980;
	[sflag:s13] =	ssyncadd.s32 $0xFFFFE0C0  }
0x14f: {  	[tilespmem:s0], [sflag:$0xC] =	stream.indirect.gather [spmem:s1], $0x40, s16, s20, $0xb8;
	[tilespmem:$0x1ED38] =	vst v63  }
0x150: {  	_ =	swait.ge [sflag:s7], $0x1F40  }
0x151: {  	[sflag:s7] =	ssyncset.done $0x0  }
0x152: {  	s16 =	simm.s32 $0x1880;
	[sflag:s7] =	ssyncadd.s32 $0xFFFFE0C0  }
0x153: {  	[spmem:s2] =	stream.indirect.scatter.add.f32 [tilespmem:s23], [sflag:$0xE], $0x40, s16, s20, $0xb8;
	[tilespmem:$0x1ED38] =	vst v63  }
0x154: {  	_ =	swait.ge [sflag:s22], $0x1F40  }
0x155: {  	[sflag:s22] =	ssyncset.done $0x0  }
0x156: {  	[sflag:s22] =	ssyncadd.s32 $0xFFFFE0C0  }
0x157: {  	_ =	swait.ge [sflag:s24], $0x3E8  }
0x158: {  	[sflag:s24] =	ssyncset.done $0x0  }
0x159: {  	s16 =	simm.s32 $0xA00;
	[sflag:s24] =	ssyncadd.s32 $0xFFFFFC18  }
0x15a: {  	[tilespmem:s21], [sflag:$0x9] =	stream.indirect.gather [spmem:s1], $0x40, s16, s20, $0xb8;
	[tilespmem:$0x1ED38] =	vst v63  }
0x15b: {  	_ =	swait.ge [sflag:s30], $0x1F40  }
0x15c: {  	[sflag:s30] =	ssyncset.done $0x0  }
0x15d: {  	s16 =	simm.s32 $0x1900;
	[sflag:s30] =	ssyncadd.s32 $0xFFFFE0C0  }
0x15e: {  	[spmem:s2] =	stream.indirect.scatter.add.f32 [tilespmem:s25], [sflag:$0xF], $0x40, s16, s20, $0xb8;
	[tilespmem:$0x1ED38] =	vst v63  }
0x15f: {  	_ = 	snop  }
0x160: {  	[spmem:s3] =	stream.indirect.scatter.add.f32 [tilespmem:s31], [sflag:$0x13], $0x8, s16, s20, $0xb8;
	[tilespmem:$0x1ED38] =	vst v63  }
0x161: {  	_ =	swait.ge [sflag:s8], $0x1F40  }
0x162: {  	[sflag:s8] =	ssyncset.done $0x0  }
0x163: {  	s16 =	simm.s32 $0xA80;
	[sflag:s8] =	ssyncadd.s32 $0xFFFFE0C0  }
0x164: {  	[tilespmem:s23], [sflag:$0xA] =	stream.indirect.gather [spmem:s1], $0x40, s16, s20, $0xb8;
	[tilespmem:$0x1ED38] =	vst v63  }
0x165: {  	_ =	swait.ge [sflag:s6], $0x1F40  }
0x166: {  	[sflag:s6] =	ssyncset.done $0x0  }
0x167: {  	s16 =	simm.s32 $0x1980;
	[sflag:s6] =	ssyncadd.s32 $0xFFFFE0C0  }
0x168: {  	[spmem:s2] =	stream.indirect.scatter.add.f32 [tilespmem:s0], [sflag:$0x10], $0x40, s16, s20, $0xb8;
	[tilespmem:$0x1ED38] =	vst v63  }
0x169: {  	_ =	swait.ge [sflag:s5], $0x1F40  }
0x16a: {  	[sflag:s5] =	ssyncset.done $0x0  }
0x16b: {  	[sflag:s5] =	ssyncadd.s32 $0xFFFFE0C0  }
0x16c: {  	_ =	swait.ge [sflag:s9], $0x3E8  }
0x16d: {  	[sflag:s9] =	ssyncset.done $0x0  }
0x16e: {  	s16 =	simm.s32 $0xB00;
	[sflag:s9] =	ssyncadd.s32 $0xFFFFFC18  }
0x16f: {  	[tilespmem:s25], [sflag:$0xB] =	stream.indirect.gather [spmem:s1], $0x40, s16, s20, $0xb8;
	[tilespmem:$0x1ED38] =	vst v63  }
0x170: {  	_ =	swait.ge [sflag:s26], $0x1F40  }
0x171: {  	[sflag:s26] =	ssyncset.done $0x0  }
0x172: {  	s16 =	simm.s32 $0x1A00;
	[sflag:s26] =	ssyncadd.s32 $0xFFFFE0C0  }
0x173: {  	[spmem:s2] =	stream.indirect.scatter.add.f32 [tilespmem:s21], [sflag:$0xD], $0x40, s16, s20, $0xb8;
	[tilespmem:$0x1ED38] =	vst v63  }
.Ltmp3:
0x174: {  	_ = 	snop;
	(pc) =	sbr.rel .LBB2_5-.Ltmp3, $4  }
0x175: {  	[spmem:s3] =	stream.indirect.scatter.add.f32 [tilespmem:s31], [sflag:$0x11], $0x8, s16, s20, $0xb8;
	[tilespmem:$0x1ED38] =	vst v63  }
0x176: {  	_ =	swait.ge [sflag:s13], $0x1F40  }
0x177: {  	[sflag:s13] =	ssyncset.done $0x0  }
0x178: {  	[sflag:s13] =	ssyncadd.s32 $0xFFFFE0C0  }
.LBB2_4:
0x179: {  	[spmem:s3] =	stream.indirect.scatter.add.f32 [tilespmem:s31], [sflag:$0x12], $0x8, s15, s20, $0xb8;
	[tilespmem:$0x1ED38] =	vst v63  }
0x17a: {  	_ =	swait.ge [sflag:s22], $0x1F40  }
0x17b: {  	[sflag:s22] =	ssyncset.done $0x0  }
0x17c: {  	s16 =	simm.s32 $0x200;
	[sflag:s22] =	ssyncadd.s32 $0xFFFFE0C0  }
0x17d: {  	[tilespmem:s21], [sflag:$0x9] =	stream.indirect.gather [spmem:s1], $0x40, s16, s20, $0xb8;
	[tilespmem:$0x1ED38] =	vst v63  }
0x17e: {  	_ =	swait.ge [sflag:s30], $0x1F40  }
0x17f: {  	[sflag:s30] =	ssyncset.done $0x0  }
0x180: {  	s16 =	simm.s32 $0x1100;
	[sflag:s30] =	ssyncadd.s32 $0xFFFFE0C0  }
0x181: {  	[spmem:s2] =	stream.indirect.scatter.add.f32 [tilespmem:s25], [sflag:$0xF], $0x40, s16, s20, $0xb8;
	[tilespmem:$0x1ED38] =	vst v63  }
0x182: {  	_ =	swait.ge [sflag:s8], $0x1F40  }
0x183: {  	[sflag:s8] =	ssyncset.done $0x0  }
0x184: {  	[sflag:s8] =	ssyncadd.s32 $0xFFFFE0C0  }
0x185: {  	_ =	swait.ge [sflag:s10], $0x3E8  }
0x186: {  	[sflag:s10] =	ssyncset.done $0x0  }
0x187: {  	s16 =	simm.s32 $0x280;
	[sflag:s10] =	ssyncadd.s32 $0xFFFFFC18  }
0x188: {  	[tilespmem:s23], [sflag:$0xA] =	stream.indirect.gather [spmem:s1], $0x40, s16, s20, $0xb8;
	[tilespmem:$0x1ED38] =	vst v63  }
0x189: {  	_ =	swait.ge [sflag:s6], $0x1F40  }
0x18a: {  	[sflag:s6] =	ssyncset.done $0x0  }
0x18b: {  	s16 =	simm.s32 $0x1180;
	[sflag:s6] =	ssyncadd.s32 $0xFFFFE0C0  }
0x18c: {  	[spmem:s2] =	stream.indirect.scatter.add.f32 [tilespmem:s0], [sflag:$0x10], $0x40, s16, s20, $0xb8;
	[tilespmem:$0x1ED38] =	vst v63  }
0x18d: {  	_ = 	snop  }
0x18e: {  	[spmem:s3] =	stream.indirect.scatter.add.f32 [tilespmem:s31], [sflag:$0x14], $0x8, s16, s20, $0xb8;
	[tilespmem:$0x1ED38] =	vst v63  }
0x18f: {  	_ =	swait.ge [sflag:s5], $0x1F40  }
0x190: {  	[sflag:s5] =	ssyncset.done $0x0  }
0x191: {  	s16 =	simm.s32 $0x300;
	[sflag:s5] =	ssyncadd.s32 $0xFFFFE0C0  }
0x192: {  	[tilespmem:s25], [sflag:$0xB] =	stream.indirect.gather [spmem:s1], $0x40, s16, s20, $0xb8;
	[tilespmem:$0x1ED38] =	vst v63  }
0x193: {  	_ =	swait.ge [sflag:s26], $0x1F40  }
0x194: {  	[sflag:s26] =	ssyncset.done $0x0  }
0x195: {  	s16 =	simm.s32 $0x1200;
	[sflag:s26] =	ssyncadd.s32 $0xFFFFE0C0  }
0x196: {  	[spmem:s2] =	stream.indirect.scatter.add.f32 [tilespmem:s21], [sflag:$0xD], $0x40, s16, s20, $0xb8;
	[tilespmem:$0x1ED38] =	vst v63  }
0x197: {  	_ =	swait.ge [sflag:s13], $0x1F40  }
0x198: {  	[sflag:s13] =	ssyncset.done $0x0  }
0x199: {  	[sflag:s13] =	ssyncadd.s32 $0xFFFFE0C0  }
0x19a: {  	_ =	swait.ge [sflag:s12], $0x3E8  }
0x19b: {  	[sflag:s12] =	ssyncset.done $0x0  }
0x19c: {  	s16 =	simm.s32 $0x380;
	[sflag:s12] =	ssyncadd.s32 $0xFFFFFC18  }
0x19d: {  	[tilespmem:s0], [sflag:$0xC] =	stream.indirect.gather [spmem:s1], $0x40, s16, s20, $0xb8;
	[tilespmem:$0x1ED38] =	vst v63  }
0x19e: {  	_ =	swait.ge [sflag:s7], $0x1F40  }
0x19f: {  	[sflag:s7] =	ssyncset.done $0x0  }
0x1a0: {  	s16 =	simm.s32 $0x1280;
	[sflag:s7] =	ssyncadd.s32 $0xFFFFE0C0  }
0x1a1: {  	[spmem:s2] =	stream.indirect.scatter.add.f32 [tilespmem:s23], [sflag:$0xE], $0x40, s16, s20, $0xb8;
	[tilespmem:$0x1ED38] =	vst v63  }
0x1a2: {  	_ = 	snop  }
0x1a3: {  	[spmem:s3] =	stream.indirect.scatter.add.f32 [tilespmem:s31], [sflag:$0x12], $0x8, s16, s20, $0xb8;
	[tilespmem:$0x1ED38] =	vst v63  }
0x1a4: {  	_ =	swait.ge [sflag:s22], $0x1F40  }
0x1a5: {  	[sflag:s22] =	ssyncset.done $0x0  }
0x1a6: {  	s16 =	simm.s32 $0x400;
	[sflag:s22] =	ssyncadd.s32 $0xFFFFE0C0  }
0x1a7: {  	[tilespmem:s21], [sflag:$0x9] =	stream.indirect.gather [spmem:s1], $0x40, s16, s20, $0xb8;
	[tilespmem:$0x1ED38] =	vst v63  }
0x1a8: {  	_ =	swait.ge [sflag:s30], $0x1F40  }
0x1a9: {  	[sflag:s30] =	ssyncset.done $0x0  }
0x1aa: {  	s16 =	simm.s32 $0x1300;
	[sflag:s30] =	ssyncadd.s32 $0xFFFFE0C0  }
0x1ab: {  	[spmem:s2] =	stream.indirect.scatter.add.f32 [tilespmem:s25], [sflag:$0xF], $0x40, s16, s20, $0xb8;
	[tilespmem:$0x1ED38] =	vst v63  }
0x1ac: {  	_ =	swait.ge [sflag:s8], $0x1F40  }
0x1ad: {  	[sflag:s8] =	ssyncset.done $0x0  }
0x1ae: {  	[sflag:s8] =	ssyncadd.s32 $0xFFFFE0C0  }
0x1af: {  	_ =	swait.ge [sflag:s10], $0x3E8  }
0x1b0: {  	[sflag:s10] =	ssyncset.done $0x0  }
0x1b1: {  	s16 =	simm.s32 $0x480;
	[sflag:s10] =	ssyncadd.s32 $0xFFFFFC18  }
0x1b2: {  	[tilespmem:s23], [sflag:$0xA] =	stream.indirect.gather [spmem:s1], $0x40, s16, s20, $0xb8;
	[tilespmem:$0x1ED38] =	vst v63  }
0x1b3: {  	_ =	swait.ge [sflag:s6], $0x1F40  }
0x1b4: {  	[sflag:s6] =	ssyncset.done $0x0  }
0x1b5: {  	s16 =	simm.s32 $0x1380;
	[sflag:s6] =	ssyncadd.s32 $0xFFFFE0C0  }
0x1b6: {  	[spmem:s2] =	stream.indirect.scatter.add.f32 [tilespmem:s0], [sflag:$0x10], $0x40, s16, s20, $0xb8;
	[tilespmem:$0x1ED38] =	vst v63  }
0x1b7: {  	_ = 	snop  }
0x1b8: {  	[spmem:s3] =	stream.indirect.scatter.add.f32 [tilespmem:s31], [sflag:$0x14], $0x8, s16, s20, $0xb8;
	[tilespmem:$0x1ED38] =	vst v63  }
0x1b9: {  	_ =	swait.ge [sflag:s5], $0x1F40  }
0x1ba: {  	[sflag:s5] =	ssyncset.done $0x0  }
0x1bb: {  	s16 =	simm.s32 $0x500;
	[sflag:s5] =	ssyncadd.s32 $0xFFFFE0C0  }
0x1bc: {  	[tilespmem:s25], [sflag:$0xB] =	stream.indirect.gather [spmem:s1], $0x40, s16, s20, $0xb8;
	[tilespmem:$0x1ED38] =	vst v63  }
0x1bd: {  	_ =	swait.ge [sflag:s26], $0x1F40  }
0x1be: {  	[sflag:s26] =	ssyncset.done $0x0  }
0x1bf: {  	[sflag:s26] =	ssyncadd.s32 $0xFFFFE0C0  }
0x1c0: {  	[spmem:s2] =	stream.indirect.scatter.add.f32 [tilespmem:s21], [sflag:$0xD], $0x40, s17, s20, $0xb8;
	[tilespmem:$0x1ED38] =	vst v63  }
0x1c1: {  	_ =	swait.ge [sflag:s13], $0x1F40  }
0x1c2: {  	[sflag:s13] =	ssyncset.done $0x0  }
0x1c3: {  	[sflag:s13] =	ssyncadd.s32 $0xFFFFE0C0  }
0x1c4: {  	_ =	swait.ge [sflag:s12], $0x3E8  }
0x1c5: {  	[sflag:s12] =	ssyncset.done $0x0  }
0x1c6: {  	s16 =	simm.s32 $0x580;
	[sflag:s12] =	ssyncadd.s32 $0xFFFFFC18  }
0x1c7: {  	[tilespmem:s0], [sflag:$0xC] =	stream.indirect.gather [spmem:s1], $0x40, s16, s20, $0xb8;
	[tilespmem:$0x1ED38] =	vst v63  }
0x1c8: {  	_ =	swait.ge [sflag:s7], $0x1F40  }
0x1c9: {  	[sflag:s7] =	ssyncset.done $0x0  }
0x1ca: {  	s16 =	simm.s32 $0x1480;
	[sflag:s7] =	ssyncadd.s32 $0xFFFFE0C0  }
0x1cb: {  	[spmem:s2] =	stream.indirect.scatter.add.f32 [tilespmem:s23], [sflag:$0xE], $0x40, s16, s20, $0xb8;
	[tilespmem:$0x1ED38] =	vst v63  }
0x1cc: {  	_ = 	snop  }
0x1cd: {  	[spmem:s3] =	stream.indirect.scatter.add.f32 [tilespmem:s31], [sflag:$0x12], $0x8, s16, s20, $0xb8;
	[tilespmem:$0x1ED38] =	vst v63  }
0x1ce: {  	_ =	swait.ge [sflag:s22], $0x1F40  }
0x1cf: {  	[sflag:s22] =	ssyncset.done $0x0  }
0x1d0: {  	s16 =	simm.s32 $0x600;
	[sflag:s22] =	ssyncadd.s32 $0xFFFFE0C0  }
0x1d1: {  	[tilespmem:s21], [sflag:$0x9] =	stream.indirect.gather [spmem:s1], $0x40, s16, s20, $0xb8;
	[tilespmem:$0x1ED38] =	vst v63  }
0x1d2: {  	_ =	swait.ge [sflag:s30], $0x1F40  }
0x1d3: {  	[sflag:s30] =	ssyncset.done $0x0  }
0x1d4: {  	s16 =	simm.s32 $0x1500;
	[sflag:s30] =	ssyncadd.s32 $0xFFFFE0C0  }
0x1d5: {  	[spmem:s2] =	stream.indirect.scatter.add.f32 [tilespmem:s25], [sflag:$0xF], $0x40, s16, s20, $0xb8;
	[tilespmem:$0x1ED38] =	vst v63  }
0x1d6: {  	_ =	swait.ge [sflag:s8], $0x1F40  }
0x1d7: {  	[sflag:s8] =	ssyncset.done $0x0  }
0x1d8: {  	[sflag:s8] =	ssyncadd.s32 $0xFFFFE0C0  }
0x1d9: {  	_ =	swait.ge [sflag:s10], $0x3E8  }
0x1da: {  	[sflag:s10] =	ssyncset.done $0x0  }
0x1db: {  	s16 =	simm.s32 $0x680;
	[sflag:s10] =	ssyncadd.s32 $0xFFFFFC18  }
0x1dc: {  	[tilespmem:s23], [sflag:$0xA] =	stream.indirect.gather [spmem:s1], $0x40, s16, s20, $0xb8;
	[tilespmem:$0x1ED38] =	vst v63  }
0x1dd: {  	_ =	swait.ge [sflag:s6], $0x1F40  }
0x1de: {  	[sflag:s6] =	ssyncset.done $0x0  }
0x1df: {  	s16 =	simm.s32 $0x1580;
	[sflag:s6] =	ssyncadd.s32 $0xFFFFE0C0  }
0x1e0: {  	[spmem:s2] =	stream.indirect.scatter.add.f32 [tilespmem:s0], [sflag:$0x10], $0x40, s16, s20, $0xb8;
	[tilespmem:$0x1ED38] =	vst v63  }
0x1e1: {  	_ = 	snop  }
0x1e2: {  	[spmem:s3] =	stream.indirect.scatter.add.f32 [tilespmem:s31], [sflag:$0x14], $0x8, s16, s20, $0xb8;
	[tilespmem:$0x1ED38] =	vst v63  }
0x1e3: {  	_ =	swait.ge [sflag:s5], $0x1F40  }
0x1e4: {  	[sflag:s5] =	ssyncset.done $0x0  }
0x1e5: {  	s16 =	simm.s32 $0x700;
	[sflag:s5] =	ssyncadd.s32 $0xFFFFE0C0  }
0x1e6: {  	[tilespmem:s25], [sflag:$0xB] =	stream.indirect.gather [spmem:s1], $0x40, s16, s20, $0xb8;
	[tilespmem:$0x1ED38] =	vst v63  }
0x1e7: {  	_ =	swait.ge [sflag:s26], $0x1F40  }
0x1e8: {  	[sflag:s26] =	ssyncset.done $0x0  }
0x1e9: {  	s16 =	simm.s32 $0x1600;
	[sflag:s26] =	ssyncadd.s32 $0xFFFFE0C0  }
0x1ea: {  	[spmem:s2] =	stream.indirect.scatter.add.f32 [tilespmem:s21], [sflag:$0xD], $0x40, s16, s20, $0xb8;
	[tilespmem:$0x1ED38] =	vst v63  }
0x1eb: {  	_ =	swait.ge [sflag:s13], $0x1F40  }
0x1ec: {  	[sflag:s13] =	ssyncset.done $0x0  }
0x1ed: {  	[sflag:s13] =	ssyncadd.s32 $0xFFFFE0C0  }
0x1ee: {  	_ =	swait.ge [sflag:s12], $0x3E8  }
0x1ef: {  	[sflag:s12] =	ssyncset.done $0x0  }
0x1f0: {  	s16 =	simm.s32 $0x780;
	[sflag:s12] =	ssyncadd.s32 $0xFFFFFC18  }
0x1f1: {  	[tilespmem:s0], [sflag:$0xC] =	stream.indirect.gather [spmem:s1], $0x40, s16, s20, $0xb8;
	[tilespmem:$0x1ED38] =	vst v63  }
0x1f2: {  	_ =	swait.ge [sflag:s7], $0x1F40  }
0x1f3: {  	[sflag:s7] =	ssyncset.done $0x0  }
0x1f4: {  	s16 =	simm.s32 $0x1680;
	[sflag:s7] =	ssyncadd.s32 $0xFFFFE0C0  }
0x1f5: {  	[spmem:s2] =	stream.indirect.scatter.add.f32 [tilespmem:s23], [sflag:$0xE], $0x40, s16, s20, $0xb8;
	[tilespmem:$0x1ED38] =	vst v63  }
0x1f6: {  	_ = 	snop  }
0x1f7: {  	[spmem:s3] =	stream.indirect.scatter.add.f32 [tilespmem:s31], [sflag:$0x12], $0x8, s16, s20, $0xb8;
	[tilespmem:$0x1ED38] =	vst v63  }
0x1f8: {  	_ =	swait.ge [sflag:s22], $0x1F40  }
0x1f9: {  	[sflag:s22] =	ssyncset.done $0x0  }
0x1fa: {  	s16 =	simm.s32 $0x800;
	[sflag:s22] =	ssyncadd.s32 $0xFFFFE0C0  }
0x1fb: {  	[tilespmem:s21], [sflag:$0x9] =	stream.indirect.gather [spmem:s1], $0x40, s16, s20, $0xb8;
	[tilespmem:$0x1ED38] =	vst v63  }
0x1fc: {  	_ =	swait.ge [sflag:s30], $0x1F40  }
0x1fd: {  	[sflag:s30] =	ssyncset.done $0x0  }
0x1fe: {  	s16 =	simm.s32 $0x1700;
	[sflag:s30] =	ssyncadd.s32 $0xFFFFE0C0  }
0x1ff: {  	[spmem:s2] =	stream.indirect.scatter.add.f32 [tilespmem:s25], [sflag:$0xF], $0x40, s16, s20, $0xb8;
	[tilespmem:$0x1ED38] =	vst v63  }
0x200: {  	_ =	swait.ge [sflag:s8], $0x1F40  }
0x201: {  	[sflag:s8] =	ssyncset.done $0x0  }
0x202: {  	[sflag:s8] =	ssyncadd.s32 $0xFFFFE0C0  }
0x203: {  	_ =	swait.ge [sflag:s10], $0x3E8  }
0x204: {  	[sflag:s10] =	ssyncset.done $0x0  }
0x205: {  	s16 =	simm.s32 $0x880;
	[sflag:s10] =	ssyncadd.s32 $0xFFFFFC18  }
0x206: {  	[tilespmem:s23], [sflag:$0xA] =	stream.indirect.gather [spmem:s1], $0x40, s16, s20, $0xb8;
	[tilespmem:$0x1ED38] =	vst v63  }
0x207: {  	_ =	swait.ge [sflag:s6], $0x1F40  }
0x208: {  	[sflag:s6] =	ssyncset.done $0x0  }
0x209: {  	s16 =	simm.s32 $0x1780;
	[sflag:s6] =	ssyncadd.s32 $0xFFFFE0C0  }
0x20a: {  	[spmem:s2] =	stream.indirect.scatter.add.f32 [tilespmem:s0], [sflag:$0x10], $0x40, s16, s20, $0xb8;
	[tilespmem:$0x1ED38] =	vst v63  }
0x20b: {  	_ = 	snop  }
0x20c: {  	[spmem:s3] =	stream.indirect.scatter.add.f32 [tilespmem:s31], [sflag:$0x14], $0x8, s16, s20, $0xb8;
	[tilespmem:$0x1ED38] =	vst v63  }
0x20d: {  	_ =	swait.ge [sflag:s5], $0x1F40  }
0x20e: {  	[sflag:s5] =	ssyncset.done $0x0  }
0x20f: {  	s16 =	simm.s32 $0x900;
	[sflag:s5] =	ssyncadd.s32 $0xFFFFE0C0  }
0x210: {  	[tilespmem:s25], [sflag:$0xB] =	stream.indirect.gather [spmem:s1], $0x40, s16, s20, $0xb8;
	[tilespmem:$0x1ED38] =	vst v63  }
0x211: {  	_ =	swait.ge [sflag:s26], $0x1F40  }
0x212: {  	[sflag:s26] =	ssyncset.done $0x0  }
0x213: {  	[sflag:s26] =	ssyncadd.s32 $0xFFFFE0C0  }
0x214: {  	[spmem:s2] =	stream.indirect.scatter.add.f32 [tilespmem:s21], [sflag:$0xD], $0x40, s18, s20, $0xb8;
	[tilespmem:$0x1ED38] =	vst v63  }
0x215: {  	_ =	swait.ge [sflag:s13], $0x1F40  }
0x216: {  	[sflag:s13] =	ssyncset.done $0x0  }
0x217: {  	[sflag:s13] =	ssyncadd.s32 $0xFFFFE0C0  }
0x218: {  	_ =	swait.ge [sflag:s12], $0x3E8  }
0x219: {  	[sflag:s12] =	ssyncset.done $0x0  }
0x21a: {  	s16 =	simm.s32 $0x980;
	[sflag:s12] =	ssyncadd.s32 $0xFFFFFC18  }
0x21b: {  	[tilespmem:s0], [sflag:$0xC] =	stream.indirect.gather [spmem:s1], $0x40, s16, s20, $0xb8;
	[tilespmem:$0x1ED38] =	vst v63  }
0x21c: {  	_ =	swait.ge [sflag:s7], $0x1F40  }
0x21d: {  	[sflag:s7] =	ssyncset.done $0x0  }
0x21e: {  	s16 =	simm.s32 $0x1880;
	[sflag:s7] =	ssyncadd.s32 $0xFFFFE0C0  }
0x21f: {  	[spmem:s2] =	stream.indirect.scatter.add.f32 [tilespmem:s23], [sflag:$0xE], $0x40, s16, s20, $0xb8;
	[tilespmem:$0x1ED38] =	vst v63  }
0x220: {  	_ = 	snop  }
0x221: {  	[spmem:s3] =	stream.indirect.scatter.add.f32 [tilespmem:s31], [sflag:$0x12], $0x8, s16, s20, $0xb8;
	[tilespmem:$0x1ED38] =	vst v63  }
0x222: {  	_ =	swait.ge [sflag:s22], $0x1F40  }
0x223: {  	[sflag:s22] =	ssyncset.done $0x0  }
0x224: {  	s16 =	simm.s32 $0xA00;
	[sflag:s22] =	ssyncadd.s32 $0xFFFFE0C0  }
0x225: {  	[tilespmem:s21], [sflag:$0x9] =	stream.indirect.gather [spmem:s1], $0x40, s16, s20, $0xb8;
	[tilespmem:$0x1ED38] =	vst v63  }
0x226: {  	_ =	swait.ge [sflag:s30], $0x1F40  }
0x227: {  	[sflag:s30] =	ssyncset.done $0x0  }
0x228: {  	s16 =	simm.s32 $0x1900;
	[sflag:s30] =	ssyncadd.s32 $0xFFFFE0C0  }
0x229: {  	[spmem:s2] =	stream.indirect.scatter.add.f32 [tilespmem:s25], [sflag:$0xF], $0x40, s16, s20, $0xb8;
	[tilespmem:$0x1ED38] =	vst v63  }
0x22a: {  	_ =	swait.ge [sflag:s8], $0x1F40  }
0x22b: {  	[sflag:s8] =	ssyncset.done $0x0  }
0x22c: {  	[sflag:s8] =	ssyncadd.s32 $0xFFFFE0C0  }
0x22d: {  	_ =	swait.ge [sflag:s10], $0x3E8  }
0x22e: {  	[sflag:s10] =	ssyncset.done $0x0  }
0x22f: {  	s16 =	simm.s32 $0xA80;
	[sflag:s10] =	ssyncadd.s32 $0xFFFFFC18  }
0x230: {  	[tilespmem:s23], [sflag:$0xA] =	stream.indirect.gather [spmem:s1], $0x40, s16, s20, $0xb8;
	[tilespmem:$0x1ED38] =	vst v63  }
0x231: {  	_ =	swait.ge [sflag:s6], $0x1F40  }
0x232: {  	[sflag:s6] =	ssyncset.done $0x0  }
0x233: {  	s16 =	simm.s32 $0x1980;
	[sflag:s6] =	ssyncadd.s32 $0xFFFFE0C0  }
0x234: {  	[spmem:s2] =	stream.indirect.scatter.add.f32 [tilespmem:s0], [sflag:$0x10], $0x40, s16, s20, $0xb8;
	[tilespmem:$0x1ED38] =	vst v63  }
0x235: {  	_ = 	snop  }
0x236: {  	[spmem:s3] =	stream.indirect.scatter.add.f32 [tilespmem:s31], [sflag:$0x14], $0x8, s16, s20, $0xb8;
	[tilespmem:$0x1ED38] =	vst v63  }
0x237: {  	_ =	swait.ge [sflag:s5], $0x1F40  }
0x238: {  	[sflag:s5] =	ssyncset.done $0x0  }
0x239: {  	s16 =	simm.s32 $0xB00;
	[sflag:s5] =	ssyncadd.s32 $0xFFFFE0C0  }
0x23a: {  	[tilespmem:s25], [sflag:$0xB] =	stream.indirect.gather [spmem:s1], $0x40, s16, s20, $0xb8;
	[tilespmem:$0x1ED38] =	vst v63  }
0x23b: {  	_ =	swait.ge [sflag:s26], $0x1F40  }
0x23c: {  	[sflag:s26] =	ssyncset.done $0x0  }
0x23d: {  	s16 =	simm.s32 $0x1A00;
	[sflag:s26] =	ssyncadd.s32 $0xFFFFE0C0  }
0x23e: {  	[spmem:s2] =	stream.indirect.scatter.add.f32 [tilespmem:s21], [sflag:$0xD], $0x40, s16, s20, $0xb8;
	[tilespmem:$0x1ED38] =	vst v63  }
0x23f: {  	_ =	swait.ge [sflag:s13], $0x1F40  }
0x240: {  	[sflag:s13] =	ssyncset.done $0x0  }
0x241: {  	[sflag:s13] =	ssyncadd.s32 $0xFFFFE0C0  }
0x242: {  	_ =	swait.ge [sflag:s12], $0x3E8  }
0x243: {  	[sflag:s12] =	ssyncset.done $0x0  }
0x244: {  	[sflag:s12] =	ssyncadd.s32 $0xFFFFFC18  }
.LBB2_5:
0x245: {  	_ =	swait.ge [sflag:s11], $0x400  }
0x246: {  	[sflag:s11] =	ssyncset.done $0x0  }
0x247: {  	[sflag:s11] =	ssyncadd.s32 $0xFFFFFC00  }
0x248: {  	_ =	swait.ge [sflag:s28], $0x400  }
0x249: {  	[sflag:s28] =	ssyncset.done $0x0  }
0x24a: {  	s15 =	simm.s32 $0xB80;
	[sflag:s28] =	ssyncadd.s32 $0xFFFFFC00  }
0x24b: {  	[tilespmem:s0], [sflag:$0xC] =	stream.indirect.gather [spmem:s1], $0x40, s15, s20, $0xb8;
	[tilespmem:$0x1ED38] =	vst v63  }
.Ltmp4:
0x24c: {  	_ = 	snop;
	(pc) =	sbr.rel @!p2 .LBB2_6-.Ltmp4, $4  }
0x24d: {  	_ =	swait.ge [sflag:s7], $0x1F40  }
0x24e: {  	[sflag:s7] =	ssyncset.done $0x0  }
0x24f: {  	s16 =	simm.s32 $0x1000;
	s15 =	simm.s32 $0x1A80;
	[sflag:s7] =	ssyncadd.s32 $0xFFFFE0C0  }
0x250: {  	[spmem:s2] =	stream.indirect.scatter.add.f32 [tilespmem:s23], [sflag:$0xE], $0x40, s15, s20, $0xb8;
	[tilespmem:$0x1ED38] =	vst v63  }
0x251: {  	_ =	swait.ge [sflag:s22], $0x1F40  }
0x252: {  	[sflag:s22] =	ssyncset.done $0x0  }
0x253: {  	[sflag:s22] =	ssyncadd.s32 $0xFFFFE0C0  }
0x254: {  	_ =	swait.ge [sflag:s24], $0x3E8  }
0x255: {  	[sflag:s24] =	ssyncset.done $0x0  }
0x256: {  	s15 =	simm.s32 $0xC00;
	[sflag:s24] =	ssyncadd.s32 $0xFFFFFC18  }
0x257: {  	[tilespmem:s21], [sflag:$0x9] =	stream.indirect.gather [spmem:s1], $0x40, s15, s20, $0xb8;
	[tilespmem:$0x1ED38] =	vst v63  }
0x258: {  	_ =	swait.ge [sflag:s30], $0x1F40  }
0x259: {  	[sflag:s30] =	ssyncset.done $0x0  }
0x25a: {  	s19 =	simm.s32 $0x1B00;
	[sflag:s30] =	ssyncadd.s32 $0xFFFFE0C0  }
0x25b: {  	[spmem:s2] =	stream.indirect.scatter.add.f32 [tilespmem:s25], [sflag:$0xF], $0x40, s19, s20, $0xb8;
	[tilespmem:$0x1ED38] =	vst v63  }
0x25c: {  	_ = 	snop  }
0x25d: {  	[spmem:s3] =	stream.indirect.scatter.add.f32 [tilespmem:s31], [sflag:$0x13], $0x8, s19, s20, $0xb8;
	[tilespmem:$0x1ED38] =	vst v63  }
0x25e: {  	_ =	swait.ge [sflag:s8], $0x1F40  }
0x25f: {  	[sflag:s8] =	ssyncset.done $0x0  }
0x260: {  	s19 =	simm.s32 $0xC80;
	[sflag:s8] =	ssyncadd.s32 $0xFFFFE0C0  }
0x261: {  	[tilespmem:s23], [sflag:$0xA] =	stream.indirect.gather [spmem:s1], $0x40, s19, s20, $0xb8;
	[tilespmem:$0x1ED38] =	vst v63  }
0x262: {  	_ =	swait.ge [sflag:s6], $0x1F40  }
0x263: {  	[sflag:s6] =	ssyncset.done $0x0  }
0x264: {  	s19 =	simm.s32 $0x1B80;
	[sflag:s6] =	ssyncadd.s32 $0xFFFFE0C0  }
0x265: {  	[spmem:s2] =	stream.indirect.scatter.add.f32 [tilespmem:s0], [sflag:$0x10], $0x40, s19, s20, $0xb8;
	[tilespmem:$0x1ED38] =	vst v63  }
0x266: {  	_ =	swait.ge [sflag:s5], $0x1F40  }
0x267: {  	[sflag:s5] =	ssyncset.done $0x0  }
0x268: {  	[sflag:s5] =	ssyncadd.s32 $0xFFFFE0C0  }
0x269: {  	_ =	swait.ge [sflag:s9], $0x3E8  }
0x26a: {  	[sflag:s9] =	ssyncset.done $0x0  }
0x26b: {  	s19 =	simm.s32 $0xD00;
	[sflag:s9] =	ssyncadd.s32 $0xFFFFFC18  }
0x26c: {  	[tilespmem:s25], [sflag:$0xB] =	stream.indirect.gather [spmem:s1], $0x40, s19, s20, $0xb8;
	[tilespmem:$0x1ED38] =	vst v63  }
0x26d: {  	_ =	swait.ge [sflag:s26], $0x1F40  }
0x26e: {  	[sflag:s26] =	ssyncset.done $0x0  }
0x26f: {  	s15 =	simm.s32 $0x1C00;
	[sflag:s26] =	ssyncadd.s32 $0xFFFFE0C0  }
0x270: {  	[spmem:s2] =	stream.indirect.scatter.add.f32 [tilespmem:s21], [sflag:$0xD], $0x40, s15, s20, $0xb8;
	[tilespmem:$0x1ED38] =	vst v63  }
0x271: {  	_ = 	snop  }
0x272: {  	[spmem:s3] =	stream.indirect.scatter.add.f32 [tilespmem:s31], [sflag:$0x11], $0x8, s15, s20, $0xb8;
	[tilespmem:$0x1ED38] =	vst v63  }
0x273: {  	_ =	swait.ge [sflag:s13], $0x1F40  }
0x274: {  	[sflag:s13] =	ssyncset.done $0x0  }
0x275: {  	s15 =	simm.s32 $0xD80;
	[sflag:s13] =	ssyncadd.s32 $0xFFFFE0C0  }
0x276: {  	[tilespmem:s0], [sflag:$0xC] =	stream.indirect.gather [spmem:s1], $0x40, s15, s20, $0xb8;
	[tilespmem:$0x1ED38] =	vst v63  }
0x277: {  	_ =	swait.ge [sflag:s7], $0x1F40  }
0x278: {  	[sflag:s7] =	ssyncset.done $0x0  }
0x279: {  	s15 =	simm.s32 $0x1C80;
	[sflag:s7] =	ssyncadd.s32 $0xFFFFE0C0  }
0x27a: {  	[spmem:s2] =	stream.indirect.scatter.add.f32 [tilespmem:s23], [sflag:$0xE], $0x40, s15, s20, $0xb8;
	[tilespmem:$0x1ED38] =	vst v63  }
0x27b: {  	_ =	swait.ge [sflag:s22], $0x1F40  }
0x27c: {  	[sflag:s22] =	ssyncset.done $0x0  }
0x27d: {  	[sflag:s22] =	ssyncadd.s32 $0xFFFFE0C0  }
0x27e: {  	_ =	swait.ge [sflag:s24], $0x3E8  }
0x27f: {  	[sflag:s24] =	ssyncset.done $0x0  }
0x280: {  	s15 =	simm.s32 $0xE00;
	[sflag:s24] =	ssyncadd.s32 $0xFFFFFC18  }
0x281: {  	[tilespmem:s21], [sflag:$0x9] =	stream.indirect.gather [spmem:s1], $0x40, s15, s20, $0xb8;
	[tilespmem:$0x1ED38] =	vst v63  }
0x282: {  	_ =	swait.ge [sflag:s30], $0x1F40  }
0x283: {  	[sflag:s30] =	ssyncset.done $0x0  }
0x284: {  	s15 =	simm.s32 $0x1D00;
	[sflag:s30] =	ssyncadd.s32 $0xFFFFE0C0  }
0x285: {  	[spmem:s2] =	stream.indirect.scatter.add.f32 [tilespmem:s25], [sflag:$0xF], $0x40, s15, s20, $0xb8;
	[tilespmem:$0x1ED38] =	vst v63  }
0x286: {  	_ = 	snop  }
0x287: {  	[spmem:s3] =	stream.indirect.scatter.add.f32 [tilespmem:s31], [sflag:$0x13], $0x8, s15, s20, $0xb8;
	[tilespmem:$0x1ED38] =	vst v63  }
0x288: {  	_ =	swait.ge [sflag:s8], $0x1F40  }
0x289: {  	[sflag:s8] =	ssyncset.done $0x0  }
0x28a: {  	s15 =	simm.s32 $0xE80;
	[sflag:s8] =	ssyncadd.s32 $0xFFFFE0C0  }
0x28b: {  	[tilespmem:s23], [sflag:$0xA] =	stream.indirect.gather [spmem:s1], $0x40, s15, s20, $0xb8;
	[tilespmem:$0x1ED38] =	vst v63  }
0x28c: {  	_ =	swait.ge [sflag:s6], $0x1F40  }
0x28d: {  	[sflag:s6] =	ssyncset.done $0x0  }
0x28e: {  	s15 =	simm.s32 $0x1D80;
	[sflag:s6] =	ssyncadd.s32 $0xFFFFE0C0  }
0x28f: {  	[spmem:s2] =	stream.indirect.scatter.add.f32 [tilespmem:s0], [sflag:$0x10], $0x40, s15, s20, $0xb8;
	[tilespmem:$0x1ED38] =	vst v63  }
0x290: {  	_ =	swait.ge [sflag:s5], $0x1F40  }
0x291: {  	[sflag:s5] =	ssyncset.done $0x0  }
0x292: {  	[sflag:s5] =	ssyncadd.s32 $0xFFFFE0C0  }
0x293: {  	_ =	swait.ge [sflag:s9], $0x3E8  }
0x294: {  	[sflag:s9] =	ssyncset.done $0x0  }
0x295: {  	s15 =	simm.s32 $0xF00;
	[sflag:s9] =	ssyncadd.s32 $0xFFFFFC18  }
0x296: {  	[tilespmem:s25], [sflag:$0xB] =	stream.indirect.gather [spmem:s1], $0x40, s15, s20, $0xb8;
	[tilespmem:$0x1ED38] =	vst v63  }
0x297: {  	_ =	swait.ge [sflag:s26], $0x1F40  }
0x298: {  	[sflag:s26] =	ssyncset.done $0x0  }
0x299: {  	s15 =	simm.s32 $0x1E00;
	[sflag:s26] =	ssyncadd.s32 $0xFFFFE0C0  }
0x29a: {  	[spmem:s2] =	stream.indirect.scatter.add.f32 [tilespmem:s21], [sflag:$0xD], $0x40, s15, s20, $0xb8;
	[tilespmem:$0x1ED38] =	vst v63  }
0x29b: {  	_ = 	snop  }
0x29c: {  	[spmem:s3] =	stream.indirect.scatter.add.f32 [tilespmem:s31], [sflag:$0x11], $0x8, s15, s20, $0xb8;
	[tilespmem:$0x1ED38] =	vst v63  }
0x29d: {  	_ =	swait.ge [sflag:s13], $0x1F40  }
0x29e: {  	[sflag:s13] =	ssyncset.done $0x0  }
0x29f: {  	s15 =	simm.s32 $0xF80;
	[sflag:s13] =	ssyncadd.s32 $0xFFFFE0C0  }
0x2a0: {  	[tilespmem:s0], [sflag:$0xC] =	stream.indirect.gather [spmem:s1], $0x40, s15, s20, $0xb8;
	[tilespmem:$0x1ED38] =	vst v63  }
0x2a1: {  	_ =	swait.ge [sflag:s7], $0x1F40  }
0x2a2: {  	[sflag:s7] =	ssyncset.done $0x0  }
0x2a3: {  	s15 =	simm.s32 $0x1E80;
	[sflag:s7] =	ssyncadd.s32 $0xFFFFE0C0  }
0x2a4: {  	[spmem:s2] =	stream.indirect.scatter.add.f32 [tilespmem:s23], [sflag:$0xE], $0x40, s15, s20, $0xb8;
	[tilespmem:$0x1ED38] =	vst v63  }
0x2a5: {  	_ =	swait.ge [sflag:s22], $0x1F40  }
0x2a6: {  	[sflag:s22] =	ssyncset.done $0x0  }
0x2a7: {  	[sflag:s22] =	ssyncadd.s32 $0xFFFFE0C0  }
0x2a8: {  	_ =	swait.ge [sflag:s24], $0x3E8  }
0x2a9: {  	[sflag:s24] =	ssyncset.done $0x0  }
0x2aa: {  	[sflag:s24] =	ssyncadd.s32 $0xFFFFFC18  }
0x2ab: {  	_ =	swait.ge [sflag:s30], $0x1F40  }
0x2ac: {  	[sflag:s30] =	ssyncset.done $0x0  }
0x2ad: {  	s15 =	simm.s32 $0x1F00;
	[sflag:s30] =	ssyncadd.s32 $0xFFFFE0C0  }
0x2ae: {  	[spmem:s2] =	stream.indirect.scatter.add.f32 [tilespmem:s25], [sflag:$0xF], $0x40, s15, s20, $0xb8;
	[tilespmem:$0x1ED38] =	vst v63  }
0x2af: {  	_ = 	snop  }
0x2b0: {  	[spmem:s3] =	stream.indirect.scatter.add.f32 [tilespmem:s31], [sflag:$0x13], $0x8, s15, s20, $0xb8;
	[tilespmem:$0x1ED38] =	vst v63  }
0x2b1: {  	_ =	swait.ge [sflag:s8], $0x1F40  }
0x2b2: {  	[sflag:s8] =	ssyncset.done $0x0  }
0x2b3: {  	[sflag:s8] =	ssyncadd.s32 $0xFFFFE0C0  }
0x2b4: {  	_ =	swait.ge [sflag:s6], $0x1F40  }
0x2b5: {  	[sflag:s6] =	ssyncset.done $0x0  }
0x2b6: {  	s15 =	simm.s32 $0x1F80;
	[sflag:s6] =	ssyncadd.s32 $0xFFFFE0C0  }
0x2b7: {  	[spmem:s2] =	stream.indirect.scatter.add.f32 [tilespmem:s0], [sflag:$0x10], $0x40, s15, s20, $0xb8;
	[tilespmem:$0x1ED38] =	vst v63  }
0x2b8: {  	_ =	swait.ge [sflag:s5], $0x1F40  }
.Ltmp5:
0x2b9: {  	[sflag:s5] =	ssyncset.done $0x0;
	(pc) =	sbr.rel .LBB2_8-.Ltmp5, $4  }
0x2ba: {  	[sflag:s5] =	ssyncadd.s32 $0xFFFFE0C0  }
0x2bb: {  	_ =	swait.ge [sflag:s9], $0x3E8  }
0x2bc: {  	[sflag:s9] =	ssyncset.done $0x0  }
0x2bd: {  	s19 =	simm.s32 $0x1C00;
	[sflag:s9] =	ssyncadd.s32 $0xFFFFFC18  }
.LBB2_6:
0x2be: {  	[spmem:s3] =	stream.indirect.scatter.add.f32 [tilespmem:s31], [sflag:$0x12], $0x8, s15, s20, $0xb8;
	[tilespmem:$0x1ED38] =	vst v63  }
0x2bf: {  	_ =	swait.ge [sflag:s22], $0x1F40  }
0x2c0: {  	[sflag:s22] =	ssyncset.done $0x0  }
0x2c1: {  	s15 =	simm.s32 $0xC00;
	[sflag:s22] =	ssyncadd.s32 $0xFFFFE0C0  }
0x2c2: {  	[tilespmem:s21], [sflag:$0x9] =	stream.indirect.gather [spmem:s1], $0x40, s15, s20, $0xb8;
	[tilespmem:$0x1ED38] =	vst v63  }
0x2c3: {  	_ =	swait.ge [sflag:s30], $0x1F40  }
0x2c4: {  	[sflag:s30] =	ssyncset.done $0x0  }
0x2c5: {  	s15 =	simm.s32 $0x1B00;
	[sflag:s30] =	ssyncadd.s32 $0xFFFFE0C0  }
0x2c6: {  	[spmem:s2] =	stream.indirect.scatter.add.f32 [tilespmem:s25], [sflag:$0xF], $0x40, s15, s20, $0xb8;
	[tilespmem:$0x1ED38] =	vst v63  }
0x2c7: {  	_ =	swait.ge [sflag:s8], $0x1F40  }
0x2c8: {  	[sflag:s8] =	ssyncset.done $0x0  }
0x2c9: {  	[sflag:s8] =	ssyncadd.s32 $0xFFFFE0C0  }
0x2ca: {  	_ =	swait.ge [sflag:s10], $0x3E8  }
0x2cb: {  	[sflag:s10] =	ssyncset.done $0x0  }
0x2cc: {  	s15 =	simm.s32 $0xC80;
	[sflag:s10] =	ssyncadd.s32 $0xFFFFFC18  }
0x2cd: {  	[tilespmem:s23], [sflag:$0xA] =	stream.indirect.gather [spmem:s1], $0x40, s15, s20, $0xb8;
	[tilespmem:$0x1ED38] =	vst v63  }
0x2ce: {  	_ =	swait.ge [sflag:s6], $0x1F40  }
0x2cf: {  	[sflag:s6] =	ssyncset.done $0x0  }
0x2d0: {  	s15 =	simm.s32 $0x1B80;
	[sflag:s6] =	ssyncadd.s32 $0xFFFFE0C0  }
0x2d1: {  	[spmem:s2] =	stream.indirect.scatter.add.f32 [tilespmem:s0], [sflag:$0x10], $0x40, s15, s20, $0xb8;
	[tilespmem:$0x1ED38] =	vst v63  }
0x2d2: {  	_ = 	snop  }
0x2d3: {  	[spmem:s3] =	stream.indirect.scatter.add.f32 [tilespmem:s31], [sflag:$0x14], $0x8, s15, s20, $0xb8;
	[tilespmem:$0x1ED38] =	vst v63  }
0x2d4: {  	_ =	swait.ge [sflag:s5], $0x1F40  }
0x2d5: {  	[sflag:s5] =	ssyncset.done $0x0  }
0x2d6: {  	s15 =	simm.s32 $0xD00;
	[sflag:s5] =	ssyncadd.s32 $0xFFFFE0C0  }
0x2d7: {  	[tilespmem:s25], [sflag:$0xB] =	stream.indirect.gather [spmem:s1], $0x40, s15, s20, $0xb8;
	[tilespmem:$0x1ED38] =	vst v63  }
0x2d8: {  	_ =	swait.ge [sflag:s26], $0x1F40  }
0x2d9: {  	[sflag:s26] =	ssyncset.done $0x0  }
0x2da: {  	[sflag:s26] =	ssyncadd.s32 $0xFFFFE0C0  }
0x2db: {  	[spmem:s2] =	stream.indirect.scatter.add.f32 [tilespmem:s21], [sflag:$0xD], $0x40, s19, s20, $0xb8;
	[tilespmem:$0x1ED38] =	vst v63  }
0x2dc: {  	_ =	swait.ge [sflag:s13], $0x1F40  }
0x2dd: {  	[sflag:s13] =	ssyncset.done $0x0  }
0x2de: {  	[sflag:s13] =	ssyncadd.s32 $0xFFFFE0C0  }
0x2df: {  	_ =	swait.ge [sflag:s12], $0x3E8  }
0x2e0: {  	[sflag:s12] =	ssyncset.done $0x0  }
0x2e1: {  	s15 =	simm.s32 $0xD80;
	[sflag:s12] =	ssyncadd.s32 $0xFFFFFC18  }
0x2e2: {  	[tilespmem:s0], [sflag:$0xC] =	stream.indirect.gather [spmem:s1], $0x40, s15, s20, $0xb8;
	[tilespmem:$0x1ED38] =	vst v63  }
0x2e3: {  	_ =	swait.ge [sflag:s7], $0x1F40  }
0x2e4: {  	[sflag:s7] =	ssyncset.done $0x0  }
0x2e5: {  	s15 =	simm.s32 $0x1C80;
	[sflag:s7] =	ssyncadd.s32 $0xFFFFE0C0  }
0x2e6: {  	[spmem:s2] =	stream.indirect.scatter.add.f32 [tilespmem:s23], [sflag:$0xE], $0x40, s15, s20, $0xb8;
	[tilespmem:$0x1ED38] =	vst v63  }
0x2e7: {  	_ = 	snop  }
0x2e8: {  	[spmem:s3] =	stream.indirect.scatter.add.f32 [tilespmem:s31], [sflag:$0x12], $0x8, s15, s20, $0xb8;
	[tilespmem:$0x1ED38] =	vst v63  }
0x2e9: {  	_ =	swait.ge [sflag:s22], $0x1F40  }
0x2ea: {  	[sflag:s22] =	ssyncset.done $0x0  }
0x2eb: {  	s15 =	simm.s32 $0xE00;
	[sflag:s22] =	ssyncadd.s32 $0xFFFFE0C0  }
0x2ec: {  	[tilespmem:s21], [sflag:$0x9] =	stream.indirect.gather [spmem:s1], $0x40, s15, s20, $0xb8;
	[tilespmem:$0x1ED38] =	vst v63  }
0x2ed: {  	_ =	swait.ge [sflag:s30], $0x1F40  }
0x2ee: {  	[sflag:s30] =	ssyncset.done $0x0  }
0x2ef: {  	s15 =	simm.s32 $0x1D00;
	[sflag:s30] =	ssyncadd.s32 $0xFFFFE0C0  }
0x2f0: {  	[spmem:s2] =	stream.indirect.scatter.add.f32 [tilespmem:s25], [sflag:$0xF], $0x40, s15, s20, $0xb8;
	[tilespmem:$0x1ED38] =	vst v63  }
0x2f1: {  	_ =	swait.ge [sflag:s8], $0x1F40  }
0x2f2: {  	[sflag:s8] =	ssyncset.done $0x0  }
0x2f3: {  	[sflag:s8] =	ssyncadd.s32 $0xFFFFE0C0  }
0x2f4: {  	_ =	swait.ge [sflag:s10], $0x3E8  }
0x2f5: {  	[sflag:s10] =	ssyncset.done $0x0  }
0x2f6: {  	s15 =	simm.s32 $0xE80;
	[sflag:s10] =	ssyncadd.s32 $0xFFFFFC18  }
0x2f7: {  	[tilespmem:s23], [sflag:$0xA] =	stream.indirect.gather [spmem:s1], $0x40, s15, s20, $0xb8;
	[tilespmem:$0x1ED38] =	vst v63  }
0x2f8: {  	_ =	swait.ge [sflag:s6], $0x1F40  }
0x2f9: {  	[sflag:s6] =	ssyncset.done $0x0  }
0x2fa: {  	s15 =	simm.s32 $0x1D80;
	[sflag:s6] =	ssyncadd.s32 $0xFFFFE0C0  }
0x2fb: {  	[spmem:s2] =	stream.indirect.scatter.add.f32 [tilespmem:s0], [sflag:$0x10], $0x40, s15, s20, $0xb8;
	[tilespmem:$0x1ED38] =	vst v63  }
0x2fc: {  	_ = 	snop  }
0x2fd: {  	[spmem:s3] =	stream.indirect.scatter.add.f32 [tilespmem:s31], [sflag:$0x14], $0x8, s15, s20, $0xb8;
	[tilespmem:$0x1ED38] =	vst v63  }
0x2fe: {  	_ =	swait.ge [sflag:s5], $0x1F40  }
0x2ff: {  	[sflag:s5] =	ssyncset.done $0x0  }
0x300: {  	s15 =	simm.s32 $0xF00;
	[sflag:s5] =	ssyncadd.s32 $0xFFFFE0C0  }
0x301: {  	[tilespmem:s25], [sflag:$0xB] =	stream.indirect.gather [spmem:s1], $0x40, s15, s20, $0xb8;
	[tilespmem:$0x1ED38] =	vst v63  }
0x302: {  	_ =	swait.ge [sflag:s26], $0x1F40  }
0x303: {  	[sflag:s26] =	ssyncset.done $0x0  }
0x304: {  	s15 =	simm.s32 $0x1E00;
	[sflag:s26] =	ssyncadd.s32 $0xFFFFE0C0  }
0x305: {  	[spmem:s2] =	stream.indirect.scatter.add.f32 [tilespmem:s21], [sflag:$0xD], $0x40, s15, s20, $0xb8;
	[tilespmem:$0x1ED38] =	vst v63  }
0x306: {  	_ =	swait.ge [sflag:s13], $0x1F40  }
0x307: {  	[sflag:s13] =	ssyncset.done $0x0  }
0x308: {  	[sflag:s13] =	ssyncadd.s32 $0xFFFFE0C0  }
0x309: {  	_ =	swait.ge [sflag:s12], $0x3E8  }
0x30a: {  	[sflag:s12] =	ssyncset.done $0x0  }
0x30b: {  	s15 =	simm.s32 $0xF80;
	[sflag:s12] =	ssyncadd.s32 $0xFFFFFC18  }
0x30c: {  	[tilespmem:s0], [sflag:$0xC] =	stream.indirect.gather [spmem:s1], $0x40, s15, s20, $0xb8;
	[tilespmem:$0x1ED38] =	vst v63  }
0x30d: {  	_ =	swait.ge [sflag:s7], $0x1F40  }
0x30e: {  	[sflag:s7] =	ssyncset.done $0x0  }
0x30f: {  	s15 =	simm.s32 $0x1E80;
	[sflag:s7] =	ssyncadd.s32 $0xFFFFE0C0  }
0x310: {  	[spmem:s2] =	stream.indirect.scatter.add.f32 [tilespmem:s23], [sflag:$0xE], $0x40, s15, s20, $0xb8;
	[tilespmem:$0x1ED38] =	vst v63  }
0x311: {  	_ = 	snop  }
0x312: {  	[spmem:s3] =	stream.indirect.scatter.add.f32 [tilespmem:s31], [sflag:$0x12], $0x8, s15, s20, $0xb8;
	[tilespmem:$0x1ED38] =	vst v63  }
0x313: {  	_ =	swait.ge [sflag:s22], $0x1F40  }
0x314: {  	[sflag:s22] =	ssyncset.done $0x0  }
0x315: {  	[sflag:s22] =	ssyncadd.s32 $0xFFFFE0C0  }
0x316: {  	_ =	swait.ge [sflag:s30], $0x1F40  }
0x317: {  	[sflag:s30] =	ssyncset.done $0x0  }
0x318: {  	s15 =	simm.s32 $0x1F00;
	[sflag:s30] =	ssyncadd.s32 $0xFFFFE0C0  }
0x319: {  	[spmem:s2] =	stream.indirect.scatter.add.f32 [tilespmem:s25], [sflag:$0xF], $0x40, s15, s20, $0xb8;
	[tilespmem:$0x1ED38] =	vst v63  }
0x31a: {  	_ =	swait.ge [sflag:s8], $0x1F40  }
0x31b: {  	[sflag:s8] =	ssyncset.done $0x0  }
0x31c: {  	[sflag:s8] =	ssyncadd.s32 $0xFFFFE0C0  }
0x31d: {  	_ =	swait.ge [sflag:s10], $0x3E8  }
0x31e: {  	[sflag:s10] =	ssyncset.done $0x0  }
0x31f: {  	[sflag:s10] =	ssyncadd.s32 $0xFFFFFC18  }
0x320: {  	_ =	swait.ge [sflag:s6], $0x1F40  }
0x321: {  	[sflag:s6] =	ssyncset.done $0x0  }
0x322: {  	s15 =	simm.s32 $0x1F80;
	[sflag:s6] =	ssyncadd.s32 $0xFFFFE0C0  }
0x323: {  	[spmem:s2] =	stream.indirect.scatter.add.f32 [tilespmem:s0], [sflag:$0x10], $0x40, s15, s20, $0xb8;
	[tilespmem:$0x1ED38] =	vst v63  }
0x324: {  	_ = 	snop  }
0x325: {  	[spmem:s3] =	stream.indirect.scatter.add.f32 [tilespmem:s31], [sflag:$0x14], $0x8, s15, s20, $0xb8;
	[tilespmem:$0x1ED38] =	vst v63  }
0x326: {  	_ =	swait.ge [sflag:s5], $0x1F40  }
0x327: {  	[sflag:s5] =	ssyncset.done $0x0  }
0x328: {  	[sflag:s5] =	ssyncadd.s32 $0xFFFFE0C0  }
.LBB2_8:
0x329: {  	p3 =	seq.s32 s29, $0x800  }
.Ltmp6:
0x32a: {  	_ = 	snop;
	(pc) =	sbr.rel @p3 .LBB2_10-.Ltmp6, $1  }
0x32b: {  	_ =	sdelay $0x3  }
0x32c: {  	s15 =	sadd.s32 $0x200, s14  }
0x32d: {  	[tilespmem:s4], [sflag:$0x1] =	stream.linear.gather [hbm4b:s15+s4], $0x400, $0x38;
	[tilespmem:$0x1ED38] =	vst v63  }
0x32e: {  	s17 =	sadd.s32 $0xA200, s14  }
0x32f: {  	[tilespmem:s16], [sflag:$0x5] =	stream.linear.gather [hbm4b:s17+s4], $0x400, $0x38;
	[tilespmem:$0x1ED38] =	vst v63  }
0x330: {  	s18 =	sadd.s32 $0x280, s14;
	s17 =	simm.s32 $0x400  }
0x331: {  	[tilespmem:s17], [sflag:$0x2] =	stream.linear.gather [hbm4b:s18+s4], $0x400, $0x38;
	[tilespmem:$0x1ED38] =	vst v63  }
0x332: {  	s17 =	simm.s32 $0x1400;
	s18 =	sadd.s32 $0xA280, s14  }
0x333: {  	[tilespmem:s17], [sflag:$0x6] =	stream.linear.gather [hbm4b:s18+s4], $0x400, $0x38;
	[tilespmem:$0x1ED38] =	vst v63  }
.Ltmp7:
0x334: {  	_ = 	snop;
	(pc) =	sbr.rel .LBB2_2-.Ltmp7, $4  }
0x335: {  	s15 =	sadd.s32 $0x300, s14;
	s18 =	simm.s32 $0x800  }
0x336: {  	[tilespmem:s18], [sflag:$0x3] =	stream.linear.gather [hbm4b:s15+s4], $0x400, $0x38;
	[tilespmem:$0x1ED38] =	vst v63  }
0x337: {  	s29 =	sadd.s32 $0x200, s29;
	s18 =	simm.s32 $0x1800;
	s15 =	sadd.s32 $0xA300, s14  }
0x338: {  	[tilespmem:s18], [sflag:$0x7] =	stream.linear.gather [hbm4b:s15+s4], $0x400, $0x38;
	[tilespmem:$0x1ED38] =	vst v63  }
.LBB2_11:
0x339: {  	_ =	sfence.sel $0x180000  }
0x33a: {  	[bflag:$0x0] =	sbarrier.arrive $0xFFFF  }
0x33b: {  	_ =	strace $0x90000047  }
0x33c: {  	s0 =	stileid.u32;
	[bflag:$0x2] =	sbarrier.arrive $0xFFFF  }
0x33d: {  	p0 =	sne.s32 s0, $0x0;
	s0 =	rddreg [dreg:$0x5]  }
0x33e: {  	s0 =	sadd.s32 @!p0 $0x100000, s0  }
0x33f: {  	[sflag:s0] =	ssyncadd.tile.s32 @!p0 $0x1;
	_ =	shalt  }
.Lfunc_end2:
_tile_overlayer_lowered:
.L_overlay_start_2:
0x340: {  	(tag) =	ssettag $0x2  }
0x341: {  	s0 =	rddreg [dreg:$0x0];
	s2 =	stileid.u32  }
0x342: {  	s1 =	rddreg [dreg:$0x1];
	p0 =	sne.s32 s2, $0x0  }
0x343: {  	s3 =	rddreg [dreg:$0x2];
	[bflag:$0x3] =	sbarrier.arrive $0xFFFF;
	s2 =	simm.s32 @!p0 $0x1C15  }
0x344: {  	[timem:s3], [sflag:s2] =	dma.local @!p0 [hbm:s0], s1  }
0x345: {  	s0 =	simm.s32 @!p0 $0x15  }
0x346: {  	_ =	swait.ge @!p0 [sflag:s0], s1  }
0x347: {  	s1 =	ssub.s32 @!p0 $0x0, s1;
	[sflag:s0] =	ssyncset.done @!p0 $0x0  }
0x348: {  	[sflag:s0] =	ssyncadd.s32 @!p0 s1  }
0x349: {  	[bflag:$0x3] =	sbarrier.arrive $0xFFFF  }
0x34a: {  	_ =	shalt  }

</sc_bundles>
